<compile_context>
chip_gen: v7x
topology: tpu7x:2x2x1
jax: 0.10.2.dev20260603
libtpu: 0.0.44.dev20260713+nightly
codegen_flags: <defaults>
</compile_context>

<pallas_src>
import functools

import jax
import jax.numpy as jnp
from jax import lax
from jax.experimental import pallas as pl
from jax.experimental.pallas import tpu as pltpu
from jax.experimental.pallas import tpu_sc as plsc

_D = 256
_HID = 256
_HEADS = 4
_NL = 96
_EL = 1024
_L = 96
_NH = 64
_EH = 512
_C2 = _HID // 2
_G = 8
_F32 = jnp.float32


def _ln(x, g, b):
    mu = jnp.mean(x, axis=-1, keepdims=True)
    xc = x - mu
    var = jnp.mean(xc * xc, axis=-1, keepdims=True)
    return xc / jnp.sqrt(var + 1e-5) * g + b


def _dot(a, b):
    return jax.lax.dot_general(a, b, (((1,), (0,)), ((), ())),
                               preferred_element_type=_F32)


def _eye(n):
    r = jax.lax.broadcasted_iota(jnp.int32, (n, n), 0)
    c = jax.lax.broadcasted_iota(jnp.int32, (n, n), 1)
    return (r == c).astype(_F32)


def _attn_coeffs(hw, as_bd, ad_bd):
    asrc_t = jax.lax.dot_general(as_bd, hw, (((0,), (1,)), ((), ())),
                                 preferred_element_type=_F32)
    adst = jax.lax.dot_general(hw, ad_bd, (((1,), (0,)), ((), ())),
                               preferred_element_type=_F32)
    return asrc_t, adst


def _gat_graph(hw_g, cnt, asrc_t, adst, bias, ch, g0):
    n = hw_g.shape[0]
    outs = []
    for k in range(_HEADS):
        hk = hw_g[:, k * ch:(k + 1) * ch]
        lo = adst[g0:g0 + n, k:k + 1] + asrc_t[k:k + 1, g0:g0 + n]
        ex = cnt * jnp.exp(jnp.maximum(lo, 0.2 * lo))
        recip = 1.0 / (jnp.sum(ex, axis=1, keepdims=True) + 1e-16)
        outs.append(_dot(ex, hk) * recip)
    return jnp.concatenate(outs, axis=1) + bias


def _build_cnt_sc(head_edge_flat, zeros_hbm):
    mesh = plsc.VectorSubcoreMesh(core_axis_name="c", subcore_axis_name="s")

    @functools.partial(
        pl.kernel, mesh=mesh,
        out_type=jax.ShapeDtypeStruct((_L, _NH * _NH), _F32),
        scratch_types=[
            pltpu.VMEM((3 * 2 * _EH,), jnp.int32),
            pltpu.VMEM((3 * _NH * _NH,), _F32),
            pltpu.SemaphoreType.DMA,
            pltpu.SemaphoreType.DMA,
            pltpu.SemaphoreType.DMA,
            pltpu.SemaphoreType.DMA,
            pltpu.SemaphoreType.DMA,
        ],
        compiler_params=pltpu.CompilerParams(needs_layout_passes=False),
    )
    def _k(he_hbm, z_hbm, cnt_h_hbm, ev, cv, se0, se1, se2, sz, so):
        wid = lax.axis_index("s") * 2 + lax.axis_index("c")
        ones = jnp.full((16,), 1.0, _F32)
        base = wid * 3
        sems = (se0, se1, se2)
        e_copies = [pltpu.async_copy(he_hbm.at[base + gi],
                                     ev.at[pl.ds(gi * 2 * _EH, 2 * _EH)],
                                     sems[gi])
                    for gi in range(3)]
        z_copy = pltpu.async_copy(z_hbm, cv, sz)
        z_copy.wait()
        out_copies = []
        for gi in range(3):
            e_copies[gi].wait()
            off = gi * _NH * _NH
            eoff = gi * 2 * _EH
            for i in range(_EH // 16):
                s = ev[pl.ds(eoff + i * 16, 16)]
                d = ev[pl.ds(eoff + _EH + i * 16, 16)]
                plsc.addupdate_scatter(cv, [off + d * _NH + s], ones)
            out_copies.append(pltpu.async_copy(
                cv.at[pl.ds(off, _NH * _NH)], cnt_h_hbm.at[base + gi], so))
        for c in out_copies:
            c.wait()

    return _k(head_edge_flat, zeros_hbm)


def _fused_kernel(hx_ref, cnt_ref, lx_ref, le_ref,
                  few_ref, feb_ref, feg_ref, febt_ref,
                  g1w_ref, g1s_ref, g1d_ref, g1b_ref,
                  g2w_ref, g2s_ref, g2d_ref, g2b_ref,
                  haw_ref, hab_ref, hag_ref, habt_ref,
                  lew_ref, leb_ref, leg_ref, lebt_ref,
                  l1w_ref, l1s_ref, l1d_ref, l1b_ref,
                  l2w_ref, l2s_ref, l2d_ref, l2b_ref,
                  l3w_ref, l3s_ref, l3d_ref, l3b_ref,
                  gaw_ref, gab_ref, gag_ref, gabt_ref,
                  o1w_ref, o1b_ref, o1g_ref, o1bt_ref,
                  o2w_ref, o2b_ref,
                  out_ref, hf_ref):
    i = pl.program_id(0)

    @pl.when(i < _L // _G)
    def _head_step():
        eye = _eye(_NH)
        cnts = [cnt_ref[g] + eye for g in range(_G)]

        h = jnp.maximum(_ln(_dot(hx_ref[...], few_ref[...]) + feb_ref[...],
                            feg_ref[...], febt_ref[...]), 0.0)
        for gw_ref, gs_ref, gd_ref, gb_ref in (
                (g1w_ref, g1s_ref, g1d_ref, g1b_ref),
                (g2w_ref, g2s_ref, g2d_ref, g2b_ref)):
            hw = _dot(h, gw_ref[...])
            asrc_t, adst = _attn_coeffs(hw, gs_ref[...], gd_ref[...])
            rows = [
                _gat_graph(hw[g * _NH:(g + 1) * _NH], cnts[g],
                           asrc_t, adst, gb_ref[...], _C2, g * _NH)
                for g in range(_G)
            ]
            h = jnp.maximum(jnp.concatenate(rows, axis=0), 0.0)

        pooled = jnp.concatenate(
            [jnp.mean(h[g * _NH:(g + 1) * _NH], axis=0, keepdims=True)
             for g in range(_G)], axis=0)
        hf = jnp.maximum(_ln(_dot(pooled, haw_ref[...]) + hab_ref[...],
                             hag_ref[...], habt_ref[...]), 0.0)
        hf_ref[pl.ds(i * _G, _G), :] = hf

    @pl.when(i == _L // _G)
    def _layer_step():
        lx = jnp.maximum(_ln(_dot(lx_ref[...], few_ref[...]) + feb_ref[...],
                             feg_ref[...], febt_ref[...]), 0.0)
        combined = jnp.concatenate([lx, hf_ref[...]], axis=1)
        x = jnp.maximum(_ln(_dot(combined, lew_ref[...]) + leb_ref[...],
                            leg_ref[...], lebt_ref[...]), 0.0)
        ids = jax.lax.broadcasted_iota(jnp.int32, (_NL, _EL), 0)
        s_oh = (le_ref[0:1, :] == ids).astype(_F32)
        d_oh = (le_ref[1:2, :] == ids).astype(_F32)
        cnt = jax.lax.dot_general(d_oh, s_oh, (((1,), (1,)), ((), ())),
                                  preferred_element_type=_F32) + _eye(_NL)
        for gw_ref, gs_ref, gd_ref, gb_ref in (
                (l1w_ref, l1s_ref, l1d_ref, l1b_ref),
                (l2w_ref, l2s_ref, l2d_ref, l2b_ref),
                (l3w_ref, l3s_ref, l3d_ref, l3b_ref)):
            hw = _dot(x, gw_ref[...])
            asrc_t, adst = _attn_coeffs(hw, gs_ref[...], gd_ref[...])
            x = jnp.maximum(_gat_graph(hw, cnt, asrc_t, adst,
                                       gb_ref[...], _HID, 0), 0.0)
        g = jnp.mean(x, axis=0, keepdims=True)
        g = jnp.maximum(_ln(_dot(g, gaw_ref[...]) + gab_ref[...],
                            gag_ref[...], gabt_ref[...]), 0.0)
        g = jnp.maximum(_ln(_dot(g, o1w_ref[...]) + o1b_ref[...],
                            o1g_ref[...], o1bt_ref[...]), 0.0)
        out_ref[...] = jax.nn.sigmoid(_dot(g, o2w_ref[...]) + o2b_ref[...])


def _row(v):
    return v.reshape(1, -1).astype(_F32)


def _blockdiag(a):
    h, c = a.shape
    ident = jnp.eye(h, dtype=a.dtype)
    return (a[:, :, None] * ident[:, None, :]).reshape(h * c, h)


def kernel(layer_x, layer_edge_index, head_x, head_edge_index, params):
    p = params
    head_edge = head_edge_index.astype(jnp.int32).reshape(_L, 2 * _EH)
    layer_edge = layer_edge_index.astype(jnp.int32)
    zeros_hbm = jnp.zeros((3 * _NH * _NH,), _F32)
    cnt_head = _build_cnt_sc(head_edge, zeros_hbm).reshape(_L, _NH, _NH)

    def _full(a):
        nd = a.ndim
        return pl.BlockSpec(a.shape, lambda i, _n=nd: (0,) * _n)

    weights = (
        p['fe_W'], _row(p['fe_b']), _row(p['fe_g']), _row(p['fe_beta']),
        p['hg1_W'], _blockdiag(p['hg1_as']), _blockdiag(p['hg1_ad']),
        _row(p['hg1_b']),
        p['hg2_W'], _blockdiag(p['hg2_as']), _blockdiag(p['hg2_ad']),
        _row(p['hg2_b']),
        p['ha_W'], _row(p['ha_b']), _row(p['ha_g']), _row(p['ha_beta']),
        p['le_W'], _row(p['le_b']), _row(p['le_g']), _row(p['le_beta']),
        p['lg1_W'], _blockdiag(p['lg1_as']), _blockdiag(p['lg1_ad']),
        _row(p['lg1_b']),
        p['lg2_W'], _blockdiag(p['lg2_as']), _blockdiag(p['lg2_ad']),
        _row(p['lg2_b']),
        p['lg3_W'], _blockdiag(p['lg3_as']), _blockdiag(p['lg3_ad']),
        _row(p['lg3_b']),
        p['ga_W'], _row(p['ga_b']), _row(p['ga_g']), _row(p['ga_beta']),
        p['o1_W'], _row(p['o1_b']), _row(p['o1_g']), _row(p['o1_beta']),
        p['o2_W'], _row(p['o2_b']),
    )

    nstep = _L // _G
    out = pl.pallas_call(
        _fused_kernel,
        grid=(nstep + 1,),
        in_specs=[
            pl.BlockSpec((_G * _NH, _D),
                         lambda i: (jnp.minimum(i, nstep - 1), 0)),
            pl.BlockSpec((_G, _NH, _NH),
                         lambda i: (jnp.minimum(i, nstep - 1), 0, 0)),
            pl.BlockSpec((_NL, _D), lambda i: (0, 0)),
            pl.BlockSpec((2, _EL), lambda i: (0, 0)),
        ] + [_full(w) for w in weights],
        out_specs=pl.BlockSpec((1, 1), lambda i: (0, 0)),
        out_shape=jax.ShapeDtypeStruct((1, 1), _F32),
        scratch_shapes=[pltpu.VMEM((_L, _HID), _F32)],
    )(head_x.reshape(_L * _NH, _D), cnt_head, layer_x, layer_edge, *weights)
    return out.reshape((1,))

# --- scband reference (transcript-rebuilt; emitter-appended) ---
"""Pipeline reference for scband-gnnperformance-predictor-58325655880052 (READ-ONLY COPY).

The authoritative reference and input builder live on the scoring server;
editing this copy changes nothing except your own understanding.
"""

import jax, jax.numpy as jnp
import numpy as np

D = 256
HID = 256
HEADS = 4
NL = 96
EL = 1024
L = 96
NH = 64
EH = 512


def _p(key, shape, scale=0.02):
    return jax.random.normal(key, shape, dtype=jnp.float32) * scale


def setup_inputs(seed: int = 0):
    key = jax.random.key(seed)
    keys = iter(jax.random.split(key, 80))
    layer_x = jax.random.normal(next(keys), (NL, D), dtype=jnp.float32)
    layer_edge_index = jax.random.randint(next(keys), (2, EL), 0, NL)
    head_x = jax.random.normal(next(keys), (L, NH, D), dtype=jnp.float32)
    head_edge_index = jax.random.randint(next(keys), (L, 2, EH), 0, NH)
    C2 = HID // 2
    params = {
        'fe_W': _p(next(keys), (D, HID)), 'fe_b': jnp.zeros((HID,), jnp.float32),
        'fe_g': jnp.ones((HID,), jnp.float32), 'fe_beta': jnp.zeros((HID,), jnp.float32),
        'hg1_W': _p(next(keys), (HID, HEADS * C2)), 'hg1_as': _p(next(keys), (HEADS, C2)),
        'hg1_ad': _p(next(keys), (HEADS, C2)), 'hg1_b': jnp.zeros((HEADS * C2,), jnp.float32),
        'hg2_W': _p(next(keys), (HEADS * C2, HEADS * C2)), 'hg2_as': _p(next(keys), (HEADS, C2)),
        'hg2_ad': _p(next(keys), (HEADS, C2)), 'hg2_b': jnp.zeros((HEADS * C2,), jnp.float32),
        'ha_W': _p(next(keys), (HEADS * C2, HID)), 'ha_b': jnp.zeros((HID,), jnp.float32),
        'ha_g': jnp.ones((HID,), jnp.float32), 'ha_beta': jnp.zeros((HID,), jnp.float32),
        'le_W': _p(next(keys), (2 * HID, HID)), 'le_b': jnp.zeros((HID,), jnp.float32),
        'le_g': jnp.ones((HID,), jnp.float32), 'le_beta': jnp.zeros((HID,), jnp.float32),
        'lg1_W': _p(next(keys), (HID, HEADS * HID)), 'lg1_as': _p(next(keys), (HEADS, HID)),
        'lg1_ad': _p(next(keys), (HEADS, HID)), 'lg1_b': jnp.zeros((HEADS * HID,), jnp.float32),
        'lg2_W': _p(next(keys), (HEADS * HID, HEADS * HID)), 'lg2_as': _p(next(keys), (HEADS, HID)),
        'lg2_ad': _p(next(keys), (HEADS, HID)), 'lg2_b': jnp.zeros((HEADS * HID,), jnp.float32),
        'lg3_W': _p(next(keys), (HEADS * HID, HEADS * HID)), 'lg3_as': _p(next(keys), (HEADS, HID)),
        'lg3_ad': _p(next(keys), (HEADS, HID)), 'lg3_b': jnp.zeros((HEADS * HID,), jnp.float32),
        'ga_W': _p(next(keys), (HEADS * HID, 2 * HID)), 'ga_b': jnp.zeros((2 * HID,), jnp.float32),
        'ga_g': jnp.ones((2 * HID,), jnp.float32), 'ga_beta': jnp.zeros((2 * HID,), jnp.float32),
        'o1_W': _p(next(keys), (2 * HID, HID)), 'o1_b': jnp.zeros((HID,), jnp.float32),
        'o1_g': jnp.ones((HID,), jnp.float32), 'o1_beta': jnp.zeros((HID,), jnp.float32),
        'o2_W': _p(next(keys), (HID, 1)), 'o2_b': jnp.zeros((1,), jnp.float32),
    }
    return {'layer_x': layer_x, 'layer_edge_index': layer_edge_index,
            'head_x': head_x, 'head_edge_index': head_edge_index, 'params': params}


def _ln(x, g, b):
    mu = x.mean(axis=-1, keepdims=True)
    var = x.var(axis=-1, keepdims=True)
    return (x - mu) / jnp.sqrt(var + 1e-5) * g + b


def _gat(x, edge_index, W, a_s, a_d, bias, heads, out_ch):
    # Faithful PyG GATConv (add_self_loops=True, concat=True, negative_slope=0.2).
    n = x.shape[0]
    loops = jnp.arange(n)
    src = jnp.concatenate([edge_index[0], loops])
    dst = jnp.concatenate([edge_index[1], loops])
    h = (x @ W).reshape(n, heads, out_ch)
    asrc = (h * a_s[None]).sum(-1)
    adst = (h * a_d[None]).sum(-1)
    alpha = asrc[src] + adst[dst]
    alpha = jax.nn.leaky_relu(alpha, 0.2)
    amax = jax.ops.segment_max(alpha, dst, num_segments=n)
    amax = jnp.where(jnp.isfinite(amax), amax, 0.0)
    ex = jnp.exp(alpha - amax[dst])
    denom = jax.ops.segment_sum(ex, dst, num_segments=n)
    w = ex / (denom[dst] + 1e-16)
    out = jax.ops.segment_sum(w[:, :, None] * h[src], dst, num_segments=n)
    return out.reshape(n, heads * out_ch) + bias


def _forward(layer_x, head_x, params, layer_edge_index, head_edge_index):
    p = params
    C2 = HID // 2
    lx = jax.nn.relu(_ln(layer_x @ p['fe_W'] + p['fe_b'], p['fe_g'], p['fe_beta']))

    def head_branch(hx, hei):
        h = jax.nn.relu(_ln(hx @ p['fe_W'] + p['fe_b'], p['fe_g'], p['fe_beta']))
        h = jax.nn.relu(_gat(h, hei, p['hg1_W'], p['hg1_as'], p['hg1_ad'], p['hg1_b'], HEADS, C2))
        h = jax.nn.relu(_gat(h, hei, p['hg2_W'], p['hg2_as'], p['hg2_ad'], p['hg2_b'], HEADS, C2))
        pooled = h.mean(axis=0)  # global_mean_pool, single graph
        return jax.nn.relu(_ln(pooled @ p['ha_W'] + p['ha_b'], p['ha_g'], p['ha_beta']))

    # vmap over the per-layer head graphs == the python loop in the torch code
    head_feats = jax.vmap(head_branch)(head_x, head_edge_index)  # [L, HID]
    nfuse = min(NL, L)
    combined = jnp.concatenate([lx[:nfuse], head_feats[:nfuse]], axis=-1)
    enhanced = jax.nn.relu(_ln(combined @ p['le_W'] + p['le_b'], p['le_g'], p['le_beta']))
    x = jnp.concatenate([enhanced, lx[nfuse:]], axis=0)
    x = jax.nn.relu(_gat(x, layer_edge_index, p['lg1_W'], p['lg1_as'], p['lg1_ad'], p['lg1_b'], HEADS, HID))
    x = jax.nn.relu(_gat(x, layer_edge_index, p['lg2_W'], p['lg2_as'], p['lg2_ad'], p['lg2_b'], HEADS, HID))
    x = jax.nn.relu(_gat(x, layer_edge_index, p['lg3_W'], p['lg3_as'], p['lg3_ad'], p['lg3_b'], HEADS, HID))
    g = x.mean(axis=0, keepdims=True)  # global_mean_pool -> [1, HEADS*HID]
    g = jax.nn.relu(_ln(g @ p['ga_W'] + p['ga_b'], p['ga_g'], p['ga_beta']))
    g = jax.nn.relu(_ln(g @ p['o1_W'] + p['o1_b'], p['o1_g'], p['o1_beta']))
    out = jax.nn.sigmoid(g @ p['o2_W'] + p['o2_b']).squeeze(-1)  # [1]
    return out


def reference(layer_x, layer_edge_index, head_x, head_edge_index, params):
    return _forward(layer_x, head_x, params, layer_edge_index, head_edge_index)

if __name__ == "__main__":
    import jax
    _d = setup_inputs()
    print(jax.jit(kernel)(*tuple(_d.values())))

</pallas_src>

<mosaic_0001>
#map = affine_map<(d0, d1) -> (0, 0)>
#map1 = affine_map<(d0, d1) -> (0)>
module attributes {stable_mosaic.version = 14 : i64} {
  func.func @_k(%arg0: i32, %arg1: i32, %arg2: memref<96x1024xi32, #tpu.memory_space<hbm>>, %arg3: memref<12288xf32, #tpu.memory_space<hbm>>, %arg4: memref<96x4096xf32, #tpu.memory_space<hbm>>, %arg5: memref<3072xi32, #tpu.memory_space<vmem>>, %arg6: memref<12288xf32, #tpu.memory_space<vmem>>, %arg7: memref<!tpu.dma_semaphore, #tpu.memory_space<semaphore_mem>>, %arg8: memref<!tpu.dma_semaphore, #tpu.memory_space<semaphore_mem>>, %arg9: memref<!tpu.dma_semaphore, #tpu.memory_space<semaphore_mem>>, %arg10: memref<!tpu.dma_semaphore, #tpu.memory_space<semaphore_mem>>, %arg11: memref<!tpu.dma_semaphore, #tpu.memory_space<semaphore_mem>>) attributes {dimension_semantics = [#tpu.dimension_semantics<core_parallel>, #tpu.dimension_semantics<subcore_parallel>], iteration_bounds = array<i64: 2, 16>, scalar_prefetch = 0 : i64, scratch_operands = 7 : i64, tpu.core_type = #tpu.core_type<sc_vector_subcore>, window_params = [{transform_indices = #map}, {transform_indices = #map1}, {transform_indices = #map}]} {
    %mul3A = arith.constant 2 : i32
    %mul3A_0 = arith.muli %arg1, %mul3A : i32
    %add3A = arith.addi %mul3A_0, %arg0 : i32
    %broadcast_in_dim3A = arith.constant 1.000000e+00 : f32
    %broadcast_in_dim3A_1 = vector.broadcast %broadcast_in_dim3A : f32 to vector<16xf32>
    %mul3A_2 = arith.constant 3 : i32
    %mul3A_3 = arith.muli %add3A, %mul3A_2 : i32
    %add3A_4 = arith.constant 0 : i32
    %add3A_5 = arith.addi %mul3A_3, %add3A_4 : i32
    %dma_start3A = arith.constant 0 : i32
    %dma_start3A_6 = tpu.memref_slice %arg5[%dma_start3A] : memref<3072xi32, #tpu.memory_space<vmem>> -> memref<1024xi32, #tpu.memory_space<vmem>>
    %dma_start3A_7 = arith.constant 0 : i32
    %dma_start3A_8 = tpu.memref_slice %arg2[%add3A_5, %dma_start3A_7] : memref<96x1024xi32, #tpu.memory_space<hbm>> -> memref<1x1024xi32, #tpu.memory_space<hbm>>
    %dma_start3A_9 = tpu.memref_squeeze %dma_start3A_8 : memref<1x1024xi32, #tpu.memory_space<hbm>> -> memref<1024xi32, #tpu.memory_space<hbm>>
    %dma_start3A_10 = arith.constant 0 : i32
    %dma_start3A_11 = tpu.memref_slice %arg5[%dma_start3A_10] : memref<3072xi32, #tpu.memory_space<vmem>> -> memref<1024xi32, #tpu.memory_space<vmem>>
    %dma_start3A_12 = arith.constant 0 : i32
    %dma_start3A_13 = tpu.memref_slice %arg2[%add3A_5, %dma_start3A_12] : memref<96x1024xi32, #tpu.memory_space<hbm>> -> memref<1x1024xi32, #tpu.memory_space<hbm>>
    %dma_start3A_14 = tpu.memref_squeeze %dma_start3A_13 : memref<1x1024xi32, #tpu.memory_space<hbm>> -> memref<1024xi32, #tpu.memory_space<hbm>>
    tpu.enqueue_dma source(%dma_start3A_14 : memref<1024xi32, #tpu.memory_space<hbm>>) target(%dma_start3A_11 : memref<1024xi32, #tpu.memory_space<vmem>>) target_semaphore(%arg7 : memref<!tpu.dma_semaphore, #tpu.memory_space<semaphore_mem>>)
    %add3A_15 = arith.constant 1 : i32
    %add3A_16 = arith.addi %mul3A_3, %add3A_15 : i32
    %dma_start3A_17 = arith.constant 1024 : i32
    %dma_start3A_18 = tpu.memref_slice %arg5[%dma_start3A_17] : memref<3072xi32, #tpu.memory_space<vmem>> -> memref<1024xi32, #tpu.memory_space<vmem>>
    %dma_start3A_19 = arith.constant 0 : i32
    %dma_start3A_20 = tpu.memref_slice %arg2[%add3A_16, %dma_start3A_19] : memref<96x1024xi32, #tpu.memory_space<hbm>> -> memref<1x1024xi32, #tpu.memory_space<hbm>>
    %dma_start3A_21 = tpu.memref_squeeze %dma_start3A_20 : memref<1x1024xi32, #tpu.memory_space<hbm>> -> memref<1024xi32, #tpu.memory_space<hbm>>
    %dma_start3A_22 = arith.constant 1024 : i32
    %dma_start3A_23 = tpu.memref_slice %arg5[%dma_start3A_22] : memref<3072xi32, #tpu.memory_space<vmem>> -> memref<1024xi32, #tpu.memory_space<vmem>>
    %dma_start3A_24 = arith.constant 0 : i32
    %dma_start3A_25 = tpu.memref_slice %arg2[%add3A_16, %dma_start3A_24] : memref<96x1024xi32, #tpu.memory_space<hbm>> -> memref<1x1024xi32, #tpu.memory_space<hbm>>
    %dma_start3A_26 = tpu.memref_squeeze %dma_start3A_25 : memref<1x1024xi32, #tpu.memory_space<hbm>> -> memref<1024xi32, #tpu.memory_space<hbm>>
    tpu.enqueue_dma source(%dma_start3A_26 : memref<1024xi32, #tpu.memory_space<hbm>>) target(%dma_start3A_23 : memref<1024xi32, #tpu.memory_space<vmem>>) target_semaphore(%arg8 : memref<!tpu.dma_semaphore, #tpu.memory_space<semaphore_mem>>)
    %add3A_27 = arith.constant 2 : i32
    %add3A_28 = arith.addi %mul3A_3, %add3A_27 : i32
    %dma_start3A_29 = arith.constant 2048 : i32
    %dma_start3A_30 = tpu.memref_slice %arg5[%dma_start3A_29] : memref<3072xi32, #tpu.memory_space<vmem>> -> memref<1024xi32, #tpu.memory_space<vmem>>
    %dma_start3A_31 = arith.constant 0 : i32
    %dma_start3A_32 = tpu.memref_slice %arg2[%add3A_28, %dma_start3A_31] : memref<96x1024xi32, #tpu.memory_space<hbm>> -> memref<1x1024xi32, #tpu.memory_space<hbm>>
    %dma_start3A_33 = tpu.memref_squeeze %dma_start3A_32 : memref<1x1024xi32, #tpu.memory_space<hbm>> -> memref<1024xi32, #tpu.memory_space<hbm>>
    %dma_start3A_34 = arith.constant 2048 : i32
    %dma_start3A_35 = tpu.memref_slice %arg5[%dma_start3A_34] : memref<3072xi32, #tpu.memory_space<vmem>> -> memref<1024xi32, #tpu.memory_space<vmem>>
    %dma_start3A_36 = arith.constant 0 : i32
    %dma_start3A_37 = tpu.memref_slice %arg2[%add3A_28, %dma_start3A_36] : memref<96x1024xi32, #tpu.memory_space<hbm>> -> memref<1x1024xi32, #tpu.memory_space<hbm>>
    %dma_start3A_38 = tpu.memref_squeeze %dma_start3A_37 : memref<1x1024xi32, #tpu.memory_space<hbm>> -> memref<1024xi32, #tpu.memory_space<hbm>>
    tpu.enqueue_dma source(%dma_start3A_38 : memref<1024xi32, #tpu.memory_space<hbm>>) target(%dma_start3A_35 : memref<1024xi32, #tpu.memory_space<vmem>>) target_semaphore(%arg9 : memref<!tpu.dma_semaphore, #tpu.memory_space<semaphore_mem>>)
    tpu.enqueue_dma source(%arg3 : memref<12288xf32, #tpu.memory_space<hbm>>) target(%arg6 : memref<12288xf32, #tpu.memory_space<vmem>>) target_semaphore(%arg10 : memref<!tpu.dma_semaphore, #tpu.memory_space<semaphore_mem>>)
    tpu.wait_dma2 semaphore(%arg10 : memref<!tpu.dma_semaphore, #tpu.memory_space<semaphore_mem>>) src(%arg3 : memref<12288xf32, #tpu.memory_space<hbm>>) dst(%arg6 : memref<12288xf32, #tpu.memory_space<vmem>>)
    %dma_wait3A = arith.constant 0 : i32
    %dma_wait3A_39 = tpu.memref_slice %arg5[%dma_wait3A] : memref<3072xi32, #tpu.memory_space<vmem>> -> memref<1024xi32, #tpu.memory_space<vmem>>
    %dma_wait3A_40 = arith.constant 0 : i32
    %dma_wait3A_41 = tpu.memref_slice %arg2[%add3A_5, %dma_wait3A_40] : memref<96x1024xi32, #tpu.memory_space<hbm>> -> memref<1x1024xi32, #tpu.memory_space<hbm>>
    %dma_wait3A_42 = tpu.memref_squeeze %dma_wait3A_41 : memref<1x1024xi32, #tpu.memory_space<hbm>> -> memref<1024xi32, #tpu.memory_space<hbm>>
    %dma_wait3A_43 = arith.constant 0 : i32
    %dma_wait3A_44 = tpu.memref_slice %arg5[%dma_wait3A_43] : memref<3072xi32, #tpu.memory_space<vmem>> -> memref<1024xi32, #tpu.memory_space<vmem>>
    %dma_wait3A_45 = arith.constant 0 : i32
    %dma_wait3A_46 = tpu.memref_slice %arg2[%add3A_5, %dma_wait3A_45] : memref<96x1024xi32, #tpu.memory_space<hbm>> -> memref<1x1024xi32, #tpu.memory_space<hbm>>
    %dma_wait3A_47 = tpu.memref_squeeze %dma_wait3A_46 : memref<1x1024xi32, #tpu.memory_space<hbm>> -> memref<1024xi32, #tpu.memory_space<hbm>>
    tpu.wait_dma2 semaphore(%arg7 : memref<!tpu.dma_semaphore, #tpu.memory_space<semaphore_mem>>) src(%dma_wait3A_47 : memref<1024xi32, #tpu.memory_space<hbm>>) dst(%dma_wait3A_44 : memref<1024xi32, #tpu.memory_space<vmem>>)
    %get3A = arith.constant 0 : index
    %get3A_48 = tpu.vector_load %arg5[%get3A] {strides = array<i32>} : memref<3072xi32, #tpu.memory_space<vmem>>, vector<16xi32>,
    %get3A_49 = arith.constant 512 : index
    %get3A_50 = tpu.vector_load %arg5[%get3A_49] {strides = array<i32>} : memref<3072xi32, #tpu.memory_space<vmem>>, vector<16xi32>,
    %mul3A_51 = arith.constant 64 : i32
    %mul3A_52 = vector.broadcast %mul3A_51 : i32 to vector<16xi32>
    %mul3A_53 = arith.muli %get3A_50, %mul3A_52 : vector<16xi32>
    %add3A_54 = arith.constant 0 : i32
    %add3A_55 = vector.broadcast %add3A_54 : i32 to vector<16xi32>
    %add3A_56 = arith.addi %add3A_55, %mul3A_53 : vector<16xi32>
    %add3A_57 = arith.addi %add3A_56, %get3A_48 : vector<16xi32>
    tpu.vector_store_idx %arg6[%add3A_57], %broadcast_in_dim3A_1 {add = true} : memref<12288xf32, #tpu.memory_space<vmem>>[vector<16xi32>], vector<16xf32>,
    %get3A_58 = arith.constant 16 : index
    %get3A_59 = tpu.vector_load %arg5[%get3A_58] {strides = array<i32>} : memref<3072xi32, #tpu.memory_space<vmem>>, vector<16xi32>,
    %get3A_60 = arith.constant 528 : index
    %get3A_61 = tpu.vector_load %arg5[%get3A_60] {strides = array<i32>} : memref<3072xi32, #tpu.memory_space<vmem>>, vector<16xi32>,
    %mul3A_62 = arith.constant 64 : i32
    %mul3A_63 = vector.broadcast %mul3A_62 : i32 to vector<16xi32>
    %mul3A_64 = arith.muli %get3A_61, %mul3A_63 : vector<16xi32>
    %add3A_65 = arith.constant 0 : i32
    %add3A_66 = vector.broadcast %add3A_65 : i32 to vector<16xi32>
    %add3A_67 = arith.addi %add3A_66, %mul3A_64 : vector<16xi32>
    %add3A_68 = arith.addi %add3A_67, %get3A_59 : vector<16xi32>
    tpu.vector_store_idx %arg6[%add3A_68], %broadcast_in_dim3A_1 {add = true} : memref<12288xf32, #tpu.memory_space<vmem>>[vector<16xi32>], vector<16xf32>,
    %get3A_69 = arith.constant 32 : index
    %get3A_70 = tpu.vector_load %arg5[%get3A_69] {strides = array<i32>} : memref<3072xi32, #tpu.memory_space<vmem>>, vector<16xi32>,
    %get3A_71 = arith.constant 544 : index
    %get3A_72 = tpu.vector_load %arg5[%get3A_71] {strides = array<i32>} : memref<3072xi32, #tpu.memory_space<vmem>>, vector<16xi32>,
    %mul3A_73 = arith.constant 64 : i32
    %mul3A_74 = vector.broadcast %mul3A_73 : i32 to vector<16xi32>
    %mul3A_75 = arith.muli %get3A_72, %mul3A_74 : vector<16xi32>
    %add3A_76 = arith.constant 0 : i32
    %add3A_77 = vector.broadcast %add3A_76 : i32 to vector<16xi32>
    %add3A_78 = arith.addi %add3A_77, %mul3A_75 : vector<16xi32>
    %add3A_79 = arith.addi %add3A_78, %get3A_70 : vector<16xi32>
    tpu.vector_store_idx %arg6[%add3A_79], %broadcast_in_dim3A_1 {add = true} : memref<12288xf32, #tpu.memory_space<vmem>>[vector<16xi32>], vector<16xf32>,
    %get3A_80 = arith.constant 48 : index
    %get3A_81 = tpu.vector_load %arg5[%get3A_80] {strides = array<i32>} : memref<3072xi32, #tpu.memory_space<vmem>>, vector<16xi32>,
    %get3A_82 = arith.constant 560 : index
    %get3A_83 = tpu.vector_load %arg5[%get3A_82] {strides = array<i32>} : memref<3072xi32, #tpu.memory_space<vmem>>, vector<16xi32>,
    %mul3A_84 = arith.constant 64 : i32
    %mul3A_85 = vector.broadcast %mul3A_84 : i32 to vector<16xi32>
    %mul3A_86 = arith.muli %get3A_83, %mul3A_85 : vector<16xi32>
    %add3A_87 = arith.constant 0 : i32
    %add3A_88 = vector.broadcast %add3A_87 : i32 to vector<16xi32>
    %add3A_89 = arith.addi %add3A_88, %mul3A_86 : vector<16xi32>
    %add3A_90 = arith.addi %add3A_89, %get3A_81 : vector<16xi32>
    tpu.vector_store_idx %arg6[%add3A_90], %broadcast_in_dim3A_1 {add = true} : memref<12288xf32, #tpu.memory_space<vmem>>[vector<16xi32>], vector<16xf32>,
    %get3A_91 = arith.constant 64 : index
    %get3A_92 = tpu.vector_load %arg5[%get3A_91] {strides = array<i32>} : memref<3072xi32, #tpu.memory_space<vmem>>, vector<16xi32>,
    %get3A_93 = arith.constant 576 : index
    %get3A_94 = tpu.vector_load %arg5[%get3A_93] {strides = array<i32>} : memref<3072xi32, #tpu.memory_space<vmem>>, vector<16xi32>,
    %mul3A_95 = arith.constant 64 : i32
    %mul3A_96 = vector.broadcast %mul3A_95 : i32 to vector<16xi32>
    %mul3A_97 = arith.muli %get3A_94, %mul3A_96 : vector<16xi32>
    %add3A_98 = arith.constant 0 : i32
    %add3A_99 = vector.broadcast %add3A_98 : i32 to vector<16xi32>
    %add3A_100 = arith.addi %add3A_99, %mul3A_97 : vector<16xi32>
    %add3A_101 = arith.addi %add3A_100, %get3A_92 : vector<16xi32>
    tpu.vector_store_idx %arg6[%add3A_101], %broadcast_in_dim3A_1 {add = true} : memref<12288xf32, #tpu.memory_space<vmem>>[vector<16xi32>], vector<16xf32>,
    %get3A_102 = arith.constant 80 : index
    %get3A_103 = tpu.vector_load %arg5[%get3A_102] {strides = array<i32>} : memref<3072xi32, #tpu.memory_space<vmem>>, vector<16xi32>,
    %get3A_104 = arith.constant 592 : index
    %get3A_105 = tpu.vector_load %arg5[%get3A_104] {strides = array<i32>} : memref<3072xi32, #tpu.memory_space<vmem>>, vector<16xi32>,
    %mul3A_106 = arith.constant 64 : i32
    %mul3A_107 = vector.broadcast %mul3A_106 : i32 to vector<16xi32>
    %mul3A_108 = arith.muli %get3A_105, %mul3A_107 : vector<16xi32>
    %add3A_109 = arith.constant 0 : i32
    %add3A_110 = vector.broadcast %add3A_109 : i32 to vector<16xi32>
    %add3A_111 = arith.addi %add3A_110, %mul3A_108 : vector<16xi32>
    %add3A_112 = arith.addi %add3A_111, %get3A_103 : vector<16xi32>
    tpu.vector_store_idx %arg6[%add3A_112], %broadcast_in_dim3A_1 {add = true} : memref<12288xf32, #tpu.memory_space<vmem>>[vector<16xi32>], vector<16xf32>,
    %get3A_113 = arith.constant 96 : index
    %get3A_114 = tpu.vector_load %arg5[%get3A_113] {strides = array<i32>} : memref<3072xi32, #tpu.memory_space<vmem>>, vector<16xi32>,
    %get3A_115 = arith.constant 608 : index
    %get3A_116 = tpu.vector_load %arg5[%get3A_115] {strides = array<i32>} : memref<3072xi32, #tpu.memory_space<vmem>>, vector<16xi32>,
    %mul3A_117 = arith.constant 64 : i32
    %mul3A_118 = vector.broadcast %mul3A_117 : i32 to vector<16xi32>
    %mul3A_119 = arith.muli %get3A_116, %mul3A_118 : vector<16xi32>
    %add3A_120 = arith.constant 0 : i32
    %add3A_121 = vector.broadcast %add3A_120 : i32 to vector<16xi32>
    %add3A_122 = arith.addi %add3A_121, %mul3A_119 : vector<16xi32>
    %add3A_123 = arith.addi %add3A_122, %get3A_114 : vector<16xi32>
    tpu.vector_store_idx %arg6[%add3A_123], %broadcast_in_dim3A_1 {add = true} : memref<12288xf32, #tpu.memory_space<vmem>>[vector<16xi32>], vector<16xf32>,
    %get3A_124 = arith.constant 112 : index
    %get3A_125 = tpu.vector_load %arg5[%get3A_124] {strides = array<i32>} : memref<3072xi32, #tpu.memory_space<vmem>>, vector<16xi32>,
    %get3A_126 = arith.constant 624 : index
    %get3A_127 = tpu.vector_load %arg5[%get3A_126] {strides = array<i32>} : memref<3072xi32, #tpu.memory_space<vmem>>, vector<16xi32>,
    %mul3A_128 = arith.constant 64 : i32
    %mul3A_129 = vector.broadcast %mul3A_128 : i32 to vector<16xi32>
    %mul3A_130 = arith.muli %get3A_127, %mul3A_129 : vector<16xi32>
    %add3A_131 = arith.constant 0 : i32
    %add3A_132 = vector.broadcast %add3A_131 : i32 to vector<16xi32>
    %add3A_133 = arith.addi %add3A_132, %mul3A_130 : vector<16xi32>
    %add3A_134 = arith.addi %add3A_133, %get3A_125 : vector<16xi32>
    tpu.vector_store_idx %arg6[%add3A_134], %broadcast_in_dim3A_1 {add = true} : memref<12288xf32, #tpu.memory_space<vmem>>[vector<16xi32>], vector<16xf32>,
    %get3A_135 = arith.constant 128 : index
    %get3A_136 = tpu.vector_load %arg5[%get3A_135] {strides = array<i32>} : memref<3072xi32, #tpu.memory_space<vmem>>, vector<16xi32>,
    %get3A_137 = arith.constant 640 : index
    %get3A_138 = tpu.vector_load %arg5[%get3A_137] {strides = array<i32>} : memref<3072xi32, #tpu.memory_space<vmem>>, vector<16xi32>,
    %mul3A_139 = arith.constant 64 : i32
    %mul3A_140 = vector.broadcast %mul3A_139 : i32 to vector<16xi32>
    %mul3A_141 = arith.muli %get3A_138, %mul3A_140 : vector<16xi32>
    %add3A_142 = arith.constant 0 : i32
    %add3A_143 = vector.broadcast %add3A_142 : i32 to vector<16xi32>
    %add3A_144 = arith.addi %add3A_143, %mul3A_141 : vector<16xi32>
    %add3A_145 = arith.addi %add3A_144, %get3A_136 : vector<16xi32>
    tpu.vector_store_idx %arg6[%add3A_145], %broadcast_in_dim3A_1 {add = true} : memref<12288xf32, #tpu.memory_space<vmem>>[vector<16xi32>], vector<16xf32>,
    %get3A_146 = arith.constant 144 : index
    %get3A_147 = tpu.vector_load %arg5[%get3A_146] {strides = array<i32>} : memref<3072xi32, #tpu.memory_space<vmem>>, vector<16xi32>,
    %get3A_148 = arith.constant 656 : index
    %get3A_149 = tpu.vector_load %arg5[%get3A_148] {strides = array<i32>} : memref<3072xi32, #tpu.memory_space<vmem>>, vector<16xi32>,
    %mul3A_150 = arith.constant 64 : i32
    %mul3A_151 = vector.broadcast %mul3A_150 : i32 to vector<16xi32>
    %mul3A_152 = arith.muli %get3A_149, %mul3A_151 : vector<16xi32>
    %add3A_153 = arith.constant 0 : i32
    %add3A_154 = vector.broadcast %add3A_153 : i32 to vector<16xi32>
    %add3A_155 = arith.addi %add3A_154, %mul3A_152 : vector<16xi32>
    %add3A_156 = arith.addi %add3A_155, %get3A_147 : vector<16xi32>
    tpu.vector_store_idx %arg6[%add3A_156], %broadcast_in_dim3A_1 {add = true} : memref<12288xf32, #tpu.memory_space<vmem>>[vector<16xi32>], vector<16xf32>,
    %get3A_157 = arith.constant 160 : index
    %get3A_158 = tpu.vector_load %arg5[%get3A_157] {strides = array<i32>} : memref<3072xi32, #tpu.memory_space<vmem>>, vector<16xi32>,
    %get3A_159 = arith.constant 672 : index
    %get3A_160 = tpu.vector_load %arg5[%get3A_159] {strides = array<i32>} : memref<3072xi32, #tpu.memory_space<vmem>>, vector<16xi32>,
    %mul3A_161 = arith.constant 64 : i32
    %mul3A_162 = vector.broadcast %mul3A_161 : i32 to vector<16xi32>
    %mul3A_163 = arith.muli %get3A_160, %mul3A_162 : vector<16xi32>
    %add3A_164 = arith.constant 0 : i32
    %add3A_165 = vector.broadcast %add3A_164 : i32 to vector<16xi32>
    %add3A_166 = arith.addi %add3A_165, %mul3A_163 : vector<16xi32>
    %add3A_167 = arith.addi %add3A_166, %get3A_158 : vector<16xi32>
    tpu.vector_store_idx %arg6[%add3A_167], %broadcast_in_dim3A_1 {add = true} : memref<12288xf32, #tpu.memory_space<vmem>>[vector<16xi32>], vector<16xf32>,
    %get3A_168 = arith.constant 176 : index
    %get3A_169 = tpu.vector_load %arg5[%get3A_168] {strides = array<i32>} : memref<3072xi32, #tpu.memory_space<vmem>>, vector<16xi32>,
    %get3A_170 = arith.constant 688 : index
    %get3A_171 = tpu.vector_load %arg5[%get3A_170] {strides = array<i32>} : memref<3072xi32, #tpu.memory_space<vmem>>, vector<16xi32>,
    %mul3A_172 = arith.constant 64 : i32
    %mul3A_173 = vector.broadcast %mul3A_172 : i32 to vector<16xi32>
    %mul3A_174 = arith.muli %get3A_171, %mul3A_173 : vector<16xi32>
    %add3A_175 = arith.constant 0 : i32
    %add3A_176 = vector.broadcast %add3A_175 : i32 to vector<16xi32>
    %add3A_177 = arith.addi %add3A_176, %mul3A_174 : vector<16xi32>
    %add3A_178 = arith.addi %add3A_177, %get3A_169 : vector<16xi32>
    tpu.vector_store_idx %arg6[%add3A_178], %broadcast_in_dim3A_1 {add = true} : memref<12288xf32, #tpu.memory_space<vmem>>[vector<16xi32>], vector<16xf32>,
    %get3A_179 = arith.constant 192 : index
    %get3A_180 = tpu.vector_load %arg5[%get3A_179] {strides = array<i32>} : memref<3072xi32, #tpu.memory_space<vmem>>, vector<16xi32>,
    %get3A_181 = arith.constant 704 : index
    %get3A_182 = tpu.vector_load %arg5[%get3A_181] {strides = array<i32>} : memref<3072xi32, #tpu.memory_space<vmem>>, vector<16xi32>,
    %mul3A_183 = arith.constant 64 : i32
    %mul3A_184 = vector.broadcast %mul3A_183 : i32 to vector<16xi32>
    %mul3A_185 = arith.muli %get3A_182, %mul3A_184 : vector<16xi32>
    %add3A_186 = arith.constant 0 : i32
    %add3A_187 = vector.broadcast %add3A_186 : i32 to vector<16xi32>
    %add3A_188 = arith.addi %add3A_187, %mul3A_185 : vector<16xi32>
    %add3A_189 = arith.addi %add3A_188, %get3A_180 : vector<16xi32>
    tpu.vector_store_idx %arg6[%add3A_189], %broadcast_in_dim3A_1 {add = true} : memref<12288xf32, #tpu.memory_space<vmem>>[vector<16xi32>], vector<16xf32>,
    %get3A_190 = arith.constant 208 : index
    %get3A_191 = tpu.vector_load %arg5[%get3A_190] {strides = array<i32>} : memref<3072xi32, #tpu.memory_space<vmem>>, vector<16xi32>,
    %get3A_192 = arith.constant 720 : index
    %get3A_193 = tpu.vector_load %arg5[%get3A_192] {strides = array<i32>} : memref<3072xi32, #tpu.memory_space<vmem>>, vector<16xi32>,
    %mul3A_194 = arith.constant 64 : i32
    %mul3A_195 = vector.broadcast %mul3A_194 : i32 to vector<16xi32>
    %mul3A_196 = arith.muli %get3A_193, %mul3A_195 : vector<16xi32>
    %add3A_197 = arith.constant 0 : i32
    %add3A_198 = vector.broadcast %add3A_197 : i32 to vector<16xi32>
    %add3A_199 = arith.addi %add3A_198, %mul3A_196 : vector<16xi32>
    %add3A_200 = arith.addi %add3A_199, %get3A_191 : vector<16xi32>
    tpu.vector_store_idx %arg6[%add3A_200], %broadcast_in_dim3A_1 {add = true} : memref<12288xf32, #tpu.memory_space<vmem>>[vector<16xi32>], vector<16xf32>,
    %get3A_201 = arith.constant 224 : index
    %get3A_202 = tpu.vector_load %arg5[%get3A_201] {strides = array<i32>} : memref<3072xi32, #tpu.memory_space<vmem>>, vector<16xi32>,
    %get3A_203 = arith.constant 736 : index
    %get3A_204 = tpu.vector_load %arg5[%get3A_203] {strides = array<i32>} : memref<3072xi32, #tpu.memory_space<vmem>>, vector<16xi32>,
    %mul3A_205 = arith.constant 64 : i32
    %mul3A_206 = vector.broadcast %mul3A_205 : i32 to vector<16xi32>
    %mul3A_207 = arith.muli %get3A_204, %mul3A_206 : vector<16xi32>
    %add3A_208 = arith.constant 0 : i32
    %add3A_209 = vector.broadcast %add3A_208 : i32 to vector<16xi32>
    %add3A_210 = arith.addi %add3A_209, %mul3A_207 : vector<16xi32>
    %add3A_211 = arith.addi %add3A_210, %get3A_202 : vector<16xi32>
    tpu.vector_store_idx %arg6[%add3A_211], %broadcast_in_dim3A_1 {add = true} : memref<12288xf32, #tpu.memory_space<vmem>>[vector<16xi32>], vector<16xf32>,
    %get3A_212 = arith.constant 240 : index
    %get3A_213 = tpu.vector_load %arg5[%get3A_212] {strides = array<i32>} : memref<3072xi32, #tpu.memory_space<vmem>>, vector<16xi32>,
    %get3A_214 = arith.constant 752 : index
    %get3A_215 = tpu.vector_load %arg5[%get3A_214] {strides = array<i32>} : memref<3072xi32, #tpu.memory_space<vmem>>, vector<16xi32>,
    %mul3A_216 = arith.constant 64 : i32
    %mul3A_217 = vector.broadcast %mul3A_216 : i32 to vector<16xi32>
    %mul3A_218 = arith.muli %get3A_215, %mul3A_217 : vector<16xi32>
    %add3A_219 = arith.constant 0 : i32
    %add3A_220 = vector.broadcast %add3A_219 : i32 to vector<16xi32>
    %add3A_221 = arith.addi %add3A_220, %mul3A_218 : vector<16xi32>
    %add3A_222 = arith.addi %add3A_221, %get3A_213 : vector<16xi32>
    tpu.vector_store_idx %arg6[%add3A_222], %broadcast_in_dim3A_1 {add = true} : memref<12288xf32, #tpu.memory_space<vmem>>[vector<16xi32>], vector<16xf32>,
    %get3A_223 = arith.constant 256 : index
    %get3A_224 = tpu.vector_load %arg5[%get3A_223] {strides = array<i32>} : memref<3072xi32, #tpu.memory_space<vmem>>, vector<16xi32>,
    %get3A_225 = arith.constant 768 : index
    %get3A_226 = tpu.vector_load %arg5[%get3A_225] {strides = array<i32>} : memref<3072xi32, #tpu.memory_space<vmem>>, vector<16xi32>,
    %mul3A_227 = arith.constant 64 : i32
    %mul3A_228 = vector.broadcast %mul3A_227 : i32 to vector<16xi32>
    %mul3A_229 = arith.muli %get3A_226, %mul3A_228 : vector<16xi32>
    %add3A_230 = arith.constant 0 : i32
    %add3A_231 = vector.broadcast %add3A_230 : i32 to vector<16xi32>
    %add3A_232 = arith.addi %add3A_231, %mul3A_229 : vector<16xi32>
    %add3A_233 = arith.addi %add3A_232, %get3A_224 : vector<16xi32>
    tpu.vector_store_idx %arg6[%add3A_233], %broadcast_in_dim3A_1 {add = true} : memref<12288xf32, #tpu.memory_space<vmem>>[vector<16xi32>], vector<16xf32>,
    %get3A_234 = arith.constant 272 : index
    %get3A_235 = tpu.vector_load %arg5[%get3A_234] {strides = array<i32>} : memref<3072xi32, #tpu.memory_space<vmem>>, vector<16xi32>,
    %get3A_236 = arith.constant 784 : index
    %get3A_237 = tpu.vector_load %arg5[%get3A_236] {strides = array<i32>} : memref<3072xi32, #tpu.memory_space<vmem>>, vector<16xi32>,
    %mul3A_238 = arith.constant 64 : i32
    %mul3A_239 = vector.broadcast %mul3A_238 : i32 to vector<16xi32>
    %mul3A_240 = arith.muli %get3A_237, %mul3A_239 : vector<16xi32>
    %add3A_241 = arith.constant 0 : i32
    %add3A_242 = vector.broadcast %add3A_241 : i32 to vector<16xi32>
    %add3A_243 = arith.addi %add3A_242, %mul3A_240 : vector<16xi32>
    %add3A_244 = arith.addi %add3A_243, %get3A_235 : vector<16xi32>
    tpu.vector_store_idx %arg6[%add3A_244], %broadcast_in_dim3A_1 {add = true} : memref<12288xf32, #tpu.memory_space<vmem>>[vector<16xi32>], vector<16xf32>,
    %get3A_245 = arith.constant 288 : index
    %get3A_246 = tpu.vector_load %arg5[%get3A_245] {strides = array<i32>} : memref<3072xi32, #tpu.memory_space<vmem>>, vector<16xi32>,
    %get3A_247 = arith.constant 800 : index
    %get3A_248 = tpu.vector_load %arg5[%get3A_247] {strides = array<i32>} : memref<3072xi32, #tpu.memory_space<vmem>>, vector<16xi32>,
    %mul3A_249 = arith.constant 64 : i32
    %mul3A_250 = vector.broadcast %mul3A_249 : i32 to vector<16xi32>
    %mul3A_251 = arith.muli %get3A_248, %mul3A_250 : vector<16xi32>
    %add3A_252 = arith.constant 0 : i32
    %add3A_253 = vector.broadcast %add3A_252 : i32 to vector<16xi32>
    %add3A_254 = arith.addi %add3A_253, %mul3A_251 : vector<16xi32>
    %add3A_255 = arith.addi %add3A_254, %get3A_246 : vector<16xi32>
    tpu.vector_store_idx %arg6[%add3A_255], %broadcast_in_dim3A_1 {add = true} : memref<12288xf32, #tpu.memory_space<vmem>>[vector<16xi32>], vector<16xf32>,
    %get3A_256 = arith.constant 304 : index
    %get3A_257 = tpu.vector_load %arg5[%get3A_256] {strides = array<i32>} : memref<3072xi32, #tpu.memory_space<vmem>>, vector<16xi32>,
    %get3A_258 = arith.constant 816 : index
    %get3A_259 = tpu.vector_load %arg5[%get3A_258] {strides = array<i32>} : memref<3072xi32, #tpu.memory_space<vmem>>, vector<16xi32>,
    %mul3A_260 = arith.constant 64 : i32
    %mul3A_261 = vector.broadcast %mul3A_260 : i32 to vector<16xi32>
    %mul3A_262 = arith.muli %get3A_259, %mul3A_261 : vector<16xi32>
    %add3A_263 = arith.constant 0 : i32
    %add3A_264 = vector.broadcast %add3A_263 : i32 to vector<16xi32>
    %add3A_265 = arith.addi %add3A_264, %mul3A_262 : vector<16xi32>
    %add3A_266 = arith.addi %add3A_265, %get3A_257 : vector<16xi32>
    tpu.vector_store_idx %arg6[%add3A_266], %broadcast_in_dim3A_1 {add = true} : memref<12288xf32, #tpu.memory_space<vmem>>[vector<16xi32>], vector<16xf32>,
    %get3A_267 = arith.constant 320 : index
    %get3A_268 = tpu.vector_load %arg5[%get3A_267] {strides = array<i32>} : memref<3072xi32, #tpu.memory_space<vmem>>, vector<16xi32>,
    %get3A_269 = arith.constant 832 : index
    %get3A_270 = tpu.vector_load %arg5[%get3A_269] {strides = array<i32>} : memref<3072xi32, #tpu.memory_space<vmem>>, vector<16xi32>,
    %mul3A_271 = arith.constant 64 : i32
    %mul3A_272 = vector.broadcast %mul3A_271 : i32 to vector<16xi32>
    %mul3A_273 = arith.muli %get3A_270, %mul3A_272 : vector<16xi32>
    %add3A_274 = arith.constant 0 : i32
    %add3A_275 = vector.broadcast %add3A_274 : i32 to vector<16xi32>
    %add3A_276 = arith.addi %add3A_275, %mul3A_273 : vector<16xi32>
    %add3A_277 = arith.addi %add3A_276, %get3A_268 : vector<16xi32>
    tpu.vector_store_idx %arg6[%add3A_277], %broadcast_in_dim3A_1 {add = true} : memref<12288xf32, #tpu.memory_space<vmem>>[vector<16xi32>], vector<16xf32>,
    %get3A_278 = arith.constant 336 : index
    %get3A_279 = tpu.vector_load %arg5[%get3A_278] {strides = array<i32>} : memref<3072xi32, #tpu.memory_space<vmem>>, vector<16xi32>,
    %get3A_280 = arith.constant 848 : index
    %get3A_281 = tpu.vector_load %arg5[%get3A_280] {strides = array<i32>} : memref<3072xi32, #tpu.memory_space<vmem>>, vector<16xi32>,
    %mul3A_282 = arith.constant 64 : i32
    %mul3A_283 = vector.broadcast %mul3A_282 : i32 to vector<16xi32>
    %mul3A_284 = arith.muli %get3A_281, %mul3A_283 : vector<16xi32>
    %add3A_285 = arith.constant 0 : i32
    %add3A_286 = vector.broadcast %add3A_285 : i32 to vector<16xi32>
    %add3A_287 = arith.addi %add3A_286, %mul3A_284 : vector<16xi32>
    %add3A_288 = arith.addi %add3A_287, %get3A_279 : vector<16xi32>
    tpu.vector_store_idx %arg6[%add3A_288], %broadcast_in_dim3A_1 {add = true} : memref<12288xf32, #tpu.memory_space<vmem>>[vector<16xi32>], vector<16xf32>,
    %get3A_289 = arith.constant 352 : index
    %get3A_290 = tpu.vector_load %arg5[%get3A_289] {strides = array<i32>} : memref<3072xi32, #tpu.memory_space<vmem>>, vector<16xi32>,
    %get3A_291 = arith.constant 864 : index
    %get3A_292 = tpu.vector_load %arg5[%get3A_291] {strides = array<i32>} : memref<3072xi32, #tpu.memory_space<vmem>>, vector<16xi32>,
    %mul3A_293 = arith.constant 64 : i32
    %mul3A_294 = vector.broadcast %mul3A_293 : i32 to vector<16xi32>
    %mul3A_295 = arith.muli %get3A_292, %mul3A_294 : vector<16xi32>
    %add3A_296 = arith.constant 0 : i32
    %add3A_297 = vector.broadcast %add3A_296 : i32 to vector<16xi32>
    %add3A_298 = arith.addi %add3A_297, %mul3A_295 : vector<16xi32>
    %add3A_299 = arith.addi %add3A_298, %get3A_290 : vector<16xi32>
    tpu.vector_store_idx %arg6[%add3A_299], %broadcast_in_dim3A_1 {add = true} : memref<12288xf32, #tpu.memory_space<vmem>>[vector<16xi32>], vector<16xf32>,
    %get3A_300 = arith.constant 368 : index
    %get3A_301 = tpu.vector_load %arg5[%get3A_300] {strides = array<i32>} : memref<3072xi32, #tpu.memory_space<vmem>>, vector<16xi32>,
    %get3A_302 = arith.constant 880 : index
    %get3A_303 = tpu.vector_load %arg5[%get3A_302] {strides = array<i32>} : memref<3072xi32, #tpu.memory_space<vmem>>, vector<16xi32>,
    %mul3A_304 = arith.constant 64 : i32
    %mul3A_305 = vector.broadcast %mul3A_304 : i32 to vector<16xi32>
    %mul3A_306 = arith.muli %get3A_303, %mul3A_305 : vector<16xi32>
    %add3A_307 = arith.constant 0 : i32
    %add3A_308 = vector.broadcast %add3A_307 : i32 to vector<16xi32>
    %add3A_309 = arith.addi %add3A_308, %mul3A_306 : vector<16xi32>
    %add3A_310 = arith.addi %add3A_309, %get3A_301 : vector<16xi32>
    tpu.vector_store_idx %arg6[%add3A_310], %broadcast_in_dim3A_1 {add = true} : memref<12288xf32, #tpu.memory_space<vmem>>[vector<16xi32>], vector<16xf32>,
    %get3A_311 = arith.constant 384 : index
    %get3A_312 = tpu.vector_load %arg5[%get3A_311] {strides = array<i32>} : memref<3072xi32, #tpu.memory_space<vmem>>, vector<16xi32>,
    %get3A_313 = arith.constant 896 : index
    %get3A_314 = tpu.vector_load %arg5[%get3A_313] {strides = array<i32>} : memref<3072xi32, #tpu.memory_space<vmem>>, vector<16xi32>,
    %mul3A_315 = arith.constant 64 : i32
    %mul3A_316 = vector.broadcast %mul3A_315 : i32 to vector<16xi32>
    %mul3A_317 = arith.muli %get3A_314, %mul3A_316 : vector<16xi32>
    %add3A_318 = arith.constant 0 : i32
    %add3A_319 = vector.broadcast %add3A_318 : i32 to vector<16xi32>
    %add3A_320 = arith.addi %add3A_319, %mul3A_317 : vector<16xi32>
    %add3A_321 = arith.addi %add3A_320, %get3A_312 : vector<16xi32>
    tpu.vector_store_idx %arg6[%add3A_321], %broadcast_in_dim3A_1 {add = true} : memref<12288xf32, #tpu.memory_space<vmem>>[vector<16xi32>], vector<16xf32>,
    %get3A_322 = arith.constant 400 : index
    %get3A_323 = tpu.vector_load %arg5[%get3A_322] {strides = array<i32>} : memref<3072xi32, #tpu.memory_space<vmem>>, vector<16xi32>,
    %get3A_324 = arith.constant 912 : index
    %get3A_325 = tpu.vector_load %arg5[%get3A_324] {strides = array<i32>} : memref<3072xi32, #tpu.memory_space<vmem>>, vector<16xi32>,
    %mul3A_326 = arith.constant 64 : i32
    %mul3A_327 = vector.broadcast %mul3A_326 : i32 to vector<16xi32>
    %mul3A_328 = arith.muli %get3A_325, %mul3A_327 : vector<16xi32>
    %add3A_329 = arith.constant 0 : i32
    %add3A_330 = vector.broadcast %add3A_329 : i32 to vector<16xi32>
    %add3A_331 = arith.addi %add3A_330, %mul3A_328 : vector<16xi32>
    %add3A_332 = arith.addi %add3A_331, %get3A_323 : vector<16xi32>
    tpu.vector_store_idx %arg6[%add3A_332], %broadcast_in_dim3A_1 {add = true} : memref<12288xf32, #tpu.memory_space<vmem>>[vector<16xi32>], vector<16xf32>,
    %get3A_333 = arith.constant 416 : index
    %get3A_334 = tpu.vector_load %arg5[%get3A_333] {strides = array<i32>} : memref<3072xi32, #tpu.memory_space<vmem>>, vector<16xi32>,
    %get3A_335 = arith.constant 928 : index
    %get3A_336 = tpu.vector_load %arg5[%get3A_335] {strides = array<i32>} : memref<3072xi32, #tpu.memory_space<vmem>>, vector<16xi32>,
    %mul3A_337 = arith.constant 64 : i32
    %mul3A_338 = vector.broadcast %mul3A_337 : i32 to vector<16xi32>
    %mul3A_339 = arith.muli %get3A_336, %mul3A_338 : vector<16xi32>
    %add3A_340 = arith.constant 0 : i32
    %add3A_341 = vector.broadcast %add3A_340 : i32 to vector<16xi32>
    %add3A_342 = arith.addi %add3A_341, %mul3A_339 : vector<16xi32>
    %add3A_343 = arith.addi %add3A_342, %get3A_334 : vector<16xi32>
    tpu.vector_store_idx %arg6[%add3A_343], %broadcast_in_dim3A_1 {add = true} : memref<12288xf32, #tpu.memory_space<vmem>>[vector<16xi32>], vector<16xf32>,
    %get3A_344 = arith.constant 432 : index
    %get3A_345 = tpu.vector_load %arg5[%get3A_344] {strides = array<i32>} : memref<3072xi32, #tpu.memory_space<vmem>>, vector<16xi32>,
    %get3A_346 = arith.constant 944 : index
    %get3A_347 = tpu.vector_load %arg5[%get3A_346] {strides = array<i32>} : memref<3072xi32, #tpu.memory_space<vmem>>, vector<16xi32>,
    %mul3A_348 = arith.constant 64 : i32
    %mul3A_349 = vector.broadcast %mul3A_348 : i32 to vector<16xi32>
    %mul3A_350 = arith.muli %get3A_347, %mul3A_349 : vector<16xi32>
    %add3A_351 = arith.constant 0 : i32
    %add3A_352 = vector.broadcast %add3A_351 : i32 to vector<16xi32>
    %add3A_353 = arith.addi %add3A_352, %mul3A_350 : vector<16xi32>
    %add3A_354 = arith.addi %add3A_353, %get3A_345 : vector<16xi32>
    tpu.vector_store_idx %arg6[%add3A_354], %broadcast_in_dim3A_1 {add = true} : memref<12288xf32, #tpu.memory_space<vmem>>[vector<16xi32>], vector<16xf32>,
    %get3A_355 = arith.constant 448 : index
    %get3A_356 = tpu.vector_load %arg5[%get3A_355] {strides = array<i32>} : memref<3072xi32, #tpu.memory_space<vmem>>, vector<16xi32>,
    %get3A_357 = arith.constant 960 : index
    %get3A_358 = tpu.vector_load %arg5[%get3A_357] {strides = array<i32>} : memref<3072xi32, #tpu.memory_space<vmem>>, vector<16xi32>,
    %mul3A_359 = arith.constant 64 : i32
    %mul3A_360 = vector.broadcast %mul3A_359 : i32 to vector<16xi32>
    %mul3A_361 = arith.muli %get3A_358, %mul3A_360 : vector<16xi32>
    %add3A_362 = arith.constant 0 : i32
    %add3A_363 = vector.broadcast %add3A_362 : i32 to vector<16xi32>
    %add3A_364 = arith.addi %add3A_363, %mul3A_361 : vector<16xi32>
    %add3A_365 = arith.addi %add3A_364, %get3A_356 : vector<16xi32>
    tpu.vector_store_idx %arg6[%add3A_365], %broadcast_in_dim3A_1 {add = true} : memref<12288xf32, #tpu.memory_space<vmem>>[vector<16xi32>], vector<16xf32>,
    %get3A_366 = arith.constant 464 : index
    %get3A_367 = tpu.vector_load %arg5[%get3A_366] {strides = array<i32>} : memref<3072xi32, #tpu.memory_space<vmem>>, vector<16xi32>,
    %get3A_368 = arith.constant 976 : index
    %get3A_369 = tpu.vector_load %arg5[%get3A_368] {strides = array<i32>} : memref<3072xi32, #tpu.memory_space<vmem>>, vector<16xi32>,
    %mul3A_370 = arith.constant 64 : i32
    %mul3A_371 = vector.broadcast %mul3A_370 : i32 to vector<16xi32>
    %mul3A_372 = arith.muli %get3A_369, %mul3A_371 : vector<16xi32>
    %add3A_373 = arith.constant 0 : i32
    %add3A_374 = vector.broadcast %add3A_373 : i32 to vector<16xi32>
    %add3A_375 = arith.addi %add3A_374, %mul3A_372 : vector<16xi32>
    %add3A_376 = arith.addi %add3A_375, %get3A_367 : vector<16xi32>
    tpu.vector_store_idx %arg6[%add3A_376], %broadcast_in_dim3A_1 {add = true} : memref<12288xf32, #tpu.memory_space<vmem>>[vector<16xi32>], vector<16xf32>,
    %get3A_377 = arith.constant 480 : index
    %get3A_378 = tpu.vector_load %arg5[%get3A_377] {strides = array<i32>} : memref<3072xi32, #tpu.memory_space<vmem>>, vector<16xi32>,
    %get3A_379 = arith.constant 992 : index
    %get3A_380 = tpu.vector_load %arg5[%get3A_379] {strides = array<i32>} : memref<3072xi32, #tpu.memory_space<vmem>>, vector<16xi32>,
    %mul3A_381 = arith.constant 64 : i32
    %mul3A_382 = vector.broadcast %mul3A_381 : i32 to vector<16xi32>
    %mul3A_383 = arith.muli %get3A_380, %mul3A_382 : vector<16xi32>
    %add3A_384 = arith.constant 0 : i32
    %add3A_385 = vector.broadcast %add3A_384 : i32 to vector<16xi32>
    %add3A_386 = arith.addi %add3A_385, %mul3A_383 : vector<16xi32>
    %add3A_387 = arith.addi %add3A_386, %get3A_378 : vector<16xi32>
    tpu.vector_store_idx %arg6[%add3A_387], %broadcast_in_dim3A_1 {add = true} : memref<12288xf32, #tpu.memory_space<vmem>>[vector<16xi32>], vector<16xf32>,
    %get3A_388 = arith.constant 496 : index
    %get3A_389 = tpu.vector_load %arg5[%get3A_388] {strides = array<i32>} : memref<3072xi32, #tpu.memory_space<vmem>>, vector<16xi32>,
    %get3A_390 = arith.constant 1008 : index
    %get3A_391 = tpu.vector_load %arg5[%get3A_390] {strides = array<i32>} : memref<3072xi32, #tpu.memory_space<vmem>>, vector<16xi32>,
    %mul3A_392 = arith.constant 64 : i32
    %mul3A_393 = vector.broadcast %mul3A_392 : i32 to vector<16xi32>
    %mul3A_394 = arith.muli %get3A_391, %mul3A_393 : vector<16xi32>
    %add3A_395 = arith.constant 0 : i32
    %add3A_396 = vector.broadcast %add3A_395 : i32 to vector<16xi32>
    %add3A_397 = arith.addi %add3A_396, %mul3A_394 : vector<16xi32>
    %add3A_398 = arith.addi %add3A_397, %get3A_389 : vector<16xi32>
    tpu.vector_store_idx %arg6[%add3A_398], %broadcast_in_dim3A_1 {add = true} : memref<12288xf32, #tpu.memory_space<vmem>>[vector<16xi32>], vector<16xf32>,
    %add3A_399 = arith.constant 0 : i32
    %add3A_400 = arith.addi %mul3A_3, %add3A_399 : i32
    %dma_start3A_401 = arith.constant 0 : i32
    %dma_start3A_402 = tpu.memref_slice %arg6[%dma_start3A_401] : memref<12288xf32, #tpu.memory_space<vmem>> -> memref<4096xf32, #tpu.memory_space<vmem>>
    %dma_start3A_403 = arith.constant 0 : i32
    %dma_start3A_404 = tpu.memref_slice %arg4[%add3A_400, %dma_start3A_403] : memref<96x4096xf32, #tpu.memory_space<hbm>> -> memref<1x4096xf32, #tpu.memory_space<hbm>>
    %dma_start3A_405 = tpu.memref_squeeze %dma_start3A_404 : memref<1x4096xf32, #tpu.memory_space<hbm>> -> memref<4096xf32, #tpu.memory_space<hbm>>
    %dma_start3A_406 = arith.constant 0 : i32
    %dma_start3A_407 = tpu.memref_slice %arg4[%add3A_400, %dma_start3A_406] : memref<96x4096xf32, #tpu.memory_space<hbm>> -> memref<1x4096xf32, #tpu.memory_space<hbm>>
    %dma_start3A_408 = tpu.memref_squeeze %dma_start3A_407 : memref<1x4096xf32, #tpu.memory_space<hbm>> -> memref<4096xf32, #tpu.memory_space<hbm>>
    %dma_start3A_409 = arith.constant 0 : i32
    %dma_start3A_410 = tpu.memref_slice %arg6[%dma_start3A_409] : memref<12288xf32, #tpu.memory_space<vmem>> -> memref<4096xf32, #tpu.memory_space<vmem>>
    tpu.enqueue_dma source(%dma_start3A_410 : memref<4096xf32, #tpu.memory_space<vmem>>) target(%dma_start3A_408 : memref<4096xf32, #tpu.memory_space<hbm>>) target_semaphore(%arg11 : memref<!tpu.dma_semaphore, #tpu.memory_space<semaphore_mem>>)
    %dma_wait3A_411 = arith.constant 1024 : i32
    %dma_wait3A_412 = tpu.memref_slice %arg5[%dma_wait3A_411] : memref<3072xi32, #tpu.memory_space<vmem>> -> memref<1024xi32, #tpu.memory_space<vmem>>
    %dma_wait3A_413 = arith.constant 0 : i32
    %dma_wait3A_414 = tpu.memref_slice %arg2[%add3A_16, %dma_wait3A_413] : memref<96x1024xi32, #tpu.memory_space<hbm>> -> memref<1x1024xi32, #tpu.memory_space<hbm>>
    %dma_wait3A_415 = tpu.memref_squeeze %dma_wait3A_414 : memref<1x1024xi32, #tpu.memory_space<hbm>> -> memref<1024xi32, #tpu.memory_space<hbm>>
    %dma_wait3A_416 = arith.constant 1024 : i32
    %dma_wait3A_417 = tpu.memref_slice %arg5[%dma_wait3A_416] : memref<3072xi32, #tpu.memory_space<vmem>> -> memref<1024xi32, #tpu.memory_space<vmem>>
    %dma_wait3A_418 = arith.constant 0 : i32
    %dma_wait3A_419 = tpu.memref_slice %arg2[%add3A_16, %dma_wait3A_418] : memref<96x1024xi32, #tpu.memory_space<hbm>> -> memref<1x1024xi32, #tpu.memory_space<hbm>>
    %dma_wait3A_420 = tpu.memref_squeeze %dma_wait3A_419 : memref<1x1024xi32, #tpu.memory_space<hbm>> -> memref<1024xi32, #tpu.memory_space<hbm>>
    tpu.wait_dma2 semaphore(%arg8 : memref<!tpu.dma_semaphore, #tpu.memory_space<semaphore_mem>>) src(%dma_wait3A_420 : memref<1024xi32, #tpu.memory_space<hbm>>) dst(%dma_wait3A_417 : memref<1024xi32, #tpu.memory_space<vmem>>)
    %get3A_421 = arith.constant 1024 : index
    %get3A_422 = tpu.vector_load %arg5[%get3A_421] {strides = array<i32>} : memref<3072xi32, #tpu.memory_space<vmem>>, vector<16xi32>,
    %get3A_423 = arith.constant 1536 : index
    %get3A_424 = tpu.vector_load %arg5[%get3A_423] {strides = array<i32>} : memref<3072xi32, #tpu.memory_space<vmem>>, vector<16xi32>,
    %mul3A_425 = arith.constant 64 : i32
    %mul3A_426 = vector.broadcast %mul3A_425 : i32 to vector<16xi32>
    %mul3A_427 = arith.muli %get3A_424, %mul3A_426 : vector<16xi32>
    %add3A_428 = arith.constant 4096 : i32
    %add3A_429 = vector.broadcast %add3A_428 : i32 to vector<16xi32>
    %add3A_430 = arith.addi %add3A_429, %mul3A_427 : vector<16xi32>
    %add3A_431 = arith.addi %add3A_430, %get3A_422 : vector<16xi32>
    tpu.vector_store_idx %arg6[%add3A_431], %broadcast_in_dim3A_1 {add = true} : memref<12288xf32, #tpu.memory_space<vmem>>[vector<16xi32>], vector<16xf32>,
    %get3A_432 = arith.constant 1040 : index
    %get3A_433 = tpu.vector_load %arg5[%get3A_432] {strides = array<i32>} : memref<3072xi32, #tpu.memory_space<vmem>>, vector<16xi32>,
    %get3A_434 = arith.constant 1552 : index
    %get3A_435 = tpu.vector_load %arg5[%get3A_434] {strides = array<i32>} : memref<3072xi32, #tpu.memory_space<vmem>>, vector<16xi32>,
    %mul3A_436 = arith.constant 64 : i32
    %mul3A_437 = vector.broadcast %mul3A_436 : i32 to vector<16xi32>
    %mul3A_438 = arith.muli %get3A_435, %mul3A_437 : vector<16xi32>
    %add3A_439 = arith.constant 4096 : i32
    %add3A_440 = vector.broadcast %add3A_439 : i32 to vector<16xi32>
    %add3A_441 = arith.addi %add3A_440, %mul3A_438 : vector<16xi32>
    %add3A_442 = arith.addi %add3A_441, %get3A_433 : vector<16xi32>
    tpu.vector_store_idx %arg6[%add3A_442], %broadcast_in_dim3A_1 {add = true} : memref<12288xf32, #tpu.memory_space<vmem>>[vector<16xi32>], vector<16xf32>,
    %get3A_443 = arith.constant 1056 : index
    %get3A_444 = tpu.vector_load %arg5[%get3A_443] {strides = array<i32>} : memref<3072xi32, #tpu.memory_space<vmem>>, vector<16xi32>,
    %get3A_445 = arith.constant 1568 : index
    %get3A_446 = tpu.vector_load %arg5[%get3A_445] {strides = array<i32>} : memref<3072xi32, #tpu.memory_space<vmem>>, vector<16xi32>,
    %mul3A_447 = arith.constant 64 : i32
    %mul3A_448 = vector.broadcast %mul3A_447 : i32 to vector<16xi32>
    %mul3A_449 = arith.muli %get3A_446, %mul3A_448 : vector<16xi32>
    %add3A_450 = arith.constant 4096 : i32
    %add3A_451 = vector.broadcast %add3A_450 : i32 to vector<16xi32>
    %add3A_452 = arith.addi %add3A_451, %mul3A_449 : vector<16xi32>
    %add3A_453 = arith.addi %add3A_452, %get3A_444 : vector<16xi32>
    tpu.vector_store_idx %arg6[%add3A_453], %broadcast_in_dim3A_1 {add = true} : memref<12288xf32, #tpu.memory_space<vmem>>[vector<16xi32>], vector<16xf32>,
    %get3A_454 = arith.constant 1072 : index
    %get3A_455 = tpu.vector_load %arg5[%get3A_454] {strides = array<i32>} : memref<3072xi32, #tpu.memory_space<vmem>>, vector<16xi32>,
    %get3A_456 = arith.constant 1584 : index
    %get3A_457 = tpu.vector_load %arg5[%get3A_456] {strides = array<i32>} : memref<3072xi32, #tpu.memory_space<vmem>>, vector<16xi32>,
    %mul3A_458 = arith.constant 64 : i32
    %mul3A_459 = vector.broadcast %mul3A_458 : i32 to vector<16xi32>
    %mul3A_460 = arith.muli %get3A_457, %mul3A_459 : vector<16xi32>
    %add3A_461 = arith.constant 4096 : i32
    %add3A_462 = vector.broadcast %add3A_461 : i32 to vector<16xi32>
    %add3A_463 = arith.addi %add3A_462, %mul3A_460 : vector<16xi32>
    %add3A_464 = arith.addi %add3A_463, %get3A_455 : vector<16xi32>
    tpu.vector_store_idx %arg6[%add3A_464], %broadcast_in_dim3A_1 {add = true} : memref<12288xf32, #tpu.memory_space<vmem>>[vector<16xi32>], vector<16xf32>,
    %get3A_465 = arith.constant 1088 : index
    %get3A_466 = tpu.vector_load %arg5[%get3A_465] {strides = array<i32>} : memref<3072xi32, #tpu.memory_space<vmem>>, vector<16xi32>,
    %get3A_467 = arith.constant 1600 : index
    %get3A_468 = tpu.vector_load %arg5[%get3A_467] {strides = array<i32>} : memref<3072xi32, #tpu.memory_space<vmem>>, vector<16xi32>,
    %mul3A_469 = arith.constant 64 : i32
    %mul3A_470 = vector.broadcast %mul3A_469 : i32 to vector<16xi32>
    %mul3A_471 = arith.muli %get3A_468, %mul3A_470 : vector<16xi32>
    %add3A_472 = arith.constant 4096 : i32
    %add3A_473 = vector.broadcast %add3A_472 : i32 to vector<16xi32>
    %add3A_474 = arith.addi %add3A_473, %mul3A_471 : vector<16xi32>
    %add3A_475 = arith.addi %add3A_474, %get3A_466 : vector<16xi32>
    tpu.vector_store_idx %arg6[%add3A_475], %broadcast_in_dim3A_1 {add = true} : memref<12288xf32, #tpu.memory_space<vmem>>[vector<16xi32>], vector<16xf32>,
    %get3A_476 = arith.constant 1104 : index
    %get3A_477 = tpu.vector_load %arg5[%get3A_476] {strides = array<i32>} : memref<3072xi32, #tpu.memory_space<vmem>>, vector<16xi32>,
    %get3A_478 = arith.constant 1616 : index
    %get3A_479 = tpu.vector_load %arg5[%get3A_478] {strides = array<i32>} : memref<3072xi32, #tpu.memory_space<vmem>>, vector<16xi32>,
    %mul3A_480 = arith.constant 64 : i32
    %mul3A_481 = vector.broadcast %mul3A_480 : i32 to vector<16xi32>
    %mul3A_482 = arith.muli %get3A_479, %mul3A_481 : vector<16xi32>
    %add3A_483 = arith.constant 4096 : i32
    %add3A_484 = vector.broadcast %add3A_483 : i32 to vector<16xi32>
    %add3A_485 = arith.addi %add3A_484, %mul3A_482 : vector<16xi32>
    %add3A_486 = arith.addi %add3A_485, %get3A_477 : vector<16xi32>
    tpu.vector_store_idx %arg6[%add3A_486], %broadcast_in_dim3A_1 {add = true} : memref<12288xf32, #tpu.memory_space<vmem>>[vector<16xi32>], vector<16xf32>,
    %get3A_487 = arith.constant 1120 : index
    %get3A_488 = tpu.vector_load %arg5[%get3A_487] {strides = array<i32>} : memref<3072xi32, #tpu.memory_space<vmem>>, vector<16xi32>,
    %get3A_489 = arith.constant 1632 : index
    %get3A_490 = tpu.vector_load %arg5[%get3A_489] {strides = array<i32>} : memref<3072xi32, #tpu.memory_space<vmem>>, vector<16xi32>,
    %mul3A_491 = arith.constant 64 : i32
    %mul3A_492 = vector.broadcast %mul3A_491 : i32 to vector<16xi32>
    %mul3A_493 = arith.muli %get3A_490, %mul3A_492 : vector<16xi32>
    %add3A_494 = arith.constant 4096 : i32
    %add3A_495 = vector.broadcast %add3A_494 : i32 to vector<16xi32>
    %add3A_496 = arith.addi %add3A_495, %mul3A_493 : vector<16xi32>
    %add3A_497 = arith.addi %add3A_496, %get3A_488 : vector<16xi32>
    tpu.vector_store_idx %arg6[%add3A_497], %broadcast_in_dim3A_1 {add = true} : memref<12288xf32, #tpu.memory_space<vmem>>[vector<16xi32>], vector<16xf32>,
    %get3A_498 = arith.constant 1136 : index
    %get3A_499 = tpu.vector_load %arg5[%get3A_498] {strides = array<i32>} : memref<3072xi32, #tpu.memory_space<vmem>>, vector<16xi32>,
    %get3A_500 = arith.constant 1648 : index
    %get3A_501 = tpu.vector_load %arg5[%get3A_500] {strides = array<i32>} : memref<3072xi32, #tpu.memory_space<vmem>>, vector<16xi32>,
    %mul3A_502 = arith.constant 64 : i32
    %mul3A_503 = vector.broadcast %mul3A_502 : i32 to vector<16xi32>
    %mul3A_504 = arith.muli %get3A_501, %mul3A_503 : vector<16xi32>
    %add3A_505 = arith.constant 4096 : i32
    %add3A_506 = vector.broadcast %add3A_505 : i32 to vector<16xi32>
    %add3A_507 = arith.addi %add3A_506, %mul3A_504 : vector<16xi32>
    %add3A_508 = arith.addi %add3A_507, %get3A_499 : vector<16xi32>
    tpu.vector_store_idx %arg6[%add3A_508], %broadcast_in_dim3A_1 {add = true} : memref<12288xf32, #tpu.memory_space<vmem>>[vector<16xi32>], vector<16xf32>,
    %get3A_509 = arith.constant 1152 : index
    %get3A_510 = tpu.vector_load %arg5[%get3A_509] {strides = array<i32>} : memref<3072xi32, #tpu.memory_space<vmem>>, vector<16xi32>,
    %get3A_511 = arith.constant 1664 : index
    %get3A_512 = tpu.vector_load %arg5[%get3A_511] {strides = array<i32>} : memref<3072xi32, #tpu.memory_space<vmem>>, vector<16xi32>,
    %mul3A_513 = arith.constant 64 : i32
    %mul3A_514 = vector.broadcast %mul3A_513 : i32 to vector<16xi32>
    %mul3A_515 = arith.muli %get3A_512, %mul3A_514 : vector<16xi32>
    %add3A_516 = arith.constant 4096 : i32
    %add3A_517 = vector.broadcast %add3A_516 : i32 to vector<16xi32>
    %add3A_518 = arith.addi %add3A_517, %mul3A_515 : vector<16xi32>
    %add3A_519 = arith.addi %add3A_518, %get3A_510 : vector<16xi32>
    tpu.vector_store_idx %arg6[%add3A_519], %broadcast_in_dim3A_1 {add = true} : memref<12288xf32, #tpu.memory_space<vmem>>[vector<16xi32>], vector<16xf32>,
    %get3A_520 = arith.constant 1168 : index
    %get3A_521 = tpu.vector_load %arg5[%get3A_520] {strides = array<i32>} : memref<3072xi32, #tpu.memory_space<vmem>>, vector<16xi32>,
    %get3A_522 = arith.constant 1680 : index
    %get3A_523 = tpu.vector_load %arg5[%get3A_522] {strides = array<i32>} : memref<3072xi32, #tpu.memory_space<vmem>>, vector<16xi32>,
    %mul3A_524 = arith.constant 64 : i32
    %mul3A_525 = vector.broadcast %mul3A_524 : i32 to vector<16xi32>
    %mul3A_526 = arith.muli %get3A_523, %mul3A_525 : vector<16xi32>
    %add3A_527 = arith.constant 4096 : i32
    %add3A_528 = vector.broadcast %add3A_527 : i32 to vector<16xi32>
    %add3A_529 = arith.addi %add3A_528, %mul3A_526 : vector<16xi32>
    %add3A_530 = arith.addi %add3A_529, %get3A_521 : vector<16xi32>
    tpu.vector_store_idx %arg6[%add3A_530], %broadcast_in_dim3A_1 {add = true} : memref<12288xf32, #tpu.memory_space<vmem>>[vector<16xi32>], vector<16xf32>,
    %get3A_531 = arith.constant 1184 : index
    %get3A_532 = tpu.vector_load %arg5[%get3A_531] {strides = array<i32>} : memref<3072xi32, #tpu.memory_space<vmem>>, vector<16xi32>,
    %get3A_533 = arith.constant 1696 : index
    %get3A_534 = tpu.vector_load %arg5[%get3A_533] {strides = array<i32>} : memref<3072xi32, #tpu.memory_space<vmem>>, vector<16xi32>,
    %mul3A_535 = arith.constant 64 : i32
    %mul3A_536 = vector.broadcast %mul3A_535 : i32 to vector<16xi32>
    %mul3A_537 = arith.muli %get3A_534, %mul3A_536 : vector<16xi32>
    %add3A_538 = arith.constant 4096 : i32
    %add3A_539 = vector.broadcast %add3A_538 : i32 to vector<16xi32>
    %add3A_540 = arith.addi %add3A_539, %mul3A_537 : vector<16xi32>
    %add3A_541 = arith.addi %add3A_540, %get3A_532 : vector<16xi32>
    tpu.vector_store_idx %arg6[%add3A_541], %broadcast_in_dim3A_1 {add = true} : memref<12288xf32, #tpu.memory_space<vmem>>[vector<16xi32>], vector<16xf32>,
    %get3A_542 = arith.constant 1200 : index
    %get3A_543 = tpu.vector_load %arg5[%get3A_542] {strides = array<i32>} : memref<3072xi32, #tpu.memory_space<vmem>>, vector<16xi32>,
    %get3A_544 = arith.constant 1712 : index
    %get3A_545 = tpu.vector_load %arg5[%get3A_544] {strides = array<i32>} : memref<3072xi32, #tpu.memory_space<vmem>>, vector<16xi32>,
    %mul3A_546 = arith.constant 64 : i32
    %mul3A_547 = vector.broadcast %mul3A_546 : i32 to vector<16xi32>
    %mul3A_548 = arith.muli %get3A_545, %mul3A_547 : vector<16xi32>
    %add3A_549 = arith.constant 4096 : i32
    %add3A_550 = vector.broadcast %add3A_549 : i32 to vector<16xi32>
    %add3A_551 = arith.addi %add3A_550, %mul3A_548 : vector<16xi32>
    %add3A_552 = arith.addi %add3A_551, %get3A_543 : vector<16xi32>
    tpu.vector_store_idx %arg6[%add3A_552], %broadcast_in_dim3A_1 {add = true} : memref<12288xf32, #tpu.memory_space<vmem>>[vector<16xi32>], vector<16xf32>,
    %get3A_553 = arith.constant 1216 : index
    %get3A_554 = tpu.vector_load %arg5[%get3A_553] {strides = array<i32>} : memref<3072xi32, #tpu.memory_space<vmem>>, vector<16xi32>,
    %get3A_555 = arith.constant 1728 : index
    %get3A_556 = tpu.vector_load %arg5[%get3A_555] {strides = array<i32>} : memref<3072xi32, #tpu.memory_space<vmem>>, vector<16xi32>,
    %mul3A_557 = arith.constant 64 : i32
    %mul3A_558 = vector.broadcast %mul3A_557 : i32 to vector<16xi32>
    %mul3A_559 = arith.muli %get3A_556, %mul3A_558 : vector<16xi32>
    %add3A_560 = arith.constant 4096 : i32
    %add3A_561 = vector.broadcast %add3A_560 : i32 to vector<16xi32>
    %add3A_562 = arith.addi %add3A_561, %mul3A_559 : vector<16xi32>
    %add3A_563 = arith.addi %add3A_562, %get3A_554 : vector<16xi32>
    tpu.vector_store_idx %arg6[%add3A_563], %broadcast_in_dim3A_1 {add = true} : memref<12288xf32, #tpu.memory_space<vmem>>[vector<16xi32>], vector<16xf32>,
    %get3A_564 = arith.constant 1232 : index
    %get3A_565 = tpu.vector_load %arg5[%get3A_564] {strides = array<i32>} : memref<3072xi32, #tpu.memory_space<vmem>>, vector<16xi32>,
    %get3A_566 = arith.constant 1744 : index
    %get3A_567 = tpu.vector_load %arg5[%get3A_566] {strides = array<i32>} : memref<3072xi32, #tpu.memory_space<vmem>>, vector<16xi32>,
    %mul3A_568 = arith.constant 64 : i32
    %mul3A_569 = vector.broadcast %mul3A_568 : i32 to vector<16xi32>
    %mul3A_570 = arith.muli %get3A_567, %mul3A_569 : vector<16xi32>
    %add3A_571 = arith.constant 4096 : i32
    %add3A_572 = vector.broadcast %add3A_571 : i32 to vector<16xi32>
    %add3A_573 = arith.addi %add3A_572, %mul3A_570 : vector<16xi32>
    %add3A_574 = arith.addi %add3A_573, %get3A_565 : vector<16xi32>
    tpu.vector_store_idx %arg6[%add3A_574], %broadcast_in_dim3A_1 {add = true} : memref<12288xf32, #tpu.memory_space<vmem>>[vector<16xi32>], vector<16xf32>,
    %get3A_575 = arith.constant 1248 : index
    %get3A_576 = tpu.vector_load %arg5[%get3A_575] {strides = array<i32>} : memref<3072xi32, #tpu.memory_space<vmem>>, vector<16xi32>,
    %get3A_577 = arith.constant 1760 : index
    %get3A_578 = tpu.vector_load %arg5[%get3A_577] {strides = array<i32>} : memref<3072xi32, #tpu.memory_space<vmem>>, vector<16xi32>,
    %mul3A_579 = arith.constant 64 : i32
    %mul3A_580 = vector.broadcast %mul3A_579 : i32 to vector<16xi32>
    %mul3A_581 = arith.muli %get3A_578, %mul3A_580 : vector<16xi32>
    %add3A_582 = arith.constant 4096 : i32
    %add3A_583 = vector.broadcast %add3A_582 : i32 to vector<16xi32>
    %add3A_584 = arith.addi %add3A_583, %mul3A_581 : vector<16xi32>
    %add3A_585 = arith.addi %add3A_584, %get3A_576 : vector<16xi32>
    tpu.vector_store_idx %arg6[%add3A_585], %broadcast_in_dim3A_1 {add = true} : memref<12288xf32, #tpu.memory_space<vmem>>[vector<16xi32>], vector<16xf32>,
    %get3A_586 = arith.constant 1264 : index
    %get3A_587 = tpu.vector_load %arg5[%get3A_586] {strides = array<i32>} : memref<3072xi32, #tpu.memory_space<vmem>>, vector<16xi32>,
    %get3A_588 = arith.constant 1776 : index
    %get3A_589 = tpu.vector_load %arg5[%get3A_588] {strides = array<i32>} : memref<3072xi32, #tpu.memory_space<vmem>>, vector<16xi32>,
    %mul3A_590 = arith.constant 64 : i32
    %mul3A_591 = vector.broadcast %mul3A_590 : i32 to vector<16xi32>
    %mul3A_592 = arith.muli %get3A_589, %mul3A_591 : vector<16xi32>
    %add3A_593 = arith.constant 4096 : i32
    %add3A_594 = vector.broadcast %add3A_593 : i32 to vector<16xi32>
    %add3A_595 = arith.addi %add3A_594, %mul3A_592 : vector<16xi32>
    %add3A_596 = arith.addi %add3A_595, %get3A_587 : vector<16xi32>
    tpu.vector_store_idx %arg6[%add3A_596], %broadcast_in_dim3A_1 {add = true} : memref<12288xf32, #tpu.memory_space<vmem>>[vector<16xi32>], vector<16xf32>,
    %get3A_597 = arith.constant 1280 : index
    %get3A_598 = tpu.vector_load %arg5[%get3A_597] {strides = array<i32>} : memref<3072xi32, #tpu.memory_space<vmem>>, vector<16xi32>,
    %get3A_599 = arith.constant 1792 : index
    %get3A_600 = tpu.vector_load %arg5[%get3A_599] {strides = array<i32>} : memref<3072xi32, #tpu.memory_space<vmem>>, vector<16xi32>,
    %mul3A_601 = arith.constant 64 : i32
    %mul3A_602 = vector.broadcast %mul3A_601 : i32 to vector<16xi32>
    %mul3A_603 = arith.muli %get3A_600, %mul3A_602 : vector<16xi32>
    %add3A_604 = arith.constant 4096 : i32
    %add3A_605 = vector.broadcast %add3A_604 : i32 to vector<16xi32>
    %add3A_606 = arith.addi %add3A_605, %mul3A_603 : vector<16xi32>
    %add3A_607 = arith.addi %add3A_606, %get3A_598 : vector<16xi32>
    tpu.vector_store_idx %arg6[%add3A_607], %broadcast_in_dim3A_1 {add = true} : memref<12288xf32, #tpu.memory_space<vmem>>[vector<16xi32>], vector<16xf32>,
    %get3A_608 = arith.constant 1296 : index
    %get3A_609 = tpu.vector_load %arg5[%get3A_608] {strides = array<i32>} : memref<3072xi32, #tpu.memory_space<vmem>>, vector<16xi32>,
    %get3A_610 = arith.constant 1808 : index
    %get3A_611 = tpu.vector_load %arg5[%get3A_610] {strides = array<i32>} : memref<3072xi32, #tpu.memory_space<vmem>>, vector<16xi32>,
    %mul3A_612 = arith.constant 64 : i32
    %mul3A_613 = vector.broadcast %mul3A_612 : i32 to vector<16xi32>
    %mul3A_614 = arith.muli %get3A_611, %mul3A_613 : vector<16xi32>
    %add3A_615 = arith.constant 4096 : i32
    %add3A_616 = vector.broadcast %add3A_615 : i32 to vector<16xi32>
    %add3A_617 = arith.addi %add3A_616, %mul3A_614 : vector<16xi32>
    %add3A_618 = arith.addi %add3A_617, %get3A_609 : vector<16xi32>
    tpu.vector_store_idx %arg6[%add3A_618], %broadcast_in_dim3A_1 {add = true} : memref<12288xf32, #tpu.memory_space<vmem>>[vector<16xi32>], vector<16xf32>,
    %get3A_619 = arith.constant 1312 : index
    %get3A_620 = tpu.vector_load %arg5[%get3A_619] {strides = array<i32>} : memref<3072xi32, #tpu.memory_space<vmem>>, vector<16xi32>,
    %get3A_621 = arith.constant 1824 : index
    %get3A_622 = tpu.vector_load %arg5[%get3A_621] {strides = array<i32>} : memref<3072xi32, #tpu.memory_space<vmem>>, vector<16xi32>,
    %mul3A_623 = arith.constant 64 : i32
    %mul3A_624 = vector.broadcast %mul3A_623 : i32 to vector<16xi32>
    %mul3A_625 = arith.muli %get3A_622, %mul3A_624 : vector<16xi32>
    %add3A_626 = arith.constant 4096 : i32
    %add3A_627 = vector.broadcast %add3A_626 : i32 to vector<16xi32>
    %add3A_628 = arith.addi %add3A_627, %mul3A_625 : vector<16xi32>
    %add3A_629 = arith.addi %add3A_628, %get3A_620 : vector<16xi32>
    tpu.vector_store_idx %arg6[%add3A_629], %broadcast_in_dim3A_1 {add = true} : memref<12288xf32, #tpu.memory_space<vmem>>[vector<16xi32>], vector<16xf32>,
    %get3A_630 = arith.constant 1328 : index
    %get3A_631 = tpu.vector_load %arg5[%get3A_630] {strides = array<i32>} : memref<3072xi32, #tpu.memory_space<vmem>>, vector<16xi32>,
    %get3A_632 = arith.constant 1840 : index
    %get3A_633 = tpu.vector_load %arg5[%get3A_632] {strides = array<i32>} : memref<3072xi32, #tpu.memory_space<vmem>>, vector<16xi32>,
    %mul3A_634 = arith.constant 64 : i32
    %mul3A_635 = vector.broadcast %mul3A_634 : i32 to vector<16xi32>
    %mul3A_636 = arith.muli %get3A_633, %mul3A_635 : vector<16xi32>
    %add3A_637 = arith.constant 4096 : i32
    %add3A_638 = vector.broadcast %add3A_637 : i32 to vector<16xi32>
    %add3A_639 = arith.addi %add3A_638, %mul3A_636 : vector<16xi32>
    %add3A_640 = arith.addi %add3A_639, %get3A_631 : vector<16xi32>
    tpu.vector_store_idx %arg6[%add3A_640], %broadcast_in_dim3A_1 {add = true} : memref<12288xf32, #tpu.memory_space<vmem>>[vector<16xi32>], vector<16xf32>,
    %get3A_641 = arith.constant 1344 : index
    %get3A_642 = tpu.vector_load %arg5[%get3A_641] {strides = array<i32>} : memref<3072xi32, #tpu.memory_space<vmem>>, vector<16xi32>,
    %get3A_643 = arith.constant 1856 : index
    %get3A_644 = tpu.vector_load %arg5[%get3A_643] {strides = array<i32>} : memref<3072xi32, #tpu.memory_space<vmem>>, vector<16xi32>,
    %mul3A_645 = arith.constant 64 : i32
    %mul3A_646 = vector.broadcast %mul3A_645 : i32 to vector<16xi32>
    %mul3A_647 = arith.muli %get3A_644, %mul3A_646 : vector<16xi32>
    %add3A_648 = arith.constant 4096 : i32
    %add3A_649 = vector.broadcast %add3A_648 : i32 to vector<16xi32>
    %add3A_650 = arith.addi %add3A_649, %mul3A_647 : vector<16xi32>
    %add3A_651 = arith.addi %add3A_650, %get3A_642 : vector<16xi32>
    tpu.vector_store_idx %arg6[%add3A_651], %broadcast_in_dim3A_1 {add = true} : memref<12288xf32, #tpu.memory_space<vmem>>[vector<16xi32>], vector<16xf32>,
    %get3A_652 = arith.constant 1360 : index
    %get3A_653 = tpu.vector_load %arg5[%get3A_652] {strides = array<i32>} : memref<3072xi32, #tpu.memory_space<vmem>>, vector<16xi32>,
    %get3A_654 = arith.constant 1872 : index
    %get3A_655 = tpu.vector_load %arg5[%get3A_654] {strides = array<i32>} : memref<3072xi32, #tpu.memory_space<vmem>>, vector<16xi32>,
    %mul3A_656 = arith.constant 64 : i32
    %mul3A_657 = vector.broadcast %mul3A_656 : i32 to vector<16xi32>
    %mul3A_658 = arith.muli %get3A_655, %mul3A_657 : vector<16xi32>
    %add3A_659 = arith.constant 4096 : i32
    %add3A_660 = vector.broadcast %add3A_659 : i32 to vector<16xi32>
    %add3A_661 = arith.addi %add3A_660, %mul3A_658 : vector<16xi32>
    %add3A_662 = arith.addi %add3A_661, %get3A_653 : vector<16xi32>
    tpu.vector_store_idx %arg6[%add3A_662], %broadcast_in_dim3A_1 {add = true} : memref<12288xf32, #tpu.memory_space<vmem>>[vector<16xi32>], vector<16xf32>,
    %get3A_663 = arith.constant 1376 : index
    %get3A_664 = tpu.vector_load %arg5[%get3A_663] {strides = array<i32>} : memref<3072xi32, #tpu.memory_space<vmem>>, vector<16xi32>,
    %get3A_665 = arith.constant 1888 : index
    %get3A_666 = tpu.vector_load %arg5[%get3A_665] {strides = array<i32>} : memref<3072xi32, #tpu.memory_space<vmem>>, vector<16xi32>,
    %mul3A_667 = arith.constant 64 : i32
    %mul3A_668 = vector.broadcast %mul3A_667 : i32 to vector<16xi32>
    %mul3A_669 = arith.muli %get3A_666, %mul3A_668 : vector<16xi32>
    %add3A_670 = arith.constant 4096 : i32
    %add3A_671 = vector.broadcast %add3A_670 : i32 to vector<16xi32>
    %add3A_672 = arith.addi %add3A_671, %mul3A_669 : vector<16xi32>
    %add3A_673 = arith.addi %add3A_672, %get3A_664 : vector<16xi32>
    tpu.vector_store_idx %arg6[%add3A_673], %broadcast_in_dim3A_1 {add = true} : memref<12288xf32, #tpu.memory_space<vmem>>[vector<16xi32>], vector<16xf32>,
    %get3A_674 = arith.constant 1392 : index
    %get3A_675 = tpu.vector_load %arg5[%get3A_674] {strides = array<i32>} : memref<3072xi32, #tpu.memory_space<vmem>>, vector<16xi32>,
    %get3A_676 = arith.constant 1904 : index
    %get3A_677 = tpu.vector_load %arg5[%get3A_676] {strides = array<i32>} : memref<3072xi32, #tpu.memory_space<vmem>>, vector<16xi32>,
    %mul3A_678 = arith.constant 64 : i32
    %mul3A_679 = vector.broadcast %mul3A_678 : i32 to vector<16xi32>
    %mul3A_680 = arith.muli %get3A_677, %mul3A_679 : vector<16xi32>
    %add3A_681 = arith.constant 4096 : i32
    %add3A_682 = vector.broadcast %add3A_681 : i32 to vector<16xi32>
    %add3A_683 = arith.addi %add3A_682, %mul3A_680 : vector<16xi32>
    %add3A_684 = arith.addi %add3A_683, %get3A_675 : vector<16xi32>
    tpu.vector_store_idx %arg6[%add3A_684], %broadcast_in_dim3A_1 {add = true} : memref<12288xf32, #tpu.memory_space<vmem>>[vector<16xi32>], vector<16xf32>,
    %get3A_685 = arith.constant 1408 : index
    %get3A_686 = tpu.vector_load %arg5[%get3A_685] {strides = array<i32>} : memref<3072xi32, #tpu.memory_space<vmem>>, vector<16xi32>,
    %get3A_687 = arith.constant 1920 : index
    %get3A_688 = tpu.vector_load %arg5[%get3A_687] {strides = array<i32>} : memref<3072xi32, #tpu.memory_space<vmem>>, vector<16xi32>,
    %mul3A_689 = arith.constant 64 : i32
    %mul3A_690 = vector.broadcast %mul3A_689 : i32 to vector<16xi32>
    %mul3A_691 = arith.muli %get3A_688, %mul3A_690 : vector<16xi32>
    %add3A_692 = arith.constant 4096 : i32
    %add3A_693 = vector.broadcast %add3A_692 : i32 to vector<16xi32>
    %add3A_694 = arith.addi %add3A_693, %mul3A_691 : vector<16xi32>
    %add3A_695 = arith.addi %add3A_694, %get3A_686 : vector<16xi32>
    tpu.vector_store_idx %arg6[%add3A_695], %broadcast_in_dim3A_1 {add = true} : memref<12288xf32, #tpu.memory_space<vmem>>[vector<16xi32>], vector<16xf32>,
    %get3A_696 = arith.constant 1424 : index
    %get3A_697 = tpu.vector_load %arg5[%get3A_696] {strides = array<i32>} : memref<3072xi32, #tpu.memory_space<vmem>>, vector<16xi32>,
    %get3A_698 = arith.constant 1936 : index
    %get3A_699 = tpu.vector_load %arg5[%get3A_698] {strides = array<i32>} : memref<3072xi32, #tpu.memory_space<vmem>>, vector<16xi32>,
    %mul3A_700 = arith.constant 64 : i32
    %mul3A_701 = vector.broadcast %mul3A_700 : i32 to vector<16xi32>
    %mul3A_702 = arith.muli %get3A_699, %mul3A_701 : vector<16xi32>
    %add3A_703 = arith.constant 4096 : i32
    %add3A_704 = vector.broadcast %add3A_703 : i32 to vector<16xi32>
    %add3A_705 = arith.addi %add3A_704, %mul3A_702 : vector<16xi32>
    %add3A_706 = arith.addi %add3A_705, %get3A_697 : vector<16xi32>
    tpu.vector_store_idx %arg6[%add3A_706], %broadcast_in_dim3A_1 {add = true} : memref<12288xf32, #tpu.memory_space<vmem>>[vector<16xi32>], vector<16xf32>,
    %get3A_707 = arith.constant 1440 : index
    %get3A_708 = tpu.vector_load %arg5[%get3A_707] {strides = array<i32>} : memref<3072xi32, #tpu.memory_space<vmem>>, vector<16xi32>,
    %get3A_709 = arith.constant 1952 : index
    %get3A_710 = tpu.vector_load %arg5[%get3A_709] {strides = array<i32>} : memref<3072xi32, #tpu.memory_space<vmem>>, vector<16xi32>,
    %mul3A_711 = arith.constant 64 : i32
    %mul3A_712 = vector.broadcast %mul3A_711 : i32 to vector<16xi32>
    %mul3A_713 = arith.muli %get3A_710, %mul3A_712 : vector<16xi32>
    %add3A_714 = arith.constant 4096 : i32
    %add3A_715 = vector.broadcast %add3A_714 : i32 to vector<16xi32>
    %add3A_716 = arith.addi %add3A_715, %mul3A_713 : vector<16xi32>
    %add3A_717 = arith.addi %add3A_716, %get3A_708 : vector<16xi32>
    tpu.vector_store_idx %arg6[%add3A_717], %broadcast_in_dim3A_1 {add = true} : memref<12288xf32, #tpu.memory_space<vmem>>[vector<16xi32>], vector<16xf32>,
    %get3A_718 = arith.constant 1456 : index
    %get3A_719 = tpu.vector_load %arg5[%get3A_718] {strides = array<i32>} : memref<3072xi32, #tpu.memory_space<vmem>>, vector<16xi32>,
    %get3A_720 = arith.constant 1968 : index
    %get3A_721 = tpu.vector_load %arg5[%get3A_720] {strides = array<i32>} : memref<3072xi32, #tpu.memory_space<vmem>>, vector<16xi32>,
    %mul3A_722 = arith.constant 64 : i32
    %mul3A_723 = vector.broadcast %mul3A_722 : i32 to vector<16xi32>
    %mul3A_724 = arith.muli %get3A_721, %mul3A_723 : vector<16xi32>
    %add3A_725 = arith.constant 4096 : i32
    %add3A_726 = vector.broadcast %add3A_725 : i32 to vector<16xi32>
    %add3A_727 = arith.addi %add3A_726, %mul3A_724 : vector<16xi32>
    %add3A_728 = arith.addi %add3A_727, %get3A_719 : vector<16xi32>
    tpu.vector_store_idx %arg6[%add3A_728], %broadcast_in_dim3A_1 {add = true} : memref<12288xf32, #tpu.memory_space<vmem>>[vector<16xi32>], vector<16xf32>,
    %get3A_729 = arith.constant 1472 : index
    %get3A_730 = tpu.vector_load %arg5[%get3A_729] {strides = array<i32>} : memref<3072xi32, #tpu.memory_space<vmem>>, vector<16xi32>,
    %get3A_731 = arith.constant 1984 : index
    %get3A_732 = tpu.vector_load %arg5[%get3A_731] {strides = array<i32>} : memref<3072xi32, #tpu.memory_space<vmem>>, vector<16xi32>,
    %mul3A_733 = arith.constant 64 : i32
    %mul3A_734 = vector.broadcast %mul3A_733 : i32 to vector<16xi32>
    %mul3A_735 = arith.muli %get3A_732, %mul3A_734 : vector<16xi32>
    %add3A_736 = arith.constant 4096 : i32
    %add3A_737 = vector.broadcast %add3A_736 : i32 to vector<16xi32>
    %add3A_738 = arith.addi %add3A_737, %mul3A_735 : vector<16xi32>
    %add3A_739 = arith.addi %add3A_738, %get3A_730 : vector<16xi32>
    tpu.vector_store_idx %arg6[%add3A_739], %broadcast_in_dim3A_1 {add = true} : memref<12288xf32, #tpu.memory_space<vmem>>[vector<16xi32>], vector<16xf32>,
    %get3A_740 = arith.constant 1488 : index
    %get3A_741 = tpu.vector_load %arg5[%get3A_740] {strides = array<i32>} : memref<3072xi32, #tpu.memory_space<vmem>>, vector<16xi32>,
    %get3A_742 = arith.constant 2000 : index
    %get3A_743 = tpu.vector_load %arg5[%get3A_742] {strides = array<i32>} : memref<3072xi32, #tpu.memory_space<vmem>>, vector<16xi32>,
    %mul3A_744 = arith.constant 64 : i32
    %mul3A_745 = vector.broadcast %mul3A_744 : i32 to vector<16xi32>
    %mul3A_746 = arith.muli %get3A_743, %mul3A_745 : vector<16xi32>
    %add3A_747 = arith.constant 4096 : i32
    %add3A_748 = vector.broadcast %add3A_747 : i32 to vector<16xi32>
    %add3A_749 = arith.addi %add3A_748, %mul3A_746 : vector<16xi32>
    %add3A_750 = arith.addi %add3A_749, %get3A_741 : vector<16xi32>
    tpu.vector_store_idx %arg6[%add3A_750], %broadcast_in_dim3A_1 {add = true} : memref<12288xf32, #tpu.memory_space<vmem>>[vector<16xi32>], vector<16xf32>,
    %get3A_751 = arith.constant 1504 : index
    %get3A_752 = tpu.vector_load %arg5[%get3A_751] {strides = array<i32>} : memref<3072xi32, #tpu.memory_space<vmem>>, vector<16xi32>,
    %get3A_753 = arith.constant 2016 : index
    %get3A_754 = tpu.vector_load %arg5[%get3A_753] {strides = array<i32>} : memref<3072xi32, #tpu.memory_space<vmem>>, vector<16xi32>,
    %mul3A_755 = arith.constant 64 : i32
    %mul3A_756 = vector.broadcast %mul3A_755 : i32 to vector<16xi32>
    %mul3A_757 = arith.muli %get3A_754, %mul3A_756 : vector<16xi32>
    %add3A_758 = arith.constant 4096 : i32
    %add3A_759 = vector.broadcast %add3A_758 : i32 to vector<16xi32>
    %add3A_760 = arith.addi %add3A_759, %mul3A_757 : vector<16xi32>
    %add3A_761 = arith.addi %add3A_760, %get3A_752 : vector<16xi32>
    tpu.vector_store_idx %arg6[%add3A_761], %broadcast_in_dim3A_1 {add = true} : memref<12288xf32, #tpu.memory_space<vmem>>[vector<16xi32>], vector<16xf32>,
    %get3A_762 = arith.constant 1520 : index
    %get3A_763 = tpu.vector_load %arg5[%get3A_762] {strides = array<i32>} : memref<3072xi32, #tpu.memory_space<vmem>>, vector<16xi32>,
    %get3A_764 = arith.constant 2032 : index
    %get3A_765 = tpu.vector_load %arg5[%get3A_764] {strides = array<i32>} : memref<3072xi32, #tpu.memory_space<vmem>>, vector<16xi32>,
    %mul3A_766 = arith.constant 64 : i32
    %mul3A_767 = vector.broadcast %mul3A_766 : i32 to vector<16xi32>
    %mul3A_768 = arith.muli %get3A_765, %mul3A_767 : vector<16xi32>
    %add3A_769 = arith.constant 4096 : i32
    %add3A_770 = vector.broadcast %add3A_769 : i32 to vector<16xi32>
    %add3A_771 = arith.addi %add3A_770, %mul3A_768 : vector<16xi32>
    %add3A_772 = arith.addi %add3A_771, %get3A_763 : vector<16xi32>
    tpu.vector_store_idx %arg6[%add3A_772], %broadcast_in_dim3A_1 {add = true} : memref<12288xf32, #tpu.memory_space<vmem>>[vector<16xi32>], vector<16xf32>,
    %add3A_773 = arith.constant 1 : i32
    %add3A_774 = arith.addi %mul3A_3, %add3A_773 : i32
    %dma_start3A_775 = arith.constant 4096 : i32
    %dma_start3A_776 = tpu.memref_slice %arg6[%dma_start3A_775] : memref<12288xf32, #tpu.memory_space<vmem>> -> memref<4096xf32, #tpu.memory_space<vmem>>
    %dma_start3A_777 = arith.constant 0 : i32
    %dma_start3A_778 = tpu.memref_slice %arg4[%add3A_774, %dma_start3A_777] : memref<96x4096xf32, #tpu.memory_space<hbm>> -> memref<1x4096xf32, #tpu.memory_space<hbm>>
    %dma_start3A_779 = tpu.memref_squeeze %dma_start3A_778 : memref<1x4096xf32, #tpu.memory_space<hbm>> -> memref<4096xf32, #tpu.memory_space<hbm>>
    %dma_start3A_780 = arith.constant 0 : i32
    %dma_start3A_781 = tpu.memref_slice %arg4[%add3A_774, %dma_start3A_780] : memref<96x4096xf32, #tpu.memory_space<hbm>> -> memref<1x4096xf32, #tpu.memory_space<hbm>>
    %dma_start3A_782 = tpu.memref_squeeze %dma_start3A_781 : memref<1x4096xf32, #tpu.memory_space<hbm>> -> memref<4096xf32, #tpu.memory_space<hbm>>
    %dma_start3A_783 = arith.constant 4096 : i32
    %dma_start3A_784 = tpu.memref_slice %arg6[%dma_start3A_783] : memref<12288xf32, #tpu.memory_space<vmem>> -> memref<4096xf32, #tpu.memory_space<vmem>>
    tpu.enqueue_dma source(%dma_start3A_784 : memref<4096xf32, #tpu.memory_space<vmem>>) target(%dma_start3A_782 : memref<4096xf32, #tpu.memory_space<hbm>>) target_semaphore(%arg11 : memref<!tpu.dma_semaphore, #tpu.memory_space<semaphore_mem>>)
    %dma_wait3A_785 = arith.constant 2048 : i32
    %dma_wait3A_786 = tpu.memref_slice %arg5[%dma_wait3A_785] : memref<3072xi32, #tpu.memory_space<vmem>> -> memref<1024xi32, #tpu.memory_space<vmem>>
    %dma_wait3A_787 = arith.constant 0 : i32
    %dma_wait3A_788 = tpu.memref_slice %arg2[%add3A_28, %dma_wait3A_787] : memref<96x1024xi32, #tpu.memory_space<hbm>> -> memref<1x1024xi32, #tpu.memory_space<hbm>>
    %dma_wait3A_789 = tpu.memref_squeeze %dma_wait3A_788 : memref<1x1024xi32, #tpu.memory_space<hbm>> -> memref<1024xi32, #tpu.memory_space<hbm>>
    %dma_wait3A_790 = arith.constant 2048 : i32
    %dma_wait3A_791 = tpu.memref_slice %arg5[%dma_wait3A_790] : memref<3072xi32, #tpu.memory_space<vmem>> -> memref<1024xi32, #tpu.memory_space<vmem>>
    %dma_wait3A_792 = arith.constant 0 : i32
    %dma_wait3A_793 = tpu.memref_slice %arg2[%add3A_28, %dma_wait3A_792] : memref<96x1024xi32, #tpu.memory_space<hbm>> -> memref<1x1024xi32, #tpu.memory_space<hbm>>
    %dma_wait3A_794 = tpu.memref_squeeze %dma_wait3A_793 : memref<1x1024xi32, #tpu.memory_space<hbm>> -> memref<1024xi32, #tpu.memory_space<hbm>>
    tpu.wait_dma2 semaphore(%arg9 : memref<!tpu.dma_semaphore, #tpu.memory_space<semaphore_mem>>) src(%dma_wait3A_794 : memref<1024xi32, #tpu.memory_space<hbm>>) dst(%dma_wait3A_791 : memref<1024xi32, #tpu.memory_space<vmem>>)
    %get3A_795 = arith.constant 2048 : index
    %get3A_796 = tpu.vector_load %arg5[%get3A_795] {strides = array<i32>} : memref<3072xi32, #tpu.memory_space<vmem>>, vector<16xi32>,
    %get3A_797 = arith.constant 2560 : index
    %get3A_798 = tpu.vector_load %arg5[%get3A_797] {strides = array<i32>} : memref<3072xi32, #tpu.memory_space<vmem>>, vector<16xi32>,
    %mul3A_799 = arith.constant 64 : i32
    %mul3A_800 = vector.broadcast %mul3A_799 : i32 to vector<16xi32>
    %mul3A_801 = arith.muli %get3A_798, %mul3A_800 : vector<16xi32>
    %add3A_802 = arith.constant 8192 : i32
    %add3A_803 = vector.broadcast %add3A_802 : i32 to vector<16xi32>
    %add3A_804 = arith.addi %add3A_803, %mul3A_801 : vector<16xi32>
    %add3A_805 = arith.addi %add3A_804, %get3A_796 : vector<16xi32>
    tpu.vector_store_idx %arg6[%add3A_805], %broadcast_in_dim3A_1 {add = true} : memref<12288xf32, #tpu.memory_space<vmem>>[vector<16xi32>], vector<16xf32>,
    %get3A_806 = arith.constant 2064 : index
    %get3A_807 = tpu.vector_load %arg5[%get3A_806] {strides = array<i32>} : memref<3072xi32, #tpu.memory_space<vmem>>, vector<16xi32>,
    %get3A_808 = arith.constant 2576 : index
    %get3A_809 = tpu.vector_load %arg5[%get3A_808] {strides = array<i32>} : memref<3072xi32, #tpu.memory_space<vmem>>, vector<16xi32>,
    %mul3A_810 = arith.constant 64 : i32
    %mul3A_811 = vector.broadcast %mul3A_810 : i32 to vector<16xi32>
    %mul3A_812 = arith.muli %get3A_809, %mul3A_811 : vector<16xi32>
    %add3A_813 = arith.constant 8192 : i32
    %add3A_814 = vector.broadcast %add3A_813 : i32 to vector<16xi32>
    %add3A_815 = arith.addi %add3A_814, %mul3A_812 : vector<16xi32>
    %add3A_816 = arith.addi %add3A_815, %get3A_807 : vector<16xi32>
    tpu.vector_store_idx %arg6[%add3A_816], %broadcast_in_dim3A_1 {add = true} : memref<12288xf32, #tpu.memory_space<vmem>>[vector<16xi32>], vector<16xf32>,
    %get3A_817 = arith.constant 2080 : index
    %get3A_818 = tpu.vector_load %arg5[%get3A_817] {strides = array<i32>} : memref<3072xi32, #tpu.memory_space<vmem>>, vector<16xi32>,
    %get3A_819 = arith.constant 2592 : index
    %get3A_820 = tpu.vector_load %arg5[%get3A_819] {strides = array<i32>} : memref<3072xi32, #tpu.memory_space<vmem>>, vector<16xi32>,
    %mul3A_821 = arith.constant 64 : i32
    %mul3A_822 = vector.broadcast %mul3A_821 : i32 to vector<16xi32>
    %mul3A_823 = arith.muli %get3A_820, %mul3A_822 : vector<16xi32>
    %add3A_824 = arith.constant 8192 : i32
    %add3A_825 = vector.broadcast %add3A_824 : i32 to vector<16xi32>
    %add3A_826 = arith.addi %add3A_825, %mul3A_823 : vector<16xi32>
    %add3A_827 = arith.addi %add3A_826, %get3A_818 : vector<16xi32>
    tpu.vector_store_idx %arg6[%add3A_827], %broadcast_in_dim3A_1 {add = true} : memref<12288xf32, #tpu.memory_space<vmem>>[vector<16xi32>], vector<16xf32>,
    %get3A_828 = arith.constant 2096 : index
    %get3A_829 = tpu.vector_load %arg5[%get3A_828] {strides = array<i32>} : memref<3072xi32, #tpu.memory_space<vmem>>, vector<16xi32>,
    %get3A_830 = arith.constant 2608 : index
    %get3A_831 = tpu.vector_load %arg5[%get3A_830] {strides = array<i32>} : memref<3072xi32, #tpu.memory_space<vmem>>, vector<16xi32>,
    %mul3A_832 = arith.constant 64 : i32
    %mul3A_833 = vector.broadcast %mul3A_832 : i32 to vector<16xi32>
    %mul3A_834 = arith.muli %get3A_831, %mul3A_833 : vector<16xi32>
    %add3A_835 = arith.constant 8192 : i32
    %add3A_836 = vector.broadcast %add3A_835 : i32 to vector<16xi32>
    %add3A_837 = arith.addi %add3A_836, %mul3A_834 : vector<16xi32>
    %add3A_838 = arith.addi %add3A_837, %get3A_829 : vector<16xi32>
    tpu.vector_store_idx %arg6[%add3A_838], %broadcast_in_dim3A_1 {add = true} : memref<12288xf32, #tpu.memory_space<vmem>>[vector<16xi32>], vector<16xf32>,
    %get3A_839 = arith.constant 2112 : index
    %get3A_840 = tpu.vector_load %arg5[%get3A_839] {strides = array<i32>} : memref<3072xi32, #tpu.memory_space<vmem>>, vector<16xi32>,
    %get3A_841 = arith.constant 2624 : index
    %get3A_842 = tpu.vector_load %arg5[%get3A_841] {strides = array<i32>} : memref<3072xi32, #tpu.memory_space<vmem>>, vector<16xi32>,
    %mul3A_843 = arith.constant 64 : i32
    %mul3A_844 = vector.broadcast %mul3A_843 : i32 to vector<16xi32>
    %mul3A_845 = arith.muli %get3A_842, %mul3A_844 : vector<16xi32>
    %add3A_846 = arith.constant 8192 : i32
    %add3A_847 = vector.broadcast %add3A_846 : i32 to vector<16xi32>
    %add3A_848 = arith.addi %add3A_847, %mul3A_845 : vector<16xi32>
    %add3A_849 = arith.addi %add3A_848, %get3A_840 : vector<16xi32>
    tpu.vector_store_idx %arg6[%add3A_849], %broadcast_in_dim3A_1 {add = true} : memref<12288xf32, #tpu.memory_space<vmem>>[vector<16xi32>], vector<16xf32>,
    %get3A_850 = arith.constant 2128 : index
    %get3A_851 = tpu.vector_load %arg5[%get3A_850] {strides = array<i32>} : memref<3072xi32, #tpu.memory_space<vmem>>, vector<16xi32>,
    %get3A_852 = arith.constant 2640 : index
    %get3A_853 = tpu.vector_load %arg5[%get3A_852] {strides = array<i32>} : memref<3072xi32, #tpu.memory_space<vmem>>, vector<16xi32>,
    %mul3A_854 = arith.constant 64 : i32
    %mul3A_855 = vector.broadcast %mul3A_854 : i32 to vector<16xi32>
    %mul3A_856 = arith.muli %get3A_853, %mul3A_855 : vector<16xi32>
    %add3A_857 = arith.constant 8192 : i32
    %add3A_858 = vector.broadcast %add3A_857 : i32 to vector<16xi32>
    %add3A_859 = arith.addi %add3A_858, %mul3A_856 : vector<16xi32>
    %add3A_860 = arith.addi %add3A_859, %get3A_851 : vector<16xi32>
    tpu.vector_store_idx %arg6[%add3A_860], %broadcast_in_dim3A_1 {add = true} : memref<12288xf32, #tpu.memory_space<vmem>>[vector<16xi32>], vector<16xf32>,
    %get3A_861 = arith.constant 2144 : index
    %get3A_862 = tpu.vector_load %arg5[%get3A_861] {strides = array<i32>} : memref<3072xi32, #tpu.memory_space<vmem>>, vector<16xi32>,
    %get3A_863 = arith.constant 2656 : index
    %get3A_864 = tpu.vector_load %arg5[%get3A_863] {strides = array<i32>} : memref<3072xi32, #tpu.memory_space<vmem>>, vector<16xi32>,
    %mul3A_865 = arith.constant 64 : i32
    %mul3A_866 = vector.broadcast %mul3A_865 : i32 to vector<16xi32>
    %mul3A_867 = arith.muli %get3A_864, %mul3A_866 : vector<16xi32>
    %add3A_868 = arith.constant 8192 : i32
    %add3A_869 = vector.broadcast %add3A_868 : i32 to vector<16xi32>
    %add3A_870 = arith.addi %add3A_869, %mul3A_867 : vector<16xi32>
    %add3A_871 = arith.addi %add3A_870, %get3A_862 : vector<16xi32>
    tpu.vector_store_idx %arg6[%add3A_871], %broadcast_in_dim3A_1 {add = true} : memref<12288xf32, #tpu.memory_space<vmem>>[vector<16xi32>], vector<16xf32>,
    %get3A_872 = arith.constant 2160 : index
    %get3A_873 = tpu.vector_load %arg5[%get3A_872] {strides = array<i32>} : memref<3072xi32, #tpu.memory_space<vmem>>, vector<16xi32>,
    %get3A_874 = arith.constant 2672 : index
    %get3A_875 = tpu.vector_load %arg5[%get3A_874] {strides = array<i32>} : memref<3072xi32, #tpu.memory_space<vmem>>, vector<16xi32>,
    %mul3A_876 = arith.constant 64 : i32
    %mul3A_877 = vector.broadcast %mul3A_876 : i32 to vector<16xi32>
    %mul3A_878 = arith.muli %get3A_875, %mul3A_877 : vector<16xi32>
    %add3A_879 = arith.constant 8192 : i32
    %add3A_880 = vector.broadcast %add3A_879 : i32 to vector<16xi32>
    %add3A_881 = arith.addi %add3A_880, %mul3A_878 : vector<16xi32>
    %add3A_882 = arith.addi %add3A_881, %get3A_873 : vector<16xi32>
    tpu.vector_store_idx %arg6[%add3A_882], %broadcast_in_dim3A_1 {add = true} : memref<12288xf32, #tpu.memory_space<vmem>>[vector<16xi32>], vector<16xf32>,
    %get3A_883 = arith.constant 2176 : index
    %get3A_884 = tpu.vector_load %arg5[%get3A_883] {strides = array<i32>} : memref<3072xi32, #tpu.memory_space<vmem>>, vector<16xi32>,
    %get3A_885 = arith.constant 2688 : index
    %get3A_886 = tpu.vector_load %arg5[%get3A_885] {strides = array<i32>} : memref<3072xi32, #tpu.memory_space<vmem>>, vector<16xi32>,
    %mul3A_887 = arith.constant 64 : i32
    %mul3A_888 = vector.broadcast %mul3A_887 : i32 to vector<16xi32>
    %mul3A_889 = arith.muli %get3A_886, %mul3A_888 : vector<16xi32>
    %add3A_890 = arith.constant 8192 : i32
    %add3A_891 = vector.broadcast %add3A_890 : i32 to vector<16xi32>
    %add3A_892 = arith.addi %add3A_891, %mul3A_889 : vector<16xi32>
    %add3A_893 = arith.addi %add3A_892, %get3A_884 : vector<16xi32>
    tpu.vector_store_idx %arg6[%add3A_893], %broadcast_in_dim3A_1 {add = true} : memref<12288xf32, #tpu.memory_space<vmem>>[vector<16xi32>], vector<16xf32>,
    %get3A_894 = arith.constant 2192 : index
    %get3A_895 = tpu.vector_load %arg5[%get3A_894] {strides = array<i32>} : memref<3072xi32, #tpu.memory_space<vmem>>, vector<16xi32>,
    %get3A_896 = arith.constant 2704 : index
    %get3A_897 = tpu.vector_load %arg5[%get3A_896] {strides = array<i32>} : memref<3072xi32, #tpu.memory_space<vmem>>, vector<16xi32>,
    %mul3A_898 = arith.constant 64 : i32
    %mul3A_899 = vector.broadcast %mul3A_898 : i32 to vector<16xi32>
    %mul3A_900 = arith.muli %get3A_897, %mul3A_899 : vector<16xi32>
    %add3A_901 = arith.constant 8192 : i32
    %add3A_902 = vector.broadcast %add3A_901 : i32 to vector<16xi32>
    %add3A_903 = arith.addi %add3A_902, %mul3A_900 : vector<16xi32>
    %add3A_904 = arith.addi %add3A_903, %get3A_895 : vector<16xi32>
    tpu.vector_store_idx %arg6[%add3A_904], %broadcast_in_dim3A_1 {add = true} : memref<12288xf32, #tpu.memory_space<vmem>>[vector<16xi32>], vector<16xf32>,
    %get3A_905 = arith.constant 2208 : index
    %get3A_906 = tpu.vector_load %arg5[%get3A_905] {strides = array<i32>} : memref<3072xi32, #tpu.memory_space<vmem>>, vector<16xi32>,
    %get3A_907 = arith.constant 2720 : index
    %get3A_908 = tpu.vector_load %arg5[%get3A_907] {strides = array<i32>} : memref<3072xi32, #tpu.memory_space<vmem>>, vector<16xi32>,
    %mul3A_909 = arith.constant 64 : i32
    %mul3A_910 = vector.broadcast %mul3A_909 : i32 to vector<16xi32>
    %mul3A_911 = arith.muli %get3A_908, %mul3A_910 : vector<16xi32>
    %add3A_912 = arith.constant 8192 : i32
    %add3A_913 = vector.broadcast %add3A_912 : i32 to vector<16xi32>
    %add3A_914 = arith.addi %add3A_913, %mul3A_911 : vector<16xi32>
    %add3A_915 = arith.addi %add3A_914, %get3A_906 : vector<16xi32>
    tpu.vector_store_idx %arg6[%add3A_915], %broadcast_in_dim3A_1 {add = true} : memref<12288xf32, #tpu.memory_space<vmem>>[vector<16xi32>], vector<16xf32>,
    %get3A_916 = arith.constant 2224 : index
    %get3A_917 = tpu.vector_load %arg5[%get3A_916] {strides = array<i32>} : memref<3072xi32, #tpu.memory_space<vmem>>, vector<16xi32>,
    %get3A_918 = arith.constant 2736 : index
    %get3A_919 = tpu.vector_load %arg5[%get3A_918] {strides = array<i32>} : memref<3072xi32, #tpu.memory_space<vmem>>, vector<16xi32>,
    %mul3A_920 = arith.constant 64 : i32
    %mul3A_921 = vector.broadcast %mul3A_920 : i32 to vector<16xi32>
    %mul3A_922 = arith.muli %get3A_919, %mul3A_921 : vector<16xi32>
    %add3A_923 = arith.constant 8192 : i32
    %add3A_924 = vector.broadcast %add3A_923 : i32 to vector<16xi32>
    %add3A_925 = arith.addi %add3A_924, %mul3A_922 : vector<16xi32>
    %add3A_926 = arith.addi %add3A_925, %get3A_917 : vector<16xi32>
    tpu.vector_store_idx %arg6[%add3A_926], %broadcast_in_dim3A_1 {add = true} : memref<12288xf32, #tpu.memory_space<vmem>>[vector<16xi32>], vector<16xf32>,
    %get3A_927 = arith.constant 2240 : index
    %get3A_928 = tpu.vector_load %arg5[%get3A_927] {strides = array<i32>} : memref<3072xi32, #tpu.memory_space<vmem>>, vector<16xi32>,
    %get3A_929 = arith.constant 2752 : index
    %get3A_930 = tpu.vector_load %arg5[%get3A_929] {strides = array<i32>} : memref<3072xi32, #tpu.memory_space<vmem>>, vector<16xi32>,
    %mul3A_931 = arith.constant 64 : i32
    %mul3A_932 = vector.broadcast %mul3A_931 : i32 to vector<16xi32>
    %mul3A_933 = arith.muli %get3A_930, %mul3A_932 : vector<16xi32>
    %add3A_934 = arith.constant 8192 : i32
    %add3A_935 = vector.broadcast %add3A_934 : i32 to vector<16xi32>
    %add3A_936 = arith.addi %add3A_935, %mul3A_933 : vector<16xi32>
    %add3A_937 = arith.addi %add3A_936, %get3A_928 : vector<16xi32>
    tpu.vector_store_idx %arg6[%add3A_937], %broadcast_in_dim3A_1 {add = true} : memref<12288xf32, #tpu.memory_space<vmem>>[vector<16xi32>], vector<16xf32>,
    %get3A_938 = arith.constant 2256 : index
    %get3A_939 = tpu.vector_load %arg5[%get3A_938] {strides = array<i32>} : memref<3072xi32, #tpu.memory_space<vmem>>, vector<16xi32>,
    %get3A_940 = arith.constant 2768 : index
    %get3A_941 = tpu.vector_load %arg5[%get3A_940] {strides = array<i32>} : memref<3072xi32, #tpu.memory_space<vmem>>, vector<16xi32>,
    %mul3A_942 = arith.constant 64 : i32
    %mul3A_943 = vector.broadcast %mul3A_942 : i32 to vector<16xi32>
    %mul3A_944 = arith.muli %get3A_941, %mul3A_943 : vector<16xi32>
    %add3A_945 = arith.constant 8192 : i32
    %add3A_946 = vector.broadcast %add3A_945 : i32 to vector<16xi32>
    %add3A_947 = arith.addi %add3A_946, %mul3A_944 : vector<16xi32>
    %add3A_948 = arith.addi %add3A_947, %get3A_939 : vector<16xi32>
    tpu.vector_store_idx %arg6[%add3A_948], %broadcast_in_dim3A_1 {add = true} : memref<12288xf32, #tpu.memory_space<vmem>>[vector<16xi32>], vector<16xf32>,
    %get3A_949 = arith.constant 2272 : index
    %get3A_950 = tpu.vector_load %arg5[%get3A_949] {strides = array<i32>} : memref<3072xi32, #tpu.memory_space<vmem>>, vector<16xi32>,
    %get3A_951 = arith.constant 2784 : index
    %get3A_952 = tpu.vector_load %arg5[%get3A_951] {strides = array<i32>} : memref<3072xi32, #tpu.memory_space<vmem>>, vector<16xi32>,
    %mul3A_953 = arith.constant 64 : i32
    %mul3A_954 = vector.broadcast %mul3A_953 : i32 to vector<16xi32>
    %mul3A_955 = arith.muli %get3A_952, %mul3A_954 : vector<16xi32>
    %add3A_956 = arith.constant 8192 : i32
    %add3A_957 = vector.broadcast %add3A_956 : i32 to vector<16xi32>
    %add3A_958 = arith.addi %add3A_957, %mul3A_955 : vector<16xi32>
    %add3A_959 = arith.addi %add3A_958, %get3A_950 : vector<16xi32>
    tpu.vector_store_idx %arg6[%add3A_959], %broadcast_in_dim3A_1 {add = true} : memref<12288xf32, #tpu.memory_space<vmem>>[vector<16xi32>], vector<16xf32>,
    %get3A_960 = arith.constant 2288 : index
    %get3A_961 = tpu.vector_load %arg5[%get3A_960] {strides = array<i32>} : memref<3072xi32, #tpu.memory_space<vmem>>, vector<16xi32>,
    %get3A_962 = arith.constant 2800 : index
    %get3A_963 = tpu.vector_load %arg5[%get3A_962] {strides = array<i32>} : memref<3072xi32, #tpu.memory_space<vmem>>, vector<16xi32>,
    %mul3A_964 = arith.constant 64 : i32
    %mul3A_965 = vector.broadcast %mul3A_964 : i32 to vector<16xi32>
    %mul3A_966 = arith.muli %get3A_963, %mul3A_965 : vector<16xi32>
    %add3A_967 = arith.constant 8192 : i32
    %add3A_968 = vector.broadcast %add3A_967 : i32 to vector<16xi32>
    %add3A_969 = arith.addi %add3A_968, %mul3A_966 : vector<16xi32>
    %add3A_970 = arith.addi %add3A_969, %get3A_961 : vector<16xi32>
    tpu.vector_store_idx %arg6[%add3A_970], %broadcast_in_dim3A_1 {add = true} : memref<12288xf32, #tpu.memory_space<vmem>>[vector<16xi32>], vector<16xf32>,
    %get3A_971 = arith.constant 2304 : index
    %get3A_972 = tpu.vector_load %arg5[%get3A_971] {strides = array<i32>} : memref<3072xi32, #tpu.memory_space<vmem>>, vector<16xi32>,
    %get3A_973 = arith.constant 2816 : index
    %get3A_974 = tpu.vector_load %arg5[%get3A_973] {strides = array<i32>} : memref<3072xi32, #tpu.memory_space<vmem>>, vector<16xi32>,
    %mul3A_975 = arith.constant 64 : i32
    %mul3A_976 = vector.broadcast %mul3A_975 : i32 to vector<16xi32>
    %mul3A_977 = arith.muli %get3A_974, %mul3A_976 : vector<16xi32>
    %add3A_978 = arith.constant 8192 : i32
    %add3A_979 = vector.broadcast %add3A_978 : i32 to vector<16xi32>
    %add3A_980 = arith.addi %add3A_979, %mul3A_977 : vector<16xi32>
    %add3A_981 = arith.addi %add3A_980, %get3A_972 : vector<16xi32>
    tpu.vector_store_idx %arg6[%add3A_981], %broadcast_in_dim3A_1 {add = true} : memref<12288xf32, #tpu.memory_space<vmem>>[vector<16xi32>], vector<16xf32>,
    %get3A_982 = arith.constant 2320 : index
    %get3A_983 = tpu.vector_load %arg5[%get3A_982] {strides = array<i32>} : memref<3072xi32, #tpu.memory_space<vmem>>, vector<16xi32>,
    %get3A_984 = arith.constant 2832 : index
    %get3A_985 = tpu.vector_load %arg5[%get3A_984] {strides = array<i32>} : memref<3072xi32, #tpu.memory_space<vmem>>, vector<16xi32>,
    %mul3A_986 = arith.constant 64 : i32
    %mul3A_987 = vector.broadcast %mul3A_986 : i32 to vector<16xi32>
    %mul3A_988 = arith.muli %get3A_985, %mul3A_987 : vector<16xi32>
    %add3A_989 = arith.constant 8192 : i32
    %add3A_990 = vector.broadcast %add3A_989 : i32 to vector<16xi32>
    %add3A_991 = arith.addi %add3A_990, %mul3A_988 : vector<16xi32>
    %add3A_992 = arith.addi %add3A_991, %get3A_983 : vector<16xi32>
    tpu.vector_store_idx %arg6[%add3A_992], %broadcast_in_dim3A_1 {add = true} : memref<12288xf32, #tpu.memory_space<vmem>>[vector<16xi32>], vector<16xf32>,
    %get3A_993 = arith.constant 2336 : index
    %get3A_994 = tpu.vector_load %arg5[%get3A_993] {strides = array<i32>} : memref<3072xi32, #tpu.memory_space<vmem>>, vector<16xi32>,
    %get3A_995 = arith.constant 2848 : index
    %get3A_996 = tpu.vector_load %arg5[%get3A_995] {strides = array<i32>} : memref<3072xi32, #tpu.memory_space<vmem>>, vector<16xi32>,
    %mul3A_997 = arith.constant 64 : i32
    %mul3A_998 = vector.broadcast %mul3A_997 : i32 to vector<16xi32>
    %mul3A_999 = arith.muli %get3A_996, %mul3A_998 : vector<16xi32>
    %add3A_1000 = arith.constant 8192 : i32
    %add3A_1001 = vector.broadcast %add3A_1000 : i32 to vector<16xi32>
    %add3A_1002 = arith.addi %add3A_1001, %mul3A_999 : vector<16xi32>
    %add3A_1003 = arith.addi %add3A_1002, %get3A_994 : vector<16xi32>
    tpu.vector_store_idx %arg6[%add3A_1003], %broadcast_in_dim3A_1 {add = true} : memref<12288xf32, #tpu.memory_space<vmem>>[vector<16xi32>], vector<16xf32>,
    %get3A_1004 = arith.constant 2352 : index
    %get3A_1005 = tpu.vector_load %arg5[%get3A_1004] {strides = array<i32>} : memref<3072xi32, #tpu.memory_space<vmem>>, vector<16xi32>,
    %get3A_1006 = arith.constant 2864 : index
    %get3A_1007 = tpu.vector_load %arg5[%get3A_1006] {strides = array<i32>} : memref<3072xi32, #tpu.memory_space<vmem>>, vector<16xi32>,
    %mul3A_1008 = arith.constant 64 : i32
    %mul3A_1009 = vector.broadcast %mul3A_1008 : i32 to vector<16xi32>
    %mul3A_1010 = arith.muli %get3A_1007, %mul3A_1009 : vector<16xi32>
    %add3A_1011 = arith.constant 8192 : i32
    %add3A_1012 = vector.broadcast %add3A_1011 : i32 to vector<16xi32>
    %add3A_1013 = arith.addi %add3A_1012, %mul3A_1010 : vector<16xi32>
    %add3A_1014 = arith.addi %add3A_1013, %get3A_1005 : vector<16xi32>
    tpu.vector_store_idx %arg6[%add3A_1014], %broadcast_in_dim3A_1 {add = true} : memref<12288xf32, #tpu.memory_space<vmem>>[vector<16xi32>], vector<16xf32>,
    %get3A_1015 = arith.constant 2368 : index
    %get3A_1016 = tpu.vector_load %arg5[%get3A_1015] {strides = array<i32>} : memref<3072xi32, #tpu.memory_space<vmem>>, vector<16xi32>,
    %get3A_1017 = arith.constant 2880 : index
    %get3A_1018 = tpu.vector_load %arg5[%get3A_1017] {strides = array<i32>} : memref<3072xi32, #tpu.memory_space<vmem>>, vector<16xi32>,
    %mul3A_1019 = arith.constant 64 : i32
    %mul3A_1020 = vector.broadcast %mul3A_1019 : i32 to vector<16xi32>
    %mul3A_1021 = arith.muli %get3A_1018, %mul3A_1020 : vector<16xi32>
    %add3A_1022 = arith.constant 8192 : i32
    %add3A_1023 = vector.broadcast %add3A_1022 : i32 to vector<16xi32>
    %add3A_1024 = arith.addi %add3A_1023, %mul3A_1021 : vector<16xi32>
    %add3A_1025 = arith.addi %add3A_1024, %get3A_1016 : vector<16xi32>
    tpu.vector_store_idx %arg6[%add3A_1025], %broadcast_in_dim3A_1 {add = true} : memref<12288xf32, #tpu.memory_space<vmem>>[vector<16xi32>], vector<16xf32>,
    %get3A_1026 = arith.constant 2384 : index
    %get3A_1027 = tpu.vector_load %arg5[%get3A_1026] {strides = array<i32>} : memref<3072xi32, #tpu.memory_space<vmem>>, vector<16xi32>,
    %get3A_1028 = arith.constant 2896 : index
    %get3A_1029 = tpu.vector_load %arg5[%get3A_1028] {strides = array<i32>} : memref<3072xi32, #tpu.memory_space<vmem>>, vector<16xi32>,
    %mul3A_1030 = arith.constant 64 : i32
    %mul3A_1031 = vector.broadcast %mul3A_1030 : i32 to vector<16xi32>
    %mul3A_1032 = arith.muli %get3A_1029, %mul3A_1031 : vector<16xi32>
    %add3A_1033 = arith.constant 8192 : i32
    %add3A_1034 = vector.broadcast %add3A_1033 : i32 to vector<16xi32>
    %add3A_1035 = arith.addi %add3A_1034, %mul3A_1032 : vector<16xi32>
    %add3A_1036 = arith.addi %add3A_1035, %get3A_1027 : vector<16xi32>
    tpu.vector_store_idx %arg6[%add3A_1036], %broadcast_in_dim3A_1 {add = true} : memref<12288xf32, #tpu.memory_space<vmem>>[vector<16xi32>], vector<16xf32>,
    %get3A_1037 = arith.constant 2400 : index
    %get3A_1038 = tpu.vector_load %arg5[%get3A_1037] {strides = array<i32>} : memref<3072xi32, #tpu.memory_space<vmem>>, vector<16xi32>,
    %get3A_1039 = arith.constant 2912 : index
    %get3A_1040 = tpu.vector_load %arg5[%get3A_1039] {strides = array<i32>} : memref<3072xi32, #tpu.memory_space<vmem>>, vector<16xi32>,
    %mul3A_1041 = arith.constant 64 : i32
    %mul3A_1042 = vector.broadcast %mul3A_1041 : i32 to vector<16xi32>
    %mul3A_1043 = arith.muli %get3A_1040, %mul3A_1042 : vector<16xi32>
    %add3A_1044 = arith.constant 8192 : i32
    %add3A_1045 = vector.broadcast %add3A_1044 : i32 to vector<16xi32>
    %add3A_1046 = arith.addi %add3A_1045, %mul3A_1043 : vector<16xi32>
    %add3A_1047 = arith.addi %add3A_1046, %get3A_1038 : vector<16xi32>
    tpu.vector_store_idx %arg6[%add3A_1047], %broadcast_in_dim3A_1 {add = true} : memref<12288xf32, #tpu.memory_space<vmem>>[vector<16xi32>], vector<16xf32>,
    %get3A_1048 = arith.constant 2416 : index
    %get3A_1049 = tpu.vector_load %arg5[%get3A_1048] {strides = array<i32>} : memref<3072xi32, #tpu.memory_space<vmem>>, vector<16xi32>,
    %get3A_1050 = arith.constant 2928 : index
    %get3A_1051 = tpu.vector_load %arg5[%get3A_1050] {strides = array<i32>} : memref<3072xi32, #tpu.memory_space<vmem>>, vector<16xi32>,
    %mul3A_1052 = arith.constant 64 : i32
    %mul3A_1053 = vector.broadcast %mul3A_1052 : i32 to vector<16xi32>
    %mul3A_1054 = arith.muli %get3A_1051, %mul3A_1053 : vector<16xi32>
    %add3A_1055 = arith.constant 8192 : i32
    %add3A_1056 = vector.broadcast %add3A_1055 : i32 to vector<16xi32>
    %add3A_1057 = arith.addi %add3A_1056, %mul3A_1054 : vector<16xi32>
    %add3A_1058 = arith.addi %add3A_1057, %get3A_1049 : vector<16xi32>
    tpu.vector_store_idx %arg6[%add3A_1058], %broadcast_in_dim3A_1 {add = true} : memref<12288xf32, #tpu.memory_space<vmem>>[vector<16xi32>], vector<16xf32>,
    %get3A_1059 = arith.constant 2432 : index
    %get3A_1060 = tpu.vector_load %arg5[%get3A_1059] {strides = array<i32>} : memref<3072xi32, #tpu.memory_space<vmem>>, vector<16xi32>,
    %get3A_1061 = arith.constant 2944 : index
    %get3A_1062 = tpu.vector_load %arg5[%get3A_1061] {strides = array<i32>} : memref<3072xi32, #tpu.memory_space<vmem>>, vector<16xi32>,
    %mul3A_1063 = arith.constant 64 : i32
    %mul3A_1064 = vector.broadcast %mul3A_1063 : i32 to vector<16xi32>
    %mul3A_1065 = arith.muli %get3A_1062, %mul3A_1064 : vector<16xi32>
    %add3A_1066 = arith.constant 8192 : i32
    %add3A_1067 = vector.broadcast %add3A_1066 : i32 to vector<16xi32>
    %add3A_1068 = arith.addi %add3A_1067, %mul3A_1065 : vector<16xi32>
    %add3A_1069 = arith.addi %add3A_1068, %get3A_1060 : vector<16xi32>
    tpu.vector_store_idx %arg6[%add3A_1069], %broadcast_in_dim3A_1 {add = true} : memref<12288xf32, #tpu.memory_space<vmem>>[vector<16xi32>], vector<16xf32>,
    %get3A_1070 = arith.constant 2448 : index
    %get3A_1071 = tpu.vector_load %arg5[%get3A_1070] {strides = array<i32>} : memref<3072xi32, #tpu.memory_space<vmem>>, vector<16xi32>,
    %get3A_1072 = arith.constant 2960 : index
    %get3A_1073 = tpu.vector_load %arg5[%get3A_1072] {strides = array<i32>} : memref<3072xi32, #tpu.memory_space<vmem>>, vector<16xi32>,
    %mul3A_1074 = arith.constant 64 : i32
    %mul3A_1075 = vector.broadcast %mul3A_1074 : i32 to vector<16xi32>
    %mul3A_1076 = arith.muli %get3A_1073, %mul3A_1075 : vector<16xi32>
    %add3A_1077 = arith.constant 8192 : i32
    %add3A_1078 = vector.broadcast %add3A_1077 : i32 to vector<16xi32>
    %add3A_1079 = arith.addi %add3A_1078, %mul3A_1076 : vector<16xi32>
    %add3A_1080 = arith.addi %add3A_1079, %get3A_1071 : vector<16xi32>
    tpu.vector_store_idx %arg6[%add3A_1080], %broadcast_in_dim3A_1 {add = true} : memref<12288xf32, #tpu.memory_space<vmem>>[vector<16xi32>], vector<16xf32>,
    %get3A_1081 = arith.constant 2464 : index
    %get3A_1082 = tpu.vector_load %arg5[%get3A_1081] {strides = array<i32>} : memref<3072xi32, #tpu.memory_space<vmem>>, vector<16xi32>,
    %get3A_1083 = arith.constant 2976 : index
    %get3A_1084 = tpu.vector_load %arg5[%get3A_1083] {strides = array<i32>} : memref<3072xi32, #tpu.memory_space<vmem>>, vector<16xi32>,
    %mul3A_1085 = arith.constant 64 : i32
    %mul3A_1086 = vector.broadcast %mul3A_1085 : i32 to vector<16xi32>
    %mul3A_1087 = arith.muli %get3A_1084, %mul3A_1086 : vector<16xi32>
    %add3A_1088 = arith.constant 8192 : i32
    %add3A_1089 = vector.broadcast %add3A_1088 : i32 to vector<16xi32>
    %add3A_1090 = arith.addi %add3A_1089, %mul3A_1087 : vector<16xi32>
    %add3A_1091 = arith.addi %add3A_1090, %get3A_1082 : vector<16xi32>
    tpu.vector_store_idx %arg6[%add3A_1091], %broadcast_in_dim3A_1 {add = true} : memref<12288xf32, #tpu.memory_space<vmem>>[vector<16xi32>], vector<16xf32>,
    %get3A_1092 = arith.constant 2480 : index
    %get3A_1093 = tpu.vector_load %arg5[%get3A_1092] {strides = array<i32>} : memref<3072xi32, #tpu.memory_space<vmem>>, vector<16xi32>,
    %get3A_1094 = arith.constant 2992 : index
    %get3A_1095 = tpu.vector_load %arg5[%get3A_1094] {strides = array<i32>} : memref<3072xi32, #tpu.memory_space<vmem>>, vector<16xi32>,
    %mul3A_1096 = arith.constant 64 : i32
    %mul3A_1097 = vector.broadcast %mul3A_1096 : i32 to vector<16xi32>
    %mul3A_1098 = arith.muli %get3A_1095, %mul3A_1097 : vector<16xi32>
    %add3A_1099 = arith.constant 8192 : i32
    %add3A_1100 = vector.broadcast %add3A_1099 : i32 to vector<16xi32>
    %add3A_1101 = arith.addi %add3A_1100, %mul3A_1098 : vector<16xi32>
    %add3A_1102 = arith.addi %add3A_1101, %get3A_1093 : vector<16xi32>
    tpu.vector_store_idx %arg6[%add3A_1102], %broadcast_in_dim3A_1 {add = true} : memref<12288xf32, #tpu.memory_space<vmem>>[vector<16xi32>], vector<16xf32>,
    %get3A_1103 = arith.constant 2496 : index
    %get3A_1104 = tpu.vector_load %arg5[%get3A_1103] {strides = array<i32>} : memref<3072xi32, #tpu.memory_space<vmem>>, vector<16xi32>,
    %get3A_1105 = arith.constant 3008 : index
    %get3A_1106 = tpu.vector_load %arg5[%get3A_1105] {strides = array<i32>} : memref<3072xi32, #tpu.memory_space<vmem>>, vector<16xi32>,
    %mul3A_1107 = arith.constant 64 : i32
    %mul3A_1108 = vector.broadcast %mul3A_1107 : i32 to vector<16xi32>
    %mul3A_1109 = arith.muli %get3A_1106, %mul3A_1108 : vector<16xi32>
    %add3A_1110 = arith.constant 8192 : i32
    %add3A_1111 = vector.broadcast %add3A_1110 : i32 to vector<16xi32>
    %add3A_1112 = arith.addi %add3A_1111, %mul3A_1109 : vector<16xi32>
    %add3A_1113 = arith.addi %add3A_1112, %get3A_1104 : vector<16xi32>
    tpu.vector_store_idx %arg6[%add3A_1113], %broadcast_in_dim3A_1 {add = true} : memref<12288xf32, #tpu.memory_space<vmem>>[vector<16xi32>], vector<16xf32>,
    %get3A_1114 = arith.constant 2512 : index
    %get3A_1115 = tpu.vector_load %arg5[%get3A_1114] {strides = array<i32>} : memref<3072xi32, #tpu.memory_space<vmem>>, vector<16xi32>,
    %get3A_1116 = arith.constant 3024 : index
    %get3A_1117 = tpu.vector_load %arg5[%get3A_1116] {strides = array<i32>} : memref<3072xi32, #tpu.memory_space<vmem>>, vector<16xi32>,
    %mul3A_1118 = arith.constant 64 : i32
    %mul3A_1119 = vector.broadcast %mul3A_1118 : i32 to vector<16xi32>
    %mul3A_1120 = arith.muli %get3A_1117, %mul3A_1119 : vector<16xi32>
    %add3A_1121 = arith.constant 8192 : i32
    %add3A_1122 = vector.broadcast %add3A_1121 : i32 to vector<16xi32>
    %add3A_1123 = arith.addi %add3A_1122, %mul3A_1120 : vector<16xi32>
    %add3A_1124 = arith.addi %add3A_1123, %get3A_1115 : vector<16xi32>
    tpu.vector_store_idx %arg6[%add3A_1124], %broadcast_in_dim3A_1 {add = true} : memref<12288xf32, #tpu.memory_space<vmem>>[vector<16xi32>], vector<16xf32>,
    %get3A_1125 = arith.constant 2528 : index
    %get3A_1126 = tpu.vector_load %arg5[%get3A_1125] {strides = array<i32>} : memref<3072xi32, #tpu.memory_space<vmem>>, vector<16xi32>,
    %get3A_1127 = arith.constant 3040 : index
    %get3A_1128 = tpu.vector_load %arg5[%get3A_1127] {strides = array<i32>} : memref<3072xi32, #tpu.memory_space<vmem>>, vector<16xi32>,
    %mul3A_1129 = arith.constant 64 : i32
    %mul3A_1130 = vector.broadcast %mul3A_1129 : i32 to vector<16xi32>
    %mul3A_1131 = arith.muli %get3A_1128, %mul3A_1130 : vector<16xi32>
    %add3A_1132 = arith.constant 8192 : i32
    %add3A_1133 = vector.broadcast %add3A_1132 : i32 to vector<16xi32>
    %add3A_1134 = arith.addi %add3A_1133, %mul3A_1131 : vector<16xi32>
    %add3A_1135 = arith.addi %add3A_1134, %get3A_1126 : vector<16xi32>
    tpu.vector_store_idx %arg6[%add3A_1135], %broadcast_in_dim3A_1 {add = true} : memref<12288xf32, #tpu.memory_space<vmem>>[vector<16xi32>], vector<16xf32>,
    %get3A_1136 = arith.constant 2544 : index
    %get3A_1137 = tpu.vector_load %arg5[%get3A_1136] {strides = array<i32>} : memref<3072xi32, #tpu.memory_space<vmem>>, vector<16xi32>,
    %get3A_1138 = arith.constant 3056 : index
    %get3A_1139 = tpu.vector_load %arg5[%get3A_1138] {strides = array<i32>} : memref<3072xi32, #tpu.memory_space<vmem>>, vector<16xi32>,
    %mul3A_1140 = arith.constant 64 : i32
    %mul3A_1141 = vector.broadcast %mul3A_1140 : i32 to vector<16xi32>
    %mul3A_1142 = arith.muli %get3A_1139, %mul3A_1141 : vector<16xi32>
    %add3A_1143 = arith.constant 8192 : i32
    %add3A_1144 = vector.broadcast %add3A_1143 : i32 to vector<16xi32>
    %add3A_1145 = arith.addi %add3A_1144, %mul3A_1142 : vector<16xi32>
    %add3A_1146 = arith.addi %add3A_1145, %get3A_1137 : vector<16xi32>
    tpu.vector_store_idx %arg6[%add3A_1146], %broadcast_in_dim3A_1 {add = true} : memref<12288xf32, #tpu.memory_space<vmem>>[vector<16xi32>], vector<16xf32>,
    %add3A_1147 = arith.constant 2 : i32
    %add3A_1148 = arith.addi %mul3A_3, %add3A_1147 : i32
    %dma_start3A_1149 = arith.constant 8192 : i32
    %dma_start3A_1150 = tpu.memref_slice %arg6[%dma_start3A_1149] : memref<12288xf32, #tpu.memory_space<vmem>> -> memref<4096xf32, #tpu.memory_space<vmem>>
    %dma_start3A_1151 = arith.constant 0 : i32
    %dma_start3A_1152 = tpu.memref_slice %arg4[%add3A_1148, %dma_start3A_1151] : memref<96x4096xf32, #tpu.memory_space<hbm>> -> memref<1x4096xf32, #tpu.memory_space<hbm>>
    %dma_start3A_1153 = tpu.memref_squeeze %dma_start3A_1152 : memref<1x4096xf32, #tpu.memory_space<hbm>> -> memref<4096xf32, #tpu.memory_space<hbm>>
    %dma_start3A_1154 = arith.constant 0 : i32
    %dma_start3A_1155 = tpu.memref_slice %arg4[%add3A_1148, %dma_start3A_1154] : memref<96x4096xf32, #tpu.memory_space<hbm>> -> memref<1x4096xf32, #tpu.memory_space<hbm>>
    %dma_start3A_1156 = tpu.memref_squeeze %dma_start3A_1155 : memref<1x4096xf32, #tpu.memory_space<hbm>> -> memref<4096xf32, #tpu.memory_space<hbm>>
    %dma_start3A_1157 = arith.constant 8192 : i32
    %dma_start3A_1158 = tpu.memref_slice %arg6[%dma_start3A_1157] : memref<12288xf32, #tpu.memory_space<vmem>> -> memref<4096xf32, #tpu.memory_space<vmem>>
    tpu.enqueue_dma source(%dma_start3A_1158 : memref<4096xf32, #tpu.memory_space<vmem>>) target(%dma_start3A_1156 : memref<4096xf32, #tpu.memory_space<hbm>>) target_semaphore(%arg11 : memref<!tpu.dma_semaphore, #tpu.memory_space<semaphore_mem>>)
    %dma_wait3A_1159 = arith.constant 0 : i32
    %dma_wait3A_1160 = tpu.memref_slice %arg6[%dma_wait3A_1159] : memref<12288xf32, #tpu.memory_space<vmem>> -> memref<4096xf32, #tpu.memory_space<vmem>>
    %dma_wait3A_1161 = arith.constant 0 : i32
    %dma_wait3A_1162 = tpu.memref_slice %arg4[%add3A_400, %dma_wait3A_1161] : memref<96x4096xf32, #tpu.memory_space<hbm>> -> memref<1x4096xf32, #tpu.memory_space<hbm>>
    %dma_wait3A_1163 = tpu.memref_squeeze %dma_wait3A_1162 : memref<1x4096xf32, #tpu.memory_space<hbm>> -> memref<4096xf32, #tpu.memory_space<hbm>>
    %dma_wait3A_1164 = arith.constant 0 : i32
    %dma_wait3A_1165 = tpu.memref_slice %arg4[%add3A_400, %dma_wait3A_1164] : memref<96x4096xf32, #tpu.memory_space<hbm>> -> memref<1x4096xf32, #tpu.memory_space<hbm>>
    %dma_wait3A_1166 = tpu.memref_squeeze %dma_wait3A_1165 : memref<1x4096xf32, #tpu.memory_space<hbm>> -> memref<4096xf32, #tpu.memory_space<hbm>>
    %dma_wait3A_1167 = arith.constant 0 : i32
    %dma_wait3A_1168 = tpu.memref_slice %arg6[%dma_wait3A_1167] : memref<12288xf32, #tpu.memory_space<vmem>> -> memref<4096xf32, #tpu.memory_space<vmem>>
    tpu.wait_dma2 semaphore(%arg11 : memref<!tpu.dma_semaphore, #tpu.memory_space<semaphore_mem>>) src(%dma_wait3A_1168 : memref<4096xf32, #tpu.memory_space<vmem>>) dst(%dma_wait3A_1166 : memref<4096xf32, #tpu.memory_space<hbm>>)
    %dma_wait3A_1169 = arith.constant 4096 : i32
    %dma_wait3A_1170 = tpu.memref_slice %arg6[%dma_wait3A_1169] : memref<12288xf32, #tpu.memory_space<vmem>> -> memref<4096xf32, #tpu.memory_space<vmem>>
    %dma_wait3A_1171 = arith.constant 0 : i32
    %dma_wait3A_1172 = tpu.memref_slice %arg4[%add3A_774, %dma_wait3A_1171] : memref<96x4096xf32, #tpu.memory_space<hbm>> -> memref<1x4096xf32, #tpu.memory_space<hbm>>
    %dma_wait3A_1173 = tpu.memref_squeeze %dma_wait3A_1172 : memref<1x4096xf32, #tpu.memory_space<hbm>> -> memref<4096xf32, #tpu.memory_space<hbm>>
    %dma_wait3A_1174 = arith.constant 0 : i32
    %dma_wait3A_1175 = tpu.memref_slice %arg4[%add3A_774, %dma_wait3A_1174] : memref<96x4096xf32, #tpu.memory_space<hbm>> -> memref<1x4096xf32, #tpu.memory_space<hbm>>
    %dma_wait3A_1176 = tpu.memref_squeeze %dma_wait3A_1175 : memref<1x4096xf32, #tpu.memory_space<hbm>> -> memref<4096xf32, #tpu.memory_space<hbm>>
    %dma_wait3A_1177 = arith.constant 4096 : i32
    %dma_wait3A_1178 = tpu.memref_slice %arg6[%dma_wait3A_1177] : memref<12288xf32, #tpu.memory_space<vmem>> -> memref<4096xf32, #tpu.memory_space<vmem>>
    tpu.wait_dma2 semaphore(%arg11 : memref<!tpu.dma_semaphore, #tpu.memory_space<semaphore_mem>>) src(%dma_wait3A_1178 : memref<4096xf32, #tpu.memory_space<vmem>>) dst(%dma_wait3A_1176 : memref<4096xf32, #tpu.memory_space<hbm>>)
    %dma_wait3A_1179 = arith.constant 8192 : i32
    %dma_wait3A_1180 = tpu.memref_slice %arg6[%dma_wait3A_1179] : memref<12288xf32, #tpu.memory_space<vmem>> -> memref<4096xf32, #tpu.memory_space<vmem>>
    %dma_wait3A_1181 = arith.constant 0 : i32
    %dma_wait3A_1182 = tpu.memref_slice %arg4[%add3A_1148, %dma_wait3A_1181] : memref<96x4096xf32, #tpu.memory_space<hbm>> -> memref<1x4096xf32, #tpu.memory_space<hbm>>
    %dma_wait3A_1183 = tpu.memref_squeeze %dma_wait3A_1182 : memref<1x4096xf32, #tpu.memory_space<hbm>> -> memref<4096xf32, #tpu.memory_space<hbm>>
    %dma_wait3A_1184 = arith.constant 0 : i32
    %dma_wait3A_1185 = tpu.memref_slice %arg4[%add3A_1148, %dma_wait3A_1184] : memref<96x4096xf32, #tpu.memory_space<hbm>> -> memref<1x4096xf32, #tpu.memory_space<hbm>>
    %dma_wait3A_1186 = tpu.memref_squeeze %dma_wait3A_1185 : memref<1x4096xf32, #tpu.memory_space<hbm>> -> memref<4096xf32, #tpu.memory_space<hbm>>
    %dma_wait3A_1187 = arith.constant 8192 : i32
    %dma_wait3A_1188 = tpu.memref_slice %arg6[%dma_wait3A_1187] : memref<12288xf32, #tpu.memory_space<vmem>> -> memref<4096xf32, #tpu.memory_space<vmem>>
    tpu.wait_dma2 semaphore(%arg11 : memref<!tpu.dma_semaphore, #tpu.memory_space<semaphore_mem>>) src(%dma_wait3A_1188 : memref<4096xf32, #tpu.memory_space<vmem>>) dst(%dma_wait3A_1186 : memref<4096xf32, #tpu.memory_space<hbm>>)
    return
  }
}

module attributes {stable_mosaic.version = 14 : i64} {
  func.func @_fused_kernel(%arg0: i32, %arg1: memref<512x256xf32, #tpu.memory_space<vmem>>, %arg2: memref<8x64x64xf32, #tpu.memory_space<vmem>>, %arg3: memref<96x256xf32, #tpu.memory_space<vmem>>, %arg4: memref<2x1024xi32, #tpu.memory_space<vmem>>, %arg5: memref<256x256xf32, #tpu.memory_space<vmem>>, %arg6: memref<1x256xf32, #tpu.memory_space<vmem>>, %arg7: memref<1x256xf32, #tpu.memory_space<vmem>>, %arg8: memref<1x256xf32, #tpu.memory_space<vmem>>, %arg9: memref<256x512xf32, #tpu.memory_space<vmem>>, %arg10: memref<512x4xf32, #tpu.memory_space<vmem>>, %arg11: memref<512x4xf32, #tpu.memory_space<vmem>>, %arg12: memref<1x512xf32, #tpu.memory_space<vmem>>, %arg13: memref<512x512xf32, #tpu.memory_space<vmem>>, %arg14: memref<512x4xf32, #tpu.memory_space<vmem>>, %arg15: memref<512x4xf32, #tpu.memory_space<vmem>>, %arg16: memref<1x512xf32, #tpu.memory_space<vmem>>, %arg17: memref<512x256xf32, #tpu.memory_space<vmem>>, %arg18: memref<1x256xf32, #tpu.memory_space<vmem>>, %arg19: memref<1x256xf32, #tpu.memory_space<vmem>>, %arg20: memref<1x256xf32, #tpu.memory_space<vmem>>, %arg21: memref<512x256xf32, #tpu.memory_space<vmem>>, %arg22: memref<1x256xf32, #tpu.memory_space<vmem>>, %arg23: memref<1x256xf32, #tpu.memory_space<vmem>>, %arg24: memref<1x256xf32, #tpu.memory_space<vmem>>, %arg25: memref<256x1024xf32, #tpu.memory_space<vmem>>, %arg26: memref<1024x4xf32, #tpu.memory_space<vmem>>, %arg27: memref<1024x4xf32, #tpu.memory_space<vmem>>, %arg28: memref<1x1024xf32, #tpu.memory_space<vmem>>, %arg29: memref<1024x1024xf32, #tpu.memory_space<vmem>>, %arg30: memref<1024x4xf32, #tpu.memory_space<vmem>>, %arg31: memref<1024x4xf32, #tpu.memory_space<vmem>>, %arg32: memref<1x1024xf32, #tpu.memory_space<vmem>>, %arg33: memref<1024x1024xf32, #tpu.memory_space<vmem>>, %arg34: memref<1024x4xf32, #tpu.memory_space<vmem>>, %arg35: memref<1024x4xf32, #tpu.memory_space<vmem>>, %arg36: memref<1x1024xf32, #tpu.memory_space<vmem>>, %arg37: memref<1024x512xf32, #tpu.memory_space<vmem>>, %arg38: memref<1x512xf32, #tpu.memory_space<vmem>>, %arg39: memref<1x512xf32, #tpu.memory_space<vmem>>, %arg40: memref<1x512xf32, #tpu.memory_space<vmem>>, %arg41: memref<512x256xf32, #tpu.memory_space<vmem>>, %arg42: memref<1x256xf32, #tpu.memory_space<vmem>>, %arg43: memref<1x256xf32, #tpu.memory_space<vmem>>, %arg44: memref<1x256xf32, #tpu.memory_space<vmem>>, %arg45: memref<256x1xf32, #tpu.memory_space<vmem>>, %arg46: memref<1x1xf32, #tpu.memory_space<vmem>>, %arg47: memref<1x1xf32, #tpu.memory_space<vmem>>, %arg48: memref<96x256xf32, #tpu.memory_space<vmem>>) attributes {dimension_semantics = [#tpu.dimension_semantics<arbitrary>], iteration_bounds = array<i64: 13>, scalar_prefetch = 0 : i64, scratch_operands = 1 : i64, tpu.core_type = #tpu.core_type<tc>, window_params = [{transform_indices = @transform_0, window_bounds = array<i64: 512, 256>}, {transform_indices = @transform_1, window_bounds = array<i64: 8, 64, 64>}, {pipeline_mode = #tpu.pipeline_mode<synchronous>, transform_indices = @transform_2, window_bounds = array<i64: 96, 256>}, {pipeline_mode = #tpu.pipeline_mode<synchronous>, transform_indices = @transform_3, window_bounds = array<i64: 2, 1024>}, {pipeline_mode = #tpu.pipeline_mode<synchronous>, transform_indices = @transform_4, window_bounds = array<i64: 256, 256>}, {pipeline_mode = #tpu.pipeline_mode<synchronous>, transform_indices = @transform_5, window_bounds = array<i64: 1, 256>}, {pipeline_mode = #tpu.pipeline_mode<synchronous>, transform_indices = @transform_6, window_bounds = array<i64: 1, 256>}, {pipeline_mode = #tpu.pipeline_mode<synchronous>, transform_indices = @transform_7, window_bounds = array<i64: 1, 256>}, {pipeline_mode = #tpu.pipeline_mode<synchronous>, transform_indices = @transform_8, window_bounds = array<i64: 256, 512>}, {pipeline_mode = #tpu.pipeline_mode<synchronous>, transform_indices = @transform_9, window_bounds = array<i64: 512, 4>}, {pipeline_mode = #tpu.pipeline_mode<synchronous>, transform_indices = @transform_10, window_bounds = array<i64: 512, 4>}, {pipeline_mode = #tpu.pipeline_mode<synchronous>, transform_indices = @transform_11, window_bounds = array<i64: 1, 512>}, {pipeline_mode = #tpu.pipeline_mode<synchronous>, transform_indices = @transform_12, window_bounds = array<i64: 512, 512>}, {pipeline_mode = #tpu.pipeline_mode<synchronous>, transform_indices = @transform_13, window_bounds = array<i64: 512, 4>}, {pipeline_mode = #tpu.pipeline_mode<synchronous>, transform_indices = @transform_14, window_bounds = array<i64: 512, 4>}, {pipeline_mode = #tpu.pipeline_mode<synchronous>, transform_indices = @transform_15, window_bounds = array<i64: 1, 512>}, {pipeline_mode = #tpu.pipeline_mode<synchronous>, transform_indices = @transform_16, window_bounds = array<i64: 512, 256>}, {pipeline_mode = #tpu.pipeline_mode<synchronous>, transform_indices = @transform_17, window_bounds = array<i64: 1, 256>}, {pipeline_mode = #tpu.pipeline_mode<synchronous>, transform_indices = @transform_18, window_bounds = array<i64: 1, 256>}, {pipeline_mode = #tpu.pipeline_mode<synchronous>, transform_indices = @transform_19, window_bounds = array<i64: 1, 256>}, {pipeline_mode = #tpu.pipeline_mode<synchronous>, transform_indices = @transform_20, window_bounds = array<i64: 512, 256>}, {pipeline_mode = #tpu.pipeline_mode<synchronous>, transform_indices = @transform_21, window_bounds = array<i64: 1, 256>}, {pipeline_mode = #tpu.pipeline_mode<synchronous>, transform_indices = @transform_22, window_bounds = array<i64: 1, 256>}, {pipeline_mode = #tpu.pipeline_mode<synchronous>, transform_indices = @transform_23, window_bounds = array<i64: 1, 256>}, {pipeline_mode = #tpu.pipeline_mode<synchronous>, transform_indices = @transform_24, window_bounds = array<i64: 256, 1024>}, {pipeline_mode = #tpu.pipeline_mode<synchronous>, transform_indices = @transform_25, window_bounds = array<i64: 1024, 4>}, {pipeline_mode = #tpu.pipeline_mode<synchronous>, transform_indices = @transform_26, window_bounds = array<i64: 1024, 4>}, {pipeline_mode = #tpu.pipeline_mode<synchronous>, transform_indices = @transform_27, window_bounds = array<i64: 1, 1024>}, {pipeline_mode = #tpu.pipeline_mode<synchronous>, transform_indices = @transform_28, window_bounds = array<i64: 1024, 1024>}, {pipeline_mode = #tpu.pipeline_mode<synchronous>, transform_indices = @transform_29, window_bounds = array<i64: 1024, 4>}, {pipeline_mode = #tpu.pipeline_mode<synchronous>, transform_indices = @transform_30, window_bounds = array<i64: 1024, 4>}, {pipeline_mode = #tpu.pipeline_mode<synchronous>, transform_indices = @transform_31, window_bounds = array<i64: 1, 1024>}, {pipeline_mode = #tpu.pipeline_mode<synchronous>, transform_indices = @transform_32, window_bounds = array<i64: 1024, 1024>}, {pipeline_mode = #tpu.pipeline_mode<synchronous>, transform_indices = @transform_33, window_bounds = array<i64: 1024, 4>}, {pipeline_mode = #tpu.pipeline_mode<synchronous>, transform_indices = @transform_34, window_bounds = array<i64: 1024, 4>}, {pipeline_mode = #tpu.pipeline_mode<synchronous>, transform_indices = @transform_35, window_bounds = array<i64: 1, 1024>}, {pipeline_mode = #tpu.pipeline_mode<synchronous>, transform_indices = @transform_36, window_bounds = array<i64: 1024, 512>}, {pipeline_mode = #tpu.pipeline_mode<synchronous>, transform_indices = @transform_37, window_bounds = array<i64: 1, 512>}, {pipeline_mode = #tpu.pipeline_mode<synchronous>, transform_indices = @transform_38, window_bounds = array<i64: 1, 512>}, {pipeline_mode = #tpu.pipeline_mode<synchronous>, transform_indices = @transform_39, window_bounds = array<i64: 1, 512>}, {pipeline_mode = #tpu.pipeline_mode<synchronous>, transform_indices = @transform_40, window_bounds = array<i64: 512, 256>}, {pipeline_mode = #tpu.pipeline_mode<synchronous>, transform_indices = @transform_41, window_bounds = array<i64: 1, 256>}, {pipeline_mode = #tpu.pipeline_mode<synchronous>, transform_indices = @transform_42, window_bounds = array<i64: 1, 256>}, {pipeline_mode = #tpu.pipeline_mode<synchronous>, transform_indices = @transform_43, window_bounds = array<i64: 1, 256>}, {pipeline_mode = #tpu.pipeline_mode<synchronous>, transform_indices = @transform_44, window_bounds = array<i64: 256, 1>}, {pipeline_mode = #tpu.pipeline_mode<synchronous>, transform_indices = @transform_45, window_bounds = array<i64: 1, 1>}, {pipeline_mode = #tpu.pipeline_mode<synchronous>, transform_indices = @transform_46, window_bounds = array<i64: 1, 1>}]} {
    %lt3A = arith.constant 12 : i32
    %lt3A_0 = arith.cmpi slt, %arg0, %lt3A : i32
    %convert_element_type3A = arith.extui %lt3A_0 : i1 to i32
    %cond3A = arith.constant 0 : i32
    %cond3A_1 = arith.cmpi ne, %convert_element_type3A, %cond3A : i32
    scf.if %cond3A_1 {
      %iota3A = tpu.iota {dimensions = array<i32: 0>} : vector<64x64xi32>
      %iota3A_6 = tpu.iota {dimensions = array<i32: 1>} : vector<64x64xi32>
      %eq3A_7 = arith.cmpi eq, %iota3A, %iota3A_6 : vector<64x64xi32>
      %convert_element_type3A_8 = arith.extui %eq3A_7 : vector<64x64xi1> to vector<64x64xi32>
      %convert_element_type3A_9 = arith.sitofp %convert_element_type3A_8 : vector<64x64xi32> to vector<64x64xf32>
      %get3A = arith.constant 0 : index
      %get3A_10 = arith.constant 0 : index
      %get3A_11 = arith.constant 0 : index
      %get3A_12 = vector.load %arg2[%get3A, %get3A_10, %get3A_11] : memref<8x64x64xf32, #tpu.memory_space<vmem>>, vector<1x64x64xf32>
      %get3A_13 = vector.shape_cast %get3A_12 : vector<1x64x64xf32> to vector<64x64xf32>
      %add3A = arith.addf %get3A_13, %convert_element_type3A_9 : vector<64x64xf32>
      %get3A_14 = arith.constant 1 : index
      %get3A_15 = arith.constant 0 : index
      %get3A_16 = arith.constant 0 : index
      %get3A_17 = vector.load %arg2[%get3A_14, %get3A_15, %get3A_16] : memref<8x64x64xf32, #tpu.memory_space<vmem>>, vector<1x64x64xf32>
      %get3A_18 = vector.shape_cast %get3A_17 : vector<1x64x64xf32> to vector<64x64xf32>
      %add3A_19 = arith.addf %get3A_18, %convert_element_type3A_9 : vector<64x64xf32>
      %get3A_20 = arith.constant 2 : index
      %get3A_21 = arith.constant 0 : index
      %get3A_22 = arith.constant 0 : index
      %get3A_23 = vector.load %arg2[%get3A_20, %get3A_21, %get3A_22] : memref<8x64x64xf32, #tpu.memory_space<vmem>>, vector<1x64x64xf32>
      %get3A_24 = vector.shape_cast %get3A_23 : vector<1x64x64xf32> to vector<64x64xf32>
      %add3A_25 = arith.addf %get3A_24, %convert_element_type3A_9 : vector<64x64xf32>
      %get3A_26 = arith.constant 3 : index
      %get3A_27 = arith.constant 0 : index
      %get3A_28 = arith.constant 0 : index
      %get3A_29 = vector.load %arg2[%get3A_26, %get3A_27, %get3A_28] : memref<8x64x64xf32, #tpu.memory_space<vmem>>, vector<1x64x64xf32>
      %get3A_30 = vector.shape_cast %get3A_29 : vector<1x64x64xf32> to vector<64x64xf32>
      %add3A_31 = arith.addf %get3A_30, %convert_element_type3A_9 : vector<64x64xf32>
      %get3A_32 = arith.constant 4 : index
      %get3A_33 = arith.constant 0 : index
      %get3A_34 = arith.constant 0 : index
      %get3A_35 = vector.load %arg2[%get3A_32, %get3A_33, %get3A_34] : memref<8x64x64xf32, #tpu.memory_space<vmem>>, vector<1x64x64xf32>
      %get3A_36 = vector.shape_cast %get3A_35 : vector<1x64x64xf32> to vector<64x64xf32>
      %add3A_37 = arith.addf %get3A_36, %convert_element_type3A_9 : vector<64x64xf32>
      %get3A_38 = arith.constant 5 : index
      %get3A_39 = arith.constant 0 : index
      %get3A_40 = arith.constant 0 : index
      %get3A_41 = vector.load %arg2[%get3A_38, %get3A_39, %get3A_40] : memref<8x64x64xf32, #tpu.memory_space<vmem>>, vector<1x64x64xf32>
      %get3A_42 = vector.shape_cast %get3A_41 : vector<1x64x64xf32> to vector<64x64xf32>
      %add3A_43 = arith.addf %get3A_42, %convert_element_type3A_9 : vector<64x64xf32>
      %get3A_44 = arith.constant 6 : index
      %get3A_45 = arith.constant 0 : index
      %get3A_46 = arith.constant 0 : index
      %get3A_47 = vector.load %arg2[%get3A_44, %get3A_45, %get3A_46] : memref<8x64x64xf32, #tpu.memory_space<vmem>>, vector<1x64x64xf32>
      %get3A_48 = vector.shape_cast %get3A_47 : vector<1x64x64xf32> to vector<64x64xf32>
      %add3A_49 = arith.addf %get3A_48, %convert_element_type3A_9 : vector<64x64xf32>
      %get3A_50 = arith.constant 7 : index
      %get3A_51 = arith.constant 0 : index
      %get3A_52 = arith.constant 0 : index
      %get3A_53 = vector.load %arg2[%get3A_50, %get3A_51, %get3A_52] : memref<8x64x64xf32, #tpu.memory_space<vmem>>, vector<1x64x64xf32>
      %get3A_54 = vector.shape_cast %get3A_53 : vector<1x64x64xf32> to vector<64x64xf32>
      %add3A_55 = arith.addf %get3A_54, %convert_element_type3A_9 : vector<64x64xf32>
      %get3A_56 = arith.constant 0 : index
      %get3A_57 = arith.constant 0 : index
      %get3A_58 = vector.load %arg1[%get3A_56, %get3A_57] : memref<512x256xf32, #tpu.memory_space<vmem>>, vector<512x256xf32>
      %get3A_59 = arith.constant 0 : index
      %get3A_60 = arith.constant 0 : index
      %get3A_61 = vector.load %arg5[%get3A_59, %get3A_60] : memref<256x256xf32, #tpu.memory_space<vmem>>, vector<256x256xf32>
      %dot_general3A = arith.constant dense<0.000000e+00> : vector<512x256xf32>
      %dot_general3A_62 = tpu.matmul %get3A_58, %get3A_61, %dot_general3A {dimension_numbers = #tpu.dot_dimension_numbers<[1], [0], [0], [1], [0, 0, 1, 1], [], []>, transpose_lhs_hint = false} : vector<512x256xf32>, vector<256x256xf32>, vector<512x256xf32> -> vector<512x256xf32>
      %get3A_63 = arith.constant 0 : index
      %get3A_64 = arith.constant 0 : index
      %get3A_65 = vector.load %arg6[%get3A_63, %get3A_64] : memref<1x256xf32, #tpu.memory_space<vmem>>, vector<1x256xf32>
      %add3A_66 = vector.broadcast %get3A_65 : vector<1x256xf32> to vector<512x256xf32>
      %add3A_67 = arith.addf %dot_general3A_62, %add3A_66 : vector<512x256xf32>
      %get3A_68 = arith.constant 0 : index
      %get3A_69 = arith.constant 0 : index
      %get3A_70 = vector.load %arg7[%get3A_68, %get3A_69] : memref<1x256xf32, #tpu.memory_space<vmem>>, vector<1x256xf32>
      %get3A_71 = arith.constant 0 : index
      %get3A_72 = arith.constant 0 : index
      %get3A_73 = vector.load %arg8[%get3A_71, %get3A_72] : memref<1x256xf32, #tpu.memory_space<vmem>>, vector<1x256xf32>
      %reduce_sum3A = arith.constant dense<0.000000e+00> : vector<512xf32>
      %reduce_sum3A_74 = vector.multi_reduction <add>, %add3A_67, %reduce_sum3A [1] : vector<512x256xf32> to vector<512xf32>
      %broadcast_in_dim3A = vector.shape_cast %reduce_sum3A_74 : vector<512xf32> to vector<512x1xf32>
      %div3A = arith.constant 2.560000e+02 : f32
      %div3A_75 = vector.broadcast %div3A : f32 to vector<512x1xf32>
      %div3A_76 = arith.divf %broadcast_in_dim3A, %div3A_75 : vector<512x1xf32>
      %jit3A = arith.constant 0 : i32
      %reduce_sum3A_77 = arith.constant dense<0.000000e+00> : vector<512xf32>
      %reduce_sum3A_78 = vector.multi_reduction <add>, %add3A_67, %reduce_sum3A_77 [1] : vector<512x256xf32> to vector<512xf32>
      %broadcast_in_dim3A_79 = vector.shape_cast %reduce_sum3A_78 : vector<512xf32> to vector<512x1xf32>
      %div3A_80 = arith.constant 2.560000e+02 : f32
      %div3A_81 = vector.broadcast %div3A_80 : f32 to vector<512x1xf32>
      %div3A_82 = arith.divf %broadcast_in_dim3A_79, %div3A_81 : vector<512x1xf32>
      %sub3A = vector.broadcast %div3A_82 : vector<512x1xf32> to vector<512x256xf32>
      %sub3A_83 = arith.subf %add3A_67, %sub3A : vector<512x256xf32>
      %square3A = arith.mulf %sub3A_83, %sub3A_83 : vector<512x256xf32>
      %convert_element_type3A_84 = arith.sitofp %jit3A : i32 to f32
      %sub3A_85 = arith.constant 2.560000e+02 : f32
      %sub3A_86 = arith.subf %sub3A_85, %convert_element_type3A_84 : f32
      %reduce_sum3A_87 = arith.constant dense<0.000000e+00> : vector<512xf32>
      %reduce_sum3A_88 = vector.multi_reduction <add>, %square3A, %reduce_sum3A_87 [1] : vector<512x256xf32> to vector<512xf32>
      %broadcast_in_dim3A_89 = vector.shape_cast %reduce_sum3A_88 : vector<512xf32> to vector<512x1xf32>
      %div3A_90 = vector.broadcast %sub3A_86 : f32 to vector<512x1xf32>
      %div3A_91 = arith.divf %broadcast_in_dim3A_89, %div3A_90 : vector<512x1xf32>
      %gt3A = arith.constant 0.000000e+00 : f32
      %gt3A_92 = arith.cmpf ogt, %sub3A_86, %gt3A : f32
      %jit3A_93 = arith.constant 0x7FC00000 : f32
      %broadcast_in_dim3A_94 = vector.broadcast %jit3A_93 : f32 to vector<512x1xf32>
      %select_n3A = arith.select %gt3A_92, %div3A_91, %broadcast_in_dim3A_94 : vector<512x1xf32>
      %sub3A_95 = vector.broadcast %div3A_76 : vector<512x1xf32> to vector<512x256xf32>
      %sub3A_96 = arith.subf %add3A_67, %sub3A_95 : vector<512x256xf32>
      %add3A_97 = arith.constant 9.99999974E-6 : f32
      %add3A_98 = vector.broadcast %add3A_97 : f32 to vector<512x1xf32>
      %add3A_99 = arith.addf %select_n3A, %add3A_98 : vector<512x1xf32>
      %sqrt3A = math.sqrt %add3A_99 : vector<512x1xf32>
      %div3A_100 = vector.broadcast %sqrt3A : vector<512x1xf32> to vector<512x256xf32>
      %div3A_101 = arith.divf %sub3A_96, %div3A_100 : vector<512x256xf32>
      %mul3A = vector.broadcast %get3A_70 : vector<1x256xf32> to vector<512x256xf32>
      %mul3A_102 = arith.mulf %div3A_101, %mul3A : vector<512x256xf32>
      %add3A_103 = vector.broadcast %get3A_73 : vector<1x256xf32> to vector<512x256xf32>
      %add3A_104 = arith.addf %mul3A_102, %add3A_103 : vector<512x256xf32>
      %max3A = arith.constant 0.000000e+00 : f32
      %max3A_105 = vector.broadcast %max3A : f32 to vector<512x256xf32>
      %max3A_106 = arith.maximumf %add3A_104, %max3A_105 : vector<512x256xf32>
      %get3A_107 = arith.constant 0 : index
      %get3A_108 = arith.constant 0 : index
      %get3A_109 = vector.load %arg9[%get3A_107, %get3A_108] : memref<256x512xf32, #tpu.memory_space<vmem>>, vector<256x512xf32>
      %dot_general3A_110 = arith.constant dense<0.000000e+00> : vector<512x512xf32>
      %dot_general3A_111 = tpu.matmul %max3A_106, %get3A_109, %dot_general3A_110 {dimension_numbers = #tpu.dot_dimension_numbers<[1], [0], [0], [1], [0, 0, 1, 1], [], []>, transpose_lhs_hint = false} : vector<512x256xf32>, vector<256x512xf32>, vector<512x512xf32> -> vector<512x512xf32>
      %get3A_112 = arith.constant 0 : index
      %get3A_113 = arith.constant 0 : index
      %get3A_114 = vector.load %arg10[%get3A_112, %get3A_113] : memref<512x4xf32, #tpu.memory_space<vmem>>, vector<512x4xf32>
      %get3A_115 = arith.constant 0 : index
      %get3A_116 = arith.constant 0 : index
      %get3A_117 = vector.load %arg11[%get3A_115, %get3A_116] : memref<512x4xf32, #tpu.memory_space<vmem>>, vector<512x4xf32>
      %dot_general3A_118 = arith.constant dense<0.000000e+00> : vector<4x512xf32>
      %dot_general3A_119 = tpu.matmul %get3A_114, %dot_general3A_111, %dot_general3A_118 {dimension_numbers = #tpu.dot_dimension_numbers<[0], [1], [1], [0], [0, 1, 1, 0], [], []>, transpose_lhs_hint = false} : vector<512x4xf32>, vector<512x512xf32>, vector<4x512xf32> -> vector<4x512xf32>
      %dot_general3A_120 = arith.constant dense<0.000000e+00> : vector<512x4xf32>
      %dot_general3A_121 = tpu.matmul %dot_general3A_111, %get3A_117, %dot_general3A_120 {dimension_numbers = #tpu.dot_dimension_numbers<[1], [0], [0], [1], [0, 0, 1, 1], [], []>, transpose_lhs_hint = false} : vector<512x512xf32>, vector<512x4xf32>, vector<512x4xf32> -> vector<512x4xf32>
      %slice3A = vector.extract_strided_slice %dot_general3A_111 {offsets = [0, 0], sizes = [64, 512], strides = [1, 1]} : vector<512x512xf32> to vector<64x512xf32>
      %get3A_122 = arith.constant 0 : index
      %get3A_123 = arith.constant 0 : index
      %get3A_124 = vector.load %arg12[%get3A_122, %get3A_123] : memref<1x512xf32, #tpu.memory_space<vmem>>, vector<1x512xf32>
      %slice3A_125 = vector.extract_strided_slice %slice3A {offsets = [0, 0], sizes = [64, 128], strides = [1, 1]} : vector<64x512xf32> to vector<64x128xf32>
      %slice3A_126 = vector.extract_strided_slice %dot_general3A_121 {offsets = [0, 0], sizes = [64, 1], strides = [1, 1]} : vector<512x4xf32> to vector<64x1xf32>
      %slice3A_127 = vector.extract_strided_slice %dot_general3A_119 {offsets = [0, 0], sizes = [1, 64], strides = [1, 1]} : vector<4x512xf32> to vector<1x64xf32>
      %add3A_128 = vector.broadcast %slice3A_126 : vector<64x1xf32> to vector<64x64xf32>
      %add3A_129 = vector.broadcast %slice3A_127 : vector<1x64xf32> to vector<64x64xf32>
      %add3A_130 = arith.addf %add3A_128, %add3A_129 : vector<64x64xf32>
      %mul3A_131 = arith.constant 2.000000e-01 : f32
      %mul3A_132 = vector.broadcast %mul3A_131 : f32 to vector<64x64xf32>
      %mul3A_133 = arith.mulf %mul3A_132, %add3A_130 : vector<64x64xf32>
      %max3A_134 = arith.maximumf %add3A_130, %mul3A_133 : vector<64x64xf32>
      %exp3A = math.exp %max3A_134 : vector<64x64xf32>
      %mul3A_135 = arith.mulf %add3A, %exp3A : vector<64x64xf32>
      %reduce_sum3A_136 = arith.constant dense<0.000000e+00> : vector<64xf32>
      %reduce_sum3A_137 = vector.multi_reduction <add>, %mul3A_135, %reduce_sum3A_136 [1] : vector<64x64xf32> to vector<64xf32>
      %broadcast_in_dim3A_138 = vector.shape_cast %reduce_sum3A_137 : vector<64xf32> to vector<64x1xf32>
      %add3A_139 = arith.constant 1.000000e-16 : f32
      %add3A_140 = vector.broadcast %add3A_139 : f32 to vector<64x1xf32>
      %add3A_141 = arith.addf %broadcast_in_dim3A_138, %add3A_140 : vector<64x1xf32>
      %div3A_142 = arith.constant 1.000000e+00 : f32
      %div3A_143 = vector.broadcast %div3A_142 : f32 to vector<64x1xf32>
      %div3A_144 = arith.divf %div3A_143, %add3A_141 : vector<64x1xf32>
      %dot_general3A_145 = arith.constant dense<0.000000e+00> : vector<64x128xf32>
      %dot_general3A_146 = tpu.matmul %mul3A_135, %slice3A_125, %dot_general3A_145 {dimension_numbers = #tpu.dot_dimension_numbers<[1], [0], [0], [1], [0, 0, 1, 1], [], []>, transpose_lhs_hint = false} : vector<64x64xf32>, vector<64x128xf32>, vector<64x128xf32> -> vector<64x128xf32>
      %mul3A_147 = vector.broadcast %div3A_144 : vector<64x1xf32> to vector<64x128xf32>
      %mul3A_148 = arith.mulf %dot_general3A_146, %mul3A_147 : vector<64x128xf32>
      %slice3A_149 = vector.extract_strided_slice %slice3A {offsets = [0, 128], sizes = [64, 128], strides = [1, 1]} : vector<64x512xf32> to vector<64x128xf32>
      %slice3A_150 = vector.extract_strided_slice %dot_general3A_121 {offsets = [0, 1], sizes = [64, 1], strides = [1, 1]} : vector<512x4xf32> to vector<64x1xf32>
      %slice3A_151 = vector.extract_strided_slice %dot_general3A_119 {offsets = [1, 0], sizes = [1, 64], strides = [1, 1]} : vector<4x512xf32> to vector<1x64xf32>
      %add3A_152 = vector.broadcast %slice3A_150 : vector<64x1xf32> to vector<64x64xf32>
      %add3A_153 = vector.broadcast %slice3A_151 : vector<1x64xf32> to vector<64x64xf32>
      %add3A_154 = arith.addf %add3A_152, %add3A_153 : vector<64x64xf32>
      %mul3A_155 = arith.constant 2.000000e-01 : f32
      %mul3A_156 = vector.broadcast %mul3A_155 : f32 to vector<64x64xf32>
      %mul3A_157 = arith.mulf %mul3A_156, %add3A_154 : vector<64x64xf32>
      %max3A_158 = arith.maximumf %add3A_154, %mul3A_157 : vector<64x64xf32>
      %exp3A_159 = math.exp %max3A_158 : vector<64x64xf32>
      %mul3A_160 = arith.mulf %add3A, %exp3A_159 : vector<64x64xf32>
      %reduce_sum3A_161 = arith.constant dense<0.000000e+00> : vector<64xf32>
      %reduce_sum3A_162 = vector.multi_reduction <add>, %mul3A_160, %reduce_sum3A_161 [1] : vector<64x64xf32> to vector<64xf32>
      %broadcast_in_dim3A_163 = vector.shape_cast %reduce_sum3A_162 : vector<64xf32> to vector<64x1xf32>
      %add3A_164 = arith.constant 1.000000e-16 : f32
      %add3A_165 = vector.broadcast %add3A_164 : f32 to vector<64x1xf32>
      %add3A_166 = arith.addf %broadcast_in_dim3A_163, %add3A_165 : vector<64x1xf32>
      %div3A_167 = arith.constant 1.000000e+00 : f32
      %div3A_168 = vector.broadcast %div3A_167 : f32 to vector<64x1xf32>
      %div3A_169 = arith.divf %div3A_168, %add3A_166 : vector<64x1xf32>
      %dot_general3A_170 = arith.constant dense<0.000000e+00> : vector<64x128xf32>
      %dot_general3A_171 = tpu.matmul %mul3A_160, %slice3A_149, %dot_general3A_170 {dimension_numbers = #tpu.dot_dimension_numbers<[1], [0], [0], [1], [0, 0, 1, 1], [], []>, transpose_lhs_hint = false} : vector<64x64xf32>, vector<64x128xf32>, vector<64x128xf32> -> vector<64x128xf32>
      %mul3A_172 = vector.broadcast %div3A_169 : vector<64x1xf32> to vector<64x128xf32>
      %mul3A_173 = arith.mulf %dot_general3A_171, %mul3A_172 : vector<64x128xf32>
      %slice3A_174 = vector.extract_strided_slice %slice3A {offsets = [0, 256], sizes = [64, 128], strides = [1, 1]} : vector<64x512xf32> to vector<64x128xf32>
      %slice3A_175 = vector.extract_strided_slice %dot_general3A_121 {offsets = [0, 2], sizes = [64, 1], strides = [1, 1]} : vector<512x4xf32> to vector<64x1xf32>
      %slice3A_176 = vector.extract_strided_slice %dot_general3A_119 {offsets = [2, 0], sizes = [1, 64], strides = [1, 1]} : vector<4x512xf32> to vector<1x64xf32>
      %add3A_177 = vector.broadcast %slice3A_175 : vector<64x1xf32> to vector<64x64xf32>
      %add3A_178 = vector.broadcast %slice3A_176 : vector<1x64xf32> to vector<64x64xf32>
      %add3A_179 = arith.addf %add3A_177, %add3A_178 : vector<64x64xf32>
      %mul3A_180 = arith.constant 2.000000e-01 : f32
      %mul3A_181 = vector.broadcast %mul3A_180 : f32 to vector<64x64xf32>
      %mul3A_182 = arith.mulf %mul3A_181, %add3A_179 : vector<64x64xf32>
      %max3A_183 = arith.maximumf %add3A_179, %mul3A_182 : vector<64x64xf32>
      %exp3A_184 = math.exp %max3A_183 : vector<64x64xf32>
      %mul3A_185 = arith.mulf %add3A, %exp3A_184 : vector<64x64xf32>
      %reduce_sum3A_186 = arith.constant dense<0.000000e+00> : vector<64xf32>
      %reduce_sum3A_187 = vector.multi_reduction <add>, %mul3A_185, %reduce_sum3A_186 [1] : vector<64x64xf32> to vector<64xf32>
      %broadcast_in_dim3A_188 = vector.shape_cast %reduce_sum3A_187 : vector<64xf32> to vector<64x1xf32>
      %add3A_189 = arith.constant 1.000000e-16 : f32
      %add3A_190 = vector.broadcast %add3A_189 : f32 to vector<64x1xf32>
      %add3A_191 = arith.addf %broadcast_in_dim3A_188, %add3A_190 : vector<64x1xf32>
      %div3A_192 = arith.constant 1.000000e+00 : f32
      %div3A_193 = vector.broadcast %div3A_192 : f32 to vector<64x1xf32>
      %div3A_194 = arith.divf %div3A_193, %add3A_191 : vector<64x1xf32>
      %dot_general3A_195 = arith.constant dense<0.000000e+00> : vector<64x128xf32>
      %dot_general3A_196 = tpu.matmul %mul3A_185, %slice3A_174, %dot_general3A_195 {dimension_numbers = #tpu.dot_dimension_numbers<[1], [0], [0], [1], [0, 0, 1, 1], [], []>, transpose_lhs_hint = false} : vector<64x64xf32>, vector<64x128xf32>, vector<64x128xf32> -> vector<64x128xf32>
      %mul3A_197 = vector.broadcast %div3A_194 : vector<64x1xf32> to vector<64x128xf32>
      %mul3A_198 = arith.mulf %dot_general3A_196, %mul3A_197 : vector<64x128xf32>
      %slice3A_199 = vector.extract_strided_slice %slice3A {offsets = [0, 384], sizes = [64, 128], strides = [1, 1]} : vector<64x512xf32> to vector<64x128xf32>
      %slice3A_200 = vector.extract_strided_slice %dot_general3A_121 {offsets = [0, 3], sizes = [64, 1], strides = [1, 1]} : vector<512x4xf32> to vector<64x1xf32>
      %slice3A_201 = vector.extract_strided_slice %dot_general3A_119 {offsets = [3, 0], sizes = [1, 64], strides = [1, 1]} : vector<4x512xf32> to vector<1x64xf32>
      %add3A_202 = vector.broadcast %slice3A_200 : vector<64x1xf32> to vector<64x64xf32>
      %add3A_203 = vector.broadcast %slice3A_201 : vector<1x64xf32> to vector<64x64xf32>
      %add3A_204 = arith.addf %add3A_202, %add3A_203 : vector<64x64xf32>
      %mul3A_205 = arith.constant 2.000000e-01 : f32
      %mul3A_206 = vector.broadcast %mul3A_205 : f32 to vector<64x64xf32>
      %mul3A_207 = arith.mulf %mul3A_206, %add3A_204 : vector<64x64xf32>
      %max3A_208 = arith.maximumf %add3A_204, %mul3A_207 : vector<64x64xf32>
      %exp3A_209 = math.exp %max3A_208 : vector<64x64xf32>
      %mul3A_210 = arith.mulf %add3A, %exp3A_209 : vector<64x64xf32>
      %reduce_sum3A_211 = arith.constant dense<0.000000e+00> : vector<64xf32>
      %reduce_sum3A_212 = vector.multi_reduction <add>, %mul3A_210, %reduce_sum3A_211 [1] : vector<64x64xf32> to vector<64xf32>
      %broadcast_in_dim3A_213 = vector.shape_cast %reduce_sum3A_212 : vector<64xf32> to vector<64x1xf32>
      %add3A_214 = arith.constant 1.000000e-16 : f32
      %add3A_215 = vector.broadcast %add3A_214 : f32 to vector<64x1xf32>
      %add3A_216 = arith.addf %broadcast_in_dim3A_213, %add3A_215 : vector<64x1xf32>
      %div3A_217 = arith.constant 1.000000e+00 : f32
      %div3A_218 = vector.broadcast %div3A_217 : f32 to vector<64x1xf32>
      %div3A_219 = arith.divf %div3A_218, %add3A_216 : vector<64x1xf32>
      %dot_general3A_220 = arith.constant dense<0.000000e+00> : vector<64x128xf32>
      %dot_general3A_221 = tpu.matmul %mul3A_210, %slice3A_199, %dot_general3A_220 {dimension_numbers = #tpu.dot_dimension_numbers<[1], [0], [0], [1], [0, 0, 1, 1], [], []>, transpose_lhs_hint = false} : vector<64x64xf32>, vector<64x128xf32>, vector<64x128xf32> -> vector<64x128xf32>
      %mul3A_222 = vector.broadcast %div3A_219 : vector<64x1xf32> to vector<64x128xf32>
      %mul3A_223 = arith.mulf %dot_general3A_221, %mul3A_222 : vector<64x128xf32>
      %concatenate3A = tpu.concatenate %mul3A_148, %mul3A_173, %mul3A_198, %mul3A_223 in 1 : vector<64x128xf32>, vector<64x128xf32>, vector<64x128xf32>, vector<64x128xf32> -> vector<64x512xf32>
      %add3A_224 = vector.broadcast %get3A_124 : vector<1x512xf32> to vector<64x512xf32>
      %add3A_225 = arith.addf %concatenate3A, %add3A_224 : vector<64x512xf32>
      %slice3A_226 = vector.extract_strided_slice %dot_general3A_111 {offsets = [64, 0], sizes = [64, 512], strides = [1, 1]} : vector<512x512xf32> to vector<64x512xf32>
      %get3A_227 = arith.constant 0 : index
      %get3A_228 = arith.constant 0 : index
      %get3A_229 = vector.load %arg12[%get3A_227, %get3A_228] : memref<1x512xf32, #tpu.memory_space<vmem>>, vector<1x512xf32>
      %slice3A_230 = vector.extract_strided_slice %slice3A_226 {offsets = [0, 0], sizes = [64, 128], strides = [1, 1]} : vector<64x512xf32> to vector<64x128xf32>
      %slice3A_231 = vector.extract_strided_slice %dot_general3A_121 {offsets = [64, 0], sizes = [64, 1], strides = [1, 1]} : vector<512x4xf32> to vector<64x1xf32>
      %slice3A_232 = vector.extract_strided_slice %dot_general3A_119 {offsets = [0, 64], sizes = [1, 64], strides = [1, 1]} : vector<4x512xf32> to vector<1x64xf32>
      %add3A_233 = vector.broadcast %slice3A_231 : vector<64x1xf32> to vector<64x64xf32>
      %add3A_234 = vector.broadcast %slice3A_232 : vector<1x64xf32> to vector<64x64xf32>
      %add3A_235 = arith.addf %add3A_233, %add3A_234 : vector<64x64xf32>
      %mul3A_236 = arith.constant 2.000000e-01 : f32
      %mul3A_237 = vector.broadcast %mul3A_236 : f32 to vector<64x64xf32>
      %mul3A_238 = arith.mulf %mul3A_237, %add3A_235 : vector<64x64xf32>
      %max3A_239 = arith.maximumf %add3A_235, %mul3A_238 : vector<64x64xf32>
      %exp3A_240 = math.exp %max3A_239 : vector<64x64xf32>
      %mul3A_241 = arith.mulf %add3A_19, %exp3A_240 : vector<64x64xf32>
      %reduce_sum3A_242 = arith.constant dense<0.000000e+00> : vector<64xf32>
      %reduce_sum3A_243 = vector.multi_reduction <add>, %mul3A_241, %reduce_sum3A_242 [1] : vector<64x64xf32> to vector<64xf32>
      %broadcast_in_dim3A_244 = vector.shape_cast %reduce_sum3A_243 : vector<64xf32> to vector<64x1xf32>
      %add3A_245 = arith.constant 1.000000e-16 : f32
      %add3A_246 = vector.broadcast %add3A_245 : f32 to vector<64x1xf32>
      %add3A_247 = arith.addf %broadcast_in_dim3A_244, %add3A_246 : vector<64x1xf32>
      %div3A_248 = arith.constant 1.000000e+00 : f32
      %div3A_249 = vector.broadcast %div3A_248 : f32 to vector<64x1xf32>
      %div3A_250 = arith.divf %div3A_249, %add3A_247 : vector<64x1xf32>
      %dot_general3A_251 = arith.constant dense<0.000000e+00> : vector<64x128xf32>
      %dot_general3A_252 = tpu.matmul %mul3A_241, %slice3A_230, %dot_general3A_251 {dimension_numbers = #tpu.dot_dimension_numbers<[1], [0], [0], [1], [0, 0, 1, 1], [], []>, transpose_lhs_hint = false} : vector<64x64xf32>, vector<64x128xf32>, vector<64x128xf32> -> vector<64x128xf32>
      %mul3A_253 = vector.broadcast %div3A_250 : vector<64x1xf32> to vector<64x128xf32>
      %mul3A_254 = arith.mulf %dot_general3A_252, %mul3A_253 : vector<64x128xf32>
      %slice3A_255 = vector.extract_strided_slice %slice3A_226 {offsets = [0, 128], sizes = [64, 128], strides = [1, 1]} : vector<64x512xf32> to vector<64x128xf32>
      %slice3A_256 = vector.extract_strided_slice %dot_general3A_121 {offsets = [64, 1], sizes = [64, 1], strides = [1, 1]} : vector<512x4xf32> to vector<64x1xf32>
      %slice3A_257 = vector.extract_strided_slice %dot_general3A_119 {offsets = [1, 64], sizes = [1, 64], strides = [1, 1]} : vector<4x512xf32> to vector<1x64xf32>
      %add3A_258 = vector.broadcast %slice3A_256 : vector<64x1xf32> to vector<64x64xf32>
      %add3A_259 = vector.broadcast %slice3A_257 : vector<1x64xf32> to vector<64x64xf32>
      %add3A_260 = arith.addf %add3A_258, %add3A_259 : vector<64x64xf32>
      %mul3A_261 = arith.constant 2.000000e-01 : f32
      %mul3A_262 = vector.broadcast %mul3A_261 : f32 to vector<64x64xf32>
      %mul3A_263 = arith.mulf %mul3A_262, %add3A_260 : vector<64x64xf32>
      %max3A_264 = arith.maximumf %add3A_260, %mul3A_263 : vector<64x64xf32>
      %exp3A_265 = math.exp %max3A_264 : vector<64x64xf32>
      %mul3A_266 = arith.mulf %add3A_19, %exp3A_265 : vector<64x64xf32>
      %reduce_sum3A_267 = arith.constant dense<0.000000e+00> : vector<64xf32>
      %reduce_sum3A_268 = vector.multi_reduction <add>, %mul3A_266, %reduce_sum3A_267 [1] : vector<64x64xf32> to vector<64xf32>
      %broadcast_in_dim3A_269 = vector.shape_cast %reduce_sum3A_268 : vector<64xf32> to vector<64x1xf32>
      %add3A_270 = arith.constant 1.000000e-16 : f32
      %add3A_271 = vector.broadcast %add3A_270 : f32 to vector<64x1xf32>
      %add3A_272 = arith.addf %broadcast_in_dim3A_269, %add3A_271 : vector<64x1xf32>
      %div3A_273 = arith.constant 1.000000e+00 : f32
      %div3A_274 = vector.broadcast %div3A_273 : f32 to vector<64x1xf32>
      %div3A_275 = arith.divf %div3A_274, %add3A_272 : vector<64x1xf32>
      %dot_general3A_276 = arith.constant dense<0.000000e+00> : vector<64x128xf32>
      %dot_general3A_277 = tpu.matmul %mul3A_266, %slice3A_255, %dot_general3A_276 {dimension_numbers = #tpu.dot_dimension_numbers<[1], [0], [0], [1], [0, 0, 1, 1], [], []>, transpose_lhs_hint = false} : vector<64x64xf32>, vector<64x128xf32>, vector<64x128xf32> -> vector<64x128xf32>
      %mul3A_278 = vector.broadcast %div3A_275 : vector<64x1xf32> to vector<64x128xf32>
      %mul3A_279 = arith.mulf %dot_general3A_277, %mul3A_278 : vector<64x128xf32>
      %slice3A_280 = vector.extract_strided_slice %slice3A_226 {offsets = [0, 256], sizes = [64, 128], strides = [1, 1]} : vector<64x512xf32> to vector<64x128xf32>
      %slice3A_281 = vector.extract_strided_slice %dot_general3A_121 {offsets = [64, 2], sizes = [64, 1], strides = [1, 1]} : vector<512x4xf32> to vector<64x1xf32>
      %slice3A_282 = vector.extract_strided_slice %dot_general3A_119 {offsets = [2, 64], sizes = [1, 64], strides = [1, 1]} : vector<4x512xf32> to vector<1x64xf32>
      %add3A_283 = vector.broadcast %slice3A_281 : vector<64x1xf32> to vector<64x64xf32>
      %add3A_284 = vector.broadcast %slice3A_282 : vector<1x64xf32> to vector<64x64xf32>
      %add3A_285 = arith.addf %add3A_283, %add3A_284 : vector<64x64xf32>
      %mul3A_286 = arith.constant 2.000000e-01 : f32
      %mul3A_287 = vector.broadcast %mul3A_286 : f32 to vector<64x64xf32>
      %mul3A_288 = arith.mulf %mul3A_287, %add3A_285 : vector<64x64xf32>
      %max3A_289 = arith.maximumf %add3A_285, %mul3A_288 : vector<64x64xf32>
      %exp3A_290 = math.exp %max3A_289 : vector<64x64xf32>
      %mul3A_291 = arith.mulf %add3A_19, %exp3A_290 : vector<64x64xf32>
      %reduce_sum3A_292 = arith.constant dense<0.000000e+00> : vector<64xf32>
      %reduce_sum3A_293 = vector.multi_reduction <add>, %mul3A_291, %reduce_sum3A_292 [1] : vector<64x64xf32> to vector<64xf32>
      %broadcast_in_dim3A_294 = vector.shape_cast %reduce_sum3A_293 : vector<64xf32> to vector<64x1xf32>
      %add3A_295 = arith.constant 1.000000e-16 : f32
      %add3A_296 = vector.broadcast %add3A_295 : f32 to vector<64x1xf32>
      %add3A_297 = arith.addf %broadcast_in_dim3A_294, %add3A_296 : vector<64x1xf32>
      %div3A_298 = arith.constant 1.000000e+00 : f32
      %div3A_299 = vector.broadcast %div3A_298 : f32 to vector<64x1xf32>
      %div3A_300 = arith.divf %div3A_299, %add3A_297 : vector<64x1xf32>
      %dot_general3A_301 = arith.constant dense<0.000000e+00> : vector<64x128xf32>
      %dot_general3A_302 = tpu.matmul %mul3A_291, %slice3A_280, %dot_general3A_301 {dimension_numbers = #tpu.dot_dimension_numbers<[1], [0], [0], [1], [0, 0, 1, 1], [], []>, transpose_lhs_hint = false} : vector<64x64xf32>, vector<64x128xf32>, vector<64x128xf32> -> vector<64x128xf32>
      %mul3A_303 = vector.broadcast %div3A_300 : vector<64x1xf32> to vector<64x128xf32>
      %mul3A_304 = arith.mulf %dot_general3A_302, %mul3A_303 : vector<64x128xf32>
      %slice3A_305 = vector.extract_strided_slice %slice3A_226 {offsets = [0, 384], sizes = [64, 128], strides = [1, 1]} : vector<64x512xf32> to vector<64x128xf32>
      %slice3A_306 = vector.extract_strided_slice %dot_general3A_121 {offsets = [64, 3], sizes = [64, 1], strides = [1, 1]} : vector<512x4xf32> to vector<64x1xf32>
      %slice3A_307 = vector.extract_strided_slice %dot_general3A_119 {offsets = [3, 64], sizes = [1, 64], strides = [1, 1]} : vector<4x512xf32> to vector<1x64xf32>
      %add3A_308 = vector.broadcast %slice3A_306 : vector<64x1xf32> to vector<64x64xf32>
      %add3A_309 = vector.broadcast %slice3A_307 : vector<1x64xf32> to vector<64x64xf32>
      %add3A_310 = arith.addf %add3A_308, %add3A_309 : vector<64x64xf32>
      %mul3A_311 = arith.constant 2.000000e-01 : f32
      %mul3A_312 = vector.broadcast %mul3A_311 : f32 to vector<64x64xf32>
      %mul3A_313 = arith.mulf %mul3A_312, %add3A_310 : vector<64x64xf32>
      %max3A_314 = arith.maximumf %add3A_310, %mul3A_313 : vector<64x64xf32>
      %exp3A_315 = math.exp %max3A_314 : vector<64x64xf32>
      %mul3A_316 = arith.mulf %add3A_19, %exp3A_315 : vector<64x64xf32>
      %reduce_sum3A_317 = arith.constant dense<0.000000e+00> : vector<64xf32>
      %reduce_sum3A_318 = vector.multi_reduction <add>, %mul3A_316, %reduce_sum3A_317 [1] : vector<64x64xf32> to vector<64xf32>
      %broadcast_in_dim3A_319 = vector.shape_cast %reduce_sum3A_318 : vector<64xf32> to vector<64x1xf32>
      %add3A_320 = arith.constant 1.000000e-16 : f32
      %add3A_321 = vector.broadcast %add3A_320 : f32 to vector<64x1xf32>
      %add3A_322 = arith.addf %broadcast_in_dim3A_319, %add3A_321 : vector<64x1xf32>
      %div3A_323 = arith.constant 1.000000e+00 : f32
      %div3A_324 = vector.broadcast %div3A_323 : f32 to vector<64x1xf32>
      %div3A_325 = arith.divf %div3A_324, %add3A_322 : vector<64x1xf32>
      %dot_general3A_326 = arith.constant dense<0.000000e+00> : vector<64x128xf32>
      %dot_general3A_327 = tpu.matmul %mul3A_316, %slice3A_305, %dot_general3A_326 {dimension_numbers = #tpu.dot_dimension_numbers<[1], [0], [0], [1], [0, 0, 1, 1], [], []>, transpose_lhs_hint = false} : vector<64x64xf32>, vector<64x128xf32>, vector<64x128xf32> -> vector<64x128xf32>
      %mul3A_328 = vector.broadcast %div3A_325 : vector<64x1xf32> to vector<64x128xf32>
      %mul3A_329 = arith.mulf %dot_general3A_327, %mul3A_328 : vector<64x128xf32>
      %concatenate3A_330 = tpu.concatenate %mul3A_254, %mul3A_279, %mul3A_304, %mul3A_329 in 1 : vector<64x128xf32>, vector<64x128xf32>, vector<64x128xf32>, vector<64x128xf32> -> vector<64x512xf32>
      %add3A_331 = vector.broadcast %get3A_229 : vector<1x512xf32> to vector<64x512xf32>
      %add3A_332 = arith.addf %concatenate3A_330, %add3A_331 : vector<64x512xf32>
      %slice3A_333 = vector.extract_strided_slice %dot_general3A_111 {offsets = [128, 0], sizes = [64, 512], strides = [1, 1]} : vector<512x512xf32> to vector<64x512xf32>
      %get3A_334 = arith.constant 0 : index
      %get3A_335 = arith.constant 0 : index
      %get3A_336 = vector.load %arg12[%get3A_334, %get3A_335] : memref<1x512xf32, #tpu.memory_space<vmem>>, vector<1x512xf32>
      %slice3A_337 = vector.extract_strided_slice %slice3A_333 {offsets = [0, 0], sizes = [64, 128], strides = [1, 1]} : vector<64x512xf32> to vector<64x128xf32>
      %slice3A_338 = vector.extract_strided_slice %dot_general3A_121 {offsets = [128, 0], sizes = [64, 1], strides = [1, 1]} : vector<512x4xf32> to vector<64x1xf32>
      %slice3A_339 = vector.extract_strided_slice %dot_general3A_119 {offsets = [0, 128], sizes = [1, 64], strides = [1, 1]} : vector<4x512xf32> to vector<1x64xf32>
      %add3A_340 = vector.broadcast %slice3A_338 : vector<64x1xf32> to vector<64x64xf32>
      %add3A_341 = vector.broadcast %slice3A_339 : vector<1x64xf32> to vector<64x64xf32>
      %add3A_342 = arith.addf %add3A_340, %add3A_341 : vector<64x64xf32>
      %mul3A_343 = arith.constant 2.000000e-01 : f32
      %mul3A_344 = vector.broadcast %mul3A_343 : f32 to vector<64x64xf32>
      %mul3A_345 = arith.mulf %mul3A_344, %add3A_342 : vector<64x64xf32>
      %max3A_346 = arith.maximumf %add3A_342, %mul3A_345 : vector<64x64xf32>
      %exp3A_347 = math.exp %max3A_346 : vector<64x64xf32>
      %mul3A_348 = arith.mulf %add3A_25, %exp3A_347 : vector<64x64xf32>
      %reduce_sum3A_349 = arith.constant dense<0.000000e+00> : vector<64xf32>
      %reduce_sum3A_350 = vector.multi_reduction <add>, %mul3A_348, %reduce_sum3A_349 [1] : vector<64x64xf32> to vector<64xf32>
      %broadcast_in_dim3A_351 = vector.shape_cast %reduce_sum3A_350 : vector<64xf32> to vector<64x1xf32>
      %add3A_352 = arith.constant 1.000000e-16 : f32
      %add3A_353 = vector.broadcast %add3A_352 : f32 to vector<64x1xf32>
      %add3A_354 = arith.addf %broadcast_in_dim3A_351, %add3A_353 : vector<64x1xf32>
      %div3A_355 = arith.constant 1.000000e+00 : f32
      %div3A_356 = vector.broadcast %div3A_355 : f32 to vector<64x1xf32>
      %div3A_357 = arith.divf %div3A_356, %add3A_354 : vector<64x1xf32>
      %dot_general3A_358 = arith.constant dense<0.000000e+00> : vector<64x128xf32>
      %dot_general3A_359 = tpu.matmul %mul3A_348, %slice3A_337, %dot_general3A_358 {dimension_numbers = #tpu.dot_dimension_numbers<[1], [0], [0], [1], [0, 0, 1, 1], [], []>, transpose_lhs_hint = false} : vector<64x64xf32>, vector<64x128xf32>, vector<64x128xf32> -> vector<64x128xf32>
      %mul3A_360 = vector.broadcast %div3A_357 : vector<64x1xf32> to vector<64x128xf32>
      %mul3A_361 = arith.mulf %dot_general3A_359, %mul3A_360 : vector<64x128xf32>
      %slice3A_362 = vector.extract_strided_slice %slice3A_333 {offsets = [0, 128], sizes = [64, 128], strides = [1, 1]} : vector<64x512xf32> to vector<64x128xf32>
      %slice3A_363 = vector.extract_strided_slice %dot_general3A_121 {offsets = [128, 1], sizes = [64, 1], strides = [1, 1]} : vector<512x4xf32> to vector<64x1xf32>
      %slice3A_364 = vector.extract_strided_slice %dot_general3A_119 {offsets = [1, 128], sizes = [1, 64], strides = [1, 1]} : vector<4x512xf32> to vector<1x64xf32>
      %add3A_365 = vector.broadcast %slice3A_363 : vector<64x1xf32> to vector<64x64xf32>
      %add3A_366 = vector.broadcast %slice3A_364 : vector<1x64xf32> to vector<64x64xf32>
      %add3A_367 = arith.addf %add3A_365, %add3A_366 : vector<64x64xf32>
      %mul3A_368 = arith.constant 2.000000e-01 : f32
      %mul3A_369 = vector.broadcast %mul3A_368 : f32 to vector<64x64xf32>
      %mul3A_370 = arith.mulf %mul3A_369, %add3A_367 : vector<64x64xf32>
      %max3A_371 = arith.maximumf %add3A_367, %mul3A_370 : vector<64x64xf32>
      %exp3A_372 = math.exp %max3A_371 : vector<64x64xf32>
      %mul3A_373 = arith.mulf %add3A_25, %exp3A_372 : vector<64x64xf32>
      %reduce_sum3A_374 = arith.constant dense<0.000000e+00> : vector<64xf32>
      %reduce_sum3A_375 = vector.multi_reduction <add>, %mul3A_373, %reduce_sum3A_374 [1] : vector<64x64xf32> to vector<64xf32>
      %broadcast_in_dim3A_376 = vector.shape_cast %reduce_sum3A_375 : vector<64xf32> to vector<64x1xf32>
      %add3A_377 = arith.constant 1.000000e-16 : f32
      %add3A_378 = vector.broadcast %add3A_377 : f32 to vector<64x1xf32>
      %add3A_379 = arith.addf %broadcast_in_dim3A_376, %add3A_378 : vector<64x1xf32>
      %div3A_380 = arith.constant 1.000000e+00 : f32
      %div3A_381 = vector.broadcast %div3A_380 : f32 to vector<64x1xf32>
      %div3A_382 = arith.divf %div3A_381, %add3A_379 : vector<64x1xf32>
      %dot_general3A_383 = arith.constant dense<0.000000e+00> : vector<64x128xf32>
      %dot_general3A_384 = tpu.matmul %mul3A_373, %slice3A_362, %dot_general3A_383 {dimension_numbers = #tpu.dot_dimension_numbers<[1], [0], [0], [1], [0, 0, 1, 1], [], []>, transpose_lhs_hint = false} : vector<64x64xf32>, vector<64x128xf32>, vector<64x128xf32> -> vector<64x128xf32>
      %mul3A_385 = vector.broadcast %div3A_382 : vector<64x1xf32> to vector<64x128xf32>
      %mul3A_386 = arith.mulf %dot_general3A_384, %mul3A_385 : vector<64x128xf32>
      %slice3A_387 = vector.extract_strided_slice %slice3A_333 {offsets = [0, 256], sizes = [64, 128], strides = [1, 1]} : vector<64x512xf32> to vector<64x128xf32>
      %slice3A_388 = vector.extract_strided_slice %dot_general3A_121 {offsets = [128, 2], sizes = [64, 1], strides = [1, 1]} : vector<512x4xf32> to vector<64x1xf32>
      %slice3A_389 = vector.extract_strided_slice %dot_general3A_119 {offsets = [2, 128], sizes = [1, 64], strides = [1, 1]} : vector<4x512xf32> to vector<1x64xf32>
      %add3A_390 = vector.broadcast %slice3A_388 : vector<64x1xf32> to vector<64x64xf32>
      %add3A_391 = vector.broadcast %slice3A_389 : vector<1x64xf32> to vector<64x64xf32>
      %add3A_392 = arith.addf %add3A_390, %add3A_391 : vector<64x64xf32>
      %mul3A_393 = arith.constant 2.000000e-01 : f32
      %mul3A_394 = vector.broadcast %mul3A_393 : f32 to vector<64x64xf32>
      %mul3A_395 = arith.mulf %mul3A_394, %add3A_392 : vector<64x64xf32>
      %max3A_396 = arith.maximumf %add3A_392, %mul3A_395 : vector<64x64xf32>
      %exp3A_397 = math.exp %max3A_396 : vector<64x64xf32>
      %mul3A_398 = arith.mulf %add3A_25, %exp3A_397 : vector<64x64xf32>
      %reduce_sum3A_399 = arith.constant dense<0.000000e+00> : vector<64xf32>
      %reduce_sum3A_400 = vector.multi_reduction <add>, %mul3A_398, %reduce_sum3A_399 [1] : vector<64x64xf32> to vector<64xf32>
      %broadcast_in_dim3A_401 = vector.shape_cast %reduce_sum3A_400 : vector<64xf32> to vector<64x1xf32>
      %add3A_402 = arith.constant 1.000000e-16 : f32
      %add3A_403 = vector.broadcast %add3A_402 : f32 to vector<64x1xf32>
      %add3A_404 = arith.addf %broadcast_in_dim3A_401, %add3A_403 : vector<64x1xf32>
      %div3A_405 = arith.constant 1.000000e+00 : f32
      %div3A_406 = vector.broadcast %div3A_405 : f32 to vector<64x1xf32>
      %div3A_407 = arith.divf %div3A_406, %add3A_404 : vector<64x1xf32>
      %dot_general3A_408 = arith.constant dense<0.000000e+00> : vector<64x128xf32>
      %dot_general3A_409 = tpu.matmul %mul3A_398, %slice3A_387, %dot_general3A_408 {dimension_numbers = #tpu.dot_dimension_numbers<[1], [0], [0], [1], [0, 0, 1, 1], [], []>, transpose_lhs_hint = false} : vector<64x64xf32>, vector<64x128xf32>, vector<64x128xf32> -> vector<64x128xf32>
      %mul3A_410 = vector.broadcast %div3A_407 : vector<64x1xf32> to vector<64x128xf32>
      %mul3A_411 = arith.mulf %dot_general3A_409, %mul3A_410 : vector<64x128xf32>
      %slice3A_412 = vector.extract_strided_slice %slice3A_333 {offsets = [0, 384], sizes = [64, 128], strides = [1, 1]} : vector<64x512xf32> to vector<64x128xf32>
      %slice3A_413 = vector.extract_strided_slice %dot_general3A_121 {offsets = [128, 3], sizes = [64, 1], strides = [1, 1]} : vector<512x4xf32> to vector<64x1xf32>
      %slice3A_414 = vector.extract_strided_slice %dot_general3A_119 {offsets = [3, 128], sizes = [1, 64], strides = [1, 1]} : vector<4x512xf32> to vector<1x64xf32>
      %add3A_415 = vector.broadcast %slice3A_413 : vector<64x1xf32> to vector<64x64xf32>
      %add3A_416 = vector.broadcast %slice3A_414 : vector<1x64xf32> to vector<64x64xf32>
      %add3A_417 = arith.addf %add3A_415, %add3A_416 : vector<64x64xf32>
      %mul3A_418 = arith.constant 2.000000e-01 : f32
      %mul3A_419 = vector.broadcast %mul3A_418 : f32 to vector<64x64xf32>
      %mul3A_420 = arith.mulf %mul3A_419, %add3A_417 : vector<64x64xf32>
      %max3A_421 = arith.maximumf %add3A_417, %mul3A_420 : vector<64x64xf32>
      %exp3A_422 = math.exp %max3A_421 : vector<64x64xf32>
      %mul3A_423 = arith.mulf %add3A_25, %exp3A_422 : vector<64x64xf32>
      %reduce_sum3A_424 = arith.constant dense<0.000000e+00> : vector<64xf32>
      %reduce_sum3A_425 = vector.multi_reduction <add>, %mul3A_423, %reduce_sum3A_424 [1] : vector<64x64xf32> to vector<64xf32>
      %broadcast_in_dim3A_426 = vector.shape_cast %reduce_sum3A_425 : vector<64xf32> to vector<64x1xf32>
      %add3A_427 = arith.constant 1.000000e-16 : f32
      %add3A_428 = vector.broadcast %add3A_427 : f32 to vector<64x1xf32>
      %add3A_429 = arith.addf %broadcast_in_dim3A_426, %add3A_428 : vector<64x1xf32>
      %div3A_430 = arith.constant 1.000000e+00 : f32
      %div3A_431 = vector.broadcast %div3A_430 : f32 to vector<64x1xf32>
      %div3A_432 = arith.divf %div3A_431, %add3A_429 : vector<64x1xf32>
      %dot_general3A_433 = arith.constant dense<0.000000e+00> : vector<64x128xf32>
      %dot_general3A_434 = tpu.matmul %mul3A_423, %slice3A_412, %dot_general3A_433 {dimension_numbers = #tpu.dot_dimension_numbers<[1], [0], [0], [1], [0, 0, 1, 1], [], []>, transpose_lhs_hint = false} : vector<64x64xf32>, vector<64x128xf32>, vector<64x128xf32> -> vector<64x128xf32>
      %mul3A_435 = vector.broadcast %div3A_432 : vector<64x1xf32> to vector<64x128xf32>
      %mul3A_436 = arith.mulf %dot_general3A_434, %mul3A_435 : vector<64x128xf32>
      %concatenate3A_437 = tpu.concatenate %mul3A_361, %mul3A_386, %mul3A_411, %mul3A_436 in 1 : vector<64x128xf32>, vector<64x128xf32>, vector<64x128xf32>, vector<64x128xf32> -> vector<64x512xf32>
      %add3A_438 = vector.broadcast %get3A_336 : vector<1x512xf32> to vector<64x512xf32>
      %add3A_439 = arith.addf %concatenate3A_437, %add3A_438 : vector<64x512xf32>
      %slice3A_440 = vector.extract_strided_slice %dot_general3A_111 {offsets = [192, 0], sizes = [64, 512], strides = [1, 1]} : vector<512x512xf32> to vector<64x512xf32>
      %get3A_441 = arith.constant 0 : index
      %get3A_442 = arith.constant 0 : index
      %get3A_443 = vector.load %arg12[%get3A_441, %get3A_442] : memref<1x512xf32, #tpu.memory_space<vmem>>, vector<1x512xf32>
      %slice3A_444 = vector.extract_strided_slice %slice3A_440 {offsets = [0, 0], sizes = [64, 128], strides = [1, 1]} : vector<64x512xf32> to vector<64x128xf32>
      %slice3A_445 = vector.extract_strided_slice %dot_general3A_121 {offsets = [192, 0], sizes = [64, 1], strides = [1, 1]} : vector<512x4xf32> to vector<64x1xf32>
      %slice3A_446 = vector.extract_strided_slice %dot_general3A_119 {offsets = [0, 192], sizes = [1, 64], strides = [1, 1]} : vector<4x512xf32> to vector<1x64xf32>
      %add3A_447 = vector.broadcast %slice3A_445 : vector<64x1xf32> to vector<64x64xf32>
      %add3A_448 = vector.broadcast %slice3A_446 : vector<1x64xf32> to vector<64x64xf32>
      %add3A_449 = arith.addf %add3A_447, %add3A_448 : vector<64x64xf32>
      %mul3A_450 = arith.constant 2.000000e-01 : f32
      %mul3A_451 = vector.broadcast %mul3A_450 : f32 to vector<64x64xf32>
      %mul3A_452 = arith.mulf %mul3A_451, %add3A_449 : vector<64x64xf32>
      %max3A_453 = arith.maximumf %add3A_449, %mul3A_452 : vector<64x64xf32>
      %exp3A_454 = math.exp %max3A_453 : vector<64x64xf32>
      %mul3A_455 = arith.mulf %add3A_31, %exp3A_454 : vector<64x64xf32>
      %reduce_sum3A_456 = arith.constant dense<0.000000e+00> : vector<64xf32>
      %reduce_sum3A_457 = vector.multi_reduction <add>, %mul3A_455, %reduce_sum3A_456 [1] : vector<64x64xf32> to vector<64xf32>
      %broadcast_in_dim3A_458 = vector.shape_cast %reduce_sum3A_457 : vector<64xf32> to vector<64x1xf32>
      %add3A_459 = arith.constant 1.000000e-16 : f32
      %add3A_460 = vector.broadcast %add3A_459 : f32 to vector<64x1xf32>
      %add3A_461 = arith.addf %broadcast_in_dim3A_458, %add3A_460 : vector<64x1xf32>
      %div3A_462 = arith.constant 1.000000e+00 : f32
      %div3A_463 = vector.broadcast %div3A_462 : f32 to vector<64x1xf32>
      %div3A_464 = arith.divf %div3A_463, %add3A_461 : vector<64x1xf32>
      %dot_general3A_465 = arith.constant dense<0.000000e+00> : vector<64x128xf32>
      %dot_general3A_466 = tpu.matmul %mul3A_455, %slice3A_444, %dot_general3A_465 {dimension_numbers = #tpu.dot_dimension_numbers<[1], [0], [0], [1], [0, 0, 1, 1], [], []>, transpose_lhs_hint = false} : vector<64x64xf32>, vector<64x128xf32>, vector<64x128xf32> -> vector<64x128xf32>
      %mul3A_467 = vector.broadcast %div3A_464 : vector<64x1xf32> to vector<64x128xf32>
      %mul3A_468 = arith.mulf %dot_general3A_466, %mul3A_467 : vector<64x128xf32>
      %slice3A_469 = vector.extract_strided_slice %slice3A_440 {offsets = [0, 128], sizes = [64, 128], strides = [1, 1]} : vector<64x512xf32> to vector<64x128xf32>
      %slice3A_470 = vector.extract_strided_slice %dot_general3A_121 {offsets = [192, 1], sizes = [64, 1], strides = [1, 1]} : vector<512x4xf32> to vector<64x1xf32>
      %slice3A_471 = vector.extract_strided_slice %dot_general3A_119 {offsets = [1, 192], sizes = [1, 64], strides = [1, 1]} : vector<4x512xf32> to vector<1x64xf32>
      %add3A_472 = vector.broadcast %slice3A_470 : vector<64x1xf32> to vector<64x64xf32>
      %add3A_473 = vector.broadcast %slice3A_471 : vector<1x64xf32> to vector<64x64xf32>
      %add3A_474 = arith.addf %add3A_472, %add3A_473 : vector<64x64xf32>
      %mul3A_475 = arith.constant 2.000000e-01 : f32
      %mul3A_476 = vector.broadcast %mul3A_475 : f32 to vector<64x64xf32>
      %mul3A_477 = arith.mulf %mul3A_476, %add3A_474 : vector<64x64xf32>
      %max3A_478 = arith.maximumf %add3A_474, %mul3A_477 : vector<64x64xf32>
      %exp3A_479 = math.exp %max3A_478 : vector<64x64xf32>
      %mul3A_480 = arith.mulf %add3A_31, %exp3A_479 : vector<64x64xf32>
      %reduce_sum3A_481 = arith.constant dense<0.000000e+00> : vector<64xf32>
      %reduce_sum3A_482 = vector.multi_reduction <add>, %mul3A_480, %reduce_sum3A_481 [1] : vector<64x64xf32> to vector<64xf32>
      %broadcast_in_dim3A_483 = vector.shape_cast %reduce_sum3A_482 : vector<64xf32> to vector<64x1xf32>
      %add3A_484 = arith.constant 1.000000e-16 : f32
      %add3A_485 = vector.broadcast %add3A_484 : f32 to vector<64x1xf32>
      %add3A_486 = arith.addf %broadcast_in_dim3A_483, %add3A_485 : vector<64x1xf32>
      %div3A_487 = arith.constant 1.000000e+00 : f32
      %div3A_488 = vector.broadcast %div3A_487 : f32 to vector<64x1xf32>
      %div3A_489 = arith.divf %div3A_488, %add3A_486 : vector<64x1xf32>
      %dot_general3A_490 = arith.constant dense<0.000000e+00> : vector<64x128xf32>
      %dot_general3A_491 = tpu.matmul %mul3A_480, %slice3A_469, %dot_general3A_490 {dimension_numbers = #tpu.dot_dimension_numbers<[1], [0], [0], [1], [0, 0, 1, 1], [], []>, transpose_lhs_hint = false} : vector<64x64xf32>, vector<64x128xf32>, vector<64x128xf32> -> vector<64x128xf32>
      %mul3A_492 = vector.broadcast %div3A_489 : vector<64x1xf32> to vector<64x128xf32>
      %mul3A_493 = arith.mulf %dot_general3A_491, %mul3A_492 : vector<64x128xf32>
      %slice3A_494 = vector.extract_strided_slice %slice3A_440 {offsets = [0, 256], sizes = [64, 128], strides = [1, 1]} : vector<64x512xf32> to vector<64x128xf32>
      %slice3A_495 = vector.extract_strided_slice %dot_general3A_121 {offsets = [192, 2], sizes = [64, 1], strides = [1, 1]} : vector<512x4xf32> to vector<64x1xf32>
      %slice3A_496 = vector.extract_strided_slice %dot_general3A_119 {offsets = [2, 192], sizes = [1, 64], strides = [1, 1]} : vector<4x512xf32> to vector<1x64xf32>
      %add3A_497 = vector.broadcast %slice3A_495 : vector<64x1xf32> to vector<64x64xf32>
      %add3A_498 = vector.broadcast %slice3A_496 : vector<1x64xf32> to vector<64x64xf32>
      %add3A_499 = arith.addf %add3A_497, %add3A_498 : vector<64x64xf32>
      %mul3A_500 = arith.constant 2.000000e-01 : f32
      %mul3A_501 = vector.broadcast %mul3A_500 : f32 to vector<64x64xf32>
      %mul3A_502 = arith.mulf %mul3A_501, %add3A_499 : vector<64x64xf32>
      %max3A_503 = arith.maximumf %add3A_499, %mul3A_502 : vector<64x64xf32>
      %exp3A_504 = math.exp %max3A_503 : vector<64x64xf32>
      %mul3A_505 = arith.mulf %add3A_31, %exp3A_504 : vector<64x64xf32>
      %reduce_sum3A_506 = arith.constant dense<0.000000e+00> : vector<64xf32>
      %reduce_sum3A_507 = vector.multi_reduction <add>, %mul3A_505, %reduce_sum3A_506 [1] : vector<64x64xf32> to vector<64xf32>
      %broadcast_in_dim3A_508 = vector.shape_cast %reduce_sum3A_507 : vector<64xf32> to vector<64x1xf32>
      %add3A_509 = arith.constant 1.000000e-16 : f32
      %add3A_510 = vector.broadcast %add3A_509 : f32 to vector<64x1xf32>
      %add3A_511 = arith.addf %broadcast_in_dim3A_508, %add3A_510 : vector<64x1xf32>
      %div3A_512 = arith.constant 1.000000e+00 : f32
      %div3A_513 = vector.broadcast %div3A_512 : f32 to vector<64x1xf32>
      %div3A_514 = arith.divf %div3A_513, %add3A_511 : vector<64x1xf32>
      %dot_general3A_515 = arith.constant dense<0.000000e+00> : vector<64x128xf32>
      %dot_general3A_516 = tpu.matmul %mul3A_505, %slice3A_494, %dot_general3A_515 {dimension_numbers = #tpu.dot_dimension_numbers<[1], [0], [0], [1], [0, 0, 1, 1], [], []>, transpose_lhs_hint = false} : vector<64x64xf32>, vector<64x128xf32>, vector<64x128xf32> -> vector<64x128xf32>
      %mul3A_517 = vector.broadcast %div3A_514 : vector<64x1xf32> to vector<64x128xf32>
      %mul3A_518 = arith.mulf %dot_general3A_516, %mul3A_517 : vector<64x128xf32>
      %slice3A_519 = vector.extract_strided_slice %slice3A_440 {offsets = [0, 384], sizes = [64, 128], strides = [1, 1]} : vector<64x512xf32> to vector<64x128xf32>
      %slice3A_520 = vector.extract_strided_slice %dot_general3A_121 {offsets = [192, 3], sizes = [64, 1], strides = [1, 1]} : vector<512x4xf32> to vector<64x1xf32>
      %slice3A_521 = vector.extract_strided_slice %dot_general3A_119 {offsets = [3, 192], sizes = [1, 64], strides = [1, 1]} : vector<4x512xf32> to vector<1x64xf32>
      %add3A_522 = vector.broadcast %slice3A_520 : vector<64x1xf32> to vector<64x64xf32>
      %add3A_523 = vector.broadcast %slice3A_521 : vector<1x64xf32> to vector<64x64xf32>
      %add3A_524 = arith.addf %add3A_522, %add3A_523 : vector<64x64xf32>
      %mul3A_525 = arith.constant 2.000000e-01 : f32
      %mul3A_526 = vector.broadcast %mul3A_525 : f32 to vector<64x64xf32>
      %mul3A_527 = arith.mulf %mul3A_526, %add3A_524 : vector<64x64xf32>
      %max3A_528 = arith.maximumf %add3A_524, %mul3A_527 : vector<64x64xf32>
      %exp3A_529 = math.exp %max3A_528 : vector<64x64xf32>
      %mul3A_530 = arith.mulf %add3A_31, %exp3A_529 : vector<64x64xf32>
      %reduce_sum3A_531 = arith.constant dense<0.000000e+00> : vector<64xf32>
      %reduce_sum3A_532 = vector.multi_reduction <add>, %mul3A_530, %reduce_sum3A_531 [1] : vector<64x64xf32> to vector<64xf32>
      %broadcast_in_dim3A_533 = vector.shape_cast %reduce_sum3A_532 : vector<64xf32> to vector<64x1xf32>
      %add3A_534 = arith.constant 1.000000e-16 : f32
      %add3A_535 = vector.broadcast %add3A_534 : f32 to vector<64x1xf32>
      %add3A_536 = arith.addf %broadcast_in_dim3A_533, %add3A_535 : vector<64x1xf32>
      %div3A_537 = arith.constant 1.000000e+00 : f32
      %div3A_538 = vector.broadcast %div3A_537 : f32 to vector<64x1xf32>
      %div3A_539 = arith.divf %div3A_538, %add3A_536 : vector<64x1xf32>
      %dot_general3A_540 = arith.constant dense<0.000000e+00> : vector<64x128xf32>
      %dot_general3A_541 = tpu.matmul %mul3A_530, %slice3A_519, %dot_general3A_540 {dimension_numbers = #tpu.dot_dimension_numbers<[1], [0], [0], [1], [0, 0, 1, 1], [], []>, transpose_lhs_hint = false} : vector<64x64xf32>, vector<64x128xf32>, vector<64x128xf32> -> vector<64x128xf32>
      %mul3A_542 = vector.broadcast %div3A_539 : vector<64x1xf32> to vector<64x128xf32>
      %mul3A_543 = arith.mulf %dot_general3A_541, %mul3A_542 : vector<64x128xf32>
      %concatenate3A_544 = tpu.concatenate %mul3A_468, %mul3A_493, %mul3A_518, %mul3A_543 in 1 : vector<64x128xf32>, vector<64x128xf32>, vector<64x128xf32>, vector<64x128xf32> -> vector<64x512xf32>
      %add3A_545 = vector.broadcast %get3A_443 : vector<1x512xf32> to vector<64x512xf32>
      %add3A_546 = arith.addf %concatenate3A_544, %add3A_545 : vector<64x512xf32>
      %slice3A_547 = vector.extract_strided_slice %dot_general3A_111 {offsets = [256, 0], sizes = [64, 512], strides = [1, 1]} : vector<512x512xf32> to vector<64x512xf32>
      %get3A_548 = arith.constant 0 : index
      %get3A_549 = arith.constant 0 : index
      %get3A_550 = vector.load %arg12[%get3A_548, %get3A_549] : memref<1x512xf32, #tpu.memory_space<vmem>>, vector<1x512xf32>
      %slice3A_551 = vector.extract_strided_slice %slice3A_547 {offsets = [0, 0], sizes = [64, 128], strides = [1, 1]} : vector<64x512xf32> to vector<64x128xf32>
      %slice3A_552 = vector.extract_strided_slice %dot_general3A_121 {offsets = [256, 0], sizes = [64, 1], strides = [1, 1]} : vector<512x4xf32> to vector<64x1xf32>
      %slice3A_553 = vector.extract_strided_slice %dot_general3A_119 {offsets = [0, 256], sizes = [1, 64], strides = [1, 1]} : vector<4x512xf32> to vector<1x64xf32>
      %add3A_554 = vector.broadcast %slice3A_552 : vector<64x1xf32> to vector<64x64xf32>
      %add3A_555 = vector.broadcast %slice3A_553 : vector<1x64xf32> to vector<64x64xf32>
      %add3A_556 = arith.addf %add3A_554, %add3A_555 : vector<64x64xf32>
      %mul3A_557 = arith.constant 2.000000e-01 : f32
      %mul3A_558 = vector.broadcast %mul3A_557 : f32 to vector<64x64xf32>
      %mul3A_559 = arith.mulf %mul3A_558, %add3A_556 : vector<64x64xf32>
      %max3A_560 = arith.maximumf %add3A_556, %mul3A_559 : vector<64x64xf32>
      %exp3A_561 = math.exp %max3A_560 : vector<64x64xf32>
      %mul3A_562 = arith.mulf %add3A_37, %exp3A_561 : vector<64x64xf32>
      %reduce_sum3A_563 = arith.constant dense<0.000000e+00> : vector<64xf32>
      %reduce_sum3A_564 = vector.multi_reduction <add>, %mul3A_562, %reduce_sum3A_563 [1] : vector<64x64xf32> to vector<64xf32>
      %broadcast_in_dim3A_565 = vector.shape_cast %reduce_sum3A_564 : vector<64xf32> to vector<64x1xf32>
      %add3A_566 = arith.constant 1.000000e-16 : f32
      %add3A_567 = vector.broadcast %add3A_566 : f32 to vector<64x1xf32>
      %add3A_568 = arith.addf %broadcast_in_dim3A_565, %add3A_567 : vector<64x1xf32>
      %div3A_569 = arith.constant 1.000000e+00 : f32
      %div3A_570 = vector.broadcast %div3A_569 : f32 to vector<64x1xf32>
      %div3A_571 = arith.divf %div3A_570, %add3A_568 : vector<64x1xf32>
      %dot_general3A_572 = arith.constant dense<0.000000e+00> : vector<64x128xf32>
      %dot_general3A_573 = tpu.matmul %mul3A_562, %slice3A_551, %dot_general3A_572 {dimension_numbers = #tpu.dot_dimension_numbers<[1], [0], [0], [1], [0, 0, 1, 1], [], []>, transpose_lhs_hint = false} : vector<64x64xf32>, vector<64x128xf32>, vector<64x128xf32> -> vector<64x128xf32>
      %mul3A_574 = vector.broadcast %div3A_571 : vector<64x1xf32> to vector<64x128xf32>
      %mul3A_575 = arith.mulf %dot_general3A_573, %mul3A_574 : vector<64x128xf32>
      %slice3A_576 = vector.extract_strided_slice %slice3A_547 {offsets = [0, 128], sizes = [64, 128], strides = [1, 1]} : vector<64x512xf32> to vector<64x128xf32>
      %slice3A_577 = vector.extract_strided_slice %dot_general3A_121 {offsets = [256, 1], sizes = [64, 1], strides = [1, 1]} : vector<512x4xf32> to vector<64x1xf32>
      %slice3A_578 = vector.extract_strided_slice %dot_general3A_119 {offsets = [1, 256], sizes = [1, 64], strides = [1, 1]} : vector<4x512xf32> to vector<1x64xf32>
      %add3A_579 = vector.broadcast %slice3A_577 : vector<64x1xf32> to vector<64x64xf32>
      %add3A_580 = vector.broadcast %slice3A_578 : vector<1x64xf32> to vector<64x64xf32>
      %add3A_581 = arith.addf %add3A_579, %add3A_580 : vector<64x64xf32>
      %mul3A_582 = arith.constant 2.000000e-01 : f32
      %mul3A_583 = vector.broadcast %mul3A_582 : f32 to vector<64x64xf32>
      %mul3A_584 = arith.mulf %mul3A_583, %add3A_581 : vector<64x64xf32>
      %max3A_585 = arith.maximumf %add3A_581, %mul3A_584 : vector<64x64xf32>
      %exp3A_586 = math.exp %max3A_585 : vector<64x64xf32>
      %mul3A_587 = arith.mulf %add3A_37, %exp3A_586 : vector<64x64xf32>
      %reduce_sum3A_588 = arith.constant dense<0.000000e+00> : vector<64xf32>
      %reduce_sum3A_589 = vector.multi_reduction <add>, %mul3A_587, %reduce_sum3A_588 [1] : vector<64x64xf32> to vector<64xf32>
      %broadcast_in_dim3A_590 = vector.shape_cast %reduce_sum3A_589 : vector<64xf32> to vector<64x1xf32>
      %add3A_591 = arith.constant 1.000000e-16 : f32
      %add3A_592 = vector.broadcast %add3A_591 : f32 to vector<64x1xf32>
      %add3A_593 = arith.addf %broadcast_in_dim3A_590, %add3A_592 : vector<64x1xf32>
      %div3A_594 = arith.constant 1.000000e+00 : f32
      %div3A_595 = vector.broadcast %div3A_594 : f32 to vector<64x1xf32>
      %div3A_596 = arith.divf %div3A_595, %add3A_593 : vector<64x1xf32>
      %dot_general3A_597 = arith.constant dense<0.000000e+00> : vector<64x128xf32>
      %dot_general3A_598 = tpu.matmul %mul3A_587, %slice3A_576, %dot_general3A_597 {dimension_numbers = #tpu.dot_dimension_numbers<[1], [0], [0], [1], [0, 0, 1, 1], [], []>, transpose_lhs_hint = false} : vector<64x64xf32>, vector<64x128xf32>, vector<64x128xf32> -> vector<64x128xf32>
      %mul3A_599 = vector.broadcast %div3A_596 : vector<64x1xf32> to vector<64x128xf32>
      %mul3A_600 = arith.mulf %dot_general3A_598, %mul3A_599 : vector<64x128xf32>
      %slice3A_601 = vector.extract_strided_slice %slice3A_547 {offsets = [0, 256], sizes = [64, 128], strides = [1, 1]} : vector<64x512xf32> to vector<64x128xf32>
      %slice3A_602 = vector.extract_strided_slice %dot_general3A_121 {offsets = [256, 2], sizes = [64, 1], strides = [1, 1]} : vector<512x4xf32> to vector<64x1xf32>
      %slice3A_603 = vector.extract_strided_slice %dot_general3A_119 {offsets = [2, 256], sizes = [1, 64], strides = [1, 1]} : vector<4x512xf32> to vector<1x64xf32>
      %add3A_604 = vector.broadcast %slice3A_602 : vector<64x1xf32> to vector<64x64xf32>
      %add3A_605 = vector.broadcast %slice3A_603 : vector<1x64xf32> to vector<64x64xf32>
      %add3A_606 = arith.addf %add3A_604, %add3A_605 : vector<64x64xf32>
      %mul3A_607 = arith.constant 2.000000e-01 : f32
      %mul3A_608 = vector.broadcast %mul3A_607 : f32 to vector<64x64xf32>
      %mul3A_609 = arith.mulf %mul3A_608, %add3A_606 : vector<64x64xf32>
      %max3A_610 = arith.maximumf %add3A_606, %mul3A_609 : vector<64x64xf32>
      %exp3A_611 = math.exp %max3A_610 : vector<64x64xf32>
      %mul3A_612 = arith.mulf %add3A_37, %exp3A_611 : vector<64x64xf32>
      %reduce_sum3A_613 = arith.constant dense<0.000000e+00> : vector<64xf32>
      %reduce_sum3A_614 = vector.multi_reduction <add>, %mul3A_612, %reduce_sum3A_613 [1] : vector<64x64xf32> to vector<64xf32>
      %broadcast_in_dim3A_615 = vector.shape_cast %reduce_sum3A_614 : vector<64xf32> to vector<64x1xf32>
      %add3A_616 = arith.constant 1.000000e-16 : f32
      %add3A_617 = vector.broadcast %add3A_616 : f32 to vector<64x1xf32>
      %add3A_618 = arith.addf %broadcast_in_dim3A_615, %add3A_617 : vector<64x1xf32>
      %div3A_619 = arith.constant 1.000000e+00 : f32
      %div3A_620 = vector.broadcast %div3A_619 : f32 to vector<64x1xf32>
      %div3A_621 = arith.divf %div3A_620, %add3A_618 : vector<64x1xf32>
      %dot_general3A_622 = arith.constant dense<0.000000e+00> : vector<64x128xf32>
      %dot_general3A_623 = tpu.matmul %mul3A_612, %slice3A_601, %dot_general3A_622 {dimension_numbers = #tpu.dot_dimension_numbers<[1], [0], [0], [1], [0, 0, 1, 1], [], []>, transpose_lhs_hint = false} : vector<64x64xf32>, vector<64x128xf32>, vector<64x128xf32> -> vector<64x128xf32>
      %mul3A_624 = vector.broadcast %div3A_621 : vector<64x1xf32> to vector<64x128xf32>
      %mul3A_625 = arith.mulf %dot_general3A_623, %mul3A_624 : vector<64x128xf32>
      %slice3A_626 = vector.extract_strided_slice %slice3A_547 {offsets = [0, 384], sizes = [64, 128], strides = [1, 1]} : vector<64x512xf32> to vector<64x128xf32>
      %slice3A_627 = vector.extract_strided_slice %dot_general3A_121 {offsets = [256, 3], sizes = [64, 1], strides = [1, 1]} : vector<512x4xf32> to vector<64x1xf32>
      %slice3A_628 = vector.extract_strided_slice %dot_general3A_119 {offsets = [3, 256], sizes = [1, 64], strides = [1, 1]} : vector<4x512xf32> to vector<1x64xf32>
      %add3A_629 = vector.broadcast %slice3A_627 : vector<64x1xf32> to vector<64x64xf32>
      %add3A_630 = vector.broadcast %slice3A_628 : vector<1x64xf32> to vector<64x64xf32>
      %add3A_631 = arith.addf %add3A_629, %add3A_630 : vector<64x64xf32>
      %mul3A_632 = arith.constant 2.000000e-01 : f32
      %mul3A_633 = vector.broadcast %mul3A_632 : f32 to vector<64x64xf32>
      %mul3A_634 = arith.mulf %mul3A_633, %add3A_631 : vector<64x64xf32>
      %max3A_635 = arith.maximumf %add3A_631, %mul3A_634 : vector<64x64xf32>
      %exp3A_636 = math.exp %max3A_635 : vector<64x64xf32>
      %mul3A_637 = arith.mulf %add3A_37, %exp3A_636 : vector<64x64xf32>
      %reduce_sum3A_638 = arith.constant dense<0.000000e+00> : vector<64xf32>
      %reduce_sum3A_639 = vector.multi_reduction <add>, %mul3A_637, %reduce_sum3A_638 [1] : vector<64x64xf32> to vector<64xf32>
      %broadcast_in_dim3A_640 = vector.shape_cast %reduce_sum3A_639 : vector<64xf32> to vector<64x1xf32>
      %add3A_641 = arith.constant 1.000000e-16 : f32
      %add3A_642 = vector.broadcast %add3A_641 : f32 to vector<64x1xf32>
      %add3A_643 = arith.addf %broadcast_in_dim3A_640, %add3A_642 : vector<64x1xf32>
      %div3A_644 = arith.constant 1.000000e+00 : f32
      %div3A_645 = vector.broadcast %div3A_644 : f32 to vector<64x1xf32>
      %div3A_646 = arith.divf %div3A_645, %add3A_643 : vector<64x1xf32>
      %dot_general3A_647 = arith.constant dense<0.000000e+00> : vector<64x128xf32>
      %dot_general3A_648 = tpu.matmul %mul3A_637, %slice3A_626, %dot_general3A_647 {dimension_numbers = #tpu.dot_dimension_numbers<[1], [0], [0], [1], [0, 0, 1, 1], [], []>, transpose_lhs_hint = false} : vector<64x64xf32>, vector<64x128xf32>, vector<64x128xf32> -> vector<64x128xf32>
      %mul3A_649 = vector.broadcast %div3A_646 : vector<64x1xf32> to vector<64x128xf32>
      %mul3A_650 = arith.mulf %dot_general3A_648, %mul3A_649 : vector<64x128xf32>
      %concatenate3A_651 = tpu.concatenate %mul3A_575, %mul3A_600, %mul3A_625, %mul3A_650 in 1 : vector<64x128xf32>, vector<64x128xf32>, vector<64x128xf32>, vector<64x128xf32> -> vector<64x512xf32>
      %add3A_652 = vector.broadcast %get3A_550 : vector<1x512xf32> to vector<64x512xf32>
      %add3A_653 = arith.addf %concatenate3A_651, %add3A_652 : vector<64x512xf32>
      %slice3A_654 = vector.extract_strided_slice %dot_general3A_111 {offsets = [320, 0], sizes = [64, 512], strides = [1, 1]} : vector<512x512xf32> to vector<64x512xf32>
      %get3A_655 = arith.constant 0 : index
      %get3A_656 = arith.constant 0 : index
      %get3A_657 = vector.load %arg12[%get3A_655, %get3A_656] : memref<1x512xf32, #tpu.memory_space<vmem>>, vector<1x512xf32>
      %slice3A_658 = vector.extract_strided_slice %slice3A_654 {offsets = [0, 0], sizes = [64, 128], strides = [1, 1]} : vector<64x512xf32> to vector<64x128xf32>
      %slice3A_659 = vector.extract_strided_slice %dot_general3A_121 {offsets = [320, 0], sizes = [64, 1], strides = [1, 1]} : vector<512x4xf32> to vector<64x1xf32>
      %slice3A_660 = vector.extract_strided_slice %dot_general3A_119 {offsets = [0, 320], sizes = [1, 64], strides = [1, 1]} : vector<4x512xf32> to vector<1x64xf32>
      %add3A_661 = vector.broadcast %slice3A_659 : vector<64x1xf32> to vector<64x64xf32>
      %add3A_662 = vector.broadcast %slice3A_660 : vector<1x64xf32> to vector<64x64xf32>
      %add3A_663 = arith.addf %add3A_661, %add3A_662 : vector<64x64xf32>
      %mul3A_664 = arith.constant 2.000000e-01 : f32
      %mul3A_665 = vector.broadcast %mul3A_664 : f32 to vector<64x64xf32>
      %mul3A_666 = arith.mulf %mul3A_665, %add3A_663 : vector<64x64xf32>
      %max3A_667 = arith.maximumf %add3A_663, %mul3A_666 : vector<64x64xf32>
      %exp3A_668 = math.exp %max3A_667 : vector<64x64xf32>
      %mul3A_669 = arith.mulf %add3A_43, %exp3A_668 : vector<64x64xf32>
      %reduce_sum3A_670 = arith.constant dense<0.000000e+00> : vector<64xf32>
      %reduce_sum3A_671 = vector.multi_reduction <add>, %mul3A_669, %reduce_sum3A_670 [1] : vector<64x64xf32> to vector<64xf32>
      %broadcast_in_dim3A_672 = vector.shape_cast %reduce_sum3A_671 : vector<64xf32> to vector<64x1xf32>
      %add3A_673 = arith.constant 1.000000e-16 : f32
      %add3A_674 = vector.broadcast %add3A_673 : f32 to vector<64x1xf32>
      %add3A_675 = arith.addf %broadcast_in_dim3A_672, %add3A_674 : vector<64x1xf32>
      %div3A_676 = arith.constant 1.000000e+00 : f32
      %div3A_677 = vector.broadcast %div3A_676 : f32 to vector<64x1xf32>
      %div3A_678 = arith.divf %div3A_677, %add3A_675 : vector<64x1xf32>
      %dot_general3A_679 = arith.constant dense<0.000000e+00> : vector<64x128xf32>
      %dot_general3A_680 = tpu.matmul %mul3A_669, %slice3A_658, %dot_general3A_679 {dimension_numbers = #tpu.dot_dimension_numbers<[1], [0], [0], [1], [0, 0, 1, 1], [], []>, transpose_lhs_hint = false} : vector<64x64xf32>, vector<64x128xf32>, vector<64x128xf32> -> vector<64x128xf32>
      %mul3A_681 = vector.broadcast %div3A_678 : vector<64x1xf32> to vector<64x128xf32>
      %mul3A_682 = arith.mulf %dot_general3A_680, %mul3A_681 : vector<64x128xf32>
      %slice3A_683 = vector.extract_strided_slice %slice3A_654 {offsets = [0, 128], sizes = [64, 128], strides = [1, 1]} : vector<64x512xf32> to vector<64x128xf32>
      %slice3A_684 = vector.extract_strided_slice %dot_general3A_121 {offsets = [320, 1], sizes = [64, 1], strides = [1, 1]} : vector<512x4xf32> to vector<64x1xf32>
      %slice3A_685 = vector.extract_strided_slice %dot_general3A_119 {offsets = [1, 320], sizes = [1, 64], strides = [1, 1]} : vector<4x512xf32> to vector<1x64xf32>
      %add3A_686 = vector.broadcast %slice3A_684 : vector<64x1xf32> to vector<64x64xf32>
      %add3A_687 = vector.broadcast %slice3A_685 : vector<1x64xf32> to vector<64x64xf32>
      %add3A_688 = arith.addf %add3A_686, %add3A_687 : vector<64x64xf32>
      %mul3A_689 = arith.constant 2.000000e-01 : f32
      %mul3A_690 = vector.broadcast %mul3A_689 : f32 to vector<64x64xf32>
      %mul3A_691 = arith.mulf %mul3A_690, %add3A_688 : vector<64x64xf32>
      %max3A_692 = arith.maximumf %add3A_688, %mul3A_691 : vector<64x64xf32>
      %exp3A_693 = math.exp %max3A_692 : vector<64x64xf32>
      %mul3A_694 = arith.mulf %add3A_43, %exp3A_693 : vector<64x64xf32>
      %reduce_sum3A_695 = arith.constant dense<0.000000e+00> : vector<64xf32>
      %reduce_sum3A_696 = vector.multi_reduction <add>, %mul3A_694, %reduce_sum3A_695 [1] : vector<64x64xf32> to vector<64xf32>
      %broadcast_in_dim3A_697 = vector.shape_cast %reduce_sum3A_696 : vector<64xf32> to vector<64x1xf32>
      %add3A_698 = arith.constant 1.000000e-16 : f32
      %add3A_699 = vector.broadcast %add3A_698 : f32 to vector<64x1xf32>
      %add3A_700 = arith.addf %broadcast_in_dim3A_697, %add3A_699 : vector<64x1xf32>
      %div3A_701 = arith.constant 1.000000e+00 : f32
      %div3A_702 = vector.broadcast %div3A_701 : f32 to vector<64x1xf32>
      %div3A_703 = arith.divf %div3A_702, %add3A_700 : vector<64x1xf32>
      %dot_general3A_704 = arith.constant dense<0.000000e+00> : vector<64x128xf32>
      %dot_general3A_705 = tpu.matmul %mul3A_694, %slice3A_683, %dot_general3A_704 {dimension_numbers = #tpu.dot_dimension_numbers<[1], [0], [0], [1], [0, 0, 1, 1], [], []>, transpose_lhs_hint = false} : vector<64x64xf32>, vector<64x128xf32>, vector<64x128xf32> -> vector<64x128xf32>
      %mul3A_706 = vector.broadcast %div3A_703 : vector<64x1xf32> to vector<64x128xf32>
      %mul3A_707 = arith.mulf %dot_general3A_705, %mul3A_706 : vector<64x128xf32>
      %slice3A_708 = vector.extract_strided_slice %slice3A_654 {offsets = [0, 256], sizes = [64, 128], strides = [1, 1]} : vector<64x512xf32> to vector<64x128xf32>
      %slice3A_709 = vector.extract_strided_slice %dot_general3A_121 {offsets = [320, 2], sizes = [64, 1], strides = [1, 1]} : vector<512x4xf32> to vector<64x1xf32>
      %slice3A_710 = vector.extract_strided_slice %dot_general3A_119 {offsets = [2, 320], sizes = [1, 64], strides = [1, 1]} : vector<4x512xf32> to vector<1x64xf32>
      %add3A_711 = vector.broadcast %slice3A_709 : vector<64x1xf32> to vector<64x64xf32>
      %add3A_712 = vector.broadcast %slice3A_710 : vector<1x64xf32> to vector<64x64xf32>
      %add3A_713 = arith.addf %add3A_711, %add3A_712 : vector<64x64xf32>
      %mul3A_714 = arith.constant 2.000000e-01 : f32
      %mul3A_715 = vector.broadcast %mul3A_714 : f32 to vector<64x64xf32>
      %mul3A_716 = arith.mulf %mul3A_715, %add3A_713 : vector<64x64xf32>
      %max3A_717 = arith.maximumf %add3A_713, %mul3A_716 : vector<64x64xf32>
      %exp3A_718 = math.exp %max3A_717 : vector<64x64xf32>
      %mul3A_719 = arith.mulf %add3A_43, %exp3A_718 : vector<64x64xf32>
      %reduce_sum3A_720 = arith.constant dense<0.000000e+00> : vector<64xf32>
      %reduce_sum3A_721 = vector.multi_reduction <add>, %mul3A_719, %reduce_sum3A_720 [1] : vector<64x64xf32> to vector<64xf32>
      %broadcast_in_dim3A_722 = vector.shape_cast %reduce_sum3A_721 : vector<64xf32> to vector<64x1xf32>
      %add3A_723 = arith.constant 1.000000e-16 : f32
      %add3A_724 = vector.broadcast %add3A_723 : f32 to vector<64x1xf32>
      %add3A_725 = arith.addf %broadcast_in_dim3A_722, %add3A_724 : vector<64x1xf32>
      %div3A_726 = arith.constant 1.000000e+00 : f32
      %div3A_727 = vector.broadcast %div3A_726 : f32 to vector<64x1xf32>
      %div3A_728 = arith.divf %div3A_727, %add3A_725 : vector<64x1xf32>
      %dot_general3A_729 = arith.constant dense<0.000000e+00> : vector<64x128xf32>
      %dot_general3A_730 = tpu.matmul %mul3A_719, %slice3A_708, %dot_general3A_729 {dimension_numbers = #tpu.dot_dimension_numbers<[1], [0], [0], [1], [0, 0, 1, 1], [], []>, transpose_lhs_hint = false} : vector<64x64xf32>, vector<64x128xf32>, vector<64x128xf32> -> vector<64x128xf32>
      %mul3A_731 = vector.broadcast %div3A_728 : vector<64x1xf32> to vector<64x128xf32>
      %mul3A_732 = arith.mulf %dot_general3A_730, %mul3A_731 : vector<64x128xf32>
      %slice3A_733 = vector.extract_strided_slice %slice3A_654 {offsets = [0, 384], sizes = [64, 128], strides = [1, 1]} : vector<64x512xf32> to vector<64x128xf32>
      %slice3A_734 = vector.extract_strided_slice %dot_general3A_121 {offsets = [320, 3], sizes = [64, 1], strides = [1, 1]} : vector<512x4xf32> to vector<64x1xf32>
      %slice3A_735 = vector.extract_strided_slice %dot_general3A_119 {offsets = [3, 320], sizes = [1, 64], strides = [1, 1]} : vector<4x512xf32> to vector<1x64xf32>
      %add3A_736 = vector.broadcast %slice3A_734 : vector<64x1xf32> to vector<64x64xf32>
      %add3A_737 = vector.broadcast %slice3A_735 : vector<1x64xf32> to vector<64x64xf32>
      %add3A_738 = arith.addf %add3A_736, %add3A_737 : vector<64x64xf32>
      %mul3A_739 = arith.constant 2.000000e-01 : f32
      %mul3A_740 = vector.broadcast %mul3A_739 : f32 to vector<64x64xf32>
      %mul3A_741 = arith.mulf %mul3A_740, %add3A_738 : vector<64x64xf32>
      %max3A_742 = arith.maximumf %add3A_738, %mul3A_741 : vector<64x64xf32>
      %exp3A_743 = math.exp %max3A_742 : vector<64x64xf32>
      %mul3A_744 = arith.mulf %add3A_43, %exp3A_743 : vector<64x64xf32>
      %reduce_sum3A_745 = arith.constant dense<0.000000e+00> : vector<64xf32>
      %reduce_sum3A_746 = vector.multi_reduction <add>, %mul3A_744, %reduce_sum3A_745 [1] : vector<64x64xf32> to vector<64xf32>
      %broadcast_in_dim3A_747 = vector.shape_cast %reduce_sum3A_746 : vector<64xf32> to vector<64x1xf32>
      %add3A_748 = arith.constant 1.000000e-16 : f32
      %add3A_749 = vector.broadcast %add3A_748 : f32 to vector<64x1xf32>
      %add3A_750 = arith.addf %broadcast_in_dim3A_747, %add3A_749 : vector<64x1xf32>
      %div3A_751 = arith.constant 1.000000e+00 : f32
      %div3A_752 = vector.broadcast %div3A_751 : f32 to vector<64x1xf32>
      %div3A_753 = arith.divf %div3A_752, %add3A_750 : vector<64x1xf32>
      %dot_general3A_754 = arith.constant dense<0.000000e+00> : vector<64x128xf32>
      %dot_general3A_755 = tpu.matmul %mul3A_744, %slice3A_733, %dot_general3A_754 {dimension_numbers = #tpu.dot_dimension_numbers<[1], [0], [0], [1], [0, 0, 1, 1], [], []>, transpose_lhs_hint = false} : vector<64x64xf32>, vector<64x128xf32>, vector<64x128xf32> -> vector<64x128xf32>
      %mul3A_756 = vector.broadcast %div3A_753 : vector<64x1xf32> to vector<64x128xf32>
      %mul3A_757 = arith.mulf %dot_general3A_755, %mul3A_756 : vector<64x128xf32>
      %concatenate3A_758 = tpu.concatenate %mul3A_682, %mul3A_707, %mul3A_732, %mul3A_757 in 1 : vector<64x128xf32>, vector<64x128xf32>, vector<64x128xf32>, vector<64x128xf32> -> vector<64x512xf32>
      %add3A_759 = vector.broadcast %get3A_657 : vector<1x512xf32> to vector<64x512xf32>
      %add3A_760 = arith.addf %concatenate3A_758, %add3A_759 : vector<64x512xf32>
      %slice3A_761 = vector.extract_strided_slice %dot_general3A_111 {offsets = [384, 0], sizes = [64, 512], strides = [1, 1]} : vector<512x512xf32> to vector<64x512xf32>
      %get3A_762 = arith.constant 0 : index
      %get3A_763 = arith.constant 0 : index
      %get3A_764 = vector.load %arg12[%get3A_762, %get3A_763] : memref<1x512xf32, #tpu.memory_space<vmem>>, vector<1x512xf32>
      %slice3A_765 = vector.extract_strided_slice %slice3A_761 {offsets = [0, 0], sizes = [64, 128], strides = [1, 1]} : vector<64x512xf32> to vector<64x128xf32>
      %slice3A_766 = vector.extract_strided_slice %dot_general3A_121 {offsets = [384, 0], sizes = [64, 1], strides = [1, 1]} : vector<512x4xf32> to vector<64x1xf32>
      %slice3A_767 = vector.extract_strided_slice %dot_general3A_119 {offsets = [0, 384], sizes = [1, 64], strides = [1, 1]} : vector<4x512xf32> to vector<1x64xf32>
      %add3A_768 = vector.broadcast %slice3A_766 : vector<64x1xf32> to vector<64x64xf32>
      %add3A_769 = vector.broadcast %slice3A_767 : vector<1x64xf32> to vector<64x64xf32>
      %add3A_770 = arith.addf %add3A_768, %add3A_769 : vector<64x64xf32>
      %mul3A_771 = arith.constant 2.000000e-01 : f32
      %mul3A_772 = vector.broadcast %mul3A_771 : f32 to vector<64x64xf32>
      %mul3A_773 = arith.mulf %mul3A_772, %add3A_770 : vector<64x64xf32>
      %max3A_774 = arith.maximumf %add3A_770, %mul3A_773 : vector<64x64xf32>
      %exp3A_775 = math.exp %max3A_774 : vector<64x64xf32>
      %mul3A_776 = arith.mulf %add3A_49, %exp3A_775 : vector<64x64xf32>
      %reduce_sum3A_777 = arith.constant dense<0.000000e+00> : vector<64xf32>
      %reduce_sum3A_778 = vector.multi_reduction <add>, %mul3A_776, %reduce_sum3A_777 [1] : vector<64x64xf32> to vector<64xf32>
      %broadcast_in_dim3A_779 = vector.shape_cast %reduce_sum3A_778 : vector<64xf32> to vector<64x1xf32>
      %add3A_780 = arith.constant 1.000000e-16 : f32
      %add3A_781 = vector.broadcast %add3A_780 : f32 to vector<64x1xf32>
      %add3A_782 = arith.addf %broadcast_in_dim3A_779, %add3A_781 : vector<64x1xf32>
      %div3A_783 = arith.constant 1.000000e+00 : f32
      %div3A_784 = vector.broadcast %div3A_783 : f32 to vector<64x1xf32>
      %div3A_785 = arith.divf %div3A_784, %add3A_782 : vector<64x1xf32>
      %dot_general3A_786 = arith.constant dense<0.000000e+00> : vector<64x128xf32>
      %dot_general3A_787 = tpu.matmul %mul3A_776, %slice3A_765, %dot_general3A_786 {dimension_numbers = #tpu.dot_dimension_numbers<[1], [0], [0], [1], [0, 0, 1, 1], [], []>, transpose_lhs_hint = false} : vector<64x64xf32>, vector<64x128xf32>, vector<64x128xf32> -> vector<64x128xf32>
      %mul3A_788 = vector.broadcast %div3A_785 : vector<64x1xf32> to vector<64x128xf32>
      %mul3A_789 = arith.mulf %dot_general3A_787, %mul3A_788 : vector<64x128xf32>
      %slice3A_790 = vector.extract_strided_slice %slice3A_761 {offsets = [0, 128], sizes = [64, 128], strides = [1, 1]} : vector<64x512xf32> to vector<64x128xf32>
      %slice3A_791 = vector.extract_strided_slice %dot_general3A_121 {offsets = [384, 1], sizes = [64, 1], strides = [1, 1]} : vector<512x4xf32> to vector<64x1xf32>
      %slice3A_792 = vector.extract_strided_slice %dot_general3A_119 {offsets = [1, 384], sizes = [1, 64], strides = [1, 1]} : vector<4x512xf32> to vector<1x64xf32>
      %add3A_793 = vector.broadcast %slice3A_791 : vector<64x1xf32> to vector<64x64xf32>
      %add3A_794 = vector.broadcast %slice3A_792 : vector<1x64xf32> to vector<64x64xf32>
      %add3A_795 = arith.addf %add3A_793, %add3A_794 : vector<64x64xf32>
      %mul3A_796 = arith.constant 2.000000e-01 : f32
      %mul3A_797 = vector.broadcast %mul3A_796 : f32 to vector<64x64xf32>
      %mul3A_798 = arith.mulf %mul3A_797, %add3A_795 : vector<64x64xf32>
      %max3A_799 = arith.maximumf %add3A_795, %mul3A_798 : vector<64x64xf32>
      %exp3A_800 = math.exp %max3A_799 : vector<64x64xf32>
      %mul3A_801 = arith.mulf %add3A_49, %exp3A_800 : vector<64x64xf32>
      %reduce_sum3A_802 = arith.constant dense<0.000000e+00> : vector<64xf32>
      %reduce_sum3A_803 = vector.multi_reduction <add>, %mul3A_801, %reduce_sum3A_802 [1] : vector<64x64xf32> to vector<64xf32>
      %broadcast_in_dim3A_804 = vector.shape_cast %reduce_sum3A_803 : vector<64xf32> to vector<64x1xf32>
      %add3A_805 = arith.constant 1.000000e-16 : f32
      %add3A_806 = vector.broadcast %add3A_805 : f32 to vector<64x1xf32>
      %add3A_807 = arith.addf %broadcast_in_dim3A_804, %add3A_806 : vector<64x1xf32>
      %div3A_808 = arith.constant 1.000000e+00 : f32
      %div3A_809 = vector.broadcast %div3A_808 : f32 to vector<64x1xf32>
      %div3A_810 = arith.divf %div3A_809, %add3A_807 : vector<64x1xf32>
      %dot_general3A_811 = arith.constant dense<0.000000e+00> : vector<64x128xf32>
      %dot_general3A_812 = tpu.matmul %mul3A_801, %slice3A_790, %dot_general3A_811 {dimension_numbers = #tpu.dot_dimension_numbers<[1], [0], [0], [1], [0, 0, 1, 1], [], []>, transpose_lhs_hint = false} : vector<64x64xf32>, vector<64x128xf32>, vector<64x128xf32> -> vector<64x128xf32>
      %mul3A_813 = vector.broadcast %div3A_810 : vector<64x1xf32> to vector<64x128xf32>
      %mul3A_814 = arith.mulf %dot_general3A_812, %mul3A_813 : vector<64x128xf32>
      %slice3A_815 = vector.extract_strided_slice %slice3A_761 {offsets = [0, 256], sizes = [64, 128], strides = [1, 1]} : vector<64x512xf32> to vector<64x128xf32>
      %slice3A_816 = vector.extract_strided_slice %dot_general3A_121 {offsets = [384, 2], sizes = [64, 1], strides = [1, 1]} : vector<512x4xf32> to vector<64x1xf32>
      %slice3A_817 = vector.extract_strided_slice %dot_general3A_119 {offsets = [2, 384], sizes = [1, 64], strides = [1, 1]} : vector<4x512xf32> to vector<1x64xf32>
      %add3A_818 = vector.broadcast %slice3A_816 : vector<64x1xf32> to vector<64x64xf32>
      %add3A_819 = vector.broadcast %slice3A_817 : vector<1x64xf32> to vector<64x64xf32>
      %add3A_820 = arith.addf %add3A_818, %add3A_819 : vector<64x64xf32>
      %mul3A_821 = arith.constant 2.000000e-01 : f32
      %mul3A_822 = vector.broadcast %mul3A_821 : f32 to vector<64x64xf32>
      %mul3A_823 = arith.mulf %mul3A_822, %add3A_820 : vector<64x64xf32>
      %max3A_824 = arith.maximumf %add3A_820, %mul3A_823 : vector<64x64xf32>
      %exp3A_825 = math.exp %max3A_824 : vector<64x64xf32>
      %mul3A_826 = arith.mulf %add3A_49, %exp3A_825 : vector<64x64xf32>
      %reduce_sum3A_827 = arith.constant dense<0.000000e+00> : vector<64xf32>
      %reduce_sum3A_828 = vector.multi_reduction <add>, %mul3A_826, %reduce_sum3A_827 [1] : vector<64x64xf32> to vector<64xf32>
      %broadcast_in_dim3A_829 = vector.shape_cast %reduce_sum3A_828 : vector<64xf32> to vector<64x1xf32>
      %add3A_830 = arith.constant 1.000000e-16 : f32
      %add3A_831 = vector.broadcast %add3A_830 : f32 to vector<64x1xf32>
      %add3A_832 = arith.addf %broadcast_in_dim3A_829, %add3A_831 : vector<64x1xf32>
      %div3A_833 = arith.constant 1.000000e+00 : f32
      %div3A_834 = vector.broadcast %div3A_833 : f32 to vector<64x1xf32>
      %div3A_835 = arith.divf %div3A_834, %add3A_832 : vector<64x1xf32>
      %dot_general3A_836 = arith.constant dense<0.000000e+00> : vector<64x128xf32>
      %dot_general3A_837 = tpu.matmul %mul3A_826, %slice3A_815, %dot_general3A_836 {dimension_numbers = #tpu.dot_dimension_numbers<[1], [0], [0], [1], [0, 0, 1, 1], [], []>, transpose_lhs_hint = false} : vector<64x64xf32>, vector<64x128xf32>, vector<64x128xf32> -> vector<64x128xf32>
      %mul3A_838 = vector.broadcast %div3A_835 : vector<64x1xf32> to vector<64x128xf32>
      %mul3A_839 = arith.mulf %dot_general3A_837, %mul3A_838 : vector<64x128xf32>
      %slice3A_840 = vector.extract_strided_slice %slice3A_761 {offsets = [0, 384], sizes = [64, 128], strides = [1, 1]} : vector<64x512xf32> to vector<64x128xf32>
      %slice3A_841 = vector.extract_strided_slice %dot_general3A_121 {offsets = [384, 3], sizes = [64, 1], strides = [1, 1]} : vector<512x4xf32> to vector<64x1xf32>
      %slice3A_842 = vector.extract_strided_slice %dot_general3A_119 {offsets = [3, 384], sizes = [1, 64], strides = [1, 1]} : vector<4x512xf32> to vector<1x64xf32>
      %add3A_843 = vector.broadcast %slice3A_841 : vector<64x1xf32> to vector<64x64xf32>
      %add3A_844 = vector.broadcast %slice3A_842 : vector<1x64xf32> to vector<64x64xf32>
      %add3A_845 = arith.addf %add3A_843, %add3A_844 : vector<64x64xf32>
      %mul3A_846 = arith.constant 2.000000e-01 : f32
      %mul3A_847 = vector.broadcast %mul3A_846 : f32 to vector<64x64xf32>
      %mul3A_848 = arith.mulf %mul3A_847, %add3A_845 : vector<64x64xf32>
      %max3A_849 = arith.maximumf %add3A_845, %mul3A_848 : vector<64x64xf32>
      %exp3A_850 = math.exp %max3A_849 : vector<64x64xf32>
      %mul3A_851 = arith.mulf %add3A_49, %exp3A_850 : vector<64x64xf32>
      %reduce_sum3A_852 = arith.constant dense<0.000000e+00> : vector<64xf32>
      %reduce_sum3A_853 = vector.multi_reduction <add>, %mul3A_851, %reduce_sum3A_852 [1] : vector<64x64xf32> to vector<64xf32>
      %broadcast_in_dim3A_854 = vector.shape_cast %reduce_sum3A_853 : vector<64xf32> to vector<64x1xf32>
      %add3A_855 = arith.constant 1.000000e-16 : f32
      %add3A_856 = vector.broadcast %add3A_855 : f32 to vector<64x1xf32>
      %add3A_857 = arith.addf %broadcast_in_dim3A_854, %add3A_856 : vector<64x1xf32>
      %div3A_858 = arith.constant 1.000000e+00 : f32
      %div3A_859 = vector.broadcast %div3A_858 : f32 to vector<64x1xf32>
      %div3A_860 = arith.divf %div3A_859, %add3A_857 : vector<64x1xf32>
      %dot_general3A_861 = arith.constant dense<0.000000e+00> : vector<64x128xf32>
      %dot_general3A_862 = tpu.matmul %mul3A_851, %slice3A_840, %dot_general3A_861 {dimension_numbers = #tpu.dot_dimension_numbers<[1], [0], [0], [1], [0, 0, 1, 1], [], []>, transpose_lhs_hint = false} : vector<64x64xf32>, vector<64x128xf32>, vector<64x128xf32> -> vector<64x128xf32>
      %mul3A_863 = vector.broadcast %div3A_860 : vector<64x1xf32> to vector<64x128xf32>
      %mul3A_864 = arith.mulf %dot_general3A_862, %mul3A_863 : vector<64x128xf32>
      %concatenate3A_865 = tpu.concatenate %mul3A_789, %mul3A_814, %mul3A_839, %mul3A_864 in 1 : vector<64x128xf32>, vector<64x128xf32>, vector<64x128xf32>, vector<64x128xf32> -> vector<64x512xf32>
      %add3A_866 = vector.broadcast %get3A_764 : vector<1x512xf32> to vector<64x512xf32>
      %add3A_867 = arith.addf %concatenate3A_865, %add3A_866 : vector<64x512xf32>
      %slice3A_868 = vector.extract_strided_slice %dot_general3A_111 {offsets = [448, 0], sizes = [64, 512], strides = [1, 1]} : vector<512x512xf32> to vector<64x512xf32>
      %get3A_869 = arith.constant 0 : index
      %get3A_870 = arith.constant 0 : index
      %get3A_871 = vector.load %arg12[%get3A_869, %get3A_870] : memref<1x512xf32, #tpu.memory_space<vmem>>, vector<1x512xf32>
      %slice3A_872 = vector.extract_strided_slice %slice3A_868 {offsets = [0, 0], sizes = [64, 128], strides = [1, 1]} : vector<64x512xf32> to vector<64x128xf32>
      %slice3A_873 = vector.extract_strided_slice %dot_general3A_121 {offsets = [448, 0], sizes = [64, 1], strides = [1, 1]} : vector<512x4xf32> to vector<64x1xf32>
      %slice3A_874 = vector.extract_strided_slice %dot_general3A_119 {offsets = [0, 448], sizes = [1, 64], strides = [1, 1]} : vector<4x512xf32> to vector<1x64xf32>
      %add3A_875 = vector.broadcast %slice3A_873 : vector<64x1xf32> to vector<64x64xf32>
      %add3A_876 = vector.broadcast %slice3A_874 : vector<1x64xf32> to vector<64x64xf32>
      %add3A_877 = arith.addf %add3A_875, %add3A_876 : vector<64x64xf32>
      %mul3A_878 = arith.constant 2.000000e-01 : f32
      %mul3A_879 = vector.broadcast %mul3A_878 : f32 to vector<64x64xf32>
      %mul3A_880 = arith.mulf %mul3A_879, %add3A_877 : vector<64x64xf32>
      %max3A_881 = arith.maximumf %add3A_877, %mul3A_880 : vector<64x64xf32>
      %exp3A_882 = math.exp %max3A_881 : vector<64x64xf32>
      %mul3A_883 = arith.mulf %add3A_55, %exp3A_882 : vector<64x64xf32>
      %reduce_sum3A_884 = arith.constant dense<0.000000e+00> : vector<64xf32>
      %reduce_sum3A_885 = vector.multi_reduction <add>, %mul3A_883, %reduce_sum3A_884 [1] : vector<64x64xf32> to vector<64xf32>
      %broadcast_in_dim3A_886 = vector.shape_cast %reduce_sum3A_885 : vector<64xf32> to vector<64x1xf32>
      %add3A_887 = arith.constant 1.000000e-16 : f32
      %add3A_888 = vector.broadcast %add3A_887 : f32 to vector<64x1xf32>
      %add3A_889 = arith.addf %broadcast_in_dim3A_886, %add3A_888 : vector<64x1xf32>
      %div3A_890 = arith.constant 1.000000e+00 : f32
      %div3A_891 = vector.broadcast %div3A_890 : f32 to vector<64x1xf32>
      %div3A_892 = arith.divf %div3A_891, %add3A_889 : vector<64x1xf32>
      %dot_general3A_893 = arith.constant dense<0.000000e+00> : vector<64x128xf32>
      %dot_general3A_894 = tpu.matmul %mul3A_883, %slice3A_872, %dot_general3A_893 {dimension_numbers = #tpu.dot_dimension_numbers<[1], [0], [0], [1], [0, 0, 1, 1], [], []>, transpose_lhs_hint = false} : vector<64x64xf32>, vector<64x128xf32>, vector<64x128xf32> -> vector<64x128xf32>
      %mul3A_895 = vector.broadcast %div3A_892 : vector<64x1xf32> to vector<64x128xf32>
      %mul3A_896 = arith.mulf %dot_general3A_894, %mul3A_895 : vector<64x128xf32>
      %slice3A_897 = vector.extract_strided_slice %slice3A_868 {offsets = [0, 128], sizes = [64, 128], strides = [1, 1]} : vector<64x512xf32> to vector<64x128xf32>
      %slice3A_898 = vector.extract_strided_slice %dot_general3A_121 {offsets = [448, 1], sizes = [64, 1], strides = [1, 1]} : vector<512x4xf32> to vector<64x1xf32>
      %slice3A_899 = vector.extract_strided_slice %dot_general3A_119 {offsets = [1, 448], sizes = [1, 64], strides = [1, 1]} : vector<4x512xf32> to vector<1x64xf32>
      %add3A_900 = vector.broadcast %slice3A_898 : vector<64x1xf32> to vector<64x64xf32>
      %add3A_901 = vector.broadcast %slice3A_899 : vector<1x64xf32> to vector<64x64xf32>
      %add3A_902 = arith.addf %add3A_900, %add3A_901 : vector<64x64xf32>
      %mul3A_903 = arith.constant 2.000000e-01 : f32
      %mul3A_904 = vector.broadcast %mul3A_903 : f32 to vector<64x64xf32>
      %mul3A_905 = arith.mulf %mul3A_904, %add3A_902 : vector<64x64xf32>
      %max3A_906 = arith.maximumf %add3A_902, %mul3A_905 : vector<64x64xf32>
      %exp3A_907 = math.exp %max3A_906 : vector<64x64xf32>
      %mul3A_908 = arith.mulf %add3A_55, %exp3A_907 : vector<64x64xf32>
      %reduce_sum3A_909 = arith.constant dense<0.000000e+00> : vector<64xf32>
      %reduce_sum3A_910 = vector.multi_reduction <add>, %mul3A_908, %reduce_sum3A_909 [1] : vector<64x64xf32> to vector<64xf32>
      %broadcast_in_dim3A_911 = vector.shape_cast %reduce_sum3A_910 : vector<64xf32> to vector<64x1xf32>
      %add3A_912 = arith.constant 1.000000e-16 : f32
      %add3A_913 = vector.broadcast %add3A_912 : f32 to vector<64x1xf32>
      %add3A_914 = arith.addf %broadcast_in_dim3A_911, %add3A_913 : vector<64x1xf32>
      %div3A_915 = arith.constant 1.000000e+00 : f32
      %div3A_916 = vector.broadcast %div3A_915 : f32 to vector<64x1xf32>
      %div3A_917 = arith.divf %div3A_916, %add3A_914 : vector<64x1xf32>
      %dot_general3A_918 = arith.constant dense<0.000000e+00> : vector<64x128xf32>
      %dot_general3A_919 = tpu.matmul %mul3A_908, %slice3A_897, %dot_general3A_918 {dimension_numbers = #tpu.dot_dimension_numbers<[1], [0], [0], [1], [0, 0, 1, 1], [], []>, transpose_lhs_hint = false} : vector<64x64xf32>, vector<64x128xf32>, vector<64x128xf32> -> vector<64x128xf32>
      %mul3A_920 = vector.broadcast %div3A_917 : vector<64x1xf32> to vector<64x128xf32>
      %mul3A_921 = arith.mulf %dot_general3A_919, %mul3A_920 : vector<64x128xf32>
      %slice3A_922 = vector.extract_strided_slice %slice3A_868 {offsets = [0, 256], sizes = [64, 128], strides = [1, 1]} : vector<64x512xf32> to vector<64x128xf32>
      %slice3A_923 = vector.extract_strided_slice %dot_general3A_121 {offsets = [448, 2], sizes = [64, 1], strides = [1, 1]} : vector<512x4xf32> to vector<64x1xf32>
      %slice3A_924 = vector.extract_strided_slice %dot_general3A_119 {offsets = [2, 448], sizes = [1, 64], strides = [1, 1]} : vector<4x512xf32> to vector<1x64xf32>
      %add3A_925 = vector.broadcast %slice3A_923 : vector<64x1xf32> to vector<64x64xf32>
      %add3A_926 = vector.broadcast %slice3A_924 : vector<1x64xf32> to vector<64x64xf32>
      %add3A_927 = arith.addf %add3A_925, %add3A_926 : vector<64x64xf32>
      %mul3A_928 = arith.constant 2.000000e-01 : f32
      %mul3A_929 = vector.broadcast %mul3A_928 : f32 to vector<64x64xf32>
      %mul3A_930 = arith.mulf %mul3A_929, %add3A_927 : vector<64x64xf32>
      %max3A_931 = arith.maximumf %add3A_927, %mul3A_930 : vector<64x64xf32>
      %exp3A_932 = math.exp %max3A_931 : vector<64x64xf32>
      %mul3A_933 = arith.mulf %add3A_55, %exp3A_932 : vector<64x64xf32>
      %reduce_sum3A_934 = arith.constant dense<0.000000e+00> : vector<64xf32>
      %reduce_sum3A_935 = vector.multi_reduction <add>, %mul3A_933, %reduce_sum3A_934 [1] : vector<64x64xf32> to vector<64xf32>
      %broadcast_in_dim3A_936 = vector.shape_cast %reduce_sum3A_935 : vector<64xf32> to vector<64x1xf32>
      %add3A_937 = arith.constant 1.000000e-16 : f32
      %add3A_938 = vector.broadcast %add3A_937 : f32 to vector<64x1xf32>
      %add3A_939 = arith.addf %broadcast_in_dim3A_936, %add3A_938 : vector<64x1xf32>
      %div3A_940 = arith.constant 1.000000e+00 : f32
      %div3A_941 = vector.broadcast %div3A_940 : f32 to vector<64x1xf32>
      %div3A_942 = arith.divf %div3A_941, %add3A_939 : vector<64x1xf32>
      %dot_general3A_943 = arith.constant dense<0.000000e+00> : vector<64x128xf32>
      %dot_general3A_944 = tpu.matmul %mul3A_933, %slice3A_922, %dot_general3A_943 {dimension_numbers = #tpu.dot_dimension_numbers<[1], [0], [0], [1], [0, 0, 1, 1], [], []>, transpose_lhs_hint = false} : vector<64x64xf32>, vector<64x128xf32>, vector<64x128xf32> -> vector<64x128xf32>
      %mul3A_945 = vector.broadcast %div3A_942 : vector<64x1xf32> to vector<64x128xf32>
      %mul3A_946 = arith.mulf %dot_general3A_944, %mul3A_945 : vector<64x128xf32>
      %slice3A_947 = vector.extract_strided_slice %slice3A_868 {offsets = [0, 384], sizes = [64, 128], strides = [1, 1]} : vector<64x512xf32> to vector<64x128xf32>
      %slice3A_948 = vector.extract_strided_slice %dot_general3A_121 {offsets = [448, 3], sizes = [64, 1], strides = [1, 1]} : vector<512x4xf32> to vector<64x1xf32>
      %slice3A_949 = vector.extract_strided_slice %dot_general3A_119 {offsets = [3, 448], sizes = [1, 64], strides = [1, 1]} : vector<4x512xf32> to vector<1x64xf32>
      %add3A_950 = vector.broadcast %slice3A_948 : vector<64x1xf32> to vector<64x64xf32>
      %add3A_951 = vector.broadcast %slice3A_949 : vector<1x64xf32> to vector<64x64xf32>
      %add3A_952 = arith.addf %add3A_950, %add3A_951 : vector<64x64xf32>
      %mul3A_953 = arith.constant 2.000000e-01 : f32
      %mul3A_954 = vector.broadcast %mul3A_953 : f32 to vector<64x64xf32>
      %mul3A_955 = arith.mulf %mul3A_954, %add3A_952 : vector<64x64xf32>
      %max3A_956 = arith.maximumf %add3A_952, %mul3A_955 : vector<64x64xf32>
      %exp3A_957 = math.exp %max3A_956 : vector<64x64xf32>
      %mul3A_958 = arith.mulf %add3A_55, %exp3A_957 : vector<64x64xf32>
      %reduce_sum3A_959 = arith.constant dense<0.000000e+00> : vector<64xf32>
      %reduce_sum3A_960 = vector.multi_reduction <add>, %mul3A_958, %reduce_sum3A_959 [1] : vector<64x64xf32> to vector<64xf32>
      %broadcast_in_dim3A_961 = vector.shape_cast %reduce_sum3A_960 : vector<64xf32> to vector<64x1xf32>
      %add3A_962 = arith.constant 1.000000e-16 : f32
      %add3A_963 = vector.broadcast %add3A_962 : f32 to vector<64x1xf32>
      %add3A_964 = arith.addf %broadcast_in_dim3A_961, %add3A_963 : vector<64x1xf32>
      %div3A_965 = arith.constant 1.000000e+00 : f32
      %div3A_966 = vector.broadcast %div3A_965 : f32 to vector<64x1xf32>
      %div3A_967 = arith.divf %div3A_966, %add3A_964 : vector<64x1xf32>
      %dot_general3A_968 = arith.constant dense<0.000000e+00> : vector<64x128xf32>
      %dot_general3A_969 = tpu.matmul %mul3A_958, %slice3A_947, %dot_general3A_968 {dimension_numbers = #tpu.dot_dimension_numbers<[1], [0], [0], [1], [0, 0, 1, 1], [], []>, transpose_lhs_hint = false} : vector<64x64xf32>, vector<64x128xf32>, vector<64x128xf32> -> vector<64x128xf32>
      %mul3A_970 = vector.broadcast %div3A_967 : vector<64x1xf32> to vector<64x128xf32>
      %mul3A_971 = arith.mulf %dot_general3A_969, %mul3A_970 : vector<64x128xf32>
      %concatenate3A_972 = tpu.concatenate %mul3A_896, %mul3A_921, %mul3A_946, %mul3A_971 in 1 : vector<64x128xf32>, vector<64x128xf32>, vector<64x128xf32>, vector<64x128xf32> -> vector<64x512xf32>
      %add3A_973 = vector.broadcast %get3A_871 : vector<1x512xf32> to vector<64x512xf32>
      %add3A_974 = arith.addf %concatenate3A_972, %add3A_973 : vector<64x512xf32>
      %concatenate3A_975 = tpu.concatenate %add3A_225, %add3A_332, %add3A_439, %add3A_546, %add3A_653, %add3A_760, %add3A_867, %add3A_974 in 0 : vector<64x512xf32>, vector<64x512xf32>, vector<64x512xf32>, vector<64x512xf32>, vector<64x512xf32>, vector<64x512xf32>, vector<64x512xf32>, vector<64x512xf32> -> vector<512x512xf32>
      %max3A_976 = arith.constant 0.000000e+00 : f32
      %max3A_977 = vector.broadcast %max3A_976 : f32 to vector<512x512xf32>
      %max3A_978 = arith.maximumf %concatenate3A_975, %max3A_977 : vector<512x512xf32>
      %get3A_979 = arith.constant 0 : index
      %get3A_980 = arith.constant 0 : index
      %get3A_981 = vector.load %arg13[%get3A_979, %get3A_980] : memref<512x512xf32, #tpu.memory_space<vmem>>, vector<512x512xf32>
      %dot_general3A_982 = arith.constant dense<0.000000e+00> : vector<512x512xf32>
      %dot_general3A_983 = tpu.matmul %max3A_978, %get3A_981, %dot_general3A_982 {dimension_numbers = #tpu.dot_dimension_numbers<[1], [0], [0], [1], [0, 0, 1, 1], [], []>, transpose_lhs_hint = false} : vector<512x512xf32>, vector<512x512xf32>, vector<512x512xf32> -> vector<512x512xf32>
      %get3A_984 = arith.constant 0 : index
      %get3A_985 = arith.constant 0 : index
      %get3A_986 = vector.load %arg14[%get3A_984, %get3A_985] : memref<512x4xf32, #tpu.memory_space<vmem>>, vector<512x4xf32>
      %get3A_987 = arith.constant 0 : index
      %get3A_988 = arith.constant 0 : index
      %get3A_989 = vector.load %arg15[%get3A_987, %get3A_988] : memref<512x4xf32, #tpu.memory_space<vmem>>, vector<512x4xf32>
      %dot_general3A_990 = arith.constant dense<0.000000e+00> : vector<4x512xf32>
      %dot_general3A_991 = tpu.matmul %get3A_986, %dot_general3A_983, %dot_general3A_990 {dimension_numbers = #tpu.dot_dimension_numbers<[0], [1], [1], [0], [0, 1, 1, 0], [], []>, transpose_lhs_hint = false} : vector<512x4xf32>, vector<512x512xf32>, vector<4x512xf32> -> vector<4x512xf32>
      %dot_general3A_992 = arith.constant dense<0.000000e+00> : vector<512x4xf32>
      %dot_general3A_993 = tpu.matmul %dot_general3A_983, %get3A_989, %dot_general3A_992 {dimension_numbers = #tpu.dot_dimension_numbers<[1], [0], [0], [1], [0, 0, 1, 1], [], []>, transpose_lhs_hint = false} : vector<512x512xf32>, vector<512x4xf32>, vector<512x4xf32> -> vector<512x4xf32>
      %slice3A_994 = vector.extract_strided_slice %dot_general3A_983 {offsets = [0, 0], sizes = [64, 512], strides = [1, 1]} : vector<512x512xf32> to vector<64x512xf32>
      %get3A_995 = arith.constant 0 : index
      %get3A_996 = arith.constant 0 : index
      %get3A_997 = vector.load %arg16[%get3A_995, %get3A_996] : memref<1x512xf32, #tpu.memory_space<vmem>>, vector<1x512xf32>
      %slice3A_998 = vector.extract_strided_slice %slice3A_994 {offsets = [0, 0], sizes = [64, 128], strides = [1, 1]} : vector<64x512xf32> to vector<64x128xf32>
      %slice3A_999 = vector.extract_strided_slice %dot_general3A_993 {offsets = [0, 0], sizes = [64, 1], strides = [1, 1]} : vector<512x4xf32> to vector<64x1xf32>
      %slice3A_1000 = vector.extract_strided_slice %dot_general3A_991 {offsets = [0, 0], sizes = [1, 64], strides = [1, 1]} : vector<4x512xf32> to vector<1x64xf32>
      %add3A_1001 = vector.broadcast %slice3A_999 : vector<64x1xf32> to vector<64x64xf32>
      %add3A_1002 = vector.broadcast %slice3A_1000 : vector<1x64xf32> to vector<64x64xf32>
      %add3A_1003 = arith.addf %add3A_1001, %add3A_1002 : vector<64x64xf32>
      %mul3A_1004 = arith.constant 2.000000e-01 : f32
      %mul3A_1005 = vector.broadcast %mul3A_1004 : f32 to vector<64x64xf32>
      %mul3A_1006 = arith.mulf %mul3A_1005, %add3A_1003 : vector<64x64xf32>
      %max3A_1007 = arith.maximumf %add3A_1003, %mul3A_1006 : vector<64x64xf32>
      %exp3A_1008 = math.exp %max3A_1007 : vector<64x64xf32>
      %mul3A_1009 = arith.mulf %add3A, %exp3A_1008 : vector<64x64xf32>
      %reduce_sum3A_1010 = arith.constant dense<0.000000e+00> : vector<64xf32>
      %reduce_sum3A_1011 = vector.multi_reduction <add>, %mul3A_1009, %reduce_sum3A_1010 [1] : vector<64x64xf32> to vector<64xf32>
      %broadcast_in_dim3A_1012 = vector.shape_cast %reduce_sum3A_1011 : vector<64xf32> to vector<64x1xf32>
      %add3A_1013 = arith.constant 1.000000e-16 : f32
      %add3A_1014 = vector.broadcast %add3A_1013 : f32 to vector<64x1xf32>
      %add3A_1015 = arith.addf %broadcast_in_dim3A_1012, %add3A_1014 : vector<64x1xf32>
      %div3A_1016 = arith.constant 1.000000e+00 : f32
      %div3A_1017 = vector.broadcast %div3A_1016 : f32 to vector<64x1xf32>
      %div3A_1018 = arith.divf %div3A_1017, %add3A_1015 : vector<64x1xf32>
      %dot_general3A_1019 = arith.constant dense<0.000000e+00> : vector<64x128xf32>
      %dot_general3A_1020 = tpu.matmul %mul3A_1009, %slice3A_998, %dot_general3A_1019 {dimension_numbers = #tpu.dot_dimension_numbers<[1], [0], [0], [1], [0, 0, 1, 1], [], []>, transpose_lhs_hint = false} : vector<64x64xf32>, vector<64x128xf32>, vector<64x128xf32> -> vector<64x128xf32>
      %mul3A_1021 = vector.broadcast %div3A_1018 : vector<64x1xf32> to vector<64x128xf32>
      %mul3A_1022 = arith.mulf %dot_general3A_1020, %mul3A_1021 : vector<64x128xf32>
      %slice3A_1023 = vector.extract_strided_slice %slice3A_994 {offsets = [0, 128], sizes = [64, 128], strides = [1, 1]} : vector<64x512xf32> to vector<64x128xf32>
      %slice3A_1024 = vector.extract_strided_slice %dot_general3A_993 {offsets = [0, 1], sizes = [64, 1], strides = [1, 1]} : vector<512x4xf32> to vector<64x1xf32>
      %slice3A_1025 = vector.extract_strided_slice %dot_general3A_991 {offsets = [1, 0], sizes = [1, 64], strides = [1, 1]} : vector<4x512xf32> to vector<1x64xf32>
      %add3A_1026 = vector.broadcast %slice3A_1024 : vector<64x1xf32> to vector<64x64xf32>
      %add3A_1027 = vector.broadcast %slice3A_1025 : vector<1x64xf32> to vector<64x64xf32>
      %add3A_1028 = arith.addf %add3A_1026, %add3A_1027 : vector<64x64xf32>
      %mul3A_1029 = arith.constant 2.000000e-01 : f32
      %mul3A_1030 = vector.broadcast %mul3A_1029 : f32 to vector<64x64xf32>
      %mul3A_1031 = arith.mulf %mul3A_1030, %add3A_1028 : vector<64x64xf32>
      %max3A_1032 = arith.maximumf %add3A_1028, %mul3A_1031 : vector<64x64xf32>
      %exp3A_1033 = math.exp %max3A_1032 : vector<64x64xf32>
      %mul3A_1034 = arith.mulf %add3A, %exp3A_1033 : vector<64x64xf32>
      %reduce_sum3A_1035 = arith.constant dense<0.000000e+00> : vector<64xf32>
      %reduce_sum3A_1036 = vector.multi_reduction <add>, %mul3A_1034, %reduce_sum3A_1035 [1] : vector<64x64xf32> to vector<64xf32>
      %broadcast_in_dim3A_1037 = vector.shape_cast %reduce_sum3A_1036 : vector<64xf32> to vector<64x1xf32>
      %add3A_1038 = arith.constant 1.000000e-16 : f32
      %add3A_1039 = vector.broadcast %add3A_1038 : f32 to vector<64x1xf32>
      %add3A_1040 = arith.addf %broadcast_in_dim3A_1037, %add3A_1039 : vector<64x1xf32>
      %div3A_1041 = arith.constant 1.000000e+00 : f32
      %div3A_1042 = vector.broadcast %div3A_1041 : f32 to vector<64x1xf32>
      %div3A_1043 = arith.divf %div3A_1042, %add3A_1040 : vector<64x1xf32>
      %dot_general3A_1044 = arith.constant dense<0.000000e+00> : vector<64x128xf32>
      %dot_general3A_1045 = tpu.matmul %mul3A_1034, %slice3A_1023, %dot_general3A_1044 {dimension_numbers = #tpu.dot_dimension_numbers<[1], [0], [0], [1], [0, 0, 1, 1], [], []>, transpose_lhs_hint = false} : vector<64x64xf32>, vector<64x128xf32>, vector<64x128xf32> -> vector<64x128xf32>
      %mul3A_1046 = vector.broadcast %div3A_1043 : vector<64x1xf32> to vector<64x128xf32>
      %mul3A_1047 = arith.mulf %dot_general3A_1045, %mul3A_1046 : vector<64x128xf32>
      %slice3A_1048 = vector.extract_strided_slice %slice3A_994 {offsets = [0, 256], sizes = [64, 128], strides = [1, 1]} : vector<64x512xf32> to vector<64x128xf32>
      %slice3A_1049 = vector.extract_strided_slice %dot_general3A_993 {offsets = [0, 2], sizes = [64, 1], strides = [1, 1]} : vector<512x4xf32> to vector<64x1xf32>
      %slice3A_1050 = vector.extract_strided_slice %dot_general3A_991 {offsets = [2, 0], sizes = [1, 64], strides = [1, 1]} : vector<4x512xf32> to vector<1x64xf32>
      %add3A_1051 = vector.broadcast %slice3A_1049 : vector<64x1xf32> to vector<64x64xf32>
      %add3A_1052 = vector.broadcast %slice3A_1050 : vector<1x64xf32> to vector<64x64xf32>
      %add3A_1053 = arith.addf %add3A_1051, %add3A_1052 : vector<64x64xf32>
      %mul3A_1054 = arith.constant 2.000000e-01 : f32
      %mul3A_1055 = vector.broadcast %mul3A_1054 : f32 to vector<64x64xf32>
      %mul3A_1056 = arith.mulf %mul3A_1055, %add3A_1053 : vector<64x64xf32>
      %max3A_1057 = arith.maximumf %add3A_1053, %mul3A_1056 : vector<64x64xf32>
      %exp3A_1058 = math.exp %max3A_1057 : vector<64x64xf32>
      %mul3A_1059 = arith.mulf %add3A, %exp3A_1058 : vector<64x64xf32>
      %reduce_sum3A_1060 = arith.constant dense<0.000000e+00> : vector<64xf32>
      %reduce_sum3A_1061 = vector.multi_reduction <add>, %mul3A_1059, %reduce_sum3A_1060 [1] : vector<64x64xf32> to vector<64xf32>
      %broadcast_in_dim3A_1062 = vector.shape_cast %reduce_sum3A_1061 : vector<64xf32> to vector<64x1xf32>
      %add3A_1063 = arith.constant 1.000000e-16 : f32
      %add3A_1064 = vector.broadcast %add3A_1063 : f32 to vector<64x1xf32>
      %add3A_1065 = arith.addf %broadcast_in_dim3A_1062, %add3A_1064 : vector<64x1xf32>
      %div3A_1066 = arith.constant 1.000000e+00 : f32
      %div3A_1067 = vector.broadcast %div3A_1066 : f32 to vector<64x1xf32>
      %div3A_1068 = arith.divf %div3A_1067, %add3A_1065 : vector<64x1xf32>
      %dot_general3A_1069 = arith.constant dense<0.000000e+00> : vector<64x128xf32>
      %dot_general3A_1070 = tpu.matmul %mul3A_1059, %slice3A_1048, %dot_general3A_1069 {dimension_numbers = #tpu.dot_dimension_numbers<[1], [0], [0], [1], [0, 0, 1, 1], [], []>, transpose_lhs_hint = false} : vector<64x64xf32>, vector<64x128xf32>, vector<64x128xf32> -> vector<64x128xf32>
      %mul3A_1071 = vector.broadcast %div3A_1068 : vector<64x1xf32> to vector<64x128xf32>
      %mul3A_1072 = arith.mulf %dot_general3A_1070, %mul3A_1071 : vector<64x128xf32>
      %slice3A_1073 = vector.extract_strided_slice %slice3A_994 {offsets = [0, 384], sizes = [64, 128], strides = [1, 1]} : vector<64x512xf32> to vector<64x128xf32>
      %slice3A_1074 = vector.extract_strided_slice %dot_general3A_993 {offsets = [0, 3], sizes = [64, 1], strides = [1, 1]} : vector<512x4xf32> to vector<64x1xf32>
      %slice3A_1075 = vector.extract_strided_slice %dot_general3A_991 {offsets = [3, 0], sizes = [1, 64], strides = [1, 1]} : vector<4x512xf32> to vector<1x64xf32>
      %add3A_1076 = vector.broadcast %slice3A_1074 : vector<64x1xf32> to vector<64x64xf32>
      %add3A_1077 = vector.broadcast %slice3A_1075 : vector<1x64xf32> to vector<64x64xf32>
      %add3A_1078 = arith.addf %add3A_1076, %add3A_1077 : vector<64x64xf32>
      %mul3A_1079 = arith.constant 2.000000e-01 : f32
      %mul3A_1080 = vector.broadcast %mul3A_1079 : f32 to vector<64x64xf32>
      %mul3A_1081 = arith.mulf %mul3A_1080, %add3A_1078 : vector<64x64xf32>
      %max3A_1082 = arith.maximumf %add3A_1078, %mul3A_1081 : vector<64x64xf32>
      %exp3A_1083 = math.exp %max3A_1082 : vector<64x64xf32>
      %mul3A_1084 = arith.mulf %add3A, %exp3A_1083 : vector<64x64xf32>
      %reduce_sum3A_1085 = arith.constant dense<0.000000e+00> : vector<64xf32>
      %reduce_sum3A_1086 = vector.multi_reduction <add>, %mul3A_1084, %reduce_sum3A_1085 [1] : vector<64x64xf32> to vector<64xf32>
      %broadcast_in_dim3A_1087 = vector.shape_cast %reduce_sum3A_1086 : vector<64xf32> to vector<64x1xf32>
      %add3A_1088 = arith.constant 1.000000e-16 : f32
      %add3A_1089 = vector.broadcast %add3A_1088 : f32 to vector<64x1xf32>
      %add3A_1090 = arith.addf %broadcast_in_dim3A_1087, %add3A_1089 : vector<64x1xf32>
      %div3A_1091 = arith.constant 1.000000e+00 : f32
      %div3A_1092 = vector.broadcast %div3A_1091 : f32 to vector<64x1xf32>
      %div3A_1093 = arith.divf %div3A_1092, %add3A_1090 : vector<64x1xf32>
      %dot_general3A_1094 = arith.constant dense<0.000000e+00> : vector<64x128xf32>
      %dot_general3A_1095 = tpu.matmul %mul3A_1084, %slice3A_1073, %dot_general3A_1094 {dimension_numbers = #tpu.dot_dimension_numbers<[1], [0], [0], [1], [0, 0, 1, 1], [], []>, transpose_lhs_hint = false} : vector<64x64xf32>, vector<64x128xf32>, vector<64x128xf32> -> vector<64x128xf32>
      %mul3A_1096 = vector.broadcast %div3A_1093 : vector<64x1xf32> to vector<64x128xf32>
      %mul3A_1097 = arith.mulf %dot_general3A_1095, %mul3A_1096 : vector<64x128xf32>
      %concatenate3A_1098 = tpu.concatenate %mul3A_1022, %mul3A_1047, %mul3A_1072, %mul3A_1097 in 1 : vector<64x128xf32>, vector<64x128xf32>, vector<64x128xf32>, vector<64x128xf32> -> vector<64x512xf32>
      %add3A_1099 = vector.broadcast %get3A_997 : vector<1x512xf32> to vector<64x512xf32>
      %add3A_1100 = arith.addf %concatenate3A_1098, %add3A_1099 : vector<64x512xf32>
      %slice3A_1101 = vector.extract_strided_slice %dot_general3A_983 {offsets = [64, 0], sizes = [64, 512], strides = [1, 1]} : vector<512x512xf32> to vector<64x512xf32>
      %get3A_1102 = arith.constant 0 : index
      %get3A_1103 = arith.constant 0 : index
      %get3A_1104 = vector.load %arg16[%get3A_1102, %get3A_1103] : memref<1x512xf32, #tpu.memory_space<vmem>>, vector<1x512xf32>
      %slice3A_1105 = vector.extract_strided_slice %slice3A_1101 {offsets = [0, 0], sizes = [64, 128], strides = [1, 1]} : vector<64x512xf32> to vector<64x128xf32>
      %slice3A_1106 = vector.extract_strided_slice %dot_general3A_993 {offsets = [64, 0], sizes = [64, 1], strides = [1, 1]} : vector<512x4xf32> to vector<64x1xf32>
      %slice3A_1107 = vector.extract_strided_slice %dot_general3A_991 {offsets = [0, 64], sizes = [1, 64], strides = [1, 1]} : vector<4x512xf32> to vector<1x64xf32>
      %add3A_1108 = vector.broadcast %slice3A_1106 : vector<64x1xf32> to vector<64x64xf32>
      %add3A_1109 = vector.broadcast %slice3A_1107 : vector<1x64xf32> to vector<64x64xf32>
      %add3A_1110 = arith.addf %add3A_1108, %add3A_1109 : vector<64x64xf32>
      %mul3A_1111 = arith.constant 2.000000e-01 : f32
      %mul3A_1112 = vector.broadcast %mul3A_1111 : f32 to vector<64x64xf32>
      %mul3A_1113 = arith.mulf %mul3A_1112, %add3A_1110 : vector<64x64xf32>
      %max3A_1114 = arith.maximumf %add3A_1110, %mul3A_1113 : vector<64x64xf32>
      %exp3A_1115 = math.exp %max3A_1114 : vector<64x64xf32>
      %mul3A_1116 = arith.mulf %add3A_19, %exp3A_1115 : vector<64x64xf32>
      %reduce_sum3A_1117 = arith.constant dense<0.000000e+00> : vector<64xf32>
      %reduce_sum3A_1118 = vector.multi_reduction <add>, %mul3A_1116, %reduce_sum3A_1117 [1] : vector<64x64xf32> to vector<64xf32>
      %broadcast_in_dim3A_1119 = vector.shape_cast %reduce_sum3A_1118 : vector<64xf32> to vector<64x1xf32>
      %add3A_1120 = arith.constant 1.000000e-16 : f32
      %add3A_1121 = vector.broadcast %add3A_1120 : f32 to vector<64x1xf32>
      %add3A_1122 = arith.addf %broadcast_in_dim3A_1119, %add3A_1121 : vector<64x1xf32>
      %div3A_1123 = arith.constant 1.000000e+00 : f32
      %div3A_1124 = vector.broadcast %div3A_1123 : f32 to vector<64x1xf32>
      %div3A_1125 = arith.divf %div3A_1124, %add3A_1122 : vector<64x1xf32>
      %dot_general3A_1126 = arith.constant dense<0.000000e+00> : vector<64x128xf32>
      %dot_general3A_1127 = tpu.matmul %mul3A_1116, %slice3A_1105, %dot_general3A_1126 {dimension_numbers = #tpu.dot_dimension_numbers<[1], [0], [0], [1], [0, 0, 1, 1], [], []>, transpose_lhs_hint = false} : vector<64x64xf32>, vector<64x128xf32>, vector<64x128xf32> -> vector<64x128xf32>
      %mul3A_1128 = vector.broadcast %div3A_1125 : vector<64x1xf32> to vector<64x128xf32>
      %mul3A_1129 = arith.mulf %dot_general3A_1127, %mul3A_1128 : vector<64x128xf32>
      %slice3A_1130 = vector.extract_strided_slice %slice3A_1101 {offsets = [0, 128], sizes = [64, 128], strides = [1, 1]} : vector<64x512xf32> to vector<64x128xf32>
      %slice3A_1131 = vector.extract_strided_slice %dot_general3A_993 {offsets = [64, 1], sizes = [64, 1], strides = [1, 1]} : vector<512x4xf32> to vector<64x1xf32>
      %slice3A_1132 = vector.extract_strided_slice %dot_general3A_991 {offsets = [1, 64], sizes = [1, 64], strides = [1, 1]} : vector<4x512xf32> to vector<1x64xf32>
      %add3A_1133 = vector.broadcast %slice3A_1131 : vector<64x1xf32> to vector<64x64xf32>
      %add3A_1134 = vector.broadcast %slice3A_1132 : vector<1x64xf32> to vector<64x64xf32>
      %add3A_1135 = arith.addf %add3A_1133, %add3A_1134 : vector<64x64xf32>
      %mul3A_1136 = arith.constant 2.000000e-01 : f32
      %mul3A_1137 = vector.broadcast %mul3A_1136 : f32 to vector<64x64xf32>
      %mul3A_1138 = arith.mulf %mul3A_1137, %add3A_1135 : vector<64x64xf32>
      %max3A_1139 = arith.maximumf %add3A_1135, %mul3A_1138 : vector<64x64xf32>
      %exp3A_1140 = math.exp %max3A_1139 : vector<64x64xf32>
      %mul3A_1141 = arith.mulf %add3A_19, %exp3A_1140 : vector<64x64xf32>
      %reduce_sum3A_1142 = arith.constant dense<0.000000e+00> : vector<64xf32>
      %reduce_sum3A_1143 = vector.multi_reduction <add>, %mul3A_1141, %reduce_sum3A_1142 [1] : vector<64x64xf32> to vector<64xf32>
      %broadcast_in_dim3A_1144 = vector.shape_cast %reduce_sum3A_1143 : vector<64xf32> to vector<64x1xf32>
      %add3A_1145 = arith.constant 1.000000e-16 : f32
      %add3A_1146 = vector.broadcast %add3A_1145 : f32 to vector<64x1xf32>
      %add3A_1147 = arith.addf %broadcast_in_dim3A_1144, %add3A_1146 : vector<64x1xf32>
      %div3A_1148 = arith.constant 1.000000e+00 : f32
      %div3A_1149 = vector.broadcast %div3A_1148 : f32 to vector<64x1xf32>
      %div3A_1150 = arith.divf %div3A_1149, %add3A_1147 : vector<64x1xf32>
      %dot_general3A_1151 = arith.constant dense<0.000000e+00> : vector<64x128xf32>
      %dot_general3A_1152 = tpu.matmul %mul3A_1141, %slice3A_1130, %dot_general3A_1151 {dimension_numbers = #tpu.dot_dimension_numbers<[1], [0], [0], [1], [0, 0, 1, 1], [], []>, transpose_lhs_hint = false} : vector<64x64xf32>, vector<64x128xf32>, vector<64x128xf32> -> vector<64x128xf32>
      %mul3A_1153 = vector.broadcast %div3A_1150 : vector<64x1xf32> to vector<64x128xf32>
      %mul3A_1154 = arith.mulf %dot_general3A_1152, %mul3A_1153 : vector<64x128xf32>
      %slice3A_1155 = vector.extract_strided_slice %slice3A_1101 {offsets = [0, 256], sizes = [64, 128], strides = [1, 1]} : vector<64x512xf32> to vector<64x128xf32>
      %slice3A_1156 = vector.extract_strided_slice %dot_general3A_993 {offsets = [64, 2], sizes = [64, 1], strides = [1, 1]} : vector<512x4xf32> to vector<64x1xf32>
      %slice3A_1157 = vector.extract_strided_slice %dot_general3A_991 {offsets = [2, 64], sizes = [1, 64], strides = [1, 1]} : vector<4x512xf32> to vector<1x64xf32>
      %add3A_1158 = vector.broadcast %slice3A_1156 : vector<64x1xf32> to vector<64x64xf32>
      %add3A_1159 = vector.broadcast %slice3A_1157 : vector<1x64xf32> to vector<64x64xf32>
      %add3A_1160 = arith.addf %add3A_1158, %add3A_1159 : vector<64x64xf32>
      %mul3A_1161 = arith.constant 2.000000e-01 : f32
      %mul3A_1162 = vector.broadcast %mul3A_1161 : f32 to vector<64x64xf32>
      %mul3A_1163 = arith.mulf %mul3A_1162, %add3A_1160 : vector<64x64xf32>
      %max3A_1164 = arith.maximumf %add3A_1160, %mul3A_1163 : vector<64x64xf32>
      %exp3A_1165 = math.exp %max3A_1164 : vector<64x64xf32>
      %mul3A_1166 = arith.mulf %add3A_19, %exp3A_1165 : vector<64x64xf32>
      %reduce_sum3A_1167 = arith.constant dense<0.000000e+00> : vector<64xf32>
      %reduce_sum3A_1168 = vector.multi_reduction <add>, %mul3A_1166, %reduce_sum3A_1167 [1] : vector<64x64xf32> to vector<64xf32>
      %broadcast_in_dim3A_1169 = vector.shape_cast %reduce_sum3A_1168 : vector<64xf32> to vector<64x1xf32>
      %add3A_1170 = arith.constant 1.000000e-16 : f32
      %add3A_1171 = vector.broadcast %add3A_1170 : f32 to vector<64x1xf32>
      %add3A_1172 = arith.addf %broadcast_in_dim3A_1169, %add3A_1171 : vector<64x1xf32>
      %div3A_1173 = arith.constant 1.000000e+00 : f32
      %div3A_1174 = vector.broadcast %div3A_1173 : f32 to vector<64x1xf32>
      %div3A_1175 = arith.divf %div3A_1174, %add3A_1172 : vector<64x1xf32>
      %dot_general3A_1176 = arith.constant dense<0.000000e+00> : vector<64x128xf32>
      %dot_general3A_1177 = tpu.matmul %mul3A_1166, %slice3A_1155, %dot_general3A_1176 {dimension_numbers = #tpu.dot_dimension_numbers<[1], [0], [0], [1], [0, 0, 1, 1], [], []>, transpose_lhs_hint = false} : vector<64x64xf32>, vector<64x128xf32>, vector<64x128xf32> -> vector<64x128xf32>
      %mul3A_1178 = vector.broadcast %div3A_1175 : vector<64x1xf32> to vector<64x128xf32>
      %mul3A_1179 = arith.mulf %dot_general3A_1177, %mul3A_1178 : vector<64x128xf32>
      %slice3A_1180 = vector.extract_strided_slice %slice3A_1101 {offsets = [0, 384], sizes = [64, 128], strides = [1, 1]} : vector<64x512xf32> to vector<64x128xf32>
      %slice3A_1181 = vector.extract_strided_slice %dot_general3A_993 {offsets = [64, 3], sizes = [64, 1], strides = [1, 1]} : vector<512x4xf32> to vector<64x1xf32>
      %slice3A_1182 = vector.extract_strided_slice %dot_general3A_991 {offsets = [3, 64], sizes = [1, 64], strides = [1, 1]} : vector<4x512xf32> to vector<1x64xf32>
      %add3A_1183 = vector.broadcast %slice3A_1181 : vector<64x1xf32> to vector<64x64xf32>
      %add3A_1184 = vector.broadcast %slice3A_1182 : vector<1x64xf32> to vector<64x64xf32>
      %add3A_1185 = arith.addf %add3A_1183, %add3A_1184 : vector<64x64xf32>
      %mul3A_1186 = arith.constant 2.000000e-01 : f32
      %mul3A_1187 = vector.broadcast %mul3A_1186 : f32 to vector<64x64xf32>
      %mul3A_1188 = arith.mulf %mul3A_1187, %add3A_1185 : vector<64x64xf32>
      %max3A_1189 = arith.maximumf %add3A_1185, %mul3A_1188 : vector<64x64xf32>
      %exp3A_1190 = math.exp %max3A_1189 : vector<64x64xf32>
      %mul3A_1191 = arith.mulf %add3A_19, %exp3A_1190 : vector<64x64xf32>
      %reduce_sum3A_1192 = arith.constant dense<0.000000e+00> : vector<64xf32>
      %reduce_sum3A_1193 = vector.multi_reduction <add>, %mul3A_1191, %reduce_sum3A_1192 [1] : vector<64x64xf32> to vector<64xf32>
      %broadcast_in_dim3A_1194 = vector.shape_cast %reduce_sum3A_1193 : vector<64xf32> to vector<64x1xf32>
      %add3A_1195 = arith.constant 1.000000e-16 : f32
      %add3A_1196 = vector.broadcast %add3A_1195 : f32 to vector<64x1xf32>
      %add3A_1197 = arith.addf %broadcast_in_dim3A_1194, %add3A_1196 : vector<64x1xf32>
      %div3A_1198 = arith.constant 1.000000e+00 : f32
      %div3A_1199 = vector.broadcast %div3A_1198 : f32 to vector<64x1xf32>
      %div3A_1200 = arith.divf %div3A_1199, %add3A_1197 : vector<64x1xf32>
      %dot_general3A_1201 = arith.constant dense<0.000000e+00> : vector<64x128xf32>
      %dot_general3A_1202 = tpu.matmul %mul3A_1191, %slice3A_1180, %dot_general3A_1201 {dimension_numbers = #tpu.dot_dimension_numbers<[1], [0], [0], [1], [0, 0, 1, 1], [], []>, transpose_lhs_hint = false} : vector<64x64xf32>, vector<64x128xf32>, vector<64x128xf32> -> vector<64x128xf32>
      %mul3A_1203 = vector.broadcast %div3A_1200 : vector<64x1xf32> to vector<64x128xf32>
      %mul3A_1204 = arith.mulf %dot_general3A_1202, %mul3A_1203 : vector<64x128xf32>
      %concatenate3A_1205 = tpu.concatenate %mul3A_1129, %mul3A_1154, %mul3A_1179, %mul3A_1204 in 1 : vector<64x128xf32>, vector<64x128xf32>, vector<64x128xf32>, vector<64x128xf32> -> vector<64x512xf32>
      %add3A_1206 = vector.broadcast %get3A_1104 : vector<1x512xf32> to vector<64x512xf32>
      %add3A_1207 = arith.addf %concatenate3A_1205, %add3A_1206 : vector<64x512xf32>
      %slice3A_1208 = vector.extract_strided_slice %dot_general3A_983 {offsets = [128, 0], sizes = [64, 512], strides = [1, 1]} : vector<512x512xf32> to vector<64x512xf32>
      %get3A_1209 = arith.constant 0 : index
      %get3A_1210 = arith.constant 0 : index
      %get3A_1211 = vector.load %arg16[%get3A_1209, %get3A_1210] : memref<1x512xf32, #tpu.memory_space<vmem>>, vector<1x512xf32>
      %slice3A_1212 = vector.extract_strided_slice %slice3A_1208 {offsets = [0, 0], sizes = [64, 128], strides = [1, 1]} : vector<64x512xf32> to vector<64x128xf32>
      %slice3A_1213 = vector.extract_strided_slice %dot_general3A_993 {offsets = [128, 0], sizes = [64, 1], strides = [1, 1]} : vector<512x4xf32> to vector<64x1xf32>
      %slice3A_1214 = vector.extract_strided_slice %dot_general3A_991 {offsets = [0, 128], sizes = [1, 64], strides = [1, 1]} : vector<4x512xf32> to vector<1x64xf32>
      %add3A_1215 = vector.broadcast %slice3A_1213 : vector<64x1xf32> to vector<64x64xf32>
      %add3A_1216 = vector.broadcast %slice3A_1214 : vector<1x64xf32> to vector<64x64xf32>
      %add3A_1217 = arith.addf %add3A_1215, %add3A_1216 : vector<64x64xf32>
      %mul3A_1218 = arith.constant 2.000000e-01 : f32
      %mul3A_1219 = vector.broadcast %mul3A_1218 : f32 to vector<64x64xf32>
      %mul3A_1220 = arith.mulf %mul3A_1219, %add3A_1217 : vector<64x64xf32>
      %max3A_1221 = arith.maximumf %add3A_1217, %mul3A_1220 : vector<64x64xf32>
      %exp3A_1222 = math.exp %max3A_1221 : vector<64x64xf32>
      %mul3A_1223 = arith.mulf %add3A_25, %exp3A_1222 : vector<64x64xf32>
      %reduce_sum3A_1224 = arith.constant dense<0.000000e+00> : vector<64xf32>
      %reduce_sum3A_1225 = vector.multi_reduction <add>, %mul3A_1223, %reduce_sum3A_1224 [1] : vector<64x64xf32> to vector<64xf32>
      %broadcast_in_dim3A_1226 = vector.shape_cast %reduce_sum3A_1225 : vector<64xf32> to vector<64x1xf32>
      %add3A_1227 = arith.constant 1.000000e-16 : f32
      %add3A_1228 = vector.broadcast %add3A_1227 : f32 to vector<64x1xf32>
      %add3A_1229 = arith.addf %broadcast_in_dim3A_1226, %add3A_1228 : vector<64x1xf32>
      %div3A_1230 = arith.constant 1.000000e+00 : f32
      %div3A_1231 = vector.broadcast %div3A_1230 : f32 to vector<64x1xf32>
      %div3A_1232 = arith.divf %div3A_1231, %add3A_1229 : vector<64x1xf32>
      %dot_general3A_1233 = arith.constant dense<0.000000e+00> : vector<64x128xf32>
      %dot_general3A_1234 = tpu.matmul %mul3A_1223, %slice3A_1212, %dot_general3A_1233 {dimension_numbers = #tpu.dot_dimension_numbers<[1], [0], [0], [1], [0, 0, 1, 1], [], []>, transpose_lhs_hint = false} : vector<64x64xf32>, vector<64x128xf32>, vector<64x128xf32> -> vector<64x128xf32>
      %mul3A_1235 = vector.broadcast %div3A_1232 : vector<64x1xf32> to vector<64x128xf32>
      %mul3A_1236 = arith.mulf %dot_general3A_1234, %mul3A_1235 : vector<64x128xf32>
      %slice3A_1237 = vector.extract_strided_slice %slice3A_1208 {offsets = [0, 128], sizes = [64, 128], strides = [1, 1]} : vector<64x512xf32> to vector<64x128xf32>
      %slice3A_1238 = vector.extract_strided_slice %dot_general3A_993 {offsets = [128, 1], sizes = [64, 1], strides = [1, 1]} : vector<512x4xf32> to vector<64x1xf32>
      %slice3A_1239 = vector.extract_strided_slice %dot_general3A_991 {offsets = [1, 128], sizes = [1, 64], strides = [1, 1]} : vector<4x512xf32> to vector<1x64xf32>
      %add3A_1240 = vector.broadcast %slice3A_1238 : vector<64x1xf32> to vector<64x64xf32>
      %add3A_1241 = vector.broadcast %slice3A_1239 : vector<1x64xf32> to vector<64x64xf32>
      %add3A_1242 = arith.addf %add3A_1240, %add3A_1241 : vector<64x64xf32>
      %mul3A_1243 = arith.constant 2.000000e-01 : f32
      %mul3A_1244 = vector.broadcast %mul3A_1243 : f32 to vector<64x64xf32>
      %mul3A_1245 = arith.mulf %mul3A_1244, %add3A_1242 : vector<64x64xf32>
      %max3A_1246 = arith.maximumf %add3A_1242, %mul3A_1245 : vector<64x64xf32>
      %exp3A_1247 = math.exp %max3A_1246 : vector<64x64xf32>
      %mul3A_1248 = arith.mulf %add3A_25, %exp3A_1247 : vector<64x64xf32>
      %reduce_sum3A_1249 = arith.constant dense<0.000000e+00> : vector<64xf32>
      %reduce_sum3A_1250 = vector.multi_reduction <add>, %mul3A_1248, %reduce_sum3A_1249 [1] : vector<64x64xf32> to vector<64xf32>
      %broadcast_in_dim3A_1251 = vector.shape_cast %reduce_sum3A_1250 : vector<64xf32> to vector<64x1xf32>
      %add3A_1252 = arith.constant 1.000000e-16 : f32
      %add3A_1253 = vector.broadcast %add3A_1252 : f32 to vector<64x1xf32>
      %add3A_1254 = arith.addf %broadcast_in_dim3A_1251, %add3A_1253 : vector<64x1xf32>
      %div3A_1255 = arith.constant 1.000000e+00 : f32
      %div3A_1256 = vector.broadcast %div3A_1255 : f32 to vector<64x1xf32>
      %div3A_1257 = arith.divf %div3A_1256, %add3A_1254 : vector<64x1xf32>
      %dot_general3A_1258 = arith.constant dense<0.000000e+00> : vector<64x128xf32>
      %dot_general3A_1259 = tpu.matmul %mul3A_1248, %slice3A_1237, %dot_general3A_1258 {dimension_numbers = #tpu.dot_dimension_numbers<[1], [0], [0], [1], [0, 0, 1, 1], [], []>, transpose_lhs_hint = false} : vector<64x64xf32>, vector<64x128xf32>, vector<64x128xf32> -> vector<64x128xf32>
      %mul3A_1260 = vector.broadcast %div3A_1257 : vector<64x1xf32> to vector<64x128xf32>
      %mul3A_1261 = arith.mulf %dot_general3A_1259, %mul3A_1260 : vector<64x128xf32>
      %slice3A_1262 = vector.extract_strided_slice %slice3A_1208 {offsets = [0, 256], sizes = [64, 128], strides = [1, 1]} : vector<64x512xf32> to vector<64x128xf32>
      %slice3A_1263 = vector.extract_strided_slice %dot_general3A_993 {offsets = [128, 2], sizes = [64, 1], strides = [1, 1]} : vector<512x4xf32> to vector<64x1xf32>
      %slice3A_1264 = vector.extract_strided_slice %dot_general3A_991 {offsets = [2, 128], sizes = [1, 64], strides = [1, 1]} : vector<4x512xf32> to vector<1x64xf32>
      %add3A_1265 = vector.broadcast %slice3A_1263 : vector<64x1xf32> to vector<64x64xf32>
      %add3A_1266 = vector.broadcast %slice3A_1264 : vector<1x64xf32> to vector<64x64xf32>
      %add3A_1267 = arith.addf %add3A_1265, %add3A_1266 : vector<64x64xf32>
      %mul3A_1268 = arith.constant 2.000000e-01 : f32
      %mul3A_1269 = vector.broadcast %mul3A_1268 : f32 to vector<64x64xf32>
      %mul3A_1270 = arith.mulf %mul3A_1269, %add3A_1267 : vector<64x64xf32>
      %max3A_1271 = arith.maximumf %add3A_1267, %mul3A_1270 : vector<64x64xf32>
      %exp3A_1272 = math.exp %max3A_1271 : vector<64x64xf32>
      %mul3A_1273 = arith.mulf %add3A_25, %exp3A_1272 : vector<64x64xf32>
      %reduce_sum3A_1274 = arith.constant dense<0.000000e+00> : vector<64xf32>
      %reduce_sum3A_1275 = vector.multi_reduction <add>, %mul3A_1273, %reduce_sum3A_1274 [1] : vector<64x64xf32> to vector<64xf32>
      %broadcast_in_dim3A_1276 = vector.shape_cast %reduce_sum3A_1275 : vector<64xf32> to vector<64x1xf32>
      %add3A_1277 = arith.constant 1.000000e-16 : f32
      %add3A_1278 = vector.broadcast %add3A_1277 : f32 to vector<64x1xf32>
      %add3A_1279 = arith.addf %broadcast_in_dim3A_1276, %add3A_1278 : vector<64x1xf32>
      %div3A_1280 = arith.constant 1.000000e+00 : f32
      %div3A_1281 = vector.broadcast %div3A_1280 : f32 to vector<64x1xf32>
      %div3A_1282 = arith.divf %div3A_1281, %add3A_1279 : vector<64x1xf32>
      %dot_general3A_1283 = arith.constant dense<0.000000e+00> : vector<64x128xf32>
      %dot_general3A_1284 = tpu.matmul %mul3A_1273, %slice3A_1262, %dot_general3A_1283 {dimension_numbers = #tpu.dot_dimension_numbers<[1], [0], [0], [1], [0, 0, 1, 1], [], []>, transpose_lhs_hint = false} : vector<64x64xf32>, vector<64x128xf32>, vector<64x128xf32> -> vector<64x128xf32>
      %mul3A_1285 = vector.broadcast %div3A_1282 : vector<64x1xf32> to vector<64x128xf32>
      %mul3A_1286 = arith.mulf %dot_general3A_1284, %mul3A_1285 : vector<64x128xf32>
      %slice3A_1287 = vector.extract_strided_slice %slice3A_1208 {offsets = [0, 384], sizes = [64, 128], strides = [1, 1]} : vector<64x512xf32> to vector<64x128xf32>
      %slice3A_1288 = vector.extract_strided_slice %dot_general3A_993 {offsets = [128, 3], sizes = [64, 1], strides = [1, 1]} : vector<512x4xf32> to vector<64x1xf32>
      %slice3A_1289 = vector.extract_strided_slice %dot_general3A_991 {offsets = [3, 128], sizes = [1, 64], strides = [1, 1]} : vector<4x512xf32> to vector<1x64xf32>
      %add3A_1290 = vector.broadcast %slice3A_1288 : vector<64x1xf32> to vector<64x64xf32>
      %add3A_1291 = vector.broadcast %slice3A_1289 : vector<1x64xf32> to vector<64x64xf32>
      %add3A_1292 = arith.addf %add3A_1290, %add3A_1291 : vector<64x64xf32>
      %mul3A_1293 = arith.constant 2.000000e-01 : f32
      %mul3A_1294 = vector.broadcast %mul3A_1293 : f32 to vector<64x64xf32>
      %mul3A_1295 = arith.mulf %mul3A_1294, %add3A_1292 : vector<64x64xf32>
      %max3A_1296 = arith.maximumf %add3A_1292, %mul3A_1295 : vector<64x64xf32>
      %exp3A_1297 = math.exp %max3A_1296 : vector<64x64xf32>
      %mul3A_1298 = arith.mulf %add3A_25, %exp3A_1297 : vector<64x64xf32>
      %reduce_sum3A_1299 = arith.constant dense<0.000000e+00> : vector<64xf32>
      %reduce_sum3A_1300 = vector.multi_reduction <add>, %mul3A_1298, %reduce_sum3A_1299 [1] : vector<64x64xf32> to vector<64xf32>
      %broadcast_in_dim3A_1301 = vector.shape_cast %reduce_sum3A_1300 : vector<64xf32> to vector<64x1xf32>
      %add3A_1302 = arith.constant 1.000000e-16 : f32
      %add3A_1303 = vector.broadcast %add3A_1302 : f32 to vector<64x1xf32>
      %add3A_1304 = arith.addf %broadcast_in_dim3A_1301, %add3A_1303 : vector<64x1xf32>
      %div3A_1305 = arith.constant 1.000000e+00 : f32
      %div3A_1306 = vector.broadcast %div3A_1305 : f32 to vector<64x1xf32>
      %div3A_1307 = arith.divf %div3A_1306, %add3A_1304 : vector<64x1xf32>
      %dot_general3A_1308 = arith.constant dense<0.000000e+00> : vector<64x128xf32>
      %dot_general3A_1309 = tpu.matmul %mul3A_1298, %slice3A_1287, %dot_general3A_1308 {dimension_numbers = #tpu.dot_dimension_numbers<[1], [0], [0], [1], [0, 0, 1, 1], [], []>, transpose_lhs_hint = false} : vector<64x64xf32>, vector<64x128xf32>, vector<64x128xf32> -> vector<64x128xf32>
      %mul3A_1310 = vector.broadcast %div3A_1307 : vector<64x1xf32> to vector<64x128xf32>
      %mul3A_1311 = arith.mulf %dot_general3A_1309, %mul3A_1310 : vector<64x128xf32>
      %concatenate3A_1312 = tpu.concatenate %mul3A_1236, %mul3A_1261, %mul3A_1286, %mul3A_1311 in 1 : vector<64x128xf32>, vector<64x128xf32>, vector<64x128xf32>, vector<64x128xf32> -> vector<64x512xf32>
      %add3A_1313 = vector.broadcast %get3A_1211 : vector<1x512xf32> to vector<64x512xf32>
      %add3A_1314 = arith.addf %concatenate3A_1312, %add3A_1313 : vector<64x512xf32>
      %slice3A_1315 = vector.extract_strided_slice %dot_general3A_983 {offsets = [192, 0], sizes = [64, 512], strides = [1, 1]} : vector<512x512xf32> to vector<64x512xf32>
      %get3A_1316 = arith.constant 0 : index
      %get3A_1317 = arith.constant 0 : index
      %get3A_1318 = vector.load %arg16[%get3A_1316, %get3A_1317] : memref<1x512xf32, #tpu.memory_space<vmem>>, vector<1x512xf32>
      %slice3A_1319 = vector.extract_strided_slice %slice3A_1315 {offsets = [0, 0], sizes = [64, 128], strides = [1, 1]} : vector<64x512xf32> to vector<64x128xf32>
      %slice3A_1320 = vector.extract_strided_slice %dot_general3A_993 {offsets = [192, 0], sizes = [64, 1], strides = [1, 1]} : vector<512x4xf32> to vector<64x1xf32>
      %slice3A_1321 = vector.extract_strided_slice %dot_general3A_991 {offsets = [0, 192], sizes = [1, 64], strides = [1, 1]} : vector<4x512xf32> to vector<1x64xf32>
      %add3A_1322 = vector.broadcast %slice3A_1320 : vector<64x1xf32> to vector<64x64xf32>
      %add3A_1323 = vector.broadcast %slice3A_1321 : vector<1x64xf32> to vector<64x64xf32>
      %add3A_1324 = arith.addf %add3A_1322, %add3A_1323 : vector<64x64xf32>
      %mul3A_1325 = arith.constant 2.000000e-01 : f32
      %mul3A_1326 = vector.broadcast %mul3A_1325 : f32 to vector<64x64xf32>
      %mul3A_1327 = arith.mulf %mul3A_1326, %add3A_1324 : vector<64x64xf32>
      %max3A_1328 = arith.maximumf %add3A_1324, %mul3A_1327 : vector<64x64xf32>
      %exp3A_1329 = math.exp %max3A_1328 : vector<64x64xf32>
      %mul3A_1330 = arith.mulf %add3A_31, %exp3A_1329 : vector<64x64xf32>
      %reduce_sum3A_1331 = arith.constant dense<0.000000e+00> : vector<64xf32>
      %reduce_sum3A_1332 = vector.multi_reduction <add>, %mul3A_1330, %reduce_sum3A_1331 [1] : vector<64x64xf32> to vector<64xf32>
      %broadcast_in_dim3A_1333 = vector.shape_cast %reduce_sum3A_1332 : vector<64xf32> to vector<64x1xf32>
      %add3A_1334 = arith.constant 1.000000e-16 : f32
      %add3A_1335 = vector.broadcast %add3A_1334 : f32 to vector<64x1xf32>
      %add3A_1336 = arith.addf %broadcast_in_dim3A_1333, %add3A_1335 : vector<64x1xf32>
      %div3A_1337 = arith.constant 1.000000e+00 : f32
      %div3A_1338 = vector.broadcast %div3A_1337 : f32 to vector<64x1xf32>
      %div3A_1339 = arith.divf %div3A_1338, %add3A_1336 : vector<64x1xf32>
      %dot_general3A_1340 = arith.constant dense<0.000000e+00> : vector<64x128xf32>
      %dot_general3A_1341 = tpu.matmul %mul3A_1330, %slice3A_1319, %dot_general3A_1340 {dimension_numbers = #tpu.dot_dimension_numbers<[1], [0], [0], [1], [0, 0, 1, 1], [], []>, transpose_lhs_hint = false} : vector<64x64xf32>, vector<64x128xf32>, vector<64x128xf32> -> vector<64x128xf32>
      %mul3A_1342 = vector.broadcast %div3A_1339 : vector<64x1xf32> to vector<64x128xf32>
      %mul3A_1343 = arith.mulf %dot_general3A_1341, %mul3A_1342 : vector<64x128xf32>
      %slice3A_1344 = vector.extract_strided_slice %slice3A_1315 {offsets = [0, 128], sizes = [64, 128], strides = [1, 1]} : vector<64x512xf32> to vector<64x128xf32>
      %slice3A_1345 = vector.extract_strided_slice %dot_general3A_993 {offsets = [192, 1], sizes = [64, 1], strides = [1, 1]} : vector<512x4xf32> to vector<64x1xf32>
      %slice3A_1346 = vector.extract_strided_slice %dot_general3A_991 {offsets = [1, 192], sizes = [1, 64], strides = [1, 1]} : vector<4x512xf32> to vector<1x64xf32>
      %add3A_1347 = vector.broadcast %slice3A_1345 : vector<64x1xf32> to vector<64x64xf32>
      %add3A_1348 = vector.broadcast %slice3A_1346 : vector<1x64xf32> to vector<64x64xf32>
      %add3A_1349 = arith.addf %add3A_1347, %add3A_1348 : vector<64x64xf32>
      %mul3A_1350 = arith.constant 2.000000e-01 : f32
      %mul3A_1351 = vector.broadcast %mul3A_1350 : f32 to vector<64x64xf32>
      %mul3A_1352 = arith.mulf %mul3A_1351, %add3A_1349 : vector<64x64xf32>
      %max3A_1353 = arith.maximumf %add3A_1349, %mul3A_1352 : vector<64x64xf32>
      %exp3A_1354 = math.exp %max3A_1353 : vector<64x64xf32>
      %mul3A_1355 = arith.mulf %add3A_31, %exp3A_1354 : vector<64x64xf32>
      %reduce_sum3A_1356 = arith.constant dense<0.000000e+00> : vector<64xf32>
      %reduce_sum3A_1357 = vector.multi_reduction <add>, %mul3A_1355, %reduce_sum3A_1356 [1] : vector<64x64xf32> to vector<64xf32>
      %broadcast_in_dim3A_1358 = vector.shape_cast %reduce_sum3A_1357 : vector<64xf32> to vector<64x1xf32>
      %add3A_1359 = arith.constant 1.000000e-16 : f32
      %add3A_1360 = vector.broadcast %add3A_1359 : f32 to vector<64x1xf32>
      %add3A_1361 = arith.addf %broadcast_in_dim3A_1358, %add3A_1360 : vector<64x1xf32>
      %div3A_1362 = arith.constant 1.000000e+00 : f32
      %div3A_1363 = vector.broadcast %div3A_1362 : f32 to vector<64x1xf32>
      %div3A_1364 = arith.divf %div3A_1363, %add3A_1361 : vector<64x1xf32>
      %dot_general3A_1365 = arith.constant dense<0.000000e+00> : vector<64x128xf32>
      %dot_general3A_1366 = tpu.matmul %mul3A_1355, %slice3A_1344, %dot_general3A_1365 {dimension_numbers = #tpu.dot_dimension_numbers<[1], [0], [0], [1], [0, 0, 1, 1], [], []>, transpose_lhs_hint = false} : vector<64x64xf32>, vector<64x128xf32>, vector<64x128xf32> -> vector<64x128xf32>
      %mul3A_1367 = vector.broadcast %div3A_1364 : vector<64x1xf32> to vector<64x128xf32>
      %mul3A_1368 = arith.mulf %dot_general3A_1366, %mul3A_1367 : vector<64x128xf32>
      %slice3A_1369 = vector.extract_strided_slice %slice3A_1315 {offsets = [0, 256], sizes = [64, 128], strides = [1, 1]} : vector<64x512xf32> to vector<64x128xf32>
      %slice3A_1370 = vector.extract_strided_slice %dot_general3A_993 {offsets = [192, 2], sizes = [64, 1], strides = [1, 1]} : vector<512x4xf32> to vector<64x1xf32>
      %slice3A_1371 = vector.extract_strided_slice %dot_general3A_991 {offsets = [2, 192], sizes = [1, 64], strides = [1, 1]} : vector<4x512xf32> to vector<1x64xf32>
      %add3A_1372 = vector.broadcast %slice3A_1370 : vector<64x1xf32> to vector<64x64xf32>
      %add3A_1373 = vector.broadcast %slice3A_1371 : vector<1x64xf32> to vector<64x64xf32>
      %add3A_1374 = arith.addf %add3A_1372, %add3A_1373 : vector<64x64xf32>
      %mul3A_1375 = arith.constant 2.000000e-01 : f32
      %mul3A_1376 = vector.broadcast %mul3A_1375 : f32 to vector<64x64xf32>
      %mul3A_1377 = arith.mulf %mul3A_1376, %add3A_1374 : vector<64x64xf32>
      %max3A_1378 = arith.maximumf %add3A_1374, %mul3A_1377 : vector<64x64xf32>
      %exp3A_1379 = math.exp %max3A_1378 : vector<64x64xf32>
      %mul3A_1380 = arith.mulf %add3A_31, %exp3A_1379 : vector<64x64xf32>
      %reduce_sum3A_1381 = arith.constant dense<0.000000e+00> : vector<64xf32>
      %reduce_sum3A_1382 = vector.multi_reduction <add>, %mul3A_1380, %reduce_sum3A_1381 [1] : vector<64x64xf32> to vector<64xf32>
      %broadcast_in_dim3A_1383 = vector.shape_cast %reduce_sum3A_1382 : vector<64xf32> to vector<64x1xf32>
      %add3A_1384 = arith.constant 1.000000e-16 : f32
      %add3A_1385 = vector.broadcast %add3A_1384 : f32 to vector<64x1xf32>
      %add3A_1386 = arith.addf %broadcast_in_dim3A_1383, %add3A_1385 : vector<64x1xf32>
      %div3A_1387 = arith.constant 1.000000e+00 : f32
      %div3A_1388 = vector.broadcast %div3A_1387 : f32 to vector<64x1xf32>
      %div3A_1389 = arith.divf %div3A_1388, %add3A_1386 : vector<64x1xf32>
      %dot_general3A_1390 = arith.constant dense<0.000000e+00> : vector<64x128xf32>
      %dot_general3A_1391 = tpu.matmul %mul3A_1380, %slice3A_1369, %dot_general3A_1390 {dimension_numbers = #tpu.dot_dimension_numbers<[1], [0], [0], [1], [0, 0, 1, 1], [], []>, transpose_lhs_hint = false} : vector<64x64xf32>, vector<64x128xf32>, vector<64x128xf32> -> vector<64x128xf32>
      %mul3A_1392 = vector.broadcast %div3A_1389 : vector<64x1xf32> to vector<64x128xf32>
      %mul3A_1393 = arith.mulf %dot_general3A_1391, %mul3A_1392 : vector<64x128xf32>
      %slice3A_1394 = vector.extract_strided_slice %slice3A_1315 {offsets = [0, 384], sizes = [64, 128], strides = [1, 1]} : vector<64x512xf32> to vector<64x128xf32>
      %slice3A_1395 = vector.extract_strided_slice %dot_general3A_993 {offsets = [192, 3], sizes = [64, 1], strides = [1, 1]} : vector<512x4xf32> to vector<64x1xf32>
      %slice3A_1396 = vector.extract_strided_slice %dot_general3A_991 {offsets = [3, 192], sizes = [1, 64], strides = [1, 1]} : vector<4x512xf32> to vector<1x64xf32>
      %add3A_1397 = vector.broadcast %slice3A_1395 : vector<64x1xf32> to vector<64x64xf32>
      %add3A_1398 = vector.broadcast %slice3A_1396 : vector<1x64xf32> to vector<64x64xf32>
      %add3A_1399 = arith.addf %add3A_1397, %add3A_1398 : vector<64x64xf32>
      %mul3A_1400 = arith.constant 2.000000e-01 : f32
      %mul3A_1401 = vector.broadcast %mul3A_1400 : f32 to vector<64x64xf32>
      %mul3A_1402 = arith.mulf %mul3A_1401, %add3A_1399 : vector<64x64xf32>
      %max3A_1403 = arith.maximumf %add3A_1399, %mul3A_1402 : vector<64x64xf32>
      %exp3A_1404 = math.exp %max3A_1403 : vector<64x64xf32>
      %mul3A_1405 = arith.mulf %add3A_31, %exp3A_1404 : vector<64x64xf32>
      %reduce_sum3A_1406 = arith.constant dense<0.000000e+00> : vector<64xf32>
      %reduce_sum3A_1407 = vector.multi_reduction <add>, %mul3A_1405, %reduce_sum3A_1406 [1] : vector<64x64xf32> to vector<64xf32>
      %broadcast_in_dim3A_1408 = vector.shape_cast %reduce_sum3A_1407 : vector<64xf32> to vector<64x1xf32>
      %add3A_1409 = arith.constant 1.000000e-16 : f32
      %add3A_1410 = vector.broadcast %add3A_1409 : f32 to vector<64x1xf32>
      %add3A_1411 = arith.addf %broadcast_in_dim3A_1408, %add3A_1410 : vector<64x1xf32>
      %div3A_1412 = arith.constant 1.000000e+00 : f32
      %div3A_1413 = vector.broadcast %div3A_1412 : f32 to vector<64x1xf32>
      %div3A_1414 = arith.divf %div3A_1413, %add3A_1411 : vector<64x1xf32>
      %dot_general3A_1415 = arith.constant dense<0.000000e+00> : vector<64x128xf32>
      %dot_general3A_1416 = tpu.matmul %mul3A_1405, %slice3A_1394, %dot_general3A_1415 {dimension_numbers = #tpu.dot_dimension_numbers<[1], [0], [0], [1], [0, 0, 1, 1], [], []>, transpose_lhs_hint = false} : vector<64x64xf32>, vector<64x128xf32>, vector<64x128xf32> -> vector<64x128xf32>
      %mul3A_1417 = vector.broadcast %div3A_1414 : vector<64x1xf32> to vector<64x128xf32>
      %mul3A_1418 = arith.mulf %dot_general3A_1416, %mul3A_1417 : vector<64x128xf32>
      %concatenate3A_1419 = tpu.concatenate %mul3A_1343, %mul3A_1368, %mul3A_1393, %mul3A_1418 in 1 : vector<64x128xf32>, vector<64x128xf32>, vector<64x128xf32>, vector<64x128xf32> -> vector<64x512xf32>
      %add3A_1420 = vector.broadcast %get3A_1318 : vector<1x512xf32> to vector<64x512xf32>
      %add3A_1421 = arith.addf %concatenate3A_1419, %add3A_1420 : vector<64x512xf32>
      %slice3A_1422 = vector.extract_strided_slice %dot_general3A_983 {offsets = [256, 0], sizes = [64, 512], strides = [1, 1]} : vector<512x512xf32> to vector<64x512xf32>
      %get3A_1423 = arith.constant 0 : index
      %get3A_1424 = arith.constant 0 : index
      %get3A_1425 = vector.load %arg16[%get3A_1423, %get3A_1424] : memref<1x512xf32, #tpu.memory_space<vmem>>, vector<1x512xf32>
      %slice3A_1426 = vector.extract_strided_slice %slice3A_1422 {offsets = [0, 0], sizes = [64, 128], strides = [1, 1]} : vector<64x512xf32> to vector<64x128xf32>
      %slice3A_1427 = vector.extract_strided_slice %dot_general3A_993 {offsets = [256, 0], sizes = [64, 1], strides = [1, 1]} : vector<512x4xf32> to vector<64x1xf32>
      %slice3A_1428 = vector.extract_strided_slice %dot_general3A_991 {offsets = [0, 256], sizes = [1, 64], strides = [1, 1]} : vector<4x512xf32> to vector<1x64xf32>
      %add3A_1429 = vector.broadcast %slice3A_1427 : vector<64x1xf32> to vector<64x64xf32>
      %add3A_1430 = vector.broadcast %slice3A_1428 : vector<1x64xf32> to vector<64x64xf32>
      %add3A_1431 = arith.addf %add3A_1429, %add3A_1430 : vector<64x64xf32>
      %mul3A_1432 = arith.constant 2.000000e-01 : f32
      %mul3A_1433 = vector.broadcast %mul3A_1432 : f32 to vector<64x64xf32>
      %mul3A_1434 = arith.mulf %mul3A_1433, %add3A_1431 : vector<64x64xf32>
      %max3A_1435 = arith.maximumf %add3A_1431, %mul3A_1434 : vector<64x64xf32>
      %exp3A_1436 = math.exp %max3A_1435 : vector<64x64xf32>
      %mul3A_1437 = arith.mulf %add3A_37, %exp3A_1436 : vector<64x64xf32>
      %reduce_sum3A_1438 = arith.constant dense<0.000000e+00> : vector<64xf32>
      %reduce_sum3A_1439 = vector.multi_reduction <add>, %mul3A_1437, %reduce_sum3A_1438 [1] : vector<64x64xf32> to vector<64xf32>
      %broadcast_in_dim3A_1440 = vector.shape_cast %reduce_sum3A_1439 : vector<64xf32> to vector<64x1xf32>
      %add3A_1441 = arith.constant 1.000000e-16 : f32
      %add3A_1442 = vector.broadcast %add3A_1441 : f32 to vector<64x1xf32>
      %add3A_1443 = arith.addf %broadcast_in_dim3A_1440, %add3A_1442 : vector<64x1xf32>
      %div3A_1444 = arith.constant 1.000000e+00 : f32
      %div3A_1445 = vector.broadcast %div3A_1444 : f32 to vector<64x1xf32>
      %div3A_1446 = arith.divf %div3A_1445, %add3A_1443 : vector<64x1xf32>
      %dot_general3A_1447 = arith.constant dense<0.000000e+00> : vector<64x128xf32>
      %dot_general3A_1448 = tpu.matmul %mul3A_1437, %slice3A_1426, %dot_general3A_1447 {dimension_numbers = #tpu.dot_dimension_numbers<[1], [0], [0], [1], [0, 0, 1, 1], [], []>, transpose_lhs_hint = false} : vector<64x64xf32>, vector<64x128xf32>, vector<64x128xf32> -> vector<64x128xf32>
      %mul3A_1449 = vector.broadcast %div3A_1446 : vector<64x1xf32> to vector<64x128xf32>
      %mul3A_1450 = arith.mulf %dot_general3A_1448, %mul3A_1449 : vector<64x128xf32>
      %slice3A_1451 = vector.extract_strided_slice %slice3A_1422 {offsets = [0, 128], sizes = [64, 128], strides = [1, 1]} : vector<64x512xf32> to vector<64x128xf32>
      %slice3A_1452 = vector.extract_strided_slice %dot_general3A_993 {offsets = [256, 1], sizes = [64, 1], strides = [1, 1]} : vector<512x4xf32> to vector<64x1xf32>
      %slice3A_1453 = vector.extract_strided_slice %dot_general3A_991 {offsets = [1, 256], sizes = [1, 64], strides = [1, 1]} : vector<4x512xf32> to vector<1x64xf32>
      %add3A_1454 = vector.broadcast %slice3A_1452 : vector<64x1xf32> to vector<64x64xf32>
      %add3A_1455 = vector.broadcast %slice3A_1453 : vector<1x64xf32> to vector<64x64xf32>
      %add3A_1456 = arith.addf %add3A_1454, %add3A_1455 : vector<64x64xf32>
      %mul3A_1457 = arith.constant 2.000000e-01 : f32
      %mul3A_1458 = vector.broadcast %mul3A_1457 : f32 to vector<64x64xf32>
      %mul3A_1459 = arith.mulf %mul3A_1458, %add3A_1456 : vector<64x64xf32>
      %max3A_1460 = arith.maximumf %add3A_1456, %mul3A_1459 : vector<64x64xf32>
      %exp3A_1461 = math.exp %max3A_1460 : vector<64x64xf32>
      %mul3A_1462 = arith.mulf %add3A_37, %exp3A_1461 : vector<64x64xf32>
      %reduce_sum3A_1463 = arith.constant dense<0.000000e+00> : vector<64xf32>
      %reduce_sum3A_1464 = vector.multi_reduction <add>, %mul3A_1462, %reduce_sum3A_1463 [1] : vector<64x64xf32> to vector<64xf32>
      %broadcast_in_dim3A_1465 = vector.shape_cast %reduce_sum3A_1464 : vector<64xf32> to vector<64x1xf32>
      %add3A_1466 = arith.constant 1.000000e-16 : f32
      %add3A_1467 = vector.broadcast %add3A_1466 : f32 to vector<64x1xf32>
      %add3A_1468 = arith.addf %broadcast_in_dim3A_1465, %add3A_1467 : vector<64x1xf32>
      %div3A_1469 = arith.constant 1.000000e+00 : f32
      %div3A_1470 = vector.broadcast %div3A_1469 : f32 to vector<64x1xf32>
      %div3A_1471 = arith.divf %div3A_1470, %add3A_1468 : vector<64x1xf32>
      %dot_general3A_1472 = arith.constant dense<0.000000e+00> : vector<64x128xf32>
      %dot_general3A_1473 = tpu.matmul %mul3A_1462, %slice3A_1451, %dot_general3A_1472 {dimension_numbers = #tpu.dot_dimension_numbers<[1], [0], [0], [1], [0, 0, 1, 1], [], []>, transpose_lhs_hint = false} : vector<64x64xf32>, vector<64x128xf32>, vector<64x128xf32> -> vector<64x128xf32>
      %mul3A_1474 = vector.broadcast %div3A_1471 : vector<64x1xf32> to vector<64x128xf32>
      %mul3A_1475 = arith.mulf %dot_general3A_1473, %mul3A_1474 : vector<64x128xf32>
      %slice3A_1476 = vector.extract_strided_slice %slice3A_1422 {offsets = [0, 256], sizes = [64, 128], strides = [1, 1]} : vector<64x512xf32> to vector<64x128xf32>
      %slice3A_1477 = vector.extract_strided_slice %dot_general3A_993 {offsets = [256, 2], sizes = [64, 1], strides = [1, 1]} : vector<512x4xf32> to vector<64x1xf32>
      %slice3A_1478 = vector.extract_strided_slice %dot_general3A_991 {offsets = [2, 256], sizes = [1, 64], strides = [1, 1]} : vector<4x512xf32> to vector<1x64xf32>
      %add3A_1479 = vector.broadcast %slice3A_1477 : vector<64x1xf32> to vector<64x64xf32>
      %add3A_1480 = vector.broadcast %slice3A_1478 : vector<1x64xf32> to vector<64x64xf32>
      %add3A_1481 = arith.addf %add3A_1479, %add3A_1480 : vector<64x64xf32>
      %mul3A_1482 = arith.constant 2.000000e-01 : f32
      %mul3A_1483 = vector.broadcast %mul3A_1482 : f32 to vector<64x64xf32>
      %mul3A_1484 = arith.mulf %mul3A_1483, %add3A_1481 : vector<64x64xf32>
      %max3A_1485 = arith.maximumf %add3A_1481, %mul3A_1484 : vector<64x64xf32>
      %exp3A_1486 = math.exp %max3A_1485 : vector<64x64xf32>
      %mul3A_1487 = arith.mulf %add3A_37, %exp3A_1486 : vector<64x64xf32>
      %reduce_sum3A_1488 = arith.constant dense<0.000000e+00> : vector<64xf32>
      %reduce_sum3A_1489 = vector.multi_reduction <add>, %mul3A_1487, %reduce_sum3A_1488 [1] : vector<64x64xf32> to vector<64xf32>
      %broadcast_in_dim3A_1490 = vector.shape_cast %reduce_sum3A_1489 : vector<64xf32> to vector<64x1xf32>
      %add3A_1491 = arith.constant 1.000000e-16 : f32
      %add3A_1492 = vector.broadcast %add3A_1491 : f32 to vector<64x1xf32>
      %add3A_1493 = arith.addf %broadcast_in_dim3A_1490, %add3A_1492 : vector<64x1xf32>
      %div3A_1494 = arith.constant 1.000000e+00 : f32
      %div3A_1495 = vector.broadcast %div3A_1494 : f32 to vector<64x1xf32>
      %div3A_1496 = arith.divf %div3A_1495, %add3A_1493 : vector<64x1xf32>
      %dot_general3A_1497 = arith.constant dense<0.000000e+00> : vector<64x128xf32>
      %dot_general3A_1498 = tpu.matmul %mul3A_1487, %slice3A_1476, %dot_general3A_1497 {dimension_numbers = #tpu.dot_dimension_numbers<[1], [0], [0], [1], [0, 0, 1, 1], [], []>, transpose_lhs_hint = false} : vector<64x64xf32>, vector<64x128xf32>, vector<64x128xf32> -> vector<64x128xf32>
      %mul3A_1499 = vector.broadcast %div3A_1496 : vector<64x1xf32> to vector<64x128xf32>
      %mul3A_1500 = arith.mulf %dot_general3A_1498, %mul3A_1499 : vector<64x128xf32>
      %slice3A_1501 = vector.extract_strided_slice %slice3A_1422 {offsets = [0, 384], sizes = [64, 128], strides = [1, 1]} : vector<64x512xf32> to vector<64x128xf32>
      %slice3A_1502 = vector.extract_strided_slice %dot_general3A_993 {offsets = [256, 3], sizes = [64, 1], strides = [1, 1]} : vector<512x4xf32> to vector<64x1xf32>
      %slice3A_1503 = vector.extract_strided_slice %dot_general3A_991 {offsets = [3, 256], sizes = [1, 64], strides = [1, 1]} : vector<4x512xf32> to vector<1x64xf32>
      %add3A_1504 = vector.broadcast %slice3A_1502 : vector<64x1xf32> to vector<64x64xf32>
      %add3A_1505 = vector.broadcast %slice3A_1503 : vector<1x64xf32> to vector<64x64xf32>
      %add3A_1506 = arith.addf %add3A_1504, %add3A_1505 : vector<64x64xf32>
      %mul3A_1507 = arith.constant 2.000000e-01 : f32
      %mul3A_1508 = vector.broadcast %mul3A_1507 : f32 to vector<64x64xf32>
      %mul3A_1509 = arith.mulf %mul3A_1508, %add3A_1506 : vector<64x64xf32>
      %max3A_1510 = arith.maximumf %add3A_1506, %mul3A_1509 : vector<64x64xf32>
      %exp3A_1511 = math.exp %max3A_1510 : vector<64x64xf32>
      %mul3A_1512 = arith.mulf %add3A_37, %exp3A_1511 : vector<64x64xf32>
      %reduce_sum3A_1513 = arith.constant dense<0.000000e+00> : vector<64xf32>
      %reduce_sum3A_1514 = vector.multi_reduction <add>, %mul3A_1512, %reduce_sum3A_1513 [1] : vector<64x64xf32> to vector<64xf32>
      %broadcast_in_dim3A_1515 = vector.shape_cast %reduce_sum3A_1514 : vector<64xf32> to vector<64x1xf32>
      %add3A_1516 = arith.constant 1.000000e-16 : f32
      %add3A_1517 = vector.broadcast %add3A_1516 : f32 to vector<64x1xf32>
      %add3A_1518 = arith.addf %broadcast_in_dim3A_1515, %add3A_1517 : vector<64x1xf32>
      %div3A_1519 = arith.constant 1.000000e+00 : f32
      %div3A_1520 = vector.broadcast %div3A_1519 : f32 to vector<64x1xf32>
      %div3A_1521 = arith.divf %div3A_1520, %add3A_1518 : vector<64x1xf32>
      %dot_general3A_1522 = arith.constant dense<0.000000e+00> : vector<64x128xf32>
      %dot_general3A_1523 = tpu.matmul %mul3A_1512, %slice3A_1501, %dot_general3A_1522 {dimension_numbers = #tpu.dot_dimension_numbers<[1], [0], [0], [1], [0, 0, 1, 1], [], []>, transpose_lhs_hint = false} : vector<64x64xf32>, vector<64x128xf32>, vector<64x128xf32> -> vector<64x128xf32>
      %mul3A_1524 = vector.broadcast %div3A_1521 : vector<64x1xf32> to vector<64x128xf32>
      %mul3A_1525 = arith.mulf %dot_general3A_1523, %mul3A_1524 : vector<64x128xf32>
      %concatenate3A_1526 = tpu.concatenate %mul3A_1450, %mul3A_1475, %mul3A_1500, %mul3A_1525 in 1 : vector<64x128xf32>, vector<64x128xf32>, vector<64x128xf32>, vector<64x128xf32> -> vector<64x512xf32>
      %add3A_1527 = vector.broadcast %get3A_1425 : vector<1x512xf32> to vector<64x512xf32>
      %add3A_1528 = arith.addf %concatenate3A_1526, %add3A_1527 : vector<64x512xf32>
      %slice3A_1529 = vector.extract_strided_slice %dot_general3A_983 {offsets = [320, 0], sizes = [64, 512], strides = [1, 1]} : vector<512x512xf32> to vector<64x512xf32>
      %get3A_1530 = arith.constant 0 : index
      %get3A_1531 = arith.constant 0 : index
      %get3A_1532 = vector.load %arg16[%get3A_1530, %get3A_1531] : memref<1x512xf32, #tpu.memory_space<vmem>>, vector<1x512xf32>
      %slice3A_1533 = vector.extract_strided_slice %slice3A_1529 {offsets = [0, 0], sizes = [64, 128], strides = [1, 1]} : vector<64x512xf32> to vector<64x128xf32>
      %slice3A_1534 = vector.extract_strided_slice %dot_general3A_993 {offsets = [320, 0], sizes = [64, 1], strides = [1, 1]} : vector<512x4xf32> to vector<64x1xf32>
      %slice3A_1535 = vector.extract_strided_slice %dot_general3A_991 {offsets = [0, 320], sizes = [1, 64], strides = [1, 1]} : vector<4x512xf32> to vector<1x64xf32>
      %add3A_1536 = vector.broadcast %slice3A_1534 : vector<64x1xf32> to vector<64x64xf32>
      %add3A_1537 = vector.broadcast %slice3A_1535 : vector<1x64xf32> to vector<64x64xf32>
      %add3A_1538 = arith.addf %add3A_1536, %add3A_1537 : vector<64x64xf32>
      %mul3A_1539 = arith.constant 2.000000e-01 : f32
      %mul3A_1540 = vector.broadcast %mul3A_1539 : f32 to vector<64x64xf32>
      %mul3A_1541 = arith.mulf %mul3A_1540, %add3A_1538 : vector<64x64xf32>
      %max3A_1542 = arith.maximumf %add3A_1538, %mul3A_1541 : vector<64x64xf32>
      %exp3A_1543 = math.exp %max3A_1542 : vector<64x64xf32>
      %mul3A_1544 = arith.mulf %add3A_43, %exp3A_1543 : vector<64x64xf32>
      %reduce_sum3A_1545 = arith.constant dense<0.000000e+00> : vector<64xf32>
      %reduce_sum3A_1546 = vector.multi_reduction <add>, %mul3A_1544, %reduce_sum3A_1545 [1] : vector<64x64xf32> to vector<64xf32>
      %broadcast_in_dim3A_1547 = vector.shape_cast %reduce_sum3A_1546 : vector<64xf32> to vector<64x1xf32>
      %add3A_1548 = arith.constant 1.000000e-16 : f32
      %add3A_1549 = vector.broadcast %add3A_1548 : f32 to vector<64x1xf32>
      %add3A_1550 = arith.addf %broadcast_in_dim3A_1547, %add3A_1549 : vector<64x1xf32>
      %div3A_1551 = arith.constant 1.000000e+00 : f32
      %div3A_1552 = vector.broadcast %div3A_1551 : f32 to vector<64x1xf32>
      %div3A_1553 = arith.divf %div3A_1552, %add3A_1550 : vector<64x1xf32>
      %dot_general3A_1554 = arith.constant dense<0.000000e+00> : vector<64x128xf32>
      %dot_general3A_1555 = tpu.matmul %mul3A_1544, %slice3A_1533, %dot_general3A_1554 {dimension_numbers = #tpu.dot_dimension_numbers<[1], [0], [0], [1], [0, 0, 1, 1], [], []>, transpose_lhs_hint = false} : vector<64x64xf32>, vector<64x128xf32>, vector<64x128xf32> -> vector<64x128xf32>
      %mul3A_1556 = vector.broadcast %div3A_1553 : vector<64x1xf32> to vector<64x128xf32>
      %mul3A_1557 = arith.mulf %dot_general3A_1555, %mul3A_1556 : vector<64x128xf32>
      %slice3A_1558 = vector.extract_strided_slice %slice3A_1529 {offsets = [0, 128], sizes = [64, 128], strides = [1, 1]} : vector<64x512xf32> to vector<64x128xf32>
      %slice3A_1559 = vector.extract_strided_slice %dot_general3A_993 {offsets = [320, 1], sizes = [64, 1], strides = [1, 1]} : vector<512x4xf32> to vector<64x1xf32>
      %slice3A_1560 = vector.extract_strided_slice %dot_general3A_991 {offsets = [1, 320], sizes = [1, 64], strides = [1, 1]} : vector<4x512xf32> to vector<1x64xf32>
      %add3A_1561 = vector.broadcast %slice3A_1559 : vector<64x1xf32> to vector<64x64xf32>
      %add3A_1562 = vector.broadcast %slice3A_1560 : vector<1x64xf32> to vector<64x64xf32>
      %add3A_1563 = arith.addf %add3A_1561, %add3A_1562 : vector<64x64xf32>
      %mul3A_1564 = arith.constant 2.000000e-01 : f32
      %mul3A_1565 = vector.broadcast %mul3A_1564 : f32 to vector<64x64xf32>
      %mul3A_1566 = arith.mulf %mul3A_1565, %add3A_1563 : vector<64x64xf32>
      %max3A_1567 = arith.maximumf %add3A_1563, %mul3A_1566 : vector<64x64xf32>
      %exp3A_1568 = math.exp %max3A_1567 : vector<64x64xf32>
      %mul3A_1569 = arith.mulf %add3A_43, %exp3A_1568 : vector<64x64xf32>
      %reduce_sum3A_1570 = arith.constant dense<0.000000e+00> : vector<64xf32>
      %reduce_sum3A_1571 = vector.multi_reduction <add>, %mul3A_1569, %reduce_sum3A_1570 [1] : vector<64x64xf32> to vector<64xf32>
      %broadcast_in_dim3A_1572 = vector.shape_cast %reduce_sum3A_1571 : vector<64xf32> to vector<64x1xf32>
      %add3A_1573 = arith.constant 1.000000e-16 : f32
      %add3A_1574 = vector.broadcast %add3A_1573 : f32 to vector<64x1xf32>
      %add3A_1575 = arith.addf %broadcast_in_dim3A_1572, %add3A_1574 : vector<64x1xf32>
      %div3A_1576 = arith.constant 1.000000e+00 : f32
      %div3A_1577 = vector.broadcast %div3A_1576 : f32 to vector<64x1xf32>
      %div3A_1578 = arith.divf %div3A_1577, %add3A_1575 : vector<64x1xf32>
      %dot_general3A_1579 = arith.constant dense<0.000000e+00> : vector<64x128xf32>
      %dot_general3A_1580 = tpu.matmul %mul3A_1569, %slice3A_1558, %dot_general3A_1579 {dimension_numbers = #tpu.dot_dimension_numbers<[1], [0], [0], [1], [0, 0, 1, 1], [], []>, transpose_lhs_hint = false} : vector<64x64xf32>, vector<64x128xf32>, vector<64x128xf32> -> vector<64x128xf32>
      %mul3A_1581 = vector.broadcast %div3A_1578 : vector<64x1xf32> to vector<64x128xf32>
      %mul3A_1582 = arith.mulf %dot_general3A_1580, %mul3A_1581 : vector<64x128xf32>
      %slice3A_1583 = vector.extract_strided_slice %slice3A_1529 {offsets = [0, 256], sizes = [64, 128], strides = [1, 1]} : vector<64x512xf32> to vector<64x128xf32>
      %slice3A_1584 = vector.extract_strided_slice %dot_general3A_993 {offsets = [320, 2], sizes = [64, 1], strides = [1, 1]} : vector<512x4xf32> to vector<64x1xf32>
      %slice3A_1585 = vector.extract_strided_slice %dot_general3A_991 {offsets = [2, 320], sizes = [1, 64], strides = [1, 1]} : vector<4x512xf32> to vector<1x64xf32>
      %add3A_1586 = vector.broadcast %slice3A_1584 : vector<64x1xf32> to vector<64x64xf32>
      %add3A_1587 = vector.broadcast %slice3A_1585 : vector<1x64xf32> to vector<64x64xf32>
      %add3A_1588 = arith.addf %add3A_1586, %add3A_1587 : vector<64x64xf32>
      %mul3A_1589 = arith.constant 2.000000e-01 : f32
      %mul3A_1590 = vector.broadcast %mul3A_1589 : f32 to vector<64x64xf32>
      %mul3A_1591 = arith.mulf %mul3A_1590, %add3A_1588 : vector<64x64xf32>
      %max3A_1592 = arith.maximumf %add3A_1588, %mul3A_1591 : vector<64x64xf32>
      %exp3A_1593 = math.exp %max3A_1592 : vector<64x64xf32>
      %mul3A_1594 = arith.mulf %add3A_43, %exp3A_1593 : vector<64x64xf32>
      %reduce_sum3A_1595 = arith.constant dense<0.000000e+00> : vector<64xf32>
      %reduce_sum3A_1596 = vector.multi_reduction <add>, %mul3A_1594, %reduce_sum3A_1595 [1] : vector<64x64xf32> to vector<64xf32>
      %broadcast_in_dim3A_1597 = vector.shape_cast %reduce_sum3A_1596 : vector<64xf32> to vector<64x1xf32>
      %add3A_1598 = arith.constant 1.000000e-16 : f32
      %add3A_1599 = vector.broadcast %add3A_1598 : f32 to vector<64x1xf32>
      %add3A_1600 = arith.addf %broadcast_in_dim3A_1597, %add3A_1599 : vector<64x1xf32>
      %div3A_1601 = arith.constant 1.000000e+00 : f32
      %div3A_1602 = vector.broadcast %div3A_1601 : f32 to vector<64x1xf32>
      %div3A_1603 = arith.divf %div3A_1602, %add3A_1600 : vector<64x1xf32>
      %dot_general3A_1604 = arith.constant dense<0.000000e+00> : vector<64x128xf32>
      %dot_general3A_1605 = tpu.matmul %mul3A_1594, %slice3A_1583, %dot_general3A_1604 {dimension_numbers = #tpu.dot_dimension_numbers<[1], [0], [0], [1], [0, 0, 1, 1], [], []>, transpose_lhs_hint = false} : vector<64x64xf32>, vector<64x128xf32>, vector<64x128xf32> -> vector<64x128xf32>
      %mul3A_1606 = vector.broadcast %div3A_1603 : vector<64x1xf32> to vector<64x128xf32>
      %mul3A_1607 = arith.mulf %dot_general3A_1605, %mul3A_1606 : vector<64x128xf32>
      %slice3A_1608 = vector.extract_strided_slice %slice3A_1529 {offsets = [0, 384], sizes = [64, 128], strides = [1, 1]} : vector<64x512xf32> to vector<64x128xf32>
      %slice3A_1609 = vector.extract_strided_slice %dot_general3A_993 {offsets = [320, 3], sizes = [64, 1], strides = [1, 1]} : vector<512x4xf32> to vector<64x1xf32>
      %slice3A_1610 = vector.extract_strided_slice %dot_general3A_991 {offsets = [3, 320], sizes = [1, 64], strides = [1, 1]} : vector<4x512xf32> to vector<1x64xf32>
      %add3A_1611 = vector.broadcast %slice3A_1609 : vector<64x1xf32> to vector<64x64xf32>
      %add3A_1612 = vector.broadcast %slice3A_1610 : vector<1x64xf32> to vector<64x64xf32>
      %add3A_1613 = arith.addf %add3A_1611, %add3A_1612 : vector<64x64xf32>
      %mul3A_1614 = arith.constant 2.000000e-01 : f32
      %mul3A_1615 = vector.broadcast %mul3A_1614 : f32 to vector<64x64xf32>
      %mul3A_1616 = arith.mulf %mul3A_1615, %add3A_1613 : vector<64x64xf32>
      %max3A_1617 = arith.maximumf %add3A_1613, %mul3A_1616 : vector<64x64xf32>
      %exp3A_1618 = math.exp %max3A_1617 : vector<64x64xf32>
      %mul3A_1619 = arith.mulf %add3A_43, %exp3A_1618 : vector<64x64xf32>
      %reduce_sum3A_1620 = arith.constant dense<0.000000e+00> : vector<64xf32>
      %reduce_sum3A_1621 = vector.multi_reduction <add>, %mul3A_1619, %reduce_sum3A_1620 [1] : vector<64x64xf32> to vector<64xf32>
      %broadcast_in_dim3A_1622 = vector.shape_cast %reduce_sum3A_1621 : vector<64xf32> to vector<64x1xf32>
      %add3A_1623 = arith.constant 1.000000e-16 : f32
      %add3A_1624 = vector.broadcast %add3A_1623 : f32 to vector<64x1xf32>
      %add3A_1625 = arith.addf %broadcast_in_dim3A_1622, %add3A_1624 : vector<64x1xf32>
      %div3A_1626 = arith.constant 1.000000e+00 : f32
      %div3A_1627 = vector.broadcast %div3A_1626 : f32 to vector<64x1xf32>
      %div3A_1628 = arith.divf %div3A_1627, %add3A_1625 : vector<64x1xf32>
      %dot_general3A_1629 = arith.constant dense<0.000000e+00> : vector<64x128xf32>
      %dot_general3A_1630 = tpu.matmul %mul3A_1619, %slice3A_1608, %dot_general3A_1629 {dimension_numbers = #tpu.dot_dimension_numbers<[1], [0], [0], [1], [0, 0, 1, 1], [], []>, transpose_lhs_hint = false} : vector<64x64xf32>, vector<64x128xf32>, vector<64x128xf32> -> vector<64x128xf32>
      %mul3A_1631 = vector.broadcast %div3A_1628 : vector<64x1xf32> to vector<64x128xf32>
      %mul3A_1632 = arith.mulf %dot_general3A_1630, %mul3A_1631 : vector<64x128xf32>
      %concatenate3A_1633 = tpu.concatenate %mul3A_1557, %mul3A_1582, %mul3A_1607, %mul3A_1632 in 1 : vector<64x128xf32>, vector<64x128xf32>, vector<64x128xf32>, vector<64x128xf32> -> vector<64x512xf32>
      %add3A_1634 = vector.broadcast %get3A_1532 : vector<1x512xf32> to vector<64x512xf32>
      %add3A_1635 = arith.addf %concatenate3A_1633, %add3A_1634 : vector<64x512xf32>
      %slice3A_1636 = vector.extract_strided_slice %dot_general3A_983 {offsets = [384, 0], sizes = [64, 512], strides = [1, 1]} : vector<512x512xf32> to vector<64x512xf32>
      %get3A_1637 = arith.constant 0 : index
      %get3A_1638 = arith.constant 0 : index
      %get3A_1639 = vector.load %arg16[%get3A_1637, %get3A_1638] : memref<1x512xf32, #tpu.memory_space<vmem>>, vector<1x512xf32>
      %slice3A_1640 = vector.extract_strided_slice %slice3A_1636 {offsets = [0, 0], sizes = [64, 128], strides = [1, 1]} : vector<64x512xf32> to vector<64x128xf32>
      %slice3A_1641 = vector.extract_strided_slice %dot_general3A_993 {offsets = [384, 0], sizes = [64, 1], strides = [1, 1]} : vector<512x4xf32> to vector<64x1xf32>
      %slice3A_1642 = vector.extract_strided_slice %dot_general3A_991 {offsets = [0, 384], sizes = [1, 64], strides = [1, 1]} : vector<4x512xf32> to vector<1x64xf32>
      %add3A_1643 = vector.broadcast %slice3A_1641 : vector<64x1xf32> to vector<64x64xf32>
      %add3A_1644 = vector.broadcast %slice3A_1642 : vector<1x64xf32> to vector<64x64xf32>
      %add3A_1645 = arith.addf %add3A_1643, %add3A_1644 : vector<64x64xf32>
      %mul3A_1646 = arith.constant 2.000000e-01 : f32
      %mul3A_1647 = vector.broadcast %mul3A_1646 : f32 to vector<64x64xf32>
      %mul3A_1648 = arith.mulf %mul3A_1647, %add3A_1645 : vector<64x64xf32>
      %max3A_1649 = arith.maximumf %add3A_1645, %mul3A_1648 : vector<64x64xf32>
      %exp3A_1650 = math.exp %max3A_1649 : vector<64x64xf32>
      %mul3A_1651 = arith.mulf %add3A_49, %exp3A_1650 : vector<64x64xf32>
      %reduce_sum3A_1652 = arith.constant dense<0.000000e+00> : vector<64xf32>
      %reduce_sum3A_1653 = vector.multi_reduction <add>, %mul3A_1651, %reduce_sum3A_1652 [1] : vector<64x64xf32> to vector<64xf32>
      %broadcast_in_dim3A_1654 = vector.shape_cast %reduce_sum3A_1653 : vector<64xf32> to vector<64x1xf32>
      %add3A_1655 = arith.constant 1.000000e-16 : f32
      %add3A_1656 = vector.broadcast %add3A_1655 : f32 to vector<64x1xf32>
      %add3A_1657 = arith.addf %broadcast_in_dim3A_1654, %add3A_1656 : vector<64x1xf32>
      %div3A_1658 = arith.constant 1.000000e+00 : f32
      %div3A_1659 = vector.broadcast %div3A_1658 : f32 to vector<64x1xf32>
      %div3A_1660 = arith.divf %div3A_1659, %add3A_1657 : vector<64x1xf32>
      %dot_general3A_1661 = arith.constant dense<0.000000e+00> : vector<64x128xf32>
      %dot_general3A_1662 = tpu.matmul %mul3A_1651, %slice3A_1640, %dot_general3A_1661 {dimension_numbers = #tpu.dot_dimension_numbers<[1], [0], [0], [1], [0, 0, 1, 1], [], []>, transpose_lhs_hint = false} : vector<64x64xf32>, vector<64x128xf32>, vector<64x128xf32> -> vector<64x128xf32>
      %mul3A_1663 = vector.broadcast %div3A_1660 : vector<64x1xf32> to vector<64x128xf32>
      %mul3A_1664 = arith.mulf %dot_general3A_1662, %mul3A_1663 : vector<64x128xf32>
      %slice3A_1665 = vector.extract_strided_slice %slice3A_1636 {offsets = [0, 128], sizes = [64, 128], strides = [1, 1]} : vector<64x512xf32> to vector<64x128xf32>
      %slice3A_1666 = vector.extract_strided_slice %dot_general3A_993 {offsets = [384, 1], sizes = [64, 1], strides = [1, 1]} : vector<512x4xf32> to vector<64x1xf32>
      %slice3A_1667 = vector.extract_strided_slice %dot_general3A_991 {offsets = [1, 384], sizes = [1, 64], strides = [1, 1]} : vector<4x512xf32> to vector<1x64xf32>
      %add3A_1668 = vector.broadcast %slice3A_1666 : vector<64x1xf32> to vector<64x64xf32>
      %add3A_1669 = vector.broadcast %slice3A_1667 : vector<1x64xf32> to vector<64x64xf32>
      %add3A_1670 = arith.addf %add3A_1668, %add3A_1669 : vector<64x64xf32>
      %mul3A_1671 = arith.constant 2.000000e-01 : f32
      %mul3A_1672 = vector.broadcast %mul3A_1671 : f32 to vector<64x64xf32>
      %mul3A_1673 = arith.mulf %mul3A_1672, %add3A_1670 : vector<64x64xf32>
      %max3A_1674 = arith.maximumf %add3A_1670, %mul3A_1673 : vector<64x64xf32>
      %exp3A_1675 = math.exp %max3A_1674 : vector<64x64xf32>
      %mul3A_1676 = arith.mulf %add3A_49, %exp3A_1675 : vector<64x64xf32>
      %reduce_sum3A_1677 = arith.constant dense<0.000000e+00> : vector<64xf32>
      %reduce_sum3A_1678 = vector.multi_reduction <add>, %mul3A_1676, %reduce_sum3A_1677 [1] : vector<64x64xf32> to vector<64xf32>
      %broadcast_in_dim3A_1679 = vector.shape_cast %reduce_sum3A_1678 : vector<64xf32> to vector<64x1xf32>
      %add3A_1680 = arith.constant 1.000000e-16 : f32
      %add3A_1681 = vector.broadcast %add3A_1680 : f32 to vector<64x1xf32>
      %add3A_1682 = arith.addf %broadcast_in_dim3A_1679, %add3A_1681 : vector<64x1xf32>
      %div3A_1683 = arith.constant 1.000000e+00 : f32
      %div3A_1684 = vector.broadcast %div3A_1683 : f32 to vector<64x1xf32>
      %div3A_1685 = arith.divf %div3A_1684, %add3A_1682 : vector<64x1xf32>
      %dot_general3A_1686 = arith.constant dense<0.000000e+00> : vector<64x128xf32>
      %dot_general3A_1687 = tpu.matmul %mul3A_1676, %slice3A_1665, %dot_general3A_1686 {dimension_numbers = #tpu.dot_dimension_numbers<[1], [0], [0], [1], [0, 0, 1, 1], [], []>, transpose_lhs_hint = false} : vector<64x64xf32>, vector<64x128xf32>, vector<64x128xf32> -> vector<64x128xf32>
      %mul3A_1688 = vector.broadcast %div3A_1685 : vector<64x1xf32> to vector<64x128xf32>
      %mul3A_1689 = arith.mulf %dot_general3A_1687, %mul3A_1688 : vector<64x128xf32>
      %slice3A_1690 = vector.extract_strided_slice %slice3A_1636 {offsets = [0, 256], sizes = [64, 128], strides = [1, 1]} : vector<64x512xf32> to vector<64x128xf32>
      %slice3A_1691 = vector.extract_strided_slice %dot_general3A_993 {offsets = [384, 2], sizes = [64, 1], strides = [1, 1]} : vector<512x4xf32> to vector<64x1xf32>
      %slice3A_1692 = vector.extract_strided_slice %dot_general3A_991 {offsets = [2, 384], sizes = [1, 64], strides = [1, 1]} : vector<4x512xf32> to vector<1x64xf32>
      %add3A_1693 = vector.broadcast %slice3A_1691 : vector<64x1xf32> to vector<64x64xf32>
      %add3A_1694 = vector.broadcast %slice3A_1692 : vector<1x64xf32> to vector<64x64xf32>
      %add3A_1695 = arith.addf %add3A_1693, %add3A_1694 : vector<64x64xf32>
      %mul3A_1696 = arith.constant 2.000000e-01 : f32
      %mul3A_1697 = vector.broadcast %mul3A_1696 : f32 to vector<64x64xf32>
      %mul3A_1698 = arith.mulf %mul3A_1697, %add3A_1695 : vector<64x64xf32>
      %max3A_1699 = arith.maximumf %add3A_1695, %mul3A_1698 : vector<64x64xf32>
      %exp3A_1700 = math.exp %max3A_1699 : vector<64x64xf32>
      %mul3A_1701 = arith.mulf %add3A_49, %exp3A_1700 : vector<64x64xf32>
      %reduce_sum3A_1702 = arith.constant dense<0.000000e+00> : vector<64xf32>
      %reduce_sum3A_1703 = vector.multi_reduction <add>, %mul3A_1701, %reduce_sum3A_1702 [1] : vector<64x64xf32> to vector<64xf32>
      %broadcast_in_dim3A_1704 = vector.shape_cast %reduce_sum3A_1703 : vector<64xf32> to vector<64x1xf32>
      %add3A_1705 = arith.constant 1.000000e-16 : f32
      %add3A_1706 = vector.broadcast %add3A_1705 : f32 to vector<64x1xf32>
      %add3A_1707 = arith.addf %broadcast_in_dim3A_1704, %add3A_1706 : vector<64x1xf32>
      %div3A_1708 = arith.constant 1.000000e+00 : f32
      %div3A_1709 = vector.broadcast %div3A_1708 : f32 to vector<64x1xf32>
      %div3A_1710 = arith.divf %div3A_1709, %add3A_1707 : vector<64x1xf32>
      %dot_general3A_1711 = arith.constant dense<0.000000e+00> : vector<64x128xf32>
      %dot_general3A_1712 = tpu.matmul %mul3A_1701, %slice3A_1690, %dot_general3A_1711 {dimension_numbers = #tpu.dot_dimension_numbers<[1], [0], [0], [1], [0, 0, 1, 1], [], []>, transpose_lhs_hint = false} : vector<64x64xf32>, vector<64x128xf32>, vector<64x128xf32> -> vector<64x128xf32>
      %mul3A_1713 = vector.broadcast %div3A_1710 : vector<64x1xf32> to vector<64x128xf32>
      %mul3A_1714 = arith.mulf %dot_general3A_1712, %mul3A_1713 : vector<64x128xf32>
      %slice3A_1715 = vector.extract_strided_slice %slice3A_1636 {offsets = [0, 384], sizes = [64, 128], strides = [1, 1]} : vector<64x512xf32> to vector<64x128xf32>
      %slice3A_1716 = vector.extract_strided_slice %dot_general3A_993 {offsets = [384, 3], sizes = [64, 1], strides = [1, 1]} : vector<512x4xf32> to vector<64x1xf32>
      %slice3A_1717 = vector.extract_strided_slice %dot_general3A_991 {offsets = [3, 384], sizes = [1, 64], strides = [1, 1]} : vector<4x512xf32> to vector<1x64xf32>
      %add3A_1718 = vector.broadcast %slice3A_1716 : vector<64x1xf32> to vector<64x64xf32>
      %add3A_1719 = vector.broadcast %slice3A_1717 : vector<1x64xf32> to vector<64x64xf32>
      %add3A_1720 = arith.addf %add3A_1718, %add3A_1719 : vector<64x64xf32>
      %mul3A_1721 = arith.constant 2.000000e-01 : f32
      %mul3A_1722 = vector.broadcast %mul3A_1721 : f32 to vector<64x64xf32>
      %mul3A_1723 = arith.mulf %mul3A_1722, %add3A_1720 : vector<64x64xf32>
      %max3A_1724 = arith.maximumf %add3A_1720, %mul3A_1723 : vector<64x64xf32>
      %exp3A_1725 = math.exp %max3A_1724 : vector<64x64xf32>
      %mul3A_1726 = arith.mulf %add3A_49, %exp3A_1725 : vector<64x64xf32>
      %reduce_sum3A_1727 = arith.constant dense<0.000000e+00> : vector<64xf32>
      %reduce_sum3A_1728 = vector.multi_reduction <add>, %mul3A_1726, %reduce_sum3A_1727 [1] : vector<64x64xf32> to vector<64xf32>
      %broadcast_in_dim3A_1729 = vector.shape_cast %reduce_sum3A_1728 : vector<64xf32> to vector<64x1xf32>
      %add3A_1730 = arith.constant 1.000000e-16 : f32
      %add3A_1731 = vector.broadcast %add3A_1730 : f32 to vector<64x1xf32>
      %add3A_1732 = arith.addf %broadcast_in_dim3A_1729, %add3A_1731 : vector<64x1xf32>
      %div3A_1733 = arith.constant 1.000000e+00 : f32
      %div3A_1734 = vector.broadcast %div3A_1733 : f32 to vector<64x1xf32>
      %div3A_1735 = arith.divf %div3A_1734, %add3A_1732 : vector<64x1xf32>
      %dot_general3A_1736 = arith.constant dense<0.000000e+00> : vector<64x128xf32>
      %dot_general3A_1737 = tpu.matmul %mul3A_1726, %slice3A_1715, %dot_general3A_1736 {dimension_numbers = #tpu.dot_dimension_numbers<[1], [0], [0], [1], [0, 0, 1, 1], [], []>, transpose_lhs_hint = false} : vector<64x64xf32>, vector<64x128xf32>, vector<64x128xf32> -> vector<64x128xf32>
      %mul3A_1738 = vector.broadcast %div3A_1735 : vector<64x1xf32> to vector<64x128xf32>
      %mul3A_1739 = arith.mulf %dot_general3A_1737, %mul3A_1738 : vector<64x128xf32>
      %concatenate3A_1740 = tpu.concatenate %mul3A_1664, %mul3A_1689, %mul3A_1714, %mul3A_1739 in 1 : vector<64x128xf32>, vector<64x128xf32>, vector<64x128xf32>, vector<64x128xf32> -> vector<64x512xf32>
      %add3A_1741 = vector.broadcast %get3A_1639 : vector<1x512xf32> to vector<64x512xf32>
      %add3A_1742 = arith.addf %concatenate3A_1740, %add3A_1741 : vector<64x512xf32>
      %slice3A_1743 = vector.extract_strided_slice %dot_general3A_983 {offsets = [448, 0], sizes = [64, 512], strides = [1, 1]} : vector<512x512xf32> to vector<64x512xf32>
      %get3A_1744 = arith.constant 0 : index
      %get3A_1745 = arith.constant 0 : index
      %get3A_1746 = vector.load %arg16[%get3A_1744, %get3A_1745] : memref<1x512xf32, #tpu.memory_space<vmem>>, vector<1x512xf32>
      %slice3A_1747 = vector.extract_strided_slice %slice3A_1743 {offsets = [0, 0], sizes = [64, 128], strides = [1, 1]} : vector<64x512xf32> to vector<64x128xf32>
      %slice3A_1748 = vector.extract_strided_slice %dot_general3A_993 {offsets = [448, 0], sizes = [64, 1], strides = [1, 1]} : vector<512x4xf32> to vector<64x1xf32>
      %slice3A_1749 = vector.extract_strided_slice %dot_general3A_991 {offsets = [0, 448], sizes = [1, 64], strides = [1, 1]} : vector<4x512xf32> to vector<1x64xf32>
      %add3A_1750 = vector.broadcast %slice3A_1748 : vector<64x1xf32> to vector<64x64xf32>
      %add3A_1751 = vector.broadcast %slice3A_1749 : vector<1x64xf32> to vector<64x64xf32>
      %add3A_1752 = arith.addf %add3A_1750, %add3A_1751 : vector<64x64xf32>
      %mul3A_1753 = arith.constant 2.000000e-01 : f32
      %mul3A_1754 = vector.broadcast %mul3A_1753 : f32 to vector<64x64xf32>
      %mul3A_1755 = arith.mulf %mul3A_1754, %add3A_1752 : vector<64x64xf32>
      %max3A_1756 = arith.maximumf %add3A_1752, %mul3A_1755 : vector<64x64xf32>
      %exp3A_1757 = math.exp %max3A_1756 : vector<64x64xf32>
      %mul3A_1758 = arith.mulf %add3A_55, %exp3A_1757 : vector<64x64xf32>
      %reduce_sum3A_1759 = arith.constant dense<0.000000e+00> : vector<64xf32>
      %reduce_sum3A_1760 = vector.multi_reduction <add>, %mul3A_1758, %reduce_sum3A_1759 [1] : vector<64x64xf32> to vector<64xf32>
      %broadcast_in_dim3A_1761 = vector.shape_cast %reduce_sum3A_1760 : vector<64xf32> to vector<64x1xf32>
      %add3A_1762 = arith.constant 1.000000e-16 : f32
      %add3A_1763 = vector.broadcast %add3A_1762 : f32 to vector<64x1xf32>
      %add3A_1764 = arith.addf %broadcast_in_dim3A_1761, %add3A_1763 : vector<64x1xf32>
      %div3A_1765 = arith.constant 1.000000e+00 : f32
      %div3A_1766 = vector.broadcast %div3A_1765 : f32 to vector<64x1xf32>
      %div3A_1767 = arith.divf %div3A_1766, %add3A_1764 : vector<64x1xf32>
      %dot_general3A_1768 = arith.constant dense<0.000000e+00> : vector<64x128xf32>
      %dot_general3A_1769 = tpu.matmul %mul3A_1758, %slice3A_1747, %dot_general3A_1768 {dimension_numbers = #tpu.dot_dimension_numbers<[1], [0], [0], [1], [0, 0, 1, 1], [], []>, transpose_lhs_hint = false} : vector<64x64xf32>, vector<64x128xf32>, vector<64x128xf32> -> vector<64x128xf32>
      %mul3A_1770 = vector.broadcast %div3A_1767 : vector<64x1xf32> to vector<64x128xf32>
      %mul3A_1771 = arith.mulf %dot_general3A_1769, %mul3A_1770 : vector<64x128xf32>
      %slice3A_1772 = vector.extract_strided_slice %slice3A_1743 {offsets = [0, 128], sizes = [64, 128], strides = [1, 1]} : vector<64x512xf32> to vector<64x128xf32>
      %slice3A_1773 = vector.extract_strided_slice %dot_general3A_993 {offsets = [448, 1], sizes = [64, 1], strides = [1, 1]} : vector<512x4xf32> to vector<64x1xf32>
      %slice3A_1774 = vector.extract_strided_slice %dot_general3A_991 {offsets = [1, 448], sizes = [1, 64], strides = [1, 1]} : vector<4x512xf32> to vector<1x64xf32>
      %add3A_1775 = vector.broadcast %slice3A_1773 : vector<64x1xf32> to vector<64x64xf32>
      %add3A_1776 = vector.broadcast %slice3A_1774 : vector<1x64xf32> to vector<64x64xf32>
      %add3A_1777 = arith.addf %add3A_1775, %add3A_1776 : vector<64x64xf32>
      %mul3A_1778 = arith.constant 2.000000e-01 : f32
      %mul3A_1779 = vector.broadcast %mul3A_1778 : f32 to vector<64x64xf32>
      %mul3A_1780 = arith.mulf %mul3A_1779, %add3A_1777 : vector<64x64xf32>
      %max3A_1781 = arith.maximumf %add3A_1777, %mul3A_1780 : vector<64x64xf32>
      %exp3A_1782 = math.exp %max3A_1781 : vector<64x64xf32>
      %mul3A_1783 = arith.mulf %add3A_55, %exp3A_1782 : vector<64x64xf32>
      %reduce_sum3A_1784 = arith.constant dense<0.000000e+00> : vector<64xf32>
      %reduce_sum3A_1785 = vector.multi_reduction <add>, %mul3A_1783, %reduce_sum3A_1784 [1] : vector<64x64xf32> to vector<64xf32>
      %broadcast_in_dim3A_1786 = vector.shape_cast %reduce_sum3A_1785 : vector<64xf32> to vector<64x1xf32>
      %add3A_1787 = arith.constant 1.000000e-16 : f32
      %add3A_1788 = vector.broadcast %add3A_1787 : f32 to vector<64x1xf32>
      %add3A_1789 = arith.addf %broadcast_in_dim3A_1786, %add3A_1788 : vector<64x1xf32>
      %div3A_1790 = arith.constant 1.000000e+00 : f32
      %div3A_1791 = vector.broadcast %div3A_1790 : f32 to vector<64x1xf32>
      %div3A_1792 = arith.divf %div3A_1791, %add3A_1789 : vector<64x1xf32>
      %dot_general3A_1793 = arith.constant dense<0.000000e+00> : vector<64x128xf32>
      %dot_general3A_1794 = tpu.matmul %mul3A_1783, %slice3A_1772, %dot_general3A_1793 {dimension_numbers = #tpu.dot_dimension_numbers<[1], [0], [0], [1], [0, 0, 1, 1], [], []>, transpose_lhs_hint = false} : vector<64x64xf32>, vector<64x128xf32>, vector<64x128xf32> -> vector<64x128xf32>
      %mul3A_1795 = vector.broadcast %div3A_1792 : vector<64x1xf32> to vector<64x128xf32>
      %mul3A_1796 = arith.mulf %dot_general3A_1794, %mul3A_1795 : vector<64x128xf32>
      %slice3A_1797 = vector.extract_strided_slice %slice3A_1743 {offsets = [0, 256], sizes = [64, 128], strides = [1, 1]} : vector<64x512xf32> to vector<64x128xf32>
      %slice3A_1798 = vector.extract_strided_slice %dot_general3A_993 {offsets = [448, 2], sizes = [64, 1], strides = [1, 1]} : vector<512x4xf32> to vector<64x1xf32>
      %slice3A_1799 = vector.extract_strided_slice %dot_general3A_991 {offsets = [2, 448], sizes = [1, 64], strides = [1, 1]} : vector<4x512xf32> to vector<1x64xf32>
      %add3A_1800 = vector.broadcast %slice3A_1798 : vector<64x1xf32> to vector<64x64xf32>
      %add3A_1801 = vector.broadcast %slice3A_1799 : vector<1x64xf32> to vector<64x64xf32>
      %add3A_1802 = arith.addf %add3A_1800, %add3A_1801 : vector<64x64xf32>
      %mul3A_1803 = arith.constant 2.000000e-01 : f32
      %mul3A_1804 = vector.broadcast %mul3A_1803 : f32 to vector<64x64xf32>
      %mul3A_1805 = arith.mulf %mul3A_1804, %add3A_1802 : vector<64x64xf32>
      %max3A_1806 = arith.maximumf %add3A_1802, %mul3A_1805 : vector<64x64xf32>
      %exp3A_1807 = math.exp %max3A_1806 : vector<64x64xf32>
      %mul3A_1808 = arith.mulf %add3A_55, %exp3A_1807 : vector<64x64xf32>
      %reduce_sum3A_1809 = arith.constant dense<0.000000e+00> : vector<64xf32>
      %reduce_sum3A_1810 = vector.multi_reduction <add>, %mul3A_1808, %reduce_sum3A_1809 [1] : vector<64x64xf32> to vector<64xf32>
      %broadcast_in_dim3A_1811 = vector.shape_cast %reduce_sum3A_1810 : vector<64xf32> to vector<64x1xf32>
      %add3A_1812 = arith.constant 1.000000e-16 : f32
      %add3A_1813 = vector.broadcast %add3A_1812 : f32 to vector<64x1xf32>
      %add3A_1814 = arith.addf %broadcast_in_dim3A_1811, %add3A_1813 : vector<64x1xf32>
      %div3A_1815 = arith.constant 1.000000e+00 : f32
      %div3A_1816 = vector.broadcast %div3A_1815 : f32 to vector<64x1xf32>
      %div3A_1817 = arith.divf %div3A_1816, %add3A_1814 : vector<64x1xf32>
      %dot_general3A_1818 = arith.constant dense<0.000000e+00> : vector<64x128xf32>
      %dot_general3A_1819 = tpu.matmul %mul3A_1808, %slice3A_1797, %dot_general3A_1818 {dimension_numbers = #tpu.dot_dimension_numbers<[1], [0], [0], [1], [0, 0, 1, 1], [], []>, transpose_lhs_hint = false} : vector<64x64xf32>, vector<64x128xf32>, vector<64x128xf32> -> vector<64x128xf32>
      %mul3A_1820 = vector.broadcast %div3A_1817 : vector<64x1xf32> to vector<64x128xf32>
      %mul3A_1821 = arith.mulf %dot_general3A_1819, %mul3A_1820 : vector<64x128xf32>
      %slice3A_1822 = vector.extract_strided_slice %slice3A_1743 {offsets = [0, 384], sizes = [64, 128], strides = [1, 1]} : vector<64x512xf32> to vector<64x128xf32>
      %slice3A_1823 = vector.extract_strided_slice %dot_general3A_993 {offsets = [448, 3], sizes = [64, 1], strides = [1, 1]} : vector<512x4xf32> to vector<64x1xf32>
      %slice3A_1824 = vector.extract_strided_slice %dot_general3A_991 {offsets = [3, 448], sizes = [1, 64], strides = [1, 1]} : vector<4x512xf32> to vector<1x64xf32>
      %add3A_1825 = vector.broadcast %slice3A_1823 : vector<64x1xf32> to vector<64x64xf32>
      %add3A_1826 = vector.broadcast %slice3A_1824 : vector<1x64xf32> to vector<64x64xf32>
      %add3A_1827 = arith.addf %add3A_1825, %add3A_1826 : vector<64x64xf32>
      %mul3A_1828 = arith.constant 2.000000e-01 : f32
      %mul3A_1829 = vector.broadcast %mul3A_1828 : f32 to vector<64x64xf32>
      %mul3A_1830 = arith.mulf %mul3A_1829, %add3A_1827 : vector<64x64xf32>
      %max3A_1831 = arith.maximumf %add3A_1827, %mul3A_1830 : vector<64x64xf32>
      %exp3A_1832 = math.exp %max3A_1831 : vector<64x64xf32>
      %mul3A_1833 = arith.mulf %add3A_55, %exp3A_1832 : vector<64x64xf32>
      %reduce_sum3A_1834 = arith.constant dense<0.000000e+00> : vector<64xf32>
      %reduce_sum3A_1835 = vector.multi_reduction <add>, %mul3A_1833, %reduce_sum3A_1834 [1] : vector<64x64xf32> to vector<64xf32>
      %broadcast_in_dim3A_1836 = vector.shape_cast %reduce_sum3A_1835 : vector<64xf32> to vector<64x1xf32>
      %add3A_1837 = arith.constant 1.000000e-16 : f32
      %add3A_1838 = vector.broadcast %add3A_1837 : f32 to vector<64x1xf32>
      %add3A_1839 = arith.addf %broadcast_in_dim3A_1836, %add3A_1838 : vector<64x1xf32>
      %div3A_1840 = arith.constant 1.000000e+00 : f32
      %div3A_1841 = vector.broadcast %div3A_1840 : f32 to vector<64x1xf32>
      %div3A_1842 = arith.divf %div3A_1841, %add3A_1839 : vector<64x1xf32>
      %dot_general3A_1843 = arith.constant dense<0.000000e+00> : vector<64x128xf32>
      %dot_general3A_1844 = tpu.matmul %mul3A_1833, %slice3A_1822, %dot_general3A_1843 {dimension_numbers = #tpu.dot_dimension_numbers<[1], [0], [0], [1], [0, 0, 1, 1], [], []>, transpose_lhs_hint = false} : vector<64x64xf32>, vector<64x128xf32>, vector<64x128xf32> -> vector<64x128xf32>
      %mul3A_1845 = vector.broadcast %div3A_1842 : vector<64x1xf32> to vector<64x128xf32>
      %mul3A_1846 = arith.mulf %dot_general3A_1844, %mul3A_1845 : vector<64x128xf32>
      %concatenate3A_1847 = tpu.concatenate %mul3A_1771, %mul3A_1796, %mul3A_1821, %mul3A_1846 in 1 : vector<64x128xf32>, vector<64x128xf32>, vector<64x128xf32>, vector<64x128xf32> -> vector<64x512xf32>
      %add3A_1848 = vector.broadcast %get3A_1746 : vector<1x512xf32> to vector<64x512xf32>
      %add3A_1849 = arith.addf %concatenate3A_1847, %add3A_1848 : vector<64x512xf32>
      %concatenate3A_1850 = tpu.concatenate %add3A_1100, %add3A_1207, %add3A_1314, %add3A_1421, %add3A_1528, %add3A_1635, %add3A_1742, %add3A_1849 in 0 : vector<64x512xf32>, vector<64x512xf32>, vector<64x512xf32>, vector<64x512xf32>, vector<64x512xf32>, vector<64x512xf32>, vector<64x512xf32>, vector<64x512xf32> -> vector<512x512xf32>
      %max3A_1851 = arith.constant 0.000000e+00 : f32
      %max3A_1852 = vector.broadcast %max3A_1851 : f32 to vector<512x512xf32>
      %max3A_1853 = arith.maximumf %concatenate3A_1850, %max3A_1852 : vector<512x512xf32>
      %slice3A_1854 = vector.extract_strided_slice %max3A_1853 {offsets = [0, 0], sizes = [64, 512], strides = [1, 1]} : vector<512x512xf32> to vector<64x512xf32>
      %reduce_sum3A_1855 = arith.constant dense<0.000000e+00> : vector<512xf32>
      %reduce_sum3A_1856 = vector.multi_reduction <add>, %slice3A_1854, %reduce_sum3A_1855 [0] : vector<64x512xf32> to vector<512xf32>
      %broadcast_in_dim3A_1857 = vector.shape_cast %reduce_sum3A_1856 : vector<512xf32> to vector<1x512xf32>
      %div3A_1858 = arith.constant 6.400000e+01 : f32
      %div3A_1859 = vector.broadcast %div3A_1858 : f32 to vector<1x512xf32>
      %div3A_1860 = arith.divf %broadcast_in_dim3A_1857, %div3A_1859 : vector<1x512xf32>
      %slice3A_1861 = vector.extract_strided_slice %max3A_1853 {offsets = [64, 0], sizes = [64, 512], strides = [1, 1]} : vector<512x512xf32> to vector<64x512xf32>
      %reduce_sum3A_1862 = arith.constant dense<0.000000e+00> : vector<512xf32>
      %reduce_sum3A_1863 = vector.multi_reduction <add>, %slice3A_1861, %reduce_sum3A_1862 [0] : vector<64x512xf32> to vector<512xf32>
      %broadcast_in_dim3A_1864 = vector.shape_cast %reduce_sum3A_1863 : vector<512xf32> to vector<1x512xf32>
      %div3A_1865 = arith.constant 6.400000e+01 : f32
      %div3A_1866 = vector.broadcast %div3A_1865 : f32 to vector<1x512xf32>
      %div3A_1867 = arith.divf %broadcast_in_dim3A_1864, %div3A_1866 : vector<1x512xf32>
      %slice3A_1868 = vector.extract_strided_slice %max3A_1853 {offsets = [128, 0], sizes = [64, 512], strides = [1, 1]} : vector<512x512xf32> to vector<64x512xf32>
      %reduce_sum3A_1869 = arith.constant dense<0.000000e+00> : vector<512xf32>
      %reduce_sum3A_1870 = vector.multi_reduction <add>, %slice3A_1868, %reduce_sum3A_1869 [0] : vector<64x512xf32> to vector<512xf32>
      %broadcast_in_dim3A_1871 = vector.shape_cast %reduce_sum3A_1870 : vector<512xf32> to vector<1x512xf32>
      %div3A_1872 = arith.constant 6.400000e+01 : f32
      %div3A_1873 = vector.broadcast %div3A_1872 : f32 to vector<1x512xf32>
      %div3A_1874 = arith.divf %broadcast_in_dim3A_1871, %div3A_1873 : vector<1x512xf32>
      %slice3A_1875 = vector.extract_strided_slice %max3A_1853 {offsets = [192, 0], sizes = [64, 512], strides = [1, 1]} : vector<512x512xf32> to vector<64x512xf32>
      %reduce_sum3A_1876 = arith.constant dense<0.000000e+00> : vector<512xf32>
      %reduce_sum3A_1877 = vector.multi_reduction <add>, %slice3A_1875, %reduce_sum3A_1876 [0] : vector<64x512xf32> to vector<512xf32>
      %broadcast_in_dim3A_1878 = vector.shape_cast %reduce_sum3A_1877 : vector<512xf32> to vector<1x512xf32>
      %div3A_1879 = arith.constant 6.400000e+01 : f32
      %div3A_1880 = vector.broadcast %div3A_1879 : f32 to vector<1x512xf32>
      %div3A_1881 = arith.divf %broadcast_in_dim3A_1878, %div3A_1880 : vector<1x512xf32>
      %slice3A_1882 = vector.extract_strided_slice %max3A_1853 {offsets = [256, 0], sizes = [64, 512], strides = [1, 1]} : vector<512x512xf32> to vector<64x512xf32>
      %reduce_sum3A_1883 = arith.constant dense<0.000000e+00> : vector<512xf32>
      %reduce_sum3A_1884 = vector.multi_reduction <add>, %slice3A_1882, %reduce_sum3A_1883 [0] : vector<64x512xf32> to vector<512xf32>
      %broadcast_in_dim3A_1885 = vector.shape_cast %reduce_sum3A_1884 : vector<512xf32> to vector<1x512xf32>
      %div3A_1886 = arith.constant 6.400000e+01 : f32
      %div3A_1887 = vector.broadcast %div3A_1886 : f32 to vector<1x512xf32>
      %div3A_1888 = arith.divf %broadcast_in_dim3A_1885, %div3A_1887 : vector<1x512xf32>
      %slice3A_1889 = vector.extract_strided_slice %max3A_1853 {offsets = [320, 0], sizes = [64, 512], strides = [1, 1]} : vector<512x512xf32> to vector<64x512xf32>
      %reduce_sum3A_1890 = arith.constant dense<0.000000e+00> : vector<512xf32>
      %reduce_sum3A_1891 = vector.multi_reduction <add>, %slice3A_1889, %reduce_sum3A_1890 [0] : vector<64x512xf32> to vector<512xf32>
      %broadcast_in_dim3A_1892 = vector.shape_cast %reduce_sum3A_1891 : vector<512xf32> to vector<1x512xf32>
      %div3A_1893 = arith.constant 6.400000e+01 : f32
      %div3A_1894 = vector.broadcast %div3A_1893 : f32 to vector<1x512xf32>
      %div3A_1895 = arith.divf %broadcast_in_dim3A_1892, %div3A_1894 : vector<1x512xf32>
      %slice3A_1896 = vector.extract_strided_slice %max3A_1853 {offsets = [384, 0], sizes = [64, 512], strides = [1, 1]} : vector<512x512xf32> to vector<64x512xf32>
      %reduce_sum3A_1897 = arith.constant dense<0.000000e+00> : vector<512xf32>
      %reduce_sum3A_1898 = vector.multi_reduction <add>, %slice3A_1896, %reduce_sum3A_1897 [0] : vector<64x512xf32> to vector<512xf32>
      %broadcast_in_dim3A_1899 = vector.shape_cast %reduce_sum3A_1898 : vector<512xf32> to vector<1x512xf32>
      %div3A_1900 = arith.constant 6.400000e+01 : f32
      %div3A_1901 = vector.broadcast %div3A_1900 : f32 to vector<1x512xf32>
      %div3A_1902 = arith.divf %broadcast_in_dim3A_1899, %div3A_1901 : vector<1x512xf32>
      %slice3A_1903 = vector.extract_strided_slice %max3A_1853 {offsets = [448, 0], sizes = [64, 512], strides = [1, 1]} : vector<512x512xf32> to vector<64x512xf32>
      %reduce_sum3A_1904 = arith.constant dense<0.000000e+00> : vector<512xf32>
      %reduce_sum3A_1905 = vector.multi_reduction <add>, %slice3A_1903, %reduce_sum3A_1904 [0] : vector<64x512xf32> to vector<512xf32>
      %broadcast_in_dim3A_1906 = vector.shape_cast %reduce_sum3A_1905 : vector<512xf32> to vector<1x512xf32>
      %div3A_1907 = arith.constant 6.400000e+01 : f32
      %div3A_1908 = vector.broadcast %div3A_1907 : f32 to vector<1x512xf32>
      %div3A_1909 = arith.divf %broadcast_in_dim3A_1906, %div3A_1908 : vector<1x512xf32>
      %concatenate3A_1910 = tpu.concatenate %div3A_1860, %div3A_1867, %div3A_1874, %div3A_1881, %div3A_1888, %div3A_1895, %div3A_1902, %div3A_1909 in 0 : vector<1x512xf32>, vector<1x512xf32>, vector<1x512xf32>, vector<1x512xf32>, vector<1x512xf32>, vector<1x512xf32>, vector<1x512xf32>, vector<1x512xf32> -> vector<8x512xf32>
      %get3A_1911 = arith.constant 0 : index
      %get3A_1912 = arith.constant 0 : index
      %get3A_1913 = vector.load %arg17[%get3A_1911, %get3A_1912] : memref<512x256xf32, #tpu.memory_space<vmem>>, vector<512x256xf32>
      %dot_general3A_1914 = arith.constant dense<0.000000e+00> : vector<8x256xf32>
      %dot_general3A_1915 = tpu.matmul %concatenate3A_1910, %get3A_1913, %dot_general3A_1914 {dimension_numbers = #tpu.dot_dimension_numbers<[1], [0], [0], [1], [0, 0, 1, 1], [], []>, transpose_lhs_hint = false} : vector<8x512xf32>, vector<512x256xf32>, vector<8x256xf32> -> vector<8x256xf32>
      %get3A_1916 = arith.constant 0 : index
      %get3A_1917 = arith.constant 0 : index
      %get3A_1918 = vector.load %arg18[%get3A_1916, %get3A_1917] : memref<1x256xf32, #tpu.memory_space<vmem>>, vector<1x256xf32>
      %add3A_1919 = vector.broadcast %get3A_1918 : vector<1x256xf32> to vector<8x256xf32>
      %add3A_1920 = arith.addf %dot_general3A_1915, %add3A_1919 : vector<8x256xf32>
      %get3A_1921 = arith.constant 0 : index
      %get3A_1922 = arith.constant 0 : index
      %get3A_1923 = vector.load %arg19[%get3A_1921, %get3A_1922] : memref<1x256xf32, #tpu.memory_space<vmem>>, vector<1x256xf32>
      %get3A_1924 = arith.constant 0 : index
      %get3A_1925 = arith.constant 0 : index
      %get3A_1926 = vector.load %arg20[%get3A_1924, %get3A_1925] : memref<1x256xf32, #tpu.memory_space<vmem>>, vector<1x256xf32>
      %reduce_sum3A_1927 = arith.constant dense<0.000000e+00> : vector<8xf32>
      %reduce_sum3A_1928 = vector.multi_reduction <add>, %add3A_1920, %reduce_sum3A_1927 [1] : vector<8x256xf32> to vector<8xf32>
      %broadcast_in_dim3A_1929 = vector.shape_cast %reduce_sum3A_1928 : vector<8xf32> to vector<8x1xf32>
      %div3A_1930 = arith.constant 2.560000e+02 : f32
      %div3A_1931 = vector.broadcast %div3A_1930 : f32 to vector<8x1xf32>
      %div3A_1932 = arith.divf %broadcast_in_dim3A_1929, %div3A_1931 : vector<8x1xf32>
      %jit3A_1933 = arith.constant 0 : i32
      %reduce_sum3A_1934 = arith.constant dense<0.000000e+00> : vector<8xf32>
      %reduce_sum3A_1935 = vector.multi_reduction <add>, %add3A_1920, %reduce_sum3A_1934 [1] : vector<8x256xf32> to vector<8xf32>
      %broadcast_in_dim3A_1936 = vector.shape_cast %reduce_sum3A_1935 : vector<8xf32> to vector<8x1xf32>
      %div3A_1937 = arith.constant 2.560000e+02 : f32
      %div3A_1938 = vector.broadcast %div3A_1937 : f32 to vector<8x1xf32>
      %div3A_1939 = arith.divf %broadcast_in_dim3A_1936, %div3A_1938 : vector<8x1xf32>
      %sub3A_1940 = vector.broadcast %div3A_1939 : vector<8x1xf32> to vector<8x256xf32>
      %sub3A_1941 = arith.subf %add3A_1920, %sub3A_1940 : vector<8x256xf32>
      %square3A_1942 = arith.mulf %sub3A_1941, %sub3A_1941 : vector<8x256xf32>
      %convert_element_type3A_1943 = arith.sitofp %jit3A_1933 : i32 to f32
      %sub3A_1944 = arith.constant 2.560000e+02 : f32
      %sub3A_1945 = arith.subf %sub3A_1944, %convert_element_type3A_1943 : f32
      %reduce_sum3A_1946 = arith.constant dense<0.000000e+00> : vector<8xf32>
      %reduce_sum3A_1947 = vector.multi_reduction <add>, %square3A_1942, %reduce_sum3A_1946 [1] : vector<8x256xf32> to vector<8xf32>
      %broadcast_in_dim3A_1948 = vector.shape_cast %reduce_sum3A_1947 : vector<8xf32> to vector<8x1xf32>
      %div3A_1949 = vector.broadcast %sub3A_1945 : f32 to vector<8x1xf32>
      %div3A_1950 = arith.divf %broadcast_in_dim3A_1948, %div3A_1949 : vector<8x1xf32>
      %gt3A_1951 = arith.constant 0.000000e+00 : f32
      %gt3A_1952 = arith.cmpf ogt, %sub3A_1945, %gt3A_1951 : f32
      %jit3A_1953 = arith.constant 0x7FC00000 : f32
      %broadcast_in_dim3A_1954 = vector.broadcast %jit3A_1953 : f32 to vector<8x1xf32>
      %select_n3A_1955 = arith.select %gt3A_1952, %div3A_1950, %broadcast_in_dim3A_1954 : vector<8x1xf32>
      %sub3A_1956 = vector.broadcast %div3A_1932 : vector<8x1xf32> to vector<8x256xf32>
      %sub3A_1957 = arith.subf %add3A_1920, %sub3A_1956 : vector<8x256xf32>
      %add3A_1958 = arith.constant 9.99999974E-6 : f32
      %add3A_1959 = vector.broadcast %add3A_1958 : f32 to vector<8x1xf32>
      %add3A_1960 = arith.addf %select_n3A_1955, %add3A_1959 : vector<8x1xf32>
      %sqrt3A_1961 = math.sqrt %add3A_1960 : vector<8x1xf32>
      %div3A_1962 = vector.broadcast %sqrt3A_1961 : vector<8x1xf32> to vector<8x256xf32>
      %div3A_1963 = arith.divf %sub3A_1957, %div3A_1962 : vector<8x256xf32>
      %mul3A_1964 = vector.broadcast %get3A_1923 : vector<1x256xf32> to vector<8x256xf32>
      %mul3A_1965 = arith.mulf %div3A_1963, %mul3A_1964 : vector<8x256xf32>
      %add3A_1966 = vector.broadcast %get3A_1926 : vector<1x256xf32> to vector<8x256xf32>
      %add3A_1967 = arith.addf %mul3A_1965, %add3A_1966 : vector<8x256xf32>
      %max3A_1968 = arith.constant 0.000000e+00 : f32
      %max3A_1969 = vector.broadcast %max3A_1968 : f32 to vector<8x256xf32>
      %max3A_1970 = arith.maximumf %add3A_1967, %max3A_1969 : vector<8x256xf32>
      %mul3A_1971 = arith.constant 8 : i32
      %mul3A_1972 = arith.muli %arg0, %mul3A_1971 : i32
      %swap3A = arith.index_cast %mul3A_1972 : i32 to index
      %swap3A_1973 = arith.constant 0 : index
      %swap3A_1974 = vector.load %arg48[%swap3A, %swap3A_1973] : memref<96x256xf32, #tpu.memory_space<vmem>>, vector<8x256xf32>
      tpu.vector_store %arg48[%swap3A, %swap3A_1973], %max3A_1970 {strides = array<i32>} : memref<96x256xf32, #tpu.memory_space<vmem>>, vector<8x256xf32>,
    } else {
    }
    %eq3A = arith.constant 12 : i32
    %eq3A_2 = arith.cmpi eq, %arg0, %eq3A : i32
    %convert_element_type3A_3 = arith.extui %eq3A_2 : i1 to i32
    %cond3A_4 = arith.constant 0 : i32
    %cond3A_5 = arith.cmpi ne, %convert_element_type3A_3, %cond3A_4 : i32
    scf.if %cond3A_5 {
      %get3A = arith.constant 0 : index
      %get3A_6 = arith.constant 0 : index
      %get3A_7 = vector.load %arg3[%get3A, %get3A_6] : memref<96x256xf32, #tpu.memory_space<vmem>>, vector<96x256xf32>
      %get3A_8 = arith.constant 0 : index
      %get3A_9 = arith.constant 0 : index
      %get3A_10 = vector.load %arg5[%get3A_8, %get3A_9] : memref<256x256xf32, #tpu.memory_space<vmem>>, vector<256x256xf32>
      %dot_general3A = arith.constant dense<0.000000e+00> : vector<96x256xf32>
      %dot_general3A_11 = tpu.matmul %get3A_7, %get3A_10, %dot_general3A {dimension_numbers = #tpu.dot_dimension_numbers<[1], [0], [0], [1], [0, 0, 1, 1], [], []>, transpose_lhs_hint = false} : vector<96x256xf32>, vector<256x256xf32>, vector<96x256xf32> -> vector<96x256xf32>
      %get3A_12 = arith.constant 0 : index
      %get3A_13 = arith.constant 0 : index
      %get3A_14 = vector.load %arg6[%get3A_12, %get3A_13] : memref<1x256xf32, #tpu.memory_space<vmem>>, vector<1x256xf32>
      %add3A = vector.broadcast %get3A_14 : vector<1x256xf32> to vector<96x256xf32>
      %add3A_15 = arith.addf %dot_general3A_11, %add3A : vector<96x256xf32>
      %get3A_16 = arith.constant 0 : index
      %get3A_17 = arith.constant 0 : index
      %get3A_18 = vector.load %arg7[%get3A_16, %get3A_17] : memref<1x256xf32, #tpu.memory_space<vmem>>, vector<1x256xf32>
      %get3A_19 = arith.constant 0 : index
      %get3A_20 = arith.constant 0 : index
      %get3A_21 = vector.load %arg8[%get3A_19, %get3A_20] : memref<1x256xf32, #tpu.memory_space<vmem>>, vector<1x256xf32>
      %reduce_sum3A = arith.constant dense<0.000000e+00> : vector<96xf32>
      %reduce_sum3A_22 = vector.multi_reduction <add>, %add3A_15, %reduce_sum3A [1] : vector<96x256xf32> to vector<96xf32>
      %broadcast_in_dim3A = vector.shape_cast %reduce_sum3A_22 : vector<96xf32> to vector<96x1xf32>
      %div3A = arith.constant 2.560000e+02 : f32
      %div3A_23 = vector.broadcast %div3A : f32 to vector<96x1xf32>
      %div3A_24 = arith.divf %broadcast_in_dim3A, %div3A_23 : vector<96x1xf32>
      %jit3A = arith.constant 0 : i32
      %reduce_sum3A_25 = arith.constant dense<0.000000e+00> : vector<96xf32>
      %reduce_sum3A_26 = vector.multi_reduction <add>, %add3A_15, %reduce_sum3A_25 [1] : vector<96x256xf32> to vector<96xf32>
      %broadcast_in_dim3A_27 = vector.shape_cast %reduce_sum3A_26 : vector<96xf32> to vector<96x1xf32>
      %div3A_28 = arith.constant 2.560000e+02 : f32
      %div3A_29 = vector.broadcast %div3A_28 : f32 to vector<96x1xf32>
      %div3A_30 = arith.divf %broadcast_in_dim3A_27, %div3A_29 : vector<96x1xf32>
      %sub3A = vector.broadcast %div3A_30 : vector<96x1xf32> to vector<96x256xf32>
      %sub3A_31 = arith.subf %add3A_15, %sub3A : vector<96x256xf32>
      %square3A = arith.mulf %sub3A_31, %sub3A_31 : vector<96x256xf32>
      %convert_element_type3A_32 = arith.sitofp %jit3A : i32 to f32
      %sub3A_33 = arith.constant 2.560000e+02 : f32
      %sub3A_34 = arith.subf %sub3A_33, %convert_element_type3A_32 : f32
      %reduce_sum3A_35 = arith.constant dense<0.000000e+00> : vector<96xf32>
      %reduce_sum3A_36 = vector.multi_reduction <add>, %square3A, %reduce_sum3A_35 [1] : vector<96x256xf32> to vector<96xf32>
      %broadcast_in_dim3A_37 = vector.shape_cast %reduce_sum3A_36 : vector<96xf32> to vector<96x1xf32>
      %div3A_38 = vector.broadcast %sub3A_34 : f32 to vector<96x1xf32>
      %div3A_39 = arith.divf %broadcast_in_dim3A_37, %div3A_38 : vector<96x1xf32>
      %gt3A = arith.constant 0.000000e+00 : f32
      %gt3A_40 = arith.cmpf ogt, %sub3A_34, %gt3A : f32
      %jit3A_41 = arith.constant 0x7FC00000 : f32
      %broadcast_in_dim3A_42 = vector.broadcast %jit3A_41 : f32 to vector<96x1xf32>
      %select_n3A = arith.select %gt3A_40, %div3A_39, %broadcast_in_dim3A_42 : vector<96x1xf32>
      %sub3A_43 = vector.broadcast %div3A_24 : vector<96x1xf32> to vector<96x256xf32>
      %sub3A_44 = arith.subf %add3A_15, %sub3A_43 : vector<96x256xf32>
      %add3A_45 = arith.constant 9.99999974E-6 : f32
      %add3A_46 = vector.broadcast %add3A_45 : f32 to vector<96x1xf32>
      %add3A_47 = arith.addf %select_n3A, %add3A_46 : vector<96x1xf32>
      %sqrt3A = math.sqrt %add3A_47 : vector<96x1xf32>
      %div3A_48 = vector.broadcast %sqrt3A : vector<96x1xf32> to vector<96x256xf32>
      %div3A_49 = arith.divf %sub3A_44, %div3A_48 : vector<96x256xf32>
      %mul3A = vector.broadcast %get3A_18 : vector<1x256xf32> to vector<96x256xf32>
      %mul3A_50 = arith.mulf %div3A_49, %mul3A : vector<96x256xf32>
      %add3A_51 = vector.broadcast %get3A_21 : vector<1x256xf32> to vector<96x256xf32>
      %add3A_52 = arith.addf %mul3A_50, %add3A_51 : vector<96x256xf32>
      %max3A = arith.constant 0.000000e+00 : f32
      %max3A_53 = vector.broadcast %max3A : f32 to vector<96x256xf32>
      %max3A_54 = arith.maximumf %add3A_52, %max3A_53 : vector<96x256xf32>
      %get3A_55 = arith.constant 0 : index
      %get3A_56 = arith.constant 0 : index
      %get3A_57 = vector.load %arg48[%get3A_55, %get3A_56] : memref<96x256xf32, #tpu.memory_space<vmem>>, vector<96x256xf32>
      %concatenate3A = tpu.concatenate %max3A_54, %get3A_57 in 1 : vector<96x256xf32>, vector<96x256xf32> -> vector<96x512xf32>
      %get3A_58 = arith.constant 0 : index
      %get3A_59 = arith.constant 0 : index
      %get3A_60 = vector.load %arg21[%get3A_58, %get3A_59] : memref<512x256xf32, #tpu.memory_space<vmem>>, vector<512x256xf32>
      %dot_general3A_61 = arith.constant dense<0.000000e+00> : vector<96x256xf32>
      %dot_general3A_62 = tpu.matmul %concatenate3A, %get3A_60, %dot_general3A_61 {dimension_numbers = #tpu.dot_dimension_numbers<[1], [0], [0], [1], [0, 0, 1, 1], [], []>, transpose_lhs_hint = false} : vector<96x512xf32>, vector<512x256xf32>, vector<96x256xf32> -> vector<96x256xf32>
      %get3A_63 = arith.constant 0 : index
      %get3A_64 = arith.constant 0 : index
      %get3A_65 = vector.load %arg22[%get3A_63, %get3A_64] : memref<1x256xf32, #tpu.memory_space<vmem>>, vector<1x256xf32>
      %add3A_66 = vector.broadcast %get3A_65 : vector<1x256xf32> to vector<96x256xf32>
      %add3A_67 = arith.addf %dot_general3A_62, %add3A_66 : vector<96x256xf32>
      %get3A_68 = arith.constant 0 : index
      %get3A_69 = arith.constant 0 : index
      %get3A_70 = vector.load %arg23[%get3A_68, %get3A_69] : memref<1x256xf32, #tpu.memory_space<vmem>>, vector<1x256xf32>
      %get3A_71 = arith.constant 0 : index
      %get3A_72 = arith.constant 0 : index
      %get3A_73 = vector.load %arg24[%get3A_71, %get3A_72] : memref<1x256xf32, #tpu.memory_space<vmem>>, vector<1x256xf32>
      %reduce_sum3A_74 = arith.constant dense<0.000000e+00> : vector<96xf32>
      %reduce_sum3A_75 = vector.multi_reduction <add>, %add3A_67, %reduce_sum3A_74 [1] : vector<96x256xf32> to vector<96xf32>
      %broadcast_in_dim3A_76 = vector.shape_cast %reduce_sum3A_75 : vector<96xf32> to vector<96x1xf32>
      %div3A_77 = arith.constant 2.560000e+02 : f32
      %div3A_78 = vector.broadcast %div3A_77 : f32 to vector<96x1xf32>
      %div3A_79 = arith.divf %broadcast_in_dim3A_76, %div3A_78 : vector<96x1xf32>
      %jit3A_80 = arith.constant 0 : i32
      %reduce_sum3A_81 = arith.constant dense<0.000000e+00> : vector<96xf32>
      %reduce_sum3A_82 = vector.multi_reduction <add>, %add3A_67, %reduce_sum3A_81 [1] : vector<96x256xf32> to vector<96xf32>
      %broadcast_in_dim3A_83 = vector.shape_cast %reduce_sum3A_82 : vector<96xf32> to vector<96x1xf32>
      %div3A_84 = arith.constant 2.560000e+02 : f32
      %div3A_85 = vector.broadcast %div3A_84 : f32 to vector<96x1xf32>
      %div3A_86 = arith.divf %broadcast_in_dim3A_83, %div3A_85 : vector<96x1xf32>
      %sub3A_87 = vector.broadcast %div3A_86 : vector<96x1xf32> to vector<96x256xf32>
      %sub3A_88 = arith.subf %add3A_67, %sub3A_87 : vector<96x256xf32>
      %square3A_89 = arith.mulf %sub3A_88, %sub3A_88 : vector<96x256xf32>
      %convert_element_type3A_90 = arith.sitofp %jit3A_80 : i32 to f32
      %sub3A_91 = arith.constant 2.560000e+02 : f32
      %sub3A_92 = arith.subf %sub3A_91, %convert_element_type3A_90 : f32
      %reduce_sum3A_93 = arith.constant dense<0.000000e+00> : vector<96xf32>
      %reduce_sum3A_94 = vector.multi_reduction <add>, %square3A_89, %reduce_sum3A_93 [1] : vector<96x256xf32> to vector<96xf32>
      %broadcast_in_dim3A_95 = vector.shape_cast %reduce_sum3A_94 : vector<96xf32> to vector<96x1xf32>
      %div3A_96 = vector.broadcast %sub3A_92 : f32 to vector<96x1xf32>
      %div3A_97 = arith.divf %broadcast_in_dim3A_95, %div3A_96 : vector<96x1xf32>
      %gt3A_98 = arith.constant 0.000000e+00 : f32
      %gt3A_99 = arith.cmpf ogt, %sub3A_92, %gt3A_98 : f32
      %jit3A_100 = arith.constant 0x7FC00000 : f32
      %broadcast_in_dim3A_101 = vector.broadcast %jit3A_100 : f32 to vector<96x1xf32>
      %select_n3A_102 = arith.select %gt3A_99, %div3A_97, %broadcast_in_dim3A_101 : vector<96x1xf32>
      %sub3A_103 = vector.broadcast %div3A_79 : vector<96x1xf32> to vector<96x256xf32>
      %sub3A_104 = arith.subf %add3A_67, %sub3A_103 : vector<96x256xf32>
      %add3A_105 = arith.constant 9.99999974E-6 : f32
      %add3A_106 = vector.broadcast %add3A_105 : f32 to vector<96x1xf32>
      %add3A_107 = arith.addf %select_n3A_102, %add3A_106 : vector<96x1xf32>
      %sqrt3A_108 = math.sqrt %add3A_107 : vector<96x1xf32>
      %div3A_109 = vector.broadcast %sqrt3A_108 : vector<96x1xf32> to vector<96x256xf32>
      %div3A_110 = arith.divf %sub3A_104, %div3A_109 : vector<96x256xf32>
      %mul3A_111 = vector.broadcast %get3A_70 : vector<1x256xf32> to vector<96x256xf32>
      %mul3A_112 = arith.mulf %div3A_110, %mul3A_111 : vector<96x256xf32>
      %add3A_113 = vector.broadcast %get3A_73 : vector<1x256xf32> to vector<96x256xf32>
      %add3A_114 = arith.addf %mul3A_112, %add3A_113 : vector<96x256xf32>
      %max3A_115 = arith.constant 0.000000e+00 : f32
      %max3A_116 = vector.broadcast %max3A_115 : f32 to vector<96x256xf32>
      %max3A_117 = arith.maximumf %add3A_114, %max3A_116 : vector<96x256xf32>
      %iota3A = tpu.iota {dimensions = array<i32: 0>} : vector<96x1024xi32>
      %get3A_118 = arith.constant 0 : index
      %get3A_119 = arith.constant 0 : index
      %get3A_120 = vector.load %arg4[%get3A_118, %get3A_119] : memref<2x1024xi32, #tpu.memory_space<vmem>>, vector<1x1024xi32>
      %eq3A_121 = vector.broadcast %get3A_120 : vector<1x1024xi32> to vector<96x1024xi32>
      %eq3A_122 = arith.cmpi eq, %eq3A_121, %iota3A : vector<96x1024xi32>
      %convert_element_type3A_123 = arith.extui %eq3A_122 : vector<96x1024xi1> to vector<96x1024xi32>
      %convert_element_type3A_124 = arith.sitofp %convert_element_type3A_123 : vector<96x1024xi32> to vector<96x1024xf32>
      %get3A_125 = arith.constant 1 : index
      %get3A_126 = arith.constant 0 : index
      %get3A_127 = vector.load %arg4[%get3A_125, %get3A_126] : memref<2x1024xi32, #tpu.memory_space<vmem>>, vector<1x1024xi32>
      %eq3A_128 = vector.broadcast %get3A_127 : vector<1x1024xi32> to vector<96x1024xi32>
      %eq3A_129 = arith.cmpi eq, %eq3A_128, %iota3A : vector<96x1024xi32>
      %convert_element_type3A_130 = arith.extui %eq3A_129 : vector<96x1024xi1> to vector<96x1024xi32>
      %convert_element_type3A_131 = arith.sitofp %convert_element_type3A_130 : vector<96x1024xi32> to vector<96x1024xf32>
      %dot_general3A_132 = arith.constant dense<0.000000e+00> : vector<96x96xf32>
      %dot_general3A_133 = tpu.matmul %convert_element_type3A_131, %convert_element_type3A_124, %dot_general3A_132 {dimension_numbers = #tpu.dot_dimension_numbers<[1], [1], [0], [0], [0, 0, 1, 0], [], []>, transpose_lhs_hint = false} : vector<96x1024xf32>, vector<96x1024xf32>, vector<96x96xf32> -> vector<96x96xf32>
      %iota3A_134 = tpu.iota {dimensions = array<i32: 0>} : vector<96x96xi32>
      %iota3A_135 = tpu.iota {dimensions = array<i32: 1>} : vector<96x96xi32>
      %eq3A_136 = arith.cmpi eq, %iota3A_134, %iota3A_135 : vector<96x96xi32>
      %convert_element_type3A_137 = arith.extui %eq3A_136 : vector<96x96xi1> to vector<96x96xi32>
      %convert_element_type3A_138 = arith.sitofp %convert_element_type3A_137 : vector<96x96xi32> to vector<96x96xf32>
      %add3A_139 = arith.addf %dot_general3A_133, %convert_element_type3A_138 : vector<96x96xf32>
      %get3A_140 = arith.constant 0 : index
      %get3A_141 = arith.constant 0 : index
      %get3A_142 = vector.load %arg25[%get3A_140, %get3A_141] : memref<256x1024xf32, #tpu.memory_space<vmem>>, vector<256x1024xf32>
      %dot_general3A_143 = arith.constant dense<0.000000e+00> : vector<96x1024xf32>
      %dot_general3A_144 = tpu.matmul %max3A_117, %get3A_142, %dot_general3A_143 {dimension_numbers = #tpu.dot_dimension_numbers<[1], [0], [0], [1], [0, 0, 1, 1], [], []>, transpose_lhs_hint = false} : vector<96x256xf32>, vector<256x1024xf32>, vector<96x1024xf32> -> vector<96x1024xf32>
      %get3A_145 = arith.constant 0 : index
      %get3A_146 = arith.constant 0 : index
      %get3A_147 = vector.load %arg26[%get3A_145, %get3A_146] : memref<1024x4xf32, #tpu.memory_space<vmem>>, vector<1024x4xf32>
      %get3A_148 = arith.constant 0 : index
      %get3A_149 = arith.constant 0 : index
      %get3A_150 = vector.load %arg27[%get3A_148, %get3A_149] : memref<1024x4xf32, #tpu.memory_space<vmem>>, vector<1024x4xf32>
      %dot_general3A_151 = arith.constant dense<0.000000e+00> : vector<4x96xf32>
      %dot_general3A_152 = tpu.matmul %get3A_147, %dot_general3A_144, %dot_general3A_151 {dimension_numbers = #tpu.dot_dimension_numbers<[0], [1], [1], [0], [0, 1, 1, 0], [], []>, transpose_lhs_hint = false} : vector<1024x4xf32>, vector<96x1024xf32>, vector<4x96xf32> -> vector<4x96xf32>
      %dot_general3A_153 = arith.constant dense<0.000000e+00> : vector<96x4xf32>
      %dot_general3A_154 = tpu.matmul %dot_general3A_144, %get3A_150, %dot_general3A_153 {dimension_numbers = #tpu.dot_dimension_numbers<[1], [0], [0], [1], [0, 0, 1, 1], [], []>, transpose_lhs_hint = false} : vector<96x1024xf32>, vector<1024x4xf32>, vector<96x4xf32> -> vector<96x4xf32>
      %get3A_155 = arith.constant 0 : index
      %get3A_156 = arith.constant 0 : index
      %get3A_157 = vector.load %arg28[%get3A_155, %get3A_156] : memref<1x1024xf32, #tpu.memory_space<vmem>>, vector<1x1024xf32>
      %slice3A = vector.extract_strided_slice %dot_general3A_144 {offsets = [0, 0], sizes = [96, 256], strides = [1, 1]} : vector<96x1024xf32> to vector<96x256xf32>
      %slice3A_158 = vector.extract_strided_slice %dot_general3A_154 {offsets = [0, 0], sizes = [96, 1], strides = [1, 1]} : vector<96x4xf32> to vector<96x1xf32>
      %slice3A_159 = vector.extract_strided_slice %dot_general3A_152 {offsets = [0, 0], sizes = [1, 96], strides = [1, 1]} : vector<4x96xf32> to vector<1x96xf32>
      %add3A_160 = vector.broadcast %slice3A_158 : vector<96x1xf32> to vector<96x96xf32>
      %add3A_161 = vector.broadcast %slice3A_159 : vector<1x96xf32> to vector<96x96xf32>
      %add3A_162 = arith.addf %add3A_160, %add3A_161 : vector<96x96xf32>
      %mul3A_163 = arith.constant 2.000000e-01 : f32
      %mul3A_164 = vector.broadcast %mul3A_163 : f32 to vector<96x96xf32>
      %mul3A_165 = arith.mulf %mul3A_164, %add3A_162 : vector<96x96xf32>
      %max3A_166 = arith.maximumf %add3A_162, %mul3A_165 : vector<96x96xf32>
      %exp3A = math.exp %max3A_166 : vector<96x96xf32>
      %mul3A_167 = arith.mulf %add3A_139, %exp3A : vector<96x96xf32>
      %reduce_sum3A_168 = arith.constant dense<0.000000e+00> : vector<96xf32>
      %reduce_sum3A_169 = vector.multi_reduction <add>, %mul3A_167, %reduce_sum3A_168 [1] : vector<96x96xf32> to vector<96xf32>
      %broadcast_in_dim3A_170 = vector.shape_cast %reduce_sum3A_169 : vector<96xf32> to vector<96x1xf32>
      %add3A_171 = arith.constant 1.000000e-16 : f32
      %add3A_172 = vector.broadcast %add3A_171 : f32 to vector<96x1xf32>
      %add3A_173 = arith.addf %broadcast_in_dim3A_170, %add3A_172 : vector<96x1xf32>
      %div3A_174 = arith.constant 1.000000e+00 : f32
      %div3A_175 = vector.broadcast %div3A_174 : f32 to vector<96x1xf32>
      %div3A_176 = arith.divf %div3A_175, %add3A_173 : vector<96x1xf32>
      %dot_general3A_177 = arith.constant dense<0.000000e+00> : vector<96x256xf32>
      %dot_general3A_178 = tpu.matmul %mul3A_167, %slice3A, %dot_general3A_177 {dimension_numbers = #tpu.dot_dimension_numbers<[1], [0], [0], [1], [0, 0, 1, 1], [], []>, transpose_lhs_hint = false} : vector<96x96xf32>, vector<96x256xf32>, vector<96x256xf32> -> vector<96x256xf32>
      %mul3A_179 = vector.broadcast %div3A_176 : vector<96x1xf32> to vector<96x256xf32>
      %mul3A_180 = arith.mulf %dot_general3A_178, %mul3A_179 : vector<96x256xf32>
      %slice3A_181 = vector.extract_strided_slice %dot_general3A_144 {offsets = [0, 256], sizes = [96, 256], strides = [1, 1]} : vector<96x1024xf32> to vector<96x256xf32>
      %slice3A_182 = vector.extract_strided_slice %dot_general3A_154 {offsets = [0, 1], sizes = [96, 1], strides = [1, 1]} : vector<96x4xf32> to vector<96x1xf32>
      %slice3A_183 = vector.extract_strided_slice %dot_general3A_152 {offsets = [1, 0], sizes = [1, 96], strides = [1, 1]} : vector<4x96xf32> to vector<1x96xf32>
      %add3A_184 = vector.broadcast %slice3A_182 : vector<96x1xf32> to vector<96x96xf32>
      %add3A_185 = vector.broadcast %slice3A_183 : vector<1x96xf32> to vector<96x96xf32>
      %add3A_186 = arith.addf %add3A_184, %add3A_185 : vector<96x96xf32>
      %mul3A_187 = arith.constant 2.000000e-01 : f32
      %mul3A_188 = vector.broadcast %mul3A_187 : f32 to vector<96x96xf32>
      %mul3A_189 = arith.mulf %mul3A_188, %add3A_186 : vector<96x96xf32>
      %max3A_190 = arith.maximumf %add3A_186, %mul3A_189 : vector<96x96xf32>
      %exp3A_191 = math.exp %max3A_190 : vector<96x96xf32>
      %mul3A_192 = arith.mulf %add3A_139, %exp3A_191 : vector<96x96xf32>
      %reduce_sum3A_193 = arith.constant dense<0.000000e+00> : vector<96xf32>
      %reduce_sum3A_194 = vector.multi_reduction <add>, %mul3A_192, %reduce_sum3A_193 [1] : vector<96x96xf32> to vector<96xf32>
      %broadcast_in_dim3A_195 = vector.shape_cast %reduce_sum3A_194 : vector<96xf32> to vector<96x1xf32>
      %add3A_196 = arith.constant 1.000000e-16 : f32
      %add3A_197 = vector.broadcast %add3A_196 : f32 to vector<96x1xf32>
      %add3A_198 = arith.addf %broadcast_in_dim3A_195, %add3A_197 : vector<96x1xf32>
      %div3A_199 = arith.constant 1.000000e+00 : f32
      %div3A_200 = vector.broadcast %div3A_199 : f32 to vector<96x1xf32>
      %div3A_201 = arith.divf %div3A_200, %add3A_198 : vector<96x1xf32>
      %dot_general3A_202 = arith.constant dense<0.000000e+00> : vector<96x256xf32>
      %dot_general3A_203 = tpu.matmul %mul3A_192, %slice3A_181, %dot_general3A_202 {dimension_numbers = #tpu.dot_dimension_numbers<[1], [0], [0], [1], [0, 0, 1, 1], [], []>, transpose_lhs_hint = false} : vector<96x96xf32>, vector<96x256xf32>, vector<96x256xf32> -> vector<96x256xf32>
      %mul3A_204 = vector.broadcast %div3A_201 : vector<96x1xf32> to vector<96x256xf32>
      %mul3A_205 = arith.mulf %dot_general3A_203, %mul3A_204 : vector<96x256xf32>
      %slice3A_206 = vector.extract_strided_slice %dot_general3A_144 {offsets = [0, 512], sizes = [96, 256], strides = [1, 1]} : vector<96x1024xf32> to vector<96x256xf32>
      %slice3A_207 = vector.extract_strided_slice %dot_general3A_154 {offsets = [0, 2], sizes = [96, 1], strides = [1, 1]} : vector<96x4xf32> to vector<96x1xf32>
      %slice3A_208 = vector.extract_strided_slice %dot_general3A_152 {offsets = [2, 0], sizes = [1, 96], strides = [1, 1]} : vector<4x96xf32> to vector<1x96xf32>
      %add3A_209 = vector.broadcast %slice3A_207 : vector<96x1xf32> to vector<96x96xf32>
      %add3A_210 = vector.broadcast %slice3A_208 : vector<1x96xf32> to vector<96x96xf32>
      %add3A_211 = arith.addf %add3A_209, %add3A_210 : vector<96x96xf32>
      %mul3A_212 = arith.constant 2.000000e-01 : f32
      %mul3A_213 = vector.broadcast %mul3A_212 : f32 to vector<96x96xf32>
      %mul3A_214 = arith.mulf %mul3A_213, %add3A_211 : vector<96x96xf32>
      %max3A_215 = arith.maximumf %add3A_211, %mul3A_214 : vector<96x96xf32>
      %exp3A_216 = math.exp %max3A_215 : vector<96x96xf32>
      %mul3A_217 = arith.mulf %add3A_139, %exp3A_216 : vector<96x96xf32>
      %reduce_sum3A_218 = arith.constant dense<0.000000e+00> : vector<96xf32>
      %reduce_sum3A_219 = vector.multi_reduction <add>, %mul3A_217, %reduce_sum3A_218 [1] : vector<96x96xf32> to vector<96xf32>
      %broadcast_in_dim3A_220 = vector.shape_cast %reduce_sum3A_219 : vector<96xf32> to vector<96x1xf32>
      %add3A_221 = arith.constant 1.000000e-16 : f32
      %add3A_222 = vector.broadcast %add3A_221 : f32 to vector<96x1xf32>
      %add3A_223 = arith.addf %broadcast_in_dim3A_220, %add3A_222 : vector<96x1xf32>
      %div3A_224 = arith.constant 1.000000e+00 : f32
      %div3A_225 = vector.broadcast %div3A_224 : f32 to vector<96x1xf32>
      %div3A_226 = arith.divf %div3A_225, %add3A_223 : vector<96x1xf32>
      %dot_general3A_227 = arith.constant dense<0.000000e+00> : vector<96x256xf32>
      %dot_general3A_228 = tpu.matmul %mul3A_217, %slice3A_206, %dot_general3A_227 {dimension_numbers = #tpu.dot_dimension_numbers<[1], [0], [0], [1], [0, 0, 1, 1], [], []>, transpose_lhs_hint = false} : vector<96x96xf32>, vector<96x256xf32>, vector<96x256xf32> -> vector<96x256xf32>
      %mul3A_229 = vector.broadcast %div3A_226 : vector<96x1xf32> to vector<96x256xf32>
      %mul3A_230 = arith.mulf %dot_general3A_228, %mul3A_229 : vector<96x256xf32>
      %slice3A_231 = vector.extract_strided_slice %dot_general3A_144 {offsets = [0, 768], sizes = [96, 256], strides = [1, 1]} : vector<96x1024xf32> to vector<96x256xf32>
      %slice3A_232 = vector.extract_strided_slice %dot_general3A_154 {offsets = [0, 3], sizes = [96, 1], strides = [1, 1]} : vector<96x4xf32> to vector<96x1xf32>
      %slice3A_233 = vector.extract_strided_slice %dot_general3A_152 {offsets = [3, 0], sizes = [1, 96], strides = [1, 1]} : vector<4x96xf32> to vector<1x96xf32>
      %add3A_234 = vector.broadcast %slice3A_232 : vector<96x1xf32> to vector<96x96xf32>
      %add3A_235 = vector.broadcast %slice3A_233 : vector<1x96xf32> to vector<96x96xf32>
      %add3A_236 = arith.addf %add3A_234, %add3A_235 : vector<96x96xf32>
      %mul3A_237 = arith.constant 2.000000e-01 : f32
      %mul3A_238 = vector.broadcast %mul3A_237 : f32 to vector<96x96xf32>
      %mul3A_239 = arith.mulf %mul3A_238, %add3A_236 : vector<96x96xf32>
      %max3A_240 = arith.maximumf %add3A_236, %mul3A_239 : vector<96x96xf32>
      %exp3A_241 = math.exp %max3A_240 : vector<96x96xf32>
      %mul3A_242 = arith.mulf %add3A_139, %exp3A_241 : vector<96x96xf32>
      %reduce_sum3A_243 = arith.constant dense<0.000000e+00> : vector<96xf32>
      %reduce_sum3A_244 = vector.multi_reduction <add>, %mul3A_242, %reduce_sum3A_243 [1] : vector<96x96xf32> to vector<96xf32>
      %broadcast_in_dim3A_245 = vector.shape_cast %reduce_sum3A_244 : vector<96xf32> to vector<96x1xf32>
      %add3A_246 = arith.constant 1.000000e-16 : f32
      %add3A_247 = vector.broadcast %add3A_246 : f32 to vector<96x1xf32>
      %add3A_248 = arith.addf %broadcast_in_dim3A_245, %add3A_247 : vector<96x1xf32>
      %div3A_249 = arith.constant 1.000000e+00 : f32
      %div3A_250 = vector.broadcast %div3A_249 : f32 to vector<96x1xf32>
      %div3A_251 = arith.divf %div3A_250, %add3A_248 : vector<96x1xf32>
      %dot_general3A_252 = arith.constant dense<0.000000e+00> : vector<96x256xf32>
      %dot_general3A_253 = tpu.matmul %mul3A_242, %slice3A_231, %dot_general3A_252 {dimension_numbers = #tpu.dot_dimension_numbers<[1], [0], [0], [1], [0, 0, 1, 1], [], []>, transpose_lhs_hint = false} : vector<96x96xf32>, vector<96x256xf32>, vector<96x256xf32> -> vector<96x256xf32>
      %mul3A_254 = vector.broadcast %div3A_251 : vector<96x1xf32> to vector<96x256xf32>
      %mul3A_255 = arith.mulf %dot_general3A_253, %mul3A_254 : vector<96x256xf32>
      %concatenate3A_256 = tpu.concatenate %mul3A_180, %mul3A_205, %mul3A_230, %mul3A_255 in 1 : vector<96x256xf32>, vector<96x256xf32>, vector<96x256xf32>, vector<96x256xf32> -> vector<96x1024xf32>
      %add3A_257 = vector.broadcast %get3A_157 : vector<1x1024xf32> to vector<96x1024xf32>
      %add3A_258 = arith.addf %concatenate3A_256, %add3A_257 : vector<96x1024xf32>
      %max3A_259 = arith.constant 0.000000e+00 : f32
      %max3A_260 = vector.broadcast %max3A_259 : f32 to vector<96x1024xf32>
      %max3A_261 = arith.maximumf %add3A_258, %max3A_260 : vector<96x1024xf32>
      %get3A_262 = arith.constant 0 : index
      %get3A_263 = arith.constant 0 : index
      %get3A_264 = vector.load %arg29[%get3A_262, %get3A_263] : memref<1024x1024xf32, #tpu.memory_space<vmem>>, vector<1024x1024xf32>
      %dot_general3A_265 = arith.constant dense<0.000000e+00> : vector<96x1024xf32>
      %dot_general3A_266 = tpu.matmul %max3A_261, %get3A_264, %dot_general3A_265 {dimension_numbers = #tpu.dot_dimension_numbers<[1], [0], [0], [1], [0, 0, 1, 1], [], []>, transpose_lhs_hint = false} : vector<96x1024xf32>, vector<1024x1024xf32>, vector<96x1024xf32> -> vector<96x1024xf32>
      %get3A_267 = arith.constant 0 : index
      %get3A_268 = arith.constant 0 : index
      %get3A_269 = vector.load %arg30[%get3A_267, %get3A_268] : memref<1024x4xf32, #tpu.memory_space<vmem>>, vector<1024x4xf32>
      %get3A_270 = arith.constant 0 : index
      %get3A_271 = arith.constant 0 : index
      %get3A_272 = vector.load %arg31[%get3A_270, %get3A_271] : memref<1024x4xf32, #tpu.memory_space<vmem>>, vector<1024x4xf32>
      %dot_general3A_273 = arith.constant dense<0.000000e+00> : vector<4x96xf32>
      %dot_general3A_274 = tpu.matmul %get3A_269, %dot_general3A_266, %dot_general3A_273 {dimension_numbers = #tpu.dot_dimension_numbers<[0], [1], [1], [0], [0, 1, 1, 0], [], []>, transpose_lhs_hint = false} : vector<1024x4xf32>, vector<96x1024xf32>, vector<4x96xf32> -> vector<4x96xf32>
      %dot_general3A_275 = arith.constant dense<0.000000e+00> : vector<96x4xf32>
      %dot_general3A_276 = tpu.matmul %dot_general3A_266, %get3A_272, %dot_general3A_275 {dimension_numbers = #tpu.dot_dimension_numbers<[1], [0], [0], [1], [0, 0, 1, 1], [], []>, transpose_lhs_hint = false} : vector<96x1024xf32>, vector<1024x4xf32>, vector<96x4xf32> -> vector<96x4xf32>
      %get3A_277 = arith.constant 0 : index
      %get3A_278 = arith.constant 0 : index
      %get3A_279 = vector.load %arg32[%get3A_277, %get3A_278] : memref<1x1024xf32, #tpu.memory_space<vmem>>, vector<1x1024xf32>
      %slice3A_280 = vector.extract_strided_slice %dot_general3A_266 {offsets = [0, 0], sizes = [96, 256], strides = [1, 1]} : vector<96x1024xf32> to vector<96x256xf32>
      %slice3A_281 = vector.extract_strided_slice %dot_general3A_276 {offsets = [0, 0], sizes = [96, 1], strides = [1, 1]} : vector<96x4xf32> to vector<96x1xf32>
      %slice3A_282 = vector.extract_strided_slice %dot_general3A_274 {offsets = [0, 0], sizes = [1, 96], strides = [1, 1]} : vector<4x96xf32> to vector<1x96xf32>
      %add3A_283 = vector.broadcast %slice3A_281 : vector<96x1xf32> to vector<96x96xf32>
      %add3A_284 = vector.broadcast %slice3A_282 : vector<1x96xf32> to vector<96x96xf32>
      %add3A_285 = arith.addf %add3A_283, %add3A_284 : vector<96x96xf32>
      %mul3A_286 = arith.constant 2.000000e-01 : f32
      %mul3A_287 = vector.broadcast %mul3A_286 : f32 to vector<96x96xf32>
      %mul3A_288 = arith.mulf %mul3A_287, %add3A_285 : vector<96x96xf32>
      %max3A_289 = arith.maximumf %add3A_285, %mul3A_288 : vector<96x96xf32>
      %exp3A_290 = math.exp %max3A_289 : vector<96x96xf32>
      %mul3A_291 = arith.mulf %add3A_139, %exp3A_290 : vector<96x96xf32>
      %reduce_sum3A_292 = arith.constant dense<0.000000e+00> : vector<96xf32>
      %reduce_sum3A_293 = vector.multi_reduction <add>, %mul3A_291, %reduce_sum3A_292 [1] : vector<96x96xf32> to vector<96xf32>
      %broadcast_in_dim3A_294 = vector.shape_cast %reduce_sum3A_293 : vector<96xf32> to vector<96x1xf32>
      %add3A_295 = arith.constant 1.000000e-16 : f32
      %add3A_296 = vector.broadcast %add3A_295 : f32 to vector<96x1xf32>
      %add3A_297 = arith.addf %broadcast_in_dim3A_294, %add3A_296 : vector<96x1xf32>
      %div3A_298 = arith.constant 1.000000e+00 : f32
      %div3A_299 = vector.broadcast %div3A_298 : f32 to vector<96x1xf32>
      %div3A_300 = arith.divf %div3A_299, %add3A_297 : vector<96x1xf32>
      %dot_general3A_301 = arith.constant dense<0.000000e+00> : vector<96x256xf32>
      %dot_general3A_302 = tpu.matmul %mul3A_291, %slice3A_280, %dot_general3A_301 {dimension_numbers = #tpu.dot_dimension_numbers<[1], [0], [0], [1], [0, 0, 1, 1], [], []>, transpose_lhs_hint = false} : vector<96x96xf32>, vector<96x256xf32>, vector<96x256xf32> -> vector<96x256xf32>
      %mul3A_303 = vector.broadcast %div3A_300 : vector<96x1xf32> to vector<96x256xf32>
      %mul3A_304 = arith.mulf %dot_general3A_302, %mul3A_303 : vector<96x256xf32>
      %slice3A_305 = vector.extract_strided_slice %dot_general3A_266 {offsets = [0, 256], sizes = [96, 256], strides = [1, 1]} : vector<96x1024xf32> to vector<96x256xf32>
      %slice3A_306 = vector.extract_strided_slice %dot_general3A_276 {offsets = [0, 1], sizes = [96, 1], strides = [1, 1]} : vector<96x4xf32> to vector<96x1xf32>
      %slice3A_307 = vector.extract_strided_slice %dot_general3A_274 {offsets = [1, 0], sizes = [1, 96], strides = [1, 1]} : vector<4x96xf32> to vector<1x96xf32>
      %add3A_308 = vector.broadcast %slice3A_306 : vector<96x1xf32> to vector<96x96xf32>
      %add3A_309 = vector.broadcast %slice3A_307 : vector<1x96xf32> to vector<96x96xf32>
      %add3A_310 = arith.addf %add3A_308, %add3A_309 : vector<96x96xf32>
      %mul3A_311 = arith.constant 2.000000e-01 : f32
      %mul3A_312 = vector.broadcast %mul3A_311 : f32 to vector<96x96xf32>
      %mul3A_313 = arith.mulf %mul3A_312, %add3A_310 : vector<96x96xf32>
      %max3A_314 = arith.maximumf %add3A_310, %mul3A_313 : vector<96x96xf32>
      %exp3A_315 = math.exp %max3A_314 : vector<96x96xf32>
      %mul3A_316 = arith.mulf %add3A_139, %exp3A_315 : vector<96x96xf32>
      %reduce_sum3A_317 = arith.constant dense<0.000000e+00> : vector<96xf32>
      %reduce_sum3A_318 = vector.multi_reduction <add>, %mul3A_316, %reduce_sum3A_317 [1] : vector<96x96xf32> to vector<96xf32>
      %broadcast_in_dim3A_319 = vector.shape_cast %reduce_sum3A_318 : vector<96xf32> to vector<96x1xf32>
      %add3A_320 = arith.constant 1.000000e-16 : f32
      %add3A_321 = vector.broadcast %add3A_320 : f32 to vector<96x1xf32>
      %add3A_322 = arith.addf %broadcast_in_dim3A_319, %add3A_321 : vector<96x1xf32>
      %div3A_323 = arith.constant 1.000000e+00 : f32
      %div3A_324 = vector.broadcast %div3A_323 : f32 to vector<96x1xf32>
      %div3A_325 = arith.divf %div3A_324, %add3A_322 : vector<96x1xf32>
      %dot_general3A_326 = arith.constant dense<0.000000e+00> : vector<96x256xf32>
      %dot_general3A_327 = tpu.matmul %mul3A_316, %slice3A_305, %dot_general3A_326 {dimension_numbers = #tpu.dot_dimension_numbers<[1], [0], [0], [1], [0, 0, 1, 1], [], []>, transpose_lhs_hint = false} : vector<96x96xf32>, vector<96x256xf32>, vector<96x256xf32> -> vector<96x256xf32>
      %mul3A_328 = vector.broadcast %div3A_325 : vector<96x1xf32> to vector<96x256xf32>
      %mul3A_329 = arith.mulf %dot_general3A_327, %mul3A_328 : vector<96x256xf32>
      %slice3A_330 = vector.extract_strided_slice %dot_general3A_266 {offsets = [0, 512], sizes = [96, 256], strides = [1, 1]} : vector<96x1024xf32> to vector<96x256xf32>
      %slice3A_331 = vector.extract_strided_slice %dot_general3A_276 {offsets = [0, 2], sizes = [96, 1], strides = [1, 1]} : vector<96x4xf32> to vector<96x1xf32>
      %slice3A_332 = vector.extract_strided_slice %dot_general3A_274 {offsets = [2, 0], sizes = [1, 96], strides = [1, 1]} : vector<4x96xf32> to vector<1x96xf32>
      %add3A_333 = vector.broadcast %slice3A_331 : vector<96x1xf32> to vector<96x96xf32>
      %add3A_334 = vector.broadcast %slice3A_332 : vector<1x96xf32> to vector<96x96xf32>
      %add3A_335 = arith.addf %add3A_333, %add3A_334 : vector<96x96xf32>
      %mul3A_336 = arith.constant 2.000000e-01 : f32
      %mul3A_337 = vector.broadcast %mul3A_336 : f32 to vector<96x96xf32>
      %mul3A_338 = arith.mulf %mul3A_337, %add3A_335 : vector<96x96xf32>
      %max3A_339 = arith.maximumf %add3A_335, %mul3A_338 : vector<96x96xf32>
      %exp3A_340 = math.exp %max3A_339 : vector<96x96xf32>
      %mul3A_341 = arith.mulf %add3A_139, %exp3A_340 : vector<96x96xf32>
      %reduce_sum3A_342 = arith.constant dense<0.000000e+00> : vector<96xf32>
      %reduce_sum3A_343 = vector.multi_reduction <add>, %mul3A_341, %reduce_sum3A_342 [1] : vector<96x96xf32> to vector<96xf32>
      %broadcast_in_dim3A_344 = vector.shape_cast %reduce_sum3A_343 : vector<96xf32> to vector<96x1xf32>
      %add3A_345 = arith.constant 1.000000e-16 : f32
      %add3A_346 = vector.broadcast %add3A_345 : f32 to vector<96x1xf32>
      %add3A_347 = arith.addf %broadcast_in_dim3A_344, %add3A_346 : vector<96x1xf32>
      %div3A_348 = arith.constant 1.000000e+00 : f32
      %div3A_349 = vector.broadcast %div3A_348 : f32 to vector<96x1xf32>
      %div3A_350 = arith.divf %div3A_349, %add3A_347 : vector<96x1xf32>
      %dot_general3A_351 = arith.constant dense<0.000000e+00> : vector<96x256xf32>
      %dot_general3A_352 = tpu.matmul %mul3A_341, %slice3A_330, %dot_general3A_351 {dimension_numbers = #tpu.dot_dimension_numbers<[1], [0], [0], [1], [0, 0, 1, 1], [], []>, transpose_lhs_hint = false} : vector<96x96xf32>, vector<96x256xf32>, vector<96x256xf32> -> vector<96x256xf32>
      %mul3A_353 = vector.broadcast %div3A_350 : vector<96x1xf32> to vector<96x256xf32>
      %mul3A_354 = arith.mulf %dot_general3A_352, %mul3A_353 : vector<96x256xf32>
      %slice3A_355 = vector.extract_strided_slice %dot_general3A_266 {offsets = [0, 768], sizes = [96, 256], strides = [1, 1]} : vector<96x1024xf32> to vector<96x256xf32>
      %slice3A_356 = vector.extract_strided_slice %dot_general3A_276 {offsets = [0, 3], sizes = [96, 1], strides = [1, 1]} : vector<96x4xf32> to vector<96x1xf32>
      %slice3A_357 = vector.extract_strided_slice %dot_general3A_274 {offsets = [3, 0], sizes = [1, 96], strides = [1, 1]} : vector<4x96xf32> to vector<1x96xf32>
      %add3A_358 = vector.broadcast %slice3A_356 : vector<96x1xf32> to vector<96x96xf32>
      %add3A_359 = vector.broadcast %slice3A_357 : vector<1x96xf32> to vector<96x96xf32>
      %add3A_360 = arith.addf %add3A_358, %add3A_359 : vector<96x96xf32>
      %mul3A_361 = arith.constant 2.000000e-01 : f32
      %mul3A_362 = vector.broadcast %mul3A_361 : f32 to vector<96x96xf32>
      %mul3A_363 = arith.mulf %mul3A_362, %add3A_360 : vector<96x96xf32>
      %max3A_364 = arith.maximumf %add3A_360, %mul3A_363 : vector<96x96xf32>
      %exp3A_365 = math.exp %max3A_364 : vector<96x96xf32>
      %mul3A_366 = arith.mulf %add3A_139, %exp3A_365 : vector<96x96xf32>
      %reduce_sum3A_367 = arith.constant dense<0.000000e+00> : vector<96xf32>
      %reduce_sum3A_368 = vector.multi_reduction <add>, %mul3A_366, %reduce_sum3A_367 [1] : vector<96x96xf32> to vector<96xf32>
      %broadcast_in_dim3A_369 = vector.shape_cast %reduce_sum3A_368 : vector<96xf32> to vector<96x1xf32>
      %add3A_370 = arith.constant 1.000000e-16 : f32
      %add3A_371 = vector.broadcast %add3A_370 : f32 to vector<96x1xf32>
      %add3A_372 = arith.addf %broadcast_in_dim3A_369, %add3A_371 : vector<96x1xf32>
      %div3A_373 = arith.constant 1.000000e+00 : f32
      %div3A_374 = vector.broadcast %div3A_373 : f32 to vector<96x1xf32>
      %div3A_375 = arith.divf %div3A_374, %add3A_372 : vector<96x1xf32>
      %dot_general3A_376 = arith.constant dense<0.000000e+00> : vector<96x256xf32>
      %dot_general3A_377 = tpu.matmul %mul3A_366, %slice3A_355, %dot_general3A_376 {dimension_numbers = #tpu.dot_dimension_numbers<[1], [0], [0], [1], [0, 0, 1, 1], [], []>, transpose_lhs_hint = false} : vector<96x96xf32>, vector<96x256xf32>, vector<96x256xf32> -> vector<96x256xf32>
      %mul3A_378 = vector.broadcast %div3A_375 : vector<96x1xf32> to vector<96x256xf32>
      %mul3A_379 = arith.mulf %dot_general3A_377, %mul3A_378 : vector<96x256xf32>
      %concatenate3A_380 = tpu.concatenate %mul3A_304, %mul3A_329, %mul3A_354, %mul3A_379 in 1 : vector<96x256xf32>, vector<96x256xf32>, vector<96x256xf32>, vector<96x256xf32> -> vector<96x1024xf32>
      %add3A_381 = vector.broadcast %get3A_279 : vector<1x1024xf32> to vector<96x1024xf32>
      %add3A_382 = arith.addf %concatenate3A_380, %add3A_381 : vector<96x1024xf32>
      %max3A_383 = arith.constant 0.000000e+00 : f32
      %max3A_384 = vector.broadcast %max3A_383 : f32 to vector<96x1024xf32>
      %max3A_385 = arith.maximumf %add3A_382, %max3A_384 : vector<96x1024xf32>
      %get3A_386 = arith.constant 0 : index
      %get3A_387 = arith.constant 0 : index
      %get3A_388 = vector.load %arg33[%get3A_386, %get3A_387] : memref<1024x1024xf32, #tpu.memory_space<vmem>>, vector<1024x1024xf32>
      %dot_general3A_389 = arith.constant dense<0.000000e+00> : vector<96x1024xf32>
      %dot_general3A_390 = tpu.matmul %max3A_385, %get3A_388, %dot_general3A_389 {dimension_numbers = #tpu.dot_dimension_numbers<[1], [0], [0], [1], [0, 0, 1, 1], [], []>, transpose_lhs_hint = false} : vector<96x1024xf32>, vector<1024x1024xf32>, vector<96x1024xf32> -> vector<96x1024xf32>
      %get3A_391 = arith.constant 0 : index
      %get3A_392 = arith.constant 0 : index
      %get3A_393 = vector.load %arg34[%get3A_391, %get3A_392] : memref<1024x4xf32, #tpu.memory_space<vmem>>, vector<1024x4xf32>
      %get3A_394 = arith.constant 0 : index
      %get3A_395 = arith.constant 0 : index
      %get3A_396 = vector.load %arg35[%get3A_394, %get3A_395] : memref<1024x4xf32, #tpu.memory_space<vmem>>, vector<1024x4xf32>
      %dot_general3A_397 = arith.constant dense<0.000000e+00> : vector<4x96xf32>
      %dot_general3A_398 = tpu.matmul %get3A_393, %dot_general3A_390, %dot_general3A_397 {dimension_numbers = #tpu.dot_dimension_numbers<[0], [1], [1], [0], [0, 1, 1, 0], [], []>, transpose_lhs_hint = false} : vector<1024x4xf32>, vector<96x1024xf32>, vector<4x96xf32> -> vector<4x96xf32>
      %dot_general3A_399 = arith.constant dense<0.000000e+00> : vector<96x4xf32>
      %dot_general3A_400 = tpu.matmul %dot_general3A_390, %get3A_396, %dot_general3A_399 {dimension_numbers = #tpu.dot_dimension_numbers<[1], [0], [0], [1], [0, 0, 1, 1], [], []>, transpose_lhs_hint = false} : vector<96x1024xf32>, vector<1024x4xf32>, vector<96x4xf32> -> vector<96x4xf32>
      %get3A_401 = arith.constant 0 : index
      %get3A_402 = arith.constant 0 : index
      %get3A_403 = vector.load %arg36[%get3A_401, %get3A_402] : memref<1x1024xf32, #tpu.memory_space<vmem>>, vector<1x1024xf32>
      %slice3A_404 = vector.extract_strided_slice %dot_general3A_390 {offsets = [0, 0], sizes = [96, 256], strides = [1, 1]} : vector<96x1024xf32> to vector<96x256xf32>
      %slice3A_405 = vector.extract_strided_slice %dot_general3A_400 {offsets = [0, 0], sizes = [96, 1], strides = [1, 1]} : vector<96x4xf32> to vector<96x1xf32>
      %slice3A_406 = vector.extract_strided_slice %dot_general3A_398 {offsets = [0, 0], sizes = [1, 96], strides = [1, 1]} : vector<4x96xf32> to vector<1x96xf32>
      %add3A_407 = vector.broadcast %slice3A_405 : vector<96x1xf32> to vector<96x96xf32>
      %add3A_408 = vector.broadcast %slice3A_406 : vector<1x96xf32> to vector<96x96xf32>
      %add3A_409 = arith.addf %add3A_407, %add3A_408 : vector<96x96xf32>
      %mul3A_410 = arith.constant 2.000000e-01 : f32
      %mul3A_411 = vector.broadcast %mul3A_410 : f32 to vector<96x96xf32>
      %mul3A_412 = arith.mulf %mul3A_411, %add3A_409 : vector<96x96xf32>
      %max3A_413 = arith.maximumf %add3A_409, %mul3A_412 : vector<96x96xf32>
      %exp3A_414 = math.exp %max3A_413 : vector<96x96xf32>
      %mul3A_415 = arith.mulf %add3A_139, %exp3A_414 : vector<96x96xf32>
      %reduce_sum3A_416 = arith.constant dense<0.000000e+00> : vector<96xf32>
      %reduce_sum3A_417 = vector.multi_reduction <add>, %mul3A_415, %reduce_sum3A_416 [1] : vector<96x96xf32> to vector<96xf32>
      %broadcast_in_dim3A_418 = vector.shape_cast %reduce_sum3A_417 : vector<96xf32> to vector<96x1xf32>
      %add3A_419 = arith.constant 1.000000e-16 : f32
      %add3A_420 = vector.broadcast %add3A_419 : f32 to vector<96x1xf32>
      %add3A_421 = arith.addf %broadcast_in_dim3A_418, %add3A_420 : vector<96x1xf32>
      %div3A_422 = arith.constant 1.000000e+00 : f32
      %div3A_423 = vector.broadcast %div3A_422 : f32 to vector<96x1xf32>
      %div3A_424 = arith.divf %div3A_423, %add3A_421 : vector<96x1xf32>
      %dot_general3A_425 = arith.constant dense<0.000000e+00> : vector<96x256xf32>
      %dot_general3A_426 = tpu.matmul %mul3A_415, %slice3A_404, %dot_general3A_425 {dimension_numbers = #tpu.dot_dimension_numbers<[1], [0], [0], [1], [0, 0, 1, 1], [], []>, transpose_lhs_hint = false} : vector<96x96xf32>, vector<96x256xf32>, vector<96x256xf32> -> vector<96x256xf32>
      %mul3A_427 = vector.broadcast %div3A_424 : vector<96x1xf32> to vector<96x256xf32>
      %mul3A_428 = arith.mulf %dot_general3A_426, %mul3A_427 : vector<96x256xf32>
      %slice3A_429 = vector.extract_strided_slice %dot_general3A_390 {offsets = [0, 256], sizes = [96, 256], strides = [1, 1]} : vector<96x1024xf32> to vector<96x256xf32>
      %slice3A_430 = vector.extract_strided_slice %dot_general3A_400 {offsets = [0, 1], sizes = [96, 1], strides = [1, 1]} : vector<96x4xf32> to vector<96x1xf32>
      %slice3A_431 = vector.extract_strided_slice %dot_general3A_398 {offsets = [1, 0], sizes = [1, 96], strides = [1, 1]} : vector<4x96xf32> to vector<1x96xf32>
      %add3A_432 = vector.broadcast %slice3A_430 : vector<96x1xf32> to vector<96x96xf32>
      %add3A_433 = vector.broadcast %slice3A_431 : vector<1x96xf32> to vector<96x96xf32>
      %add3A_434 = arith.addf %add3A_432, %add3A_433 : vector<96x96xf32>
      %mul3A_435 = arith.constant 2.000000e-01 : f32
      %mul3A_436 = vector.broadcast %mul3A_435 : f32 to vector<96x96xf32>
      %mul3A_437 = arith.mulf %mul3A_436, %add3A_434 : vector<96x96xf32>
      %max3A_438 = arith.maximumf %add3A_434, %mul3A_437 : vector<96x96xf32>
      %exp3A_439 = math.exp %max3A_438 : vector<96x96xf32>
      %mul3A_440 = arith.mulf %add3A_139, %exp3A_439 : vector<96x96xf32>
      %reduce_sum3A_441 = arith.constant dense<0.000000e+00> : vector<96xf32>
      %reduce_sum3A_442 = vector.multi_reduction <add>, %mul3A_440, %reduce_sum3A_441 [1] : vector<96x96xf32> to vector<96xf32>
      %broadcast_in_dim3A_443 = vector.shape_cast %reduce_sum3A_442 : vector<96xf32> to vector<96x1xf32>
      %add3A_444 = arith.constant 1.000000e-16 : f32
      %add3A_445 = vector.broadcast %add3A_444 : f32 to vector<96x1xf32>
      %add3A_446 = arith.addf %broadcast_in_dim3A_443, %add3A_445 : vector<96x1xf32>
      %div3A_447 = arith.constant 1.000000e+00 : f32
      %div3A_448 = vector.broadcast %div3A_447 : f32 to vector<96x1xf32>
      %div3A_449 = arith.divf %div3A_448, %add3A_446 : vector<96x1xf32>
      %dot_general3A_450 = arith.constant dense<0.000000e+00> : vector<96x256xf32>
      %dot_general3A_451 = tpu.matmul %mul3A_440, %slice3A_429, %dot_general3A_450 {dimension_numbers = #tpu.dot_dimension_numbers<[1], [0], [0], [1], [0, 0, 1, 1], [], []>, transpose_lhs_hint = false} : vector<96x96xf32>, vector<96x256xf32>, vector<96x256xf32> -> vector<96x256xf32>
      %mul3A_452 = vector.broadcast %div3A_449 : vector<96x1xf32> to vector<96x256xf32>
      %mul3A_453 = arith.mulf %dot_general3A_451, %mul3A_452 : vector<96x256xf32>
      %slice3A_454 = vector.extract_strided_slice %dot_general3A_390 {offsets = [0, 512], sizes = [96, 256], strides = [1, 1]} : vector<96x1024xf32> to vector<96x256xf32>
      %slice3A_455 = vector.extract_strided_slice %dot_general3A_400 {offsets = [0, 2], sizes = [96, 1], strides = [1, 1]} : vector<96x4xf32> to vector<96x1xf32>
      %slice3A_456 = vector.extract_strided_slice %dot_general3A_398 {offsets = [2, 0], sizes = [1, 96], strides = [1, 1]} : vector<4x96xf32> to vector<1x96xf32>
      %add3A_457 = vector.broadcast %slice3A_455 : vector<96x1xf32> to vector<96x96xf32>
      %add3A_458 = vector.broadcast %slice3A_456 : vector<1x96xf32> to vector<96x96xf32>
      %add3A_459 = arith.addf %add3A_457, %add3A_458 : vector<96x96xf32>
      %mul3A_460 = arith.constant 2.000000e-01 : f32
      %mul3A_461 = vector.broadcast %mul3A_460 : f32 to vector<96x96xf32>
      %mul3A_462 = arith.mulf %mul3A_461, %add3A_459 : vector<96x96xf32>
      %max3A_463 = arith.maximumf %add3A_459, %mul3A_462 : vector<96x96xf32>
      %exp3A_464 = math.exp %max3A_463 : vector<96x96xf32>
      %mul3A_465 = arith.mulf %add3A_139, %exp3A_464 : vector<96x96xf32>
      %reduce_sum3A_466 = arith.constant dense<0.000000e+00> : vector<96xf32>
      %reduce_sum3A_467 = vector.multi_reduction <add>, %mul3A_465, %reduce_sum3A_466 [1] : vector<96x96xf32> to vector<96xf32>
      %broadcast_in_dim3A_468 = vector.shape_cast %reduce_sum3A_467 : vector<96xf32> to vector<96x1xf32>
      %add3A_469 = arith.constant 1.000000e-16 : f32
      %add3A_470 = vector.broadcast %add3A_469 : f32 to vector<96x1xf32>
      %add3A_471 = arith.addf %broadcast_in_dim3A_468, %add3A_470 : vector<96x1xf32>
      %div3A_472 = arith.constant 1.000000e+00 : f32
      %div3A_473 = vector.broadcast %div3A_472 : f32 to vector<96x1xf32>
      %div3A_474 = arith.divf %div3A_473, %add3A_471 : vector<96x1xf32>
      %dot_general3A_475 = arith.constant dense<0.000000e+00> : vector<96x256xf32>
      %dot_general3A_476 = tpu.matmul %mul3A_465, %slice3A_454, %dot_general3A_475 {dimension_numbers = #tpu.dot_dimension_numbers<[1], [0], [0], [1], [0, 0, 1, 1], [], []>, transpose_lhs_hint = false} : vector<96x96xf32>, vector<96x256xf32>, vector<96x256xf32> -> vector<96x256xf32>
      %mul3A_477 = vector.broadcast %div3A_474 : vector<96x1xf32> to vector<96x256xf32>
      %mul3A_478 = arith.mulf %dot_general3A_476, %mul3A_477 : vector<96x256xf32>
      %slice3A_479 = vector.extract_strided_slice %dot_general3A_390 {offsets = [0, 768], sizes = [96, 256], strides = [1, 1]} : vector<96x1024xf32> to vector<96x256xf32>
      %slice3A_480 = vector.extract_strided_slice %dot_general3A_400 {offsets = [0, 3], sizes = [96, 1], strides = [1, 1]} : vector<96x4xf32> to vector<96x1xf32>
      %slice3A_481 = vector.extract_strided_slice %dot_general3A_398 {offsets = [3, 0], sizes = [1, 96], strides = [1, 1]} : vector<4x96xf32> to vector<1x96xf32>
      %add3A_482 = vector.broadcast %slice3A_480 : vector<96x1xf32> to vector<96x96xf32>
      %add3A_483 = vector.broadcast %slice3A_481 : vector<1x96xf32> to vector<96x96xf32>
      %add3A_484 = arith.addf %add3A_482, %add3A_483 : vector<96x96xf32>
      %mul3A_485 = arith.constant 2.000000e-01 : f32
      %mul3A_486 = vector.broadcast %mul3A_485 : f32 to vector<96x96xf32>
      %mul3A_487 = arith.mulf %mul3A_486, %add3A_484 : vector<96x96xf32>
      %max3A_488 = arith.maximumf %add3A_484, %mul3A_487 : vector<96x96xf32>
      %exp3A_489 = math.exp %max3A_488 : vector<96x96xf32>
      %mul3A_490 = arith.mulf %add3A_139, %exp3A_489 : vector<96x96xf32>
      %reduce_sum3A_491 = arith.constant dense<0.000000e+00> : vector<96xf32>
      %reduce_sum3A_492 = vector.multi_reduction <add>, %mul3A_490, %reduce_sum3A_491 [1] : vector<96x96xf32> to vector<96xf32>
      %broadcast_in_dim3A_493 = vector.shape_cast %reduce_sum3A_492 : vector<96xf32> to vector<96x1xf32>
      %add3A_494 = arith.constant 1.000000e-16 : f32
      %add3A_495 = vector.broadcast %add3A_494 : f32 to vector<96x1xf32>
      %add3A_496 = arith.addf %broadcast_in_dim3A_493, %add3A_495 : vector<96x1xf32>
      %div3A_497 = arith.constant 1.000000e+00 : f32
      %div3A_498 = vector.broadcast %div3A_497 : f32 to vector<96x1xf32>
      %div3A_499 = arith.divf %div3A_498, %add3A_496 : vector<96x1xf32>
      %dot_general3A_500 = arith.constant dense<0.000000e+00> : vector<96x256xf32>
      %dot_general3A_501 = tpu.matmul %mul3A_490, %slice3A_479, %dot_general3A_500 {dimension_numbers = #tpu.dot_dimension_numbers<[1], [0], [0], [1], [0, 0, 1, 1], [], []>, transpose_lhs_hint = false} : vector<96x96xf32>, vector<96x256xf32>, vector<96x256xf32> -> vector<96x256xf32>
      %mul3A_502 = vector.broadcast %div3A_499 : vector<96x1xf32> to vector<96x256xf32>
      %mul3A_503 = arith.mulf %dot_general3A_501, %mul3A_502 : vector<96x256xf32>
      %concatenate3A_504 = tpu.concatenate %mul3A_428, %mul3A_453, %mul3A_478, %mul3A_503 in 1 : vector<96x256xf32>, vector<96x256xf32>, vector<96x256xf32>, vector<96x256xf32> -> vector<96x1024xf32>
      %add3A_505 = vector.broadcast %get3A_403 : vector<1x1024xf32> to vector<96x1024xf32>
      %add3A_506 = arith.addf %concatenate3A_504, %add3A_505 : vector<96x1024xf32>
      %max3A_507 = arith.constant 0.000000e+00 : f32
      %max3A_508 = vector.broadcast %max3A_507 : f32 to vector<96x1024xf32>
      %max3A_509 = arith.maximumf %add3A_506, %max3A_508 : vector<96x1024xf32>
      %reduce_sum3A_510 = arith.constant dense<0.000000e+00> : vector<1024xf32>
      %reduce_sum3A_511 = vector.multi_reduction <add>, %max3A_509, %reduce_sum3A_510 [0] : vector<96x1024xf32> to vector<1024xf32>
      %broadcast_in_dim3A_512 = vector.shape_cast %reduce_sum3A_511 : vector<1024xf32> to vector<1x1024xf32>
      %div3A_513 = arith.constant 9.600000e+01 : f32
      %div3A_514 = vector.broadcast %div3A_513 : f32 to vector<1x1024xf32>
      %div3A_515 = arith.divf %broadcast_in_dim3A_512, %div3A_514 : vector<1x1024xf32>
      %get3A_516 = arith.constant 0 : index
      %get3A_517 = arith.constant 0 : index
      %get3A_518 = vector.load %arg37[%get3A_516, %get3A_517] : memref<1024x512xf32, #tpu.memory_space<vmem>>, vector<1024x512xf32>
      %dot_general3A_519 = arith.constant dense<0.000000e+00> : vector<1x512xf32>
      %dot_general3A_520 = tpu.matmul %div3A_515, %get3A_518, %dot_general3A_519 {dimension_numbers = #tpu.dot_dimension_numbers<[1], [0], [0], [1], [0, 0, 1, 1], [], []>, transpose_lhs_hint = false} : vector<1x1024xf32>, vector<1024x512xf32>, vector<1x512xf32> -> vector<1x512xf32>
      %get3A_521 = arith.constant 0 : index
      %get3A_522 = arith.constant 0 : index
      %get3A_523 = vector.load %arg38[%get3A_521, %get3A_522] : memref<1x512xf32, #tpu.memory_space<vmem>>, vector<1x512xf32>
      %add3A_524 = arith.addf %dot_general3A_520, %get3A_523 : vector<1x512xf32>
      %get3A_525 = arith.constant 0 : index
      %get3A_526 = arith.constant 0 : index
      %get3A_527 = vector.load %arg39[%get3A_525, %get3A_526] : memref<1x512xf32, #tpu.memory_space<vmem>>, vector<1x512xf32>
      %get3A_528 = arith.constant 0 : index
      %get3A_529 = arith.constant 0 : index
      %get3A_530 = vector.load %arg40[%get3A_528, %get3A_529] : memref<1x512xf32, #tpu.memory_space<vmem>>, vector<1x512xf32>
      %reduce_sum3A_531 = arith.constant dense<0.000000e+00> : vector<1xf32>
      %reduce_sum3A_532 = vector.multi_reduction <add>, %add3A_524, %reduce_sum3A_531 [1] : vector<1x512xf32> to vector<1xf32>
      %broadcast_in_dim3A_533 = vector.shape_cast %reduce_sum3A_532 : vector<1xf32> to vector<1x1xf32>
      %div3A_534 = arith.constant 5.120000e+02 : f32
      %div3A_535 = vector.broadcast %div3A_534 : f32 to vector<1x1xf32>
      %div3A_536 = arith.divf %broadcast_in_dim3A_533, %div3A_535 : vector<1x1xf32>
      %jit3A_537 = arith.constant 0 : i32
      %reduce_sum3A_538 = arith.constant dense<0.000000e+00> : vector<1xf32>
      %reduce_sum3A_539 = vector.multi_reduction <add>, %add3A_524, %reduce_sum3A_538 [1] : vector<1x512xf32> to vector<1xf32>
      %broadcast_in_dim3A_540 = vector.shape_cast %reduce_sum3A_539 : vector<1xf32> to vector<1x1xf32>
      %div3A_541 = arith.constant 5.120000e+02 : f32
      %div3A_542 = vector.broadcast %div3A_541 : f32 to vector<1x1xf32>
      %div3A_543 = arith.divf %broadcast_in_dim3A_540, %div3A_542 : vector<1x1xf32>
      %sub3A_544 = vector.broadcast %div3A_543 : vector<1x1xf32> to vector<1x512xf32>
      %sub3A_545 = arith.subf %add3A_524, %sub3A_544 : vector<1x512xf32>
      %square3A_546 = arith.mulf %sub3A_545, %sub3A_545 : vector<1x512xf32>
      %convert_element_type3A_547 = arith.sitofp %jit3A_537 : i32 to f32
      %sub3A_548 = arith.constant 5.120000e+02 : f32
      %sub3A_549 = arith.subf %sub3A_548, %convert_element_type3A_547 : f32
      %reduce_sum3A_550 = arith.constant dense<0.000000e+00> : vector<1xf32>
      %reduce_sum3A_551 = vector.multi_reduction <add>, %square3A_546, %reduce_sum3A_550 [1] : vector<1x512xf32> to vector<1xf32>
      %broadcast_in_dim3A_552 = vector.shape_cast %reduce_sum3A_551 : vector<1xf32> to vector<1x1xf32>
      %div3A_553 = vector.broadcast %sub3A_549 : f32 to vector<1x1xf32>
      %div3A_554 = arith.divf %broadcast_in_dim3A_552, %div3A_553 : vector<1x1xf32>
      %gt3A_555 = arith.constant 0.000000e+00 : f32
      %gt3A_556 = arith.cmpf ogt, %sub3A_549, %gt3A_555 : f32
      %jit3A_557 = arith.constant 0x7FC00000 : f32
      %broadcast_in_dim3A_558 = vector.broadcast %jit3A_557 : f32 to vector<1x1xf32>
      %select_n3A_559 = arith.select %gt3A_556, %div3A_554, %broadcast_in_dim3A_558 : vector<1x1xf32>
      %sub3A_560 = vector.broadcast %div3A_536 : vector<1x1xf32> to vector<1x512xf32>
      %sub3A_561 = arith.subf %add3A_524, %sub3A_560 : vector<1x512xf32>
      %add3A_562 = arith.constant 9.99999974E-6 : f32
      %add3A_563 = vector.broadcast %add3A_562 : f32 to vector<1x1xf32>
      %add3A_564 = arith.addf %select_n3A_559, %add3A_563 : vector<1x1xf32>
      %sqrt3A_565 = math.sqrt %add3A_564 : vector<1x1xf32>
      %div3A_566 = vector.broadcast %sqrt3A_565 : vector<1x1xf32> to vector<1x512xf32>
      %div3A_567 = arith.divf %sub3A_561, %div3A_566 : vector<1x512xf32>
      %mul3A_568 = arith.mulf %div3A_567, %get3A_527 : vector<1x512xf32>
      %add3A_569 = arith.addf %mul3A_568, %get3A_530 : vector<1x512xf32>
      %max3A_570 = arith.constant 0.000000e+00 : f32
      %max3A_571 = vector.broadcast %max3A_570 : f32 to vector<1x512xf32>
      %max3A_572 = arith.maximumf %add3A_569, %max3A_571 : vector<1x512xf32>
      %get3A_573 = arith.constant 0 : index
      %get3A_574 = arith.constant 0 : index
      %get3A_575 = vector.load %arg41[%get3A_573, %get3A_574] : memref<512x256xf32, #tpu.memory_space<vmem>>, vector<512x256xf32>
      %dot_general3A_576 = arith.constant dense<0.000000e+00> : vector<1x256xf32>
      %dot_general3A_577 = tpu.matmul %max3A_572, %get3A_575, %dot_general3A_576 {dimension_numbers = #tpu.dot_dimension_numbers<[1], [0], [0], [1], [0, 0, 1, 1], [], []>, transpose_lhs_hint = false} : vector<1x512xf32>, vector<512x256xf32>, vector<1x256xf32> -> vector<1x256xf32>
      %get3A_578 = arith.constant 0 : index
      %get3A_579 = arith.constant 0 : index
      %get3A_580 = vector.load %arg42[%get3A_578, %get3A_579] : memref<1x256xf32, #tpu.memory_space<vmem>>, vector<1x256xf32>
      %add3A_581 = arith.addf %dot_general3A_577, %get3A_580 : vector<1x256xf32>
      %get3A_582 = arith.constant 0 : index
      %get3A_583 = arith.constant 0 : index
      %get3A_584 = vector.load %arg43[%get3A_582, %get3A_583] : memref<1x256xf32, #tpu.memory_space<vmem>>, vector<1x256xf32>
      %get3A_585 = arith.constant 0 : index
      %get3A_586 = arith.constant 0 : index
      %get3A_587 = vector.load %arg44[%get3A_585, %get3A_586] : memref<1x256xf32, #tpu.memory_space<vmem>>, vector<1x256xf32>
      %reduce_sum3A_588 = arith.constant dense<0.000000e+00> : vector<1xf32>
      %reduce_sum3A_589 = vector.multi_reduction <add>, %add3A_581, %reduce_sum3A_588 [1] : vector<1x256xf32> to vector<1xf32>
      %broadcast_in_dim3A_590 = vector.shape_cast %reduce_sum3A_589 : vector<1xf32> to vector<1x1xf32>
      %div3A_591 = arith.constant 2.560000e+02 : f32
      %div3A_592 = vector.broadcast %div3A_591 : f32 to vector<1x1xf32>
      %div3A_593 = arith.divf %broadcast_in_dim3A_590, %div3A_592 : vector<1x1xf32>
      %jit3A_594 = arith.constant 0 : i32
      %reduce_sum3A_595 = arith.constant dense<0.000000e+00> : vector<1xf32>
      %reduce_sum3A_596 = vector.multi_reduction <add>, %add3A_581, %reduce_sum3A_595 [1] : vector<1x256xf32> to vector<1xf32>
      %broadcast_in_dim3A_597 = vector.shape_cast %reduce_sum3A_596 : vector<1xf32> to vector<1x1xf32>
      %div3A_598 = arith.constant 2.560000e+02 : f32
      %div3A_599 = vector.broadcast %div3A_598 : f32 to vector<1x1xf32>
      %div3A_600 = arith.divf %broadcast_in_dim3A_597, %div3A_599 : vector<1x1xf32>
      %sub3A_601 = vector.broadcast %div3A_600 : vector<1x1xf32> to vector<1x256xf32>
      %sub3A_602 = arith.subf %add3A_581, %sub3A_601 : vector<1x256xf32>
      %square3A_603 = arith.mulf %sub3A_602, %sub3A_602 : vector<1x256xf32>
      %convert_element_type3A_604 = arith.sitofp %jit3A_594 : i32 to f32
      %sub3A_605 = arith.constant 2.560000e+02 : f32
      %sub3A_606 = arith.subf %sub3A_605, %convert_element_type3A_604 : f32
      %reduce_sum3A_607 = arith.constant dense<0.000000e+00> : vector<1xf32>
      %reduce_sum3A_608 = vector.multi_reduction <add>, %square3A_603, %reduce_sum3A_607 [1] : vector<1x256xf32> to vector<1xf32>
      %broadcast_in_dim3A_609 = vector.shape_cast %reduce_sum3A_608 : vector<1xf32> to vector<1x1xf32>
      %div3A_610 = vector.broadcast %sub3A_606 : f32 to vector<1x1xf32>
      %div3A_611 = arith.divf %broadcast_in_dim3A_609, %div3A_610 : vector<1x1xf32>
      %gt3A_612 = arith.constant 0.000000e+00 : f32
      %gt3A_613 = arith.cmpf ogt, %sub3A_606, %gt3A_612 : f32
      %jit3A_614 = arith.constant 0x7FC00000 : f32
      %broadcast_in_dim3A_615 = vector.broadcast %jit3A_614 : f32 to vector<1x1xf32>
      %select_n3A_616 = arith.select %gt3A_613, %div3A_611, %broadcast_in_dim3A_615 : vector<1x1xf32>
      %sub3A_617 = vector.broadcast %div3A_593 : vector<1x1xf32> to vector<1x256xf32>
      %sub3A_618 = arith.subf %add3A_581, %sub3A_617 : vector<1x256xf32>
      %add3A_619 = arith.constant 9.99999974E-6 : f32
      %add3A_620 = vector.broadcast %add3A_619 : f32 to vector<1x1xf32>
      %add3A_621 = arith.addf %select_n3A_616, %add3A_620 : vector<1x1xf32>
      %sqrt3A_622 = math.sqrt %add3A_621 : vector<1x1xf32>
      %div3A_623 = vector.broadcast %sqrt3A_622 : vector<1x1xf32> to vector<1x256xf32>
      %div3A_624 = arith.divf %sub3A_618, %div3A_623 : vector<1x256xf32>
      %mul3A_625 = arith.mulf %div3A_624, %get3A_584 : vector<1x256xf32>
      %add3A_626 = arith.addf %mul3A_625, %get3A_587 : vector<1x256xf32>
      %max3A_627 = arith.constant 0.000000e+00 : f32
      %max3A_628 = vector.broadcast %max3A_627 : f32 to vector<1x256xf32>
      %max3A_629 = arith.maximumf %add3A_626, %max3A_628 : vector<1x256xf32>
      %get3A_630 = arith.constant 0 : index
      %get3A_631 = arith.constant 0 : index
      %get3A_632 = vector.load %arg45[%get3A_630, %get3A_631] : memref<256x1xf32, #tpu.memory_space<vmem>>, vector<256x1xf32>
      %dot_general3A_633 = arith.constant dense<0.000000e+00> : vector<1x1xf32>
      %dot_general3A_634 = tpu.matmul %max3A_629, %get3A_632, %dot_general3A_633 {dimension_numbers = #tpu.dot_dimension_numbers<[1], [0], [0], [1], [0, 0, 1, 1], [], []>, transpose_lhs_hint = false} : vector<1x256xf32>, vector<256x1xf32>, vector<1x1xf32> -> vector<1x1xf32>
      %get3A_635 = arith.constant 0 : index
      %get3A_636 = arith.constant 0 : index
      %get3A_637 = vector.load %arg46[%get3A_635, %get3A_636] : memref<1x1xf32, #tpu.memory_space<vmem>>, vector<1x1xf32>
      %add3A_638 = arith.addf %dot_general3A_634, %get3A_637 : vector<1x1xf32>
      %logistic3A = arith.negf %add3A_638 : vector<1x1xf32>
      %logistic3A_639 = math.exp %logistic3A : vector<1x1xf32>
      %logistic3A_640 = arith.constant 1.000000e+00 : f32
      %logistic3A_641 = vector.broadcast %logistic3A_640 : f32 to vector<1x1xf32>
      %logistic3A_642 = arith.addf %logistic3A_641, %logistic3A_639 : vector<1x1xf32>
      %logistic3A_643 = arith.divf %logistic3A_641, %logistic3A_642 : vector<1x1xf32>
      %swap3A = arith.constant 0 : index
      %swap3A_644 = arith.constant 0 : index
      %swap3A_645 = vector.load %arg47[%swap3A, %swap3A_644] : memref<1x1xf32, #tpu.memory_space<vmem>>, vector<1x1xf32>
      tpu.vector_store %arg47[%swap3A, %swap3A_644], %logistic3A_643 {strides = array<i32>} : memref<1x1xf32, #tpu.memory_space<vmem>>, vector<1x1xf32>,
    } else {
    }
    return
  }
  func.func @transform_0(%arg0: i32) -> (i32, i32) {
    %min3A = arith.constant 11 : i32
    %min3A_0 = arith.minsi %arg0, %min3A : i32
    %c0_i32 = arith.constant 0 : i32
    %c0_i32_1 = arith.constant 0 : i32
    return %min3A_0, %c0_i32 : i32, i32
  }
  func.func @transform_1(%arg0: i32) -> (i32, i32, i32) {
    %min3A = arith.constant 11 : i32
    %min3A_0 = arith.minsi %arg0, %min3A : i32
    %c0_i32 = arith.constant 0 : i32
    %c0_i32_1 = arith.constant 0 : i32
    %c0_i32_2 = arith.constant 0 : i32
    return %min3A_0, %c0_i32, %c0_i32_1 : i32, i32, i32
  }
  func.func @transform_2(%arg0: i32) -> (i32, i32) {
    %c0_i32 = arith.constant 0 : i32
    %c0_i32_0 = arith.constant 0 : i32
    %c0_i32_1 = arith.constant 0 : i32
    return %c0_i32, %c0_i32_0 : i32, i32
  }
  func.func @transform_3(%arg0: i32) -> (i32, i32) {
    %c0_i32 = arith.constant 0 : i32
    %c0_i32_0 = arith.constant 0 : i32
    %c0_i32_1 = arith.constant 0 : i32
    return %c0_i32, %c0_i32_0 : i32, i32
  }
  func.func @transform_4(%arg0: i32) -> (i32, i32) {
    %c0_i32 = arith.constant 0 : i32
    %c0_i32_0 = arith.constant 0 : i32
    %c0_i32_1 = arith.constant 0 : i32
    return %c0_i32, %c0_i32_0 : i32, i32
  }
  func.func @transform_5(%arg0: i32) -> (i32, i32) {
    %c0_i32 = arith.constant 0 : i32
    %c0_i32_0 = arith.constant 0 : i32
    %c0_i32_1 = arith.constant 0 : i32
    return %c0_i32, %c0_i32_0 : i32, i32
  }
  func.func @transform_6(%arg0: i32) -> (i32, i32) {
    %c0_i32 = arith.constant 0 : i32
    %c0_i32_0 = arith.constant 0 : i32
    %c0_i32_1 = arith.constant 0 : i32
    return %c0_i32, %c0_i32_0 : i32, i32
  }
  func.func @transform_7(%arg0: i32) -> (i32, i32) {
    %c0_i32 = arith.constant 0 : i32
    %c0_i32_0 = arith.constant 0 : i32
    %c0_i32_1 = arith.constant 0 : i32
    return %c0_i32, %c0_i32_0 : i32, i32
  }
  func.func @transform_8(%arg0: i32) -> (i32, i32) {
    %c0_i32 = arith.constant 0 : i32
    %c0_i32_0 = arith.constant 0 : i32
    %c0_i32_1 = arith.constant 0 : i32
    return %c0_i32, %c0_i32_0 : i32, i32
  }
  func.func @transform_9(%arg0: i32) -> (i32, i32) {
    %c0_i32 = arith.constant 0 : i32
    %c0_i32_0 = arith.constant 0 : i32
    %c0_i32_1 = arith.constant 0 : i32
    return %c0_i32, %c0_i32_0 : i32, i32
  }
  func.func @transform_10(%arg0: i32) -> (i32, i32) {
    %c0_i32 = arith.constant 0 : i32
    %c0_i32_0 = arith.constant 0 : i32
    %c0_i32_1 = arith.constant 0 : i32
    return %c0_i32, %c0_i32_0 : i32, i32
  }
  func.func @transform_11(%arg0: i32) -> (i32, i32) {
    %c0_i32 = arith.constant 0 : i32
    %c0_i32_0 = arith.constant 0 : i32
    %c0_i32_1 = arith.constant 0 : i32
    return %c0_i32, %c0_i32_0 : i32, i32
  }
  func.func @transform_12(%arg0: i32) -> (i32, i32) {
    %c0_i32 = arith.constant 0 : i32
    %c0_i32_0 = arith.constant 0 : i32
    %c0_i32_1 = arith.constant 0 : i32
    return %c0_i32, %c0_i32_0 : i32, i32
  }
  func.func @transform_13(%arg0: i32) -> (i32, i32) {
    %c0_i32 = arith.constant 0 : i32
    %c0_i32_0 = arith.constant 0 : i32
    %c0_i32_1 = arith.constant 0 : i32
    return %c0_i32, %c0_i32_0 : i32, i32
  }
  func.func @transform_14(%arg0: i32) -> (i32, i32) {
    %c0_i32 = arith.constant 0 : i32
    %c0_i32_0 = arith.constant 0 : i32
    %c0_i32_1 = arith.constant 0 : i32
    return %c0_i32, %c0_i32_0 : i32, i32
  }
  func.func @transform_15(%arg0: i32) -> (i32, i32) {
    %c0_i32 = arith.constant 0 : i32
    %c0_i32_0 = arith.constant 0 : i32
    %c0_i32_1 = arith.constant 0 : i32
    return %c0_i32, %c0_i32_0 : i32, i32
  }
  func.func @transform_16(%arg0: i32) -> (i32, i32) {
    %c0_i32 = arith.constant 0 : i32
    %c0_i32_0 = arith.constant 0 : i32
    %c0_i32_1 = arith.constant 0 : i32
    return %c0_i32, %c0_i32_0 : i32, i32
  }
  func.func @transform_17(%arg0: i32) -> (i32, i32) {
    %c0_i32 = arith.constant 0 : i32
    %c0_i32_0 = arith.constant 0 : i32
    %c0_i32_1 = arith.constant 0 : i32
    return %c0_i32, %c0_i32_0 : i32, i32
  }
  func.func @transform_18(%arg0: i32) -> (i32, i32) {
    %c0_i32 = arith.constant 0 : i32
    %c0_i32_0 = arith.constant 0 : i32
    %c0_i32_1 = arith.constant 0 : i32
    return %c0_i32, %c0_i32_0 : i32, i32
  }
  func.func @transform_19(%arg0: i32) -> (i32, i32) {
    %c0_i32 = arith.constant 0 : i32
    %c0_i32_0 = arith.constant 0 : i32
    %c0_i32_1 = arith.constant 0 : i32
    return %c0_i32, %c0_i32_0 : i32, i32
  }
  func.func @transform_20(%arg0: i32) -> (i32, i32) {
    %c0_i32 = arith.constant 0 : i32
    %c0_i32_0 = arith.constant 0 : i32
    %c0_i32_1 = arith.constant 0 : i32
    return %c0_i32, %c0_i32_0 : i32, i32
  }
  func.func @transform_21(%arg0: i32) -> (i32, i32) {
    %c0_i32 = arith.constant 0 : i32
    %c0_i32_0 = arith.constant 0 : i32
    %c0_i32_1 = arith.constant 0 : i32
    return %c0_i32, %c0_i32_0 : i32, i32
  }
  func.func @transform_22(%arg0: i32) -> (i32, i32) {
    %c0_i32 = arith.constant 0 : i32
    %c0_i32_0 = arith.constant 0 : i32
    %c0_i32_1 = arith.constant 0 : i32
    return %c0_i32, %c0_i32_0 : i32, i32
  }
  func.func @transform_23(%arg0: i32) -> (i32, i32) {
    %c0_i32 = arith.constant 0 : i32
    %c0_i32_0 = arith.constant 0 : i32
    %c0_i32_1 = arith.constant 0 : i32
    return %c0_i32, %c0_i32_0 : i32, i32
  }
  func.func @transform_24(%arg0: i32) -> (i32, i32) {
    %c0_i32 = arith.constant 0 : i32
    %c0_i32_0 = arith.constant 0 : i32
    %c0_i32_1 = arith.constant 0 : i32
    return %c0_i32, %c0_i32_0 : i32, i32
  }
  func.func @transform_25(%arg0: i32) -> (i32, i32) {
    %c0_i32 = arith.constant 0 : i32
    %c0_i32_0 = arith.constant 0 : i32
    %c0_i32_1 = arith.constant 0 : i32
    return %c0_i32, %c0_i32_0 : i32, i32
  }
  func.func @transform_26(%arg0: i32) -> (i32, i32) {
    %c0_i32 = arith.constant 0 : i32
    %c0_i32_0 = arith.constant 0 : i32
    %c0_i32_1 = arith.constant 0 : i32
    return %c0_i32, %c0_i32_0 : i32, i32
  }
  func.func @transform_27(%arg0: i32) -> (i32, i32) {
    %c0_i32 = arith.constant 0 : i32
    %c0_i32_0 = arith.constant 0 : i32
    %c0_i32_1 = arith.constant 0 : i32
    return %c0_i32, %c0_i32_0 : i32, i32
  }
  func.func @transform_28(%arg0: i32) -> (i32, i32) {
    %c0_i32 = arith.constant 0 : i32
    %c0_i32_0 = arith.constant 0 : i32
    %c0_i32_1 = arith.constant 0 : i32
    return %c0_i32, %c0_i32_0 : i32, i32
  }
  func.func @transform_29(%arg0: i32) -> (i32, i32) {
    %c0_i32 = arith.constant 0 : i32
    %c0_i32_0 = arith.constant 0 : i32
    %c0_i32_1 = arith.constant 0 : i32
    return %c0_i32, %c0_i32_0 : i32, i32
  }
  func.func @transform_30(%arg0: i32) -> (i32, i32) {
    %c0_i32 = arith.constant 0 : i32
    %c0_i32_0 = arith.constant 0 : i32
    %c0_i32_1 = arith.constant 0 : i32
    return %c0_i32, %c0_i32_0 : i32, i32
  }
  func.func @transform_31(%arg0: i32) -> (i32, i32) {
    %c0_i32 = arith.constant 0 : i32
    %c0_i32_0 = arith.constant 0 : i32
    %c0_i32_1 = arith.constant 0 : i32
    return %c0_i32, %c0_i32_0 : i32, i32
  }
  func.func @transform_32(%arg0: i32) -> (i32, i32) {
    %c0_i32 = arith.constant 0 : i32
    %c0_i32_0 = arith.constant 0 : i32
    %c0_i32_1 = arith.constant 0 : i32
    return %c0_i32, %c0_i32_0 : i32, i32
  }
  func.func @transform_33(%arg0: i32) -> (i32, i32) {
    %c0_i32 = arith.constant 0 : i32
    %c0_i32_0 = arith.constant 0 : i32
    %c0_i32_1 = arith.constant 0 : i32
    return %c0_i32, %c0_i32_0 : i32, i32
  }
  func.func @transform_34(%arg0: i32) -> (i32, i32) {
    %c0_i32 = arith.constant 0 : i32
    %c0_i32_0 = arith.constant 0 : i32
    %c0_i32_1 = arith.constant 0 : i32
    return %c0_i32, %c0_i32_0 : i32, i32
  }
  func.func @transform_35(%arg0: i32) -> (i32, i32) {
    %c0_i32 = arith.constant 0 : i32
    %c0_i32_0 = arith.constant 0 : i32
    %c0_i32_1 = arith.constant 0 : i32
    return %c0_i32, %c0_i32_0 : i32, i32
  }
  func.func @transform_36(%arg0: i32) -> (i32, i32) {
    %c0_i32 = arith.constant 0 : i32
    %c0_i32_0 = arith.constant 0 : i32
    %c0_i32_1 = arith.constant 0 : i32
    return %c0_i32, %c0_i32_0 : i32, i32
  }
  func.func @transform_37(%arg0: i32) -> (i32, i32) {
    %c0_i32 = arith.constant 0 : i32
    %c0_i32_0 = arith.constant 0 : i32
    %c0_i32_1 = arith.constant 0 : i32
    return %c0_i32, %c0_i32_0 : i32, i32
  }
  func.func @transform_38(%arg0: i32) -> (i32, i32) {
    %c0_i32 = arith.constant 0 : i32
    %c0_i32_0 = arith.constant 0 : i32
    %c0_i32_1 = arith.constant 0 : i32
    return %c0_i32, %c0_i32_0 : i32, i32
  }
  func.func @transform_39(%arg0: i32) -> (i32, i32) {
    %c0_i32 = arith.constant 0 : i32
    %c0_i32_0 = arith.constant 0 : i32
    %c0_i32_1 = arith.constant 0 : i32
    return %c0_i32, %c0_i32_0 : i32, i32
  }
  func.func @transform_40(%arg0: i32) -> (i32, i32) {
    %c0_i32 = arith.constant 0 : i32
    %c0_i32_0 = arith.constant 0 : i32
    %c0_i32_1 = arith.constant 0 : i32
    return %c0_i32, %c0_i32_0 : i32, i32
  }
  func.func @transform_41(%arg0: i32) -> (i32, i32) {
    %c0_i32 = arith.constant 0 : i32
    %c0_i32_0 = arith.constant 0 : i32
    %c0_i32_1 = arith.constant 0 : i32
    return %c0_i32, %c0_i32_0 : i32, i32
  }
  func.func @transform_42(%arg0: i32) -> (i32, i32) {
    %c0_i32 = arith.constant 0 : i32
    %c0_i32_0 = arith.constant 0 : i32
    %c0_i32_1 = arith.constant 0 : i32
    return %c0_i32, %c0_i32_0 : i32, i32
  }
  func.func @transform_43(%arg0: i32) -> (i32, i32) {
    %c0_i32 = arith.constant 0 : i32
    %c0_i32_0 = arith.constant 0 : i32
    %c0_i32_1 = arith.constant 0 : i32
    return %c0_i32, %c0_i32_0 : i32, i32
  }
  func.func @transform_44(%arg0: i32) -> (i32, i32) {
    %c0_i32 = arith.constant 0 : i32
    %c0_i32_0 = arith.constant 0 : i32
    %c0_i32_1 = arith.constant 0 : i32
    return %c0_i32, %c0_i32_0 : i32, i32
  }
  func.func @transform_45(%arg0: i32) -> (i32, i32) {
    %c0_i32 = arith.constant 0 : i32
    %c0_i32_0 = arith.constant 0 : i32
    %c0_i32_1 = arith.constant 0 : i32
    return %c0_i32, %c0_i32_0 : i32, i32
  }
  func.func @transform_46(%arg0: i32) -> (i32, i32) {
    %c0_i32 = arith.constant 0 : i32
    %c0_i32_0 = arith.constant 0 : i32
    %c0_i32_1 = arith.constant 0 : i32
    return %c0_i32, %c0_i32_0 : i32, i32
  }
}

</mosaic_0001>

<sc_bundles>
// kernel: kernel.4.cloned.1.call-start
scs
__scs_entry_jumppad:
0x0: {  	(pc) =	sbr.rel $0x88, $3  }
0x1: {  	(tag) =	ssettag $0x0;
	lr =	simm.s32 $0x1  }
0x2: {  	[smem:$0x3F73] =	sst lr;
	_ =	strace $0xD0000000  }
0x3: {  	_ = 	snop  }
0x4: {  	_ = 	snop  }
0x5: {  	_ = 	snop  }
0x6: {  	_ = 	snop  }
0x7: {  	_ = 	snop  }
__scs_overlays_trampoline_lowered:
0x8: {  	[smem:$0x3F82] =	sst s0  }
0x9: {  	[smem:$0x3F83] =	sst s1  }
0xa: {  	[smem:$0x3F84] =	sst s2  }
0xb: {  	[smem:$0x3F85] =	sst s3  }
0xc: {  	[smem:$0x3F86] =	sst s4  }
0xd: {  	[smem:$0x3F87] =	sst s5  }
0xe: {  	[smem:$0x3F88] =	sst s6  }
0xf: {  	[smem:$0x3F89] =	sst s7  }
0x10: {  	[smem:$0x3F8A] =	sst s8  }
0x11: {  	[smem:$0x3F8B] =	sst s9;
	s0 =	simm.s32 @!p0 $0x0  }
0x12: {  	s1 =	sld [smem:$0x3F71];
	s0 =	simm.s32 @p0 $0x1  }
0x13: {  	[smem:$0x3F8C] =	sst s0;
	s0 =	simm.s32 @!p1 $0x0  }
0x14: {  	s2 =	sld [smem:$0x3F70];
	s0 =	simm.s32 @p1 $0x1  }
0x15: {  	[smem:$0x3F8D] =	sst s0;
	s0 =	simm.s32 @!p2 $0x0  }
0x16: {  	s3 =	sld [smem:$0x3FDB];
	s0 =	simm.s32 @p2 $0x1  }
0x17: {  	s4 =	simm.s32 $0x1BF5;
	[smem:$0x3F8F] =	sst s0  }
0x18: {  	s0 =	sld [smem:$0x3F72];
	_ =	swait.ge [sflag:s4], $0x0  }
0x19: {  	s7 =	sld [smem:$0x3F73]  }
0x1a: {  	s8 =	sadd.s32 $0xFFFFE003, lr  }
0x1b: {  	s9 =	sadd.s32 $0xFFFFFEF7, lr;
	s5 =	simm.s32 $0xFFFFFFFF;
	p2 =	slt.u32 s8, $0xFFFFF086  }
0x1c: {  	p1 =	slt.u32 s9, $0xF7A;
	s5 =	simm.s32 @!p2 $0x0  }
0x1d: {  	s5 =	simm.s32 @p1 $0x1;
	p0 =	seq.s32 s7, s2  }
0x1e: {  	s7 =	smul.u32 @!p0 $0xF7A, s2;
	p2 =	seq.s32 @!p0 s5, $0x0  }
0x1f: {  	s9 =	smul.u32 $0xF7A, s1;
	s8 =	simm.s32 @!p0 $0x1BF5;
	p2 =	por !p2, p0  }
0x20: {  	[sflag:s8] =	ssyncset.s32 @!p0 $0xFFFFF086;
	s6 =	sadd.s32 @!p0 s3, s7;
	s7 =	simm.s32 @!p0 $0x108  }
0x21: {  	s3 =	sadd.s32 s3, s9;
	s6 =	sadd.s32 @!p0 $0x88, s6;
	s7 =	simm.s32 @p2 $0x1082  }
0x22: {  	[simem:s7], [sflag:s8] =	dma.local @!p0 [hbm:s6], $0xF7A  }
0x23: {  	s9 =	sor.u32 $0xD0000000, s2;
	s6 =	simm.s32 $0x108;
	_ =	swait.ge @!p0 [sflag:s8], $0x0  }
0x24: {  	s3 =	sadd.s32 $0x88, s3;
	s6 =	simm.s32 @!p1 $0x1082;
	[sflag:s4] =	ssyncset.s32 $0xFFFFF086  }
0x25: {  	[simem:s6], [sflag:s4] =	dma.local [hbm:s3], $0xF7A  }
0x26: {  	[smem:$0x3F73] =	sst s1;
	(tag) =	ssettag s2;
	_ =	strace s9  }
0x27: {  	s1 =	sld [smem:$0x3F83]  }
0x28: {  	s2 =	sld [smem:$0x3F84]  }
0x29: {  	s4 =	sld [smem:$0x3F86]  }
0x2a: {  	p0 =	seq.s32 s5, $0x0;
	s5 =	sld [smem:$0x3F87]  }
0x2b: {  	s6 =	sld [smem:$0x3F88]  }
0x2c: {  	s7 =	sld [smem:$0x3F89]  }
0x2d: {  	s3 =	simm.s32 $0x108;
	s8 =	sld [smem:$0x3F8A]  }
0x2e: {  	s3 =	simm.s32 @!p0 $0x1082;
	s9 =	sld [smem:$0x3F8B]  }
0x2f: {  	lr =	sadd.s32 s0, s3;
	s0 =	sld [smem:$0x3F82]  }
0x30: {  	s3 =	sld [smem:$0x3F85]  }
0x31: {  	[smem:$0x3F8E] =	sst s10  }
0x32: {  	s10 =	sld [smem:$0x3F8C];
	_ =	sdelay $0x3  }
0x33: {  	p0 =	seq.s32 s10, $0x1;
	s10 =	sld [smem:$0x3F8E];
	_ =	sdelay $0x3  }
0x34: {  	[smem:$0x3F8E] =	sst s10  }
0x35: {  	s10 =	sld [smem:$0x3F8D];
	_ =	sdelay $0x3  }
0x36: {  	p1 =	seq.s32 s10, $0x1;
	s10 =	sld [smem:$0x3F8E];
	_ =	sdelay $0x3  }
0x37: {  	[smem:$0x3F8E] =	sst s10  }
0x38: {  	s10 =	sld [smem:$0x3F8F]  }
0x39: {  	_ = 	snop;
	(pc) =	sbr.ind lr, $3  }
0x3a: {  	_ = 	snop  }
0x3b: {  	_ = 	snop  }
0x3c: {  	p2 =	seq.s32 s10, $0x1;
	s10 =	sld [smem:$0x3F8E]  }
0x3d: {  	_ =	shalt  }
0x3e: {  	_ =	shalt  }
0x3f: {  	_ =	shalt  }
0x40: {  	_ =	shalt  }
0x41: {  	_ =	shalt  }
0x42: {  	_ =	shalt  }
0x43: {  	_ =	shalt  }
0x44: {  	_ =	shalt  }
0x45: {  	_ =	shalt  }
0x46: {  	_ =	shalt  }
0x47: {  	_ =	shalt  }
0x48: {  	_ =	shalt  }
0x49: {  	_ =	shalt  }
0x4a: {  	_ =	shalt  }
0x4b: {  	_ =	shalt  }
0x4c: {  	_ =	shalt  }
0x4d: {  	_ =	shalt  }
0x4e: {  	_ =	shalt  }
0x4f: {  	_ =	shalt  }
0x50: {  	_ =	shalt  }
0x51: {  	_ =	shalt  }
0x52: {  	_ =	shalt  }
0x53: {  	_ =	shalt  }
0x54: {  	_ =	shalt  }
0x55: {  	_ =	shalt  }
0x56: {  	_ =	shalt  }
0x57: {  	_ =	shalt  }
0x58: {  	_ =	shalt  }
0x59: {  	_ =	shalt  }
0x5a: {  	_ =	shalt  }
0x5b: {  	_ =	shalt  }
0x5c: {  	_ =	shalt  }
0x5d: {  	_ =	shalt  }
0x5e: {  	_ =	shalt  }
0x5f: {  	_ =	shalt  }
0x60: {  	_ =	shalt  }
0x61: {  	_ =	shalt  }
0x62: {  	_ =	shalt  }
0x63: {  	_ =	shalt  }
0x64: {  	_ =	shalt  }
0x65: {  	_ =	shalt  }
0x66: {  	_ =	shalt  }
0x67: {  	_ =	shalt  }
0x68: {  	_ =	shalt  }
0x69: {  	_ =	shalt  }
0x6a: {  	_ =	shalt  }
0x6b: {  	_ =	shalt  }
0x6c: {  	_ =	shalt  }
0x6d: {  	_ =	shalt  }
0x6e: {  	_ =	shalt  }
0x6f: {  	_ =	shalt  }
0x70: {  	_ =	shalt  }
0x71: {  	_ =	shalt  }
0x72: {  	_ =	shalt  }
0x73: {  	_ =	shalt  }
0x74: {  	_ =	shalt  }
0x75: {  	_ =	shalt  }
0x76: {  	_ =	shalt  }
0x77: {  	_ =	shalt  }
0x78: {  	_ =	shalt  }
0x79: {  	_ =	shalt  }
0x7a: {  	_ =	shalt  }
0x7b: {  	_ =	shalt  }
0x7c: {  	_ =	shalt  }
0x7d: {  	_ =	shalt  }
0x7e: {  	_ =	shalt  }
0x7f: {  	_ =	shalt  }
0x80: {  	_ =	shalt  }
0x81: {  	_ =	shalt  }
0x82: {  	_ =	shalt  }
0x83: {  	_ =	shalt  }
0x84: {  	_ =	shalt  }
0x85: {  	_ =	shalt  }
0x86: {  	_ =	shalt  }
0x87: {  	_ =	shalt  }
.Lfunc_end0:
.L_simem_size_0:
called_computation_lowered:
.L_overlay_start_0:
0x88: {  	s2 =	sld [smem:$0x3FD9]  }
0x89: {  	s3 =	sld [smem:$0x3FFE];
	_ =	sdelay $0x1  }
0x8a: {  	s1 =	srdreg.scid  }
0x8b: {  	s0 =	sand.u32 $0x1, s1  }
0x8c: {  	s16 =	sshll.u32 s0, $0xA;
	s2 =	sadd.s32 s3, s2  }
0x8d: {  	s2 =	sadd.s32 s2, s16  }
0x8e: {  	[smem:$0x3F9A] =	sst s2  }
0x8f: {  	_ = 	snop  }
0x90: {  	(tm) =	ssettm $0x1  }
0x91: {  	s17 =	sld [smem:$0x3FFB];
	_ =	sdelay $0x3  }
0x92: {  	_ =	strace s17  }
0x93: {  	s2 =	sld [smem:$0x3FFC];
	_ =	sdelay $0x3  }
0x94: {  	_ =	strace s2  }
0x95: {  	s2 =	sld [smem:$0x3FFD];
	_ =	sdelay $0x3  }
0x96: {  	_ =	strace s2  }
0x97: {  	_ =	strace $0x8FFFFFFF  }
0x98: {  	s18 =	sld [smem:$0x3FDB];
	_ =	sdelay $0x1  }
0x99: {  	s19 =	simm.s32 $_scs_section_size  }
0x9a: {  	s4 =	simm.s32 $_size__tile_overlayer_lowered;
	s5 =	simm.s32 $_tile_overlayer_lowered  }
0x9b: {  	s22 =	simm.s32 $0x1BFF;
	s21 =	sshll.u32 s5, $0x1;
	s2 =	sadd.s32 s19, s18  }
0x9c: {  	s6 =	simm.s32 $0x0;
	s20 =	sshll.u32 s4, $0x1;
	s4 =	sadd.s32 s21, s2  }
0x9d: {  	[timem:s6], [sflag:s22] =	dma.local [hbm:s4], s20  }
0x9e: {  	_ =	swait.ge [sflag:s22], s20  }
0x9f: {  	s3 =	ssub.s32 $0x0, s20;
	[sflag:s22] =	ssyncset.done $0x0  }
0xa0: {  	[sflag:s22] =	ssyncadd.s32 s3;
	_ =	sdelay $0x1  }
0xa1: {  	s23 =	simm.s32 $0x1B8B  }
0xa2: {  	_ =	swait.ge [sflag:s23], $0x1  }
0xa3: {  	[sflag:s23] =	ssyncset.done $0x0  }
0xa4: {  	s25 =	simm.s32 $0x1B8E;
	s24 =	sld [smem:$0x3FFE];
	[sflag:s23] =	ssyncadd.s32 $0xFFFFFFFF  }
0xa5: {  	s26 =	simm.s32 $execute0_lowered;
	[smem:$0x3FD2] =	sst s25  }
0xa6: {  	s4 =	sshll.u32 s26, $0x1;
	_ =	strace $0x80000046;
	[dreg:$0x1] =	wrdreg $0xFFFFFFFF  }
0xa7: {  	s28 =	simm.s32 $_size_execute0_lowered;
	s2 =	sadd.s32 s2, s4;
	[dreg:$0x0] =	wrdreg $0x0  }
0xa8: {  	s4 =	sshll.u32 s28, $0x1;
	[dreg:$0x2] =	wrdreg s2  }
0xa9: {  	[dreg:$0x3] =	wrdreg s4  }
0xaa: {  	[dreg:$0x4] =	wrdreg $0xC0  }
0xab: {  	_ =	task [dreg:s6], $0x5FFFF  }
0xac: {  	[dreg:$0x1] =	wrdreg $0xFFFFFFFF  }
0xad: {  	[dreg:$0x0] =	wrdreg $0x60  }
0xae: {  	[dreg:$0x2] =	wrdreg s24  }
0xaf: {  	[dreg:$0x3] =	wrdreg $0x9  }
0xb0: {  	_ =	task.clear_ibuf [dreg:s6], $0x4FFFF;
	_ =	strace $0x90000046  }
0xb1: {  	s29 =	simm.s32 $0x9;
	_ =	strace $0x80000048  }
0xb2: {  	_ =	swait.ge [sflag:s29], $0x1  }
0xb3: {  	[sflag:s29] =	ssyncadd.s32 $0xFFFFFFFF  }
0xb4: {  	_ =	strace $0x90000048  }
0xb5: {  	_ =	sfence  }
0xb6: {  	s30 =	sld [smem:$0x0];
	_ =	sdelay $0x2  }
0xb7: {  	s31 =	sshll.u32 s1, $0xD;
	s1 =	sshrl.u32 s1, $0x2  }
0xb8: {  	s3 =	sand.u32 $0x4000, s31;
	s1 =	sadd.s32 s1, s30  }
0xb9: {  	s0 =	sor.u32 s3, s0;
	s1 =	sshll.u32 s1, $0x11  }
0xba: {  	s0 =	sor.u32 s1, s0  }
0xbb: {  	s0 =	sadd.s32 $0x8F2B, s0  }
0xbc: {  	[sflag:s0] =	ssyncadd.remote.s32 $0x1  }
0xbd: {  	_ =	sfence.sel $0xFFFF  }
0xbe: {  	[dreg:$0x0] =	wrdreg $0xFFFFFFFF;
	(pc) =	sbr.abs _section_cstart, $3  }
0xbf: {  	[dreg:$0x1] =	wrdreg $0xFFFFFFFF  }
0xc0: {  	_ =	task.clear_ibuf [dreg:s6], $0x2FFFF;
	_ =	strace $0x9FFFFFFF  }
0xc1: {  	(tm) =	ssettm $0x7FFFFFFF  }
tec
execute0_lowered:
.L_overlay_start_1:
0x0: {  	(tag) =	ssettag $0x1  }
0x1: {  	s4 =	rddreg [dreg:$0x0]  }
0x2: {  	s0 =	rddreg [dreg:$0x1];
	s2 =	simm.s32 $0x0;
	s3 =	srdreg.scid  }
0x3: {  	s1 =	stileid.u32;
	s17 =	simm.s32 $0x2;
	s18 =	simm.s32 $0x1C00  }
0x4: {  	s19 =	simm.s32 $0x3;
	s3 =	sand.u32 $0x1, s3;
	s5 =	sshll.u32 s1, $0x1  }
0x5: {  	s20 =	simm.s32 $0x2C00;
	[smem:$0x7FF] =	sst s2;
	s5 =	sor.u32 s3, s5  }
0x6: {  	s6 =	sadd.s32 $0x5E00, s4;
	s7 =	ssub.s32 $0x2, s3;
	s8 =	smul.u32 $0x3, s5  }
0x7: {  	s10 =	sadd.s32 $0x9400, s4;
	s9 =	sshrl.u32 s7, $0x1;
	s5 =	smul.u32 $0x180, s5  }
0x8: {  	_ =	strace $0x80000047;
	s3 =	sadd.s32 $0x8E00, s4;
	s11 =	ssub.s32 s7, s9  }
0x9: {  	s21 =	sshrl.u32 s8, $0x3;
	s22 =	sand.u32 $0x380, s5;
	s24 =	sadd.s32 $0x1, s8  }
0xa: {  	s8 =	sadd.s32 $0x2, s8;
	s23 =	sshll.u32 s21, $0xD;
	s12 =	sshrl.u32 s24, $0x3  }
0xb: {  	s5 =	sshll.u32 s24, $0x7;
	s14 =	sshrl.u32 s8, $0x3;
	s25 =	sshll.u32 s8, $0x7  }
0xc: {  	s7 =	sshll.u32 s21, $0xF;
	s21 =	simm.s32 $0x5;
	s13 =	sand.u32 $0x380, s5  }
0xd: {  	s26 =	sshll.u32 s12, $0xD;
	s15 =	sand.u32 $0x380, s25;
	s28 =	sshll.u32 s14, $0xD  }
0xe: {  	s4 =	sor.u32 s22, s23;
	s29 =	sshll.u32 s12, $0xF;
	s30 =	sshll.u32 s14, $0xF  }
0xf: {  	s7 =	sor.u32 s22, s7;
	s12 =	simm.s32 $0x400;
	s14 =	simm.s32 $0xC00  }
0x10: {  	s8 =	sor.u32 s13, s26;
	s5 =	sor.u32 s15, s28;
	s4 =	sshrl.u32 s4, $0x3  }
0x11: {  	s31 =	sor.u32 s15, s30;
	s7 =	sshrl.u32 s7, $0x3;
	s15 =	simm.s32 $0x4  }
0x12: {  	s8 =	sshrl.u32 s8, $0x3;
	s16 =	sshrl.u32 s5, $0x3;
	s4 =	sadd.s32 s6, s4  }
0x13: {  	s9 =	sshrl.u32 s31, $0x3;
	s7 =	sadd.s32 s10, s7;
	s5 =	sadd.s32 s6, s8  }
0x14: {  	s6 =	sadd.s32 s6, s16;
	s8 =	sor.u32 s13, s29;
	s9 =	sadd.s32 s10, s9  }
0x15: {  	s13 =	simm.s32 $0x800;
	s16 =	simm.s32 $0x1;
	s8 =	sshrl.u32 s8, $0x3  }
0x16: {  	v0 =	vimm.f32 $1.000000000e+00;
	s8 =	sadd.s32 s10, s8;
	s10 =	smax.u32 s11, $0x1;
	s11 =	simm.s32 $0x80  }
.LBB2_1:
0x17: {  	[tilespmem:s2], [sflag:$0x1] =	stream.strided.gather [hbm4b:s4+s11], $0x400, s12, s11, $0x38;
	[tilespmem:$0x3C00] =	vst v63  }
0x18: {  	_ = 	snop  }
0x19: {  	[tilespmem:s12], [sflag:$0x2] =	stream.strided.gather [hbm4b:s5+s11], $0x400, s12, s11, $0x38;
	[tilespmem:$0x3C00] =	vst v63  }
0x1a: {  	_ = 	snop  }
0x1b: {  	[tilespmem:s13], [sflag:$0x3] =	stream.strided.gather [hbm4b:s6+s11], $0x400, s12, s11, $0x38;
	[tilespmem:$0x3C00] =	vst v63  }
0x1c: {  	_ = 	snop  }
0x1d: {  	[tilespmem:s14], [sflag:$0x4] =	stream.linear.gather [hbm4b:s3+s2], $0x3000, $0x38;
	[tilespmem:$0x3C00] =	vst v63  }
0x1e: {  	_ =	swait.ge [sflag:s15], $0x3000  }
0x1f: {  	[sflag:s15] =	ssyncset.done $0x0  }
0x20: {  	[sflag:s15] =	ssyncadd.s32 $0xFFFFD000  }
0x21: {  	_ =	swait.ge [sflag:s16], $0x400  }
0x22: {  	[sflag:s16] =	ssyncset.done $0x0  }
0x23: {  	[sflag:s16] =	ssyncadd.s32 $0xFFFFFC00  }
0x24: {  	v1 =	vld [tilespmem:$0x200]  }
0x25: {  	v2 =	vld [tilespmem:$0x0];
	_ =	sdelay $0x3  }
0x26: {  	v1 =	vshll.u32 v1, $0x6  }
0x27: {  	v1 =	vadd.s32 v2, v1;
	_ =	sdelay $0x4  }
0x28: {  	[tilespmem:v1+s14+$0x0] =	vst.idx.add.f32.msk $0xffff, v0  }
0x29: {  	v1 =	vld [tilespmem:$0x210]  }
0x2a: {  	v2 =	vld [tilespmem:$0x10];
	_ =	sdelay $0x3  }
0x2b: {  	v1 =	vshll.u32 v1, $0x6  }
0x2c: {  	v1 =	vadd.s32 v2, v1;
	_ =	sdelay $0x4  }
0x2d: {  	[tilespmem:v1+s14+$0x0] =	vst.idx.add.f32.msk $0xffff, v0  }
0x2e: {  	v1 =	vld [tilespmem:$0x220]  }
0x2f: {  	v2 =	vld [tilespmem:$0x20];
	_ =	sdelay $0x3  }
0x30: {  	v1 =	vshll.u32 v1, $0x6  }
0x31: {  	v1 =	vadd.s32 v2, v1;
	_ =	sdelay $0x4  }
0x32: {  	[tilespmem:v1+s14+$0x0] =	vst.idx.add.f32.msk $0xffff, v0  }
0x33: {  	v1 =	vld [tilespmem:$0x230]  }
0x34: {  	v2 =	vld [tilespmem:$0x30];
	_ =	sdelay $0x3  }
0x35: {  	v1 =	vshll.u32 v1, $0x6  }
0x36: {  	v1 =	vadd.s32 v2, v1;
	_ =	sdelay $0x4  }
0x37: {  	[tilespmem:v1+s14+$0x0] =	vst.idx.add.f32.msk $0xffff, v0  }
0x38: {  	v1 =	vld [tilespmem:$0x240]  }
0x39: {  	v2 =	vld [tilespmem:$0x40];
	_ =	sdelay $0x3  }
0x3a: {  	v1 =	vshll.u32 v1, $0x6  }
0x3b: {  	v1 =	vadd.s32 v2, v1;
	_ =	sdelay $0x4  }
0x3c: {  	[tilespmem:v1+s14+$0x0] =	vst.idx.add.f32.msk $0xffff, v0  }
0x3d: {  	v1 =	vld [tilespmem:$0x250]  }
0x3e: {  	v2 =	vld [tilespmem:$0x50];
	_ =	sdelay $0x3  }
0x3f: {  	v1 =	vshll.u32 v1, $0x6  }
0x40: {  	v1 =	vadd.s32 v2, v1;
	_ =	sdelay $0x4  }
0x41: {  	[tilespmem:v1+s14+$0x0] =	vst.idx.add.f32.msk $0xffff, v0  }
0x42: {  	v1 =	vld [tilespmem:$0x260]  }
0x43: {  	v2 =	vld [tilespmem:$0x60];
	_ =	sdelay $0x3  }
0x44: {  	v1 =	vshll.u32 v1, $0x6  }
0x45: {  	v1 =	vadd.s32 v2, v1;
	_ =	sdelay $0x4  }
0x46: {  	[tilespmem:v1+s14+$0x0] =	vst.idx.add.f32.msk $0xffff, v0  }
0x47: {  	v1 =	vld [tilespmem:$0x270]  }
0x48: {  	v2 =	vld [tilespmem:$0x70];
	_ =	sdelay $0x3  }
0x49: {  	v1 =	vshll.u32 v1, $0x6  }
0x4a: {  	v1 =	vadd.s32 v2, v1;
	_ =	sdelay $0x4  }
0x4b: {  	[tilespmem:v1+s14+$0x0] =	vst.idx.add.f32.msk $0xffff, v0  }
0x4c: {  	v1 =	vld [tilespmem:$0x280]  }
0x4d: {  	v2 =	vld [tilespmem:$0x80];
	_ =	sdelay $0x3  }
0x4e: {  	v1 =	vshll.u32 v1, $0x6  }
0x4f: {  	v1 =	vadd.s32 v2, v1;
	_ =	sdelay $0x4  }
0x50: {  	[tilespmem:v1+s14+$0x0] =	vst.idx.add.f32.msk $0xffff, v0  }
0x51: {  	v1 =	vld [tilespmem:$0x290]  }
0x52: {  	v2 =	vld [tilespmem:$0x90];
	_ =	sdelay $0x3  }
0x53: {  	v1 =	vshll.u32 v1, $0x6  }
0x54: {  	v1 =	vadd.s32 v2, v1;
	_ =	sdelay $0x4  }
0x55: {  	[tilespmem:v1+s14+$0x0] =	vst.idx.add.f32.msk $0xffff, v0  }
0x56: {  	v1 =	vld [tilespmem:$0x2A0]  }
0x57: {  	v2 =	vld [tilespmem:$0xA0];
	_ =	sdelay $0x3  }
0x58: {  	v1 =	vshll.u32 v1, $0x6  }
0x59: {  	v1 =	vadd.s32 v2, v1;
	_ =	sdelay $0x4  }
0x5a: {  	[tilespmem:v1+s14+$0x0] =	vst.idx.add.f32.msk $0xffff, v0  }
0x5b: {  	v1 =	vld [tilespmem:$0x2B0]  }
0x5c: {  	v2 =	vld [tilespmem:$0xB0];
	_ =	sdelay $0x3  }
0x5d: {  	v1 =	vshll.u32 v1, $0x6  }
0x5e: {  	v1 =	vadd.s32 v2, v1;
	_ =	sdelay $0x4  }
0x5f: {  	[tilespmem:v1+s14+$0x0] =	vst.idx.add.f32.msk $0xffff, v0  }
0x60: {  	v1 =	vld [tilespmem:$0x2C0]  }
0x61: {  	v2 =	vld [tilespmem:$0xC0];
	_ =	sdelay $0x3  }
0x62: {  	v1 =	vshll.u32 v1, $0x6  }
0x63: {  	v1 =	vadd.s32 v2, v1;
	_ =	sdelay $0x4  }
0x64: {  	[tilespmem:v1+s14+$0x0] =	vst.idx.add.f32.msk $0xffff, v0  }
0x65: {  	v1 =	vld [tilespmem:$0x2D0]  }
0x66: {  	v2 =	vld [tilespmem:$0xD0];
	_ =	sdelay $0x3  }
0x67: {  	v1 =	vshll.u32 v1, $0x6  }
0x68: {  	v1 =	vadd.s32 v2, v1;
	_ =	sdelay $0x4  }
0x69: {  	[tilespmem:v1+s14+$0x0] =	vst.idx.add.f32.msk $0xffff, v0  }
0x6a: {  	v1 =	vld [tilespmem:$0x2E0]  }
0x6b: {  	v2 =	vld [tilespmem:$0xE0];
	_ =	sdelay $0x3  }
0x6c: {  	v1 =	vshll.u32 v1, $0x6  }
0x6d: {  	v1 =	vadd.s32 v2, v1;
	_ =	sdelay $0x4  }
0x6e: {  	[tilespmem:v1+s14+$0x0] =	vst.idx.add.f32.msk $0xffff, v0  }
0x6f: {  	v1 =	vld [tilespmem:$0x2F0]  }
0x70: {  	v2 =	vld [tilespmem:$0xF0];
	_ =	sdelay $0x3  }
0x71: {  	v1 =	vshll.u32 v1, $0x6  }
0x72: {  	v1 =	vadd.s32 v2, v1;
	_ =	sdelay $0x4  }
0x73: {  	[tilespmem:v1+s14+$0x0] =	vst.idx.add.f32.msk $0xffff, v0  }
0x74: {  	v1 =	vld [tilespmem:$0x300]  }
0x75: {  	v2 =	vld [tilespmem:$0x100];
	_ =	sdelay $0x3  }
0x76: {  	v1 =	vshll.u32 v1, $0x6  }
0x77: {  	v1 =	vadd.s32 v2, v1;
	_ =	sdelay $0x4  }
0x78: {  	[tilespmem:v1+s14+$0x0] =	vst.idx.add.f32.msk $0xffff, v0  }
0x79: {  	v1 =	vld [tilespmem:$0x310]  }
0x7a: {  	v2 =	vld [tilespmem:$0x110];
	_ =	sdelay $0x3  }
0x7b: {  	v1 =	vshll.u32 v1, $0x6  }
0x7c: {  	v1 =	vadd.s32 v2, v1;
	_ =	sdelay $0x4  }
0x7d: {  	[tilespmem:v1+s14+$0x0] =	vst.idx.add.f32.msk $0xffff, v0  }
0x7e: {  	v1 =	vld [tilespmem:$0x320]  }
0x7f: {  	v2 =	vld [tilespmem:$0x120];
	_ =	sdelay $0x3  }
0x80: {  	v1 =	vshll.u32 v1, $0x6  }
0x81: {  	v1 =	vadd.s32 v2, v1;
	_ =	sdelay $0x4  }
0x82: {  	[tilespmem:v1+s14+$0x0] =	vst.idx.add.f32.msk $0xffff, v0  }
0x83: {  	v1 =	vld [tilespmem:$0x330]  }
0x84: {  	v2 =	vld [tilespmem:$0x130];
	_ =	sdelay $0x3  }
0x85: {  	v1 =	vshll.u32 v1, $0x6  }
0x86: {  	v1 =	vadd.s32 v2, v1;
	_ =	sdelay $0x4  }
0x87: {  	[tilespmem:v1+s14+$0x0] =	vst.idx.add.f32.msk $0xffff, v0  }
0x88: {  	v1 =	vld [tilespmem:$0x340]  }
0x89: {  	v2 =	vld [tilespmem:$0x140];
	_ =	sdelay $0x3  }
0x8a: {  	v1 =	vshll.u32 v1, $0x6  }
0x8b: {  	v1 =	vadd.s32 v2, v1;
	_ =	sdelay $0x4  }
0x8c: {  	[tilespmem:v1+s14+$0x0] =	vst.idx.add.f32.msk $0xffff, v0  }
0x8d: {  	v1 =	vld [tilespmem:$0x350]  }
0x8e: {  	v2 =	vld [tilespmem:$0x150];
	_ =	sdelay $0x3  }
0x8f: {  	v1 =	vshll.u32 v1, $0x6  }
0x90: {  	v1 =	vadd.s32 v2, v1;
	_ =	sdelay $0x4  }
0x91: {  	[tilespmem:v1+s14+$0x0] =	vst.idx.add.f32.msk $0xffff, v0  }
0x92: {  	v1 =	vld [tilespmem:$0x360]  }
0x93: {  	v2 =	vld [tilespmem:$0x160];
	_ =	sdelay $0x3  }
0x94: {  	v1 =	vshll.u32 v1, $0x6  }
0x95: {  	v1 =	vadd.s32 v2, v1;
	_ =	sdelay $0x4  }
0x96: {  	[tilespmem:v1+s14+$0x0] =	vst.idx.add.f32.msk $0xffff, v0  }
0x97: {  	v1 =	vld [tilespmem:$0x370]  }
0x98: {  	v2 =	vld [tilespmem:$0x170];
	_ =	sdelay $0x3  }
0x99: {  	v1 =	vshll.u32 v1, $0x6  }
0x9a: {  	v1 =	vadd.s32 v2, v1;
	_ =	sdelay $0x4  }
0x9b: {  	[tilespmem:v1+s14+$0x0] =	vst.idx.add.f32.msk $0xffff, v0  }
0x9c: {  	v1 =	vld [tilespmem:$0x380]  }
0x9d: {  	v2 =	vld [tilespmem:$0x180];
	_ =	sdelay $0x3  }
0x9e: {  	v1 =	vshll.u32 v1, $0x6  }
0x9f: {  	v1 =	vadd.s32 v2, v1;
	_ =	sdelay $0x4  }
0xa0: {  	[tilespmem:v1+s14+$0x0] =	vst.idx.add.f32.msk $0xffff, v0  }
0xa1: {  	v1 =	vld [tilespmem:$0x390]  }
0xa2: {  	v2 =	vld [tilespmem:$0x190];
	_ =	sdelay $0x3  }
0xa3: {  	v1 =	vshll.u32 v1, $0x6  }
0xa4: {  	v1 =	vadd.s32 v2, v1;
	_ =	sdelay $0x4  }
0xa5: {  	[tilespmem:v1+s14+$0x0] =	vst.idx.add.f32.msk $0xffff, v0  }
0xa6: {  	v1 =	vld [tilespmem:$0x3A0]  }
0xa7: {  	v2 =	vld [tilespmem:$0x1A0];
	_ =	sdelay $0x3  }
0xa8: {  	v1 =	vshll.u32 v1, $0x6  }
0xa9: {  	v1 =	vadd.s32 v2, v1;
	_ =	sdelay $0x4  }
0xaa: {  	[tilespmem:v1+s14+$0x0] =	vst.idx.add.f32.msk $0xffff, v0  }
0xab: {  	v1 =	vld [tilespmem:$0x3B0]  }
0xac: {  	v2 =	vld [tilespmem:$0x1B0];
	_ =	sdelay $0x3  }
0xad: {  	v1 =	vshll.u32 v1, $0x6  }
0xae: {  	v1 =	vadd.s32 v2, v1;
	_ =	sdelay $0x4  }
0xaf: {  	[tilespmem:v1+s14+$0x0] =	vst.idx.add.f32.msk $0xffff, v0  }
0xb0: {  	v1 =	vld [tilespmem:$0x3C0]  }
0xb1: {  	v2 =	vld [tilespmem:$0x1C0];
	_ =	sdelay $0x3  }
0xb2: {  	v1 =	vshll.u32 v1, $0x6  }
0xb3: {  	v1 =	vadd.s32 v2, v1;
	_ =	sdelay $0x4  }
0xb4: {  	[tilespmem:v1+s14+$0x0] =	vst.idx.add.f32.msk $0xffff, v0  }
0xb5: {  	v1 =	vld [tilespmem:$0x3D0]  }
0xb6: {  	v2 =	vld [tilespmem:$0x1D0];
	_ =	sdelay $0x3  }
0xb7: {  	v1 =	vshll.u32 v1, $0x6  }
0xb8: {  	v1 =	vadd.s32 v2, v1;
	_ =	sdelay $0x4  }
0xb9: {  	[tilespmem:v1+s14+$0x0] =	vst.idx.add.f32.msk $0xffff, v0  }
0xba: {  	v1 =	vld [tilespmem:$0x3E0]  }
0xbb: {  	v2 =	vld [tilespmem:$0x1E0];
	_ =	sdelay $0x3  }
0xbc: {  	v1 =	vshll.u32 v1, $0x6  }
0xbd: {  	v1 =	vadd.s32 v2, v1;
	_ =	sdelay $0x4  }
0xbe: {  	[tilespmem:v1+s14+$0x0] =	vst.idx.add.f32.msk $0xffff, v0  }
0xbf: {  	v1 =	vld [tilespmem:$0x3F0]  }
0xc0: {  	v2 =	vld [tilespmem:$0x1F0];
	_ =	sdelay $0x3  }
0xc1: {  	v1 =	vshll.u32 v1, $0x6  }
0xc2: {  	v1 =	vadd.s32 v2, v1;
	_ =	sdelay $0x4  }
0xc3: {  	[tilespmem:v1+s14+$0x0] =	vst.idx.add.f32.msk $0xffff, v0  }
0xc4: {  	[hbm4b:s7+s11] =	stream.strided.scatter [tilespmem:s14], [sflag:$0x5], $0x1000, s12, s11, $0x38;
	[tilespmem:$0x3C00] =	vst v63  }
0xc5: {  	_ =	swait.ge [sflag:s17], $0x400  }
0xc6: {  	[sflag:s17] =	ssyncset.done $0x0  }
0xc7: {  	[sflag:s17] =	ssyncadd.s32 $0xFFFFFC00  }
0xc8: {  	v1 =	vld [tilespmem:$0x600]  }
0xc9: {  	v2 =	vld [tilespmem:$0x400];
	_ =	sdelay $0x3  }
0xca: {  	v1 =	vshll.u32 v1, $0x6  }
0xcb: {  	v1 =	vadd.s32 v1, v2  }
0xcc: {  	v1 =	vadd.s32 $0x1000, v1;
	_ =	sdelay $0x4  }
0xcd: {  	[tilespmem:v1+s14+$0x0] =	vst.idx.add.f32.msk $0xffff, v0  }
0xce: {  	v1 =	vld [tilespmem:$0x610]  }
0xcf: {  	v2 =	vld [tilespmem:$0x410];
	_ =	sdelay $0x3  }
0xd0: {  	v1 =	vshll.u32 v1, $0x6  }
0xd1: {  	v1 =	vadd.s32 v1, v2  }
0xd2: {  	v1 =	vadd.s32 $0x1000, v1;
	_ =	sdelay $0x4  }
0xd3: {  	[tilespmem:v1+s14+$0x0] =	vst.idx.add.f32.msk $0xffff, v0  }
0xd4: {  	v1 =	vld [tilespmem:$0x620]  }
0xd5: {  	v2 =	vld [tilespmem:$0x420];
	_ =	sdelay $0x3  }
0xd6: {  	v1 =	vshll.u32 v1, $0x6  }
0xd7: {  	v1 =	vadd.s32 v1, v2  }
0xd8: {  	v1 =	vadd.s32 $0x1000, v1;
	_ =	sdelay $0x4  }
0xd9: {  	[tilespmem:v1+s14+$0x0] =	vst.idx.add.f32.msk $0xffff, v0  }
0xda: {  	v1 =	vld [tilespmem:$0x630]  }
0xdb: {  	v2 =	vld [tilespmem:$0x430];
	_ =	sdelay $0x3  }
0xdc: {  	v1 =	vshll.u32 v1, $0x6  }
0xdd: {  	v1 =	vadd.s32 v1, v2  }
0xde: {  	v1 =	vadd.s32 $0x1000, v1;
	_ =	sdelay $0x4  }
0xdf: {  	[tilespmem:v1+s14+$0x0] =	vst.idx.add.f32.msk $0xffff, v0  }
0xe0: {  	v1 =	vld [tilespmem:$0x640]  }
0xe1: {  	v2 =	vld [tilespmem:$0x440];
	_ =	sdelay $0x3  }
0xe2: {  	v1 =	vshll.u32 v1, $0x6  }
0xe3: {  	v1 =	vadd.s32 v1, v2  }
0xe4: {  	v1 =	vadd.s32 $0x1000, v1;
	_ =	sdelay $0x4  }
0xe5: {  	[tilespmem:v1+s14+$0x0] =	vst.idx.add.f32.msk $0xffff, v0  }
0xe6: {  	v1 =	vld [tilespmem:$0x650]  }
0xe7: {  	v2 =	vld [tilespmem:$0x450];
	_ =	sdelay $0x3  }
0xe8: {  	v1 =	vshll.u32 v1, $0x6  }
0xe9: {  	v1 =	vadd.s32 v1, v2  }
0xea: {  	v1 =	vadd.s32 $0x1000, v1;
	_ =	sdelay $0x4  }
0xeb: {  	[tilespmem:v1+s14+$0x0] =	vst.idx.add.f32.msk $0xffff, v0  }
0xec: {  	v1 =	vld [tilespmem:$0x660]  }
0xed: {  	v2 =	vld [tilespmem:$0x460];
	_ =	sdelay $0x3  }
0xee: {  	v1 =	vshll.u32 v1, $0x6  }
0xef: {  	v1 =	vadd.s32 v1, v2  }
0xf0: {  	v1 =	vadd.s32 $0x1000, v1;
	_ =	sdelay $0x4  }
0xf1: {  	[tilespmem:v1+s14+$0x0] =	vst.idx.add.f32.msk $0xffff, v0  }
0xf2: {  	v1 =	vld [tilespmem:$0x670]  }
0xf3: {  	v2 =	vld [tilespmem:$0x470];
	_ =	sdelay $0x3  }
0xf4: {  	v1 =	vshll.u32 v1, $0x6  }
0xf5: {  	v1 =	vadd.s32 v1, v2  }
0xf6: {  	v1 =	vadd.s32 $0x1000, v1;
	_ =	sdelay $0x4  }
0xf7: {  	[tilespmem:v1+s14+$0x0] =	vst.idx.add.f32.msk $0xffff, v0  }
0xf8: {  	v1 =	vld [tilespmem:$0x680]  }
0xf9: {  	v2 =	vld [tilespmem:$0x480];
	_ =	sdelay $0x3  }
0xfa: {  	v1 =	vshll.u32 v1, $0x6  }
0xfb: {  	v1 =	vadd.s32 v1, v2  }
0xfc: {  	v1 =	vadd.s32 $0x1000, v1;
	_ =	sdelay $0x4  }
0xfd: {  	[tilespmem:v1+s14+$0x0] =	vst.idx.add.f32.msk $0xffff, v0  }
0xfe: {  	v1 =	vld [tilespmem:$0x690]  }
0xff: {  	v2 =	vld [tilespmem:$0x490];
	_ =	sdelay $0x3  }
0x100: {  	v1 =	vshll.u32 v1, $0x6  }
0x101: {  	v1 =	vadd.s32 v1, v2  }
0x102: {  	v1 =	vadd.s32 $0x1000, v1;
	_ =	sdelay $0x4  }
0x103: {  	[tilespmem:v1+s14+$0x0] =	vst.idx.add.f32.msk $0xffff, v0  }
0x104: {  	v1 =	vld [tilespmem:$0x6A0]  }
0x105: {  	v2 =	vld [tilespmem:$0x4A0];
	_ =	sdelay $0x3  }
0x106: {  	v1 =	vshll.u32 v1, $0x6  }
0x107: {  	v1 =	vadd.s32 v1, v2  }
0x108: {  	v1 =	vadd.s32 $0x1000, v1;
	_ =	sdelay $0x4  }
0x109: {  	[tilespmem:v1+s14+$0x0] =	vst.idx.add.f32.msk $0xffff, v0  }
0x10a: {  	v1 =	vld [tilespmem:$0x6B0]  }
0x10b: {  	v2 =	vld [tilespmem:$0x4B0];
	_ =	sdelay $0x3  }
0x10c: {  	v1 =	vshll.u32 v1, $0x6  }
0x10d: {  	v1 =	vadd.s32 v1, v2  }
0x10e: {  	v1 =	vadd.s32 $0x1000, v1;
	_ =	sdelay $0x4  }
0x10f: {  	[tilespmem:v1+s14+$0x0] =	vst.idx.add.f32.msk $0xffff, v0  }
0x110: {  	v1 =	vld [tilespmem:$0x6C0]  }
0x111: {  	v2 =	vld [tilespmem:$0x4C0];
	_ =	sdelay $0x3  }
0x112: {  	v1 =	vshll.u32 v1, $0x6  }
0x113: {  	v1 =	vadd.s32 v1, v2  }
0x114: {  	v1 =	vadd.s32 $0x1000, v1;
	_ =	sdelay $0x4  }
0x115: {  	[tilespmem:v1+s14+$0x0] =	vst.idx.add.f32.msk $0xffff, v0  }
0x116: {  	v1 =	vld [tilespmem:$0x6D0]  }
0x117: {  	v2 =	vld [tilespmem:$0x4D0];
	_ =	sdelay $0x3  }
0x118: {  	v1 =	vshll.u32 v1, $0x6  }
0x119: {  	v1 =	vadd.s32 v1, v2  }
0x11a: {  	v1 =	vadd.s32 $0x1000, v1;
	_ =	sdelay $0x4  }
0x11b: {  	[tilespmem:v1+s14+$0x0] =	vst.idx.add.f32.msk $0xffff, v0  }
0x11c: {  	v1 =	vld [tilespmem:$0x6E0]  }
0x11d: {  	v2 =	vld [tilespmem:$0x4E0];
	_ =	sdelay $0x3  }
0x11e: {  	v1 =	vshll.u32 v1, $0x6  }
0x11f: {  	v1 =	vadd.s32 v1, v2  }
0x120: {  	v1 =	vadd.s32 $0x1000, v1;
	_ =	sdelay $0x4  }
0x121: {  	[tilespmem:v1+s14+$0x0] =	vst.idx.add.f32.msk $0xffff, v0  }
0x122: {  	v1 =	vld [tilespmem:$0x6F0]  }
0x123: {  	v2 =	vld [tilespmem:$0x4F0];
	_ =	sdelay $0x3  }
0x124: {  	v1 =	vshll.u32 v1, $0x6  }
0x125: {  	v1 =	vadd.s32 v1, v2  }
0x126: {  	v1 =	vadd.s32 $0x1000, v1;
	_ =	sdelay $0x4  }
0x127: {  	[tilespmem:v1+s14+$0x0] =	vst.idx.add.f32.msk $0xffff, v0  }
0x128: {  	v1 =	vld [tilespmem:$0x700]  }
0x129: {  	v2 =	vld [tilespmem:$0x500];
	_ =	sdelay $0x3  }
0x12a: {  	v1 =	vshll.u32 v1, $0x6  }
0x12b: {  	v1 =	vadd.s32 v1, v2  }
0x12c: {  	v1 =	vadd.s32 $0x1000, v1;
	_ =	sdelay $0x4  }
0x12d: {  	[tilespmem:v1+s14+$0x0] =	vst.idx.add.f32.msk $0xffff, v0  }
0x12e: {  	v1 =	vld [tilespmem:$0x710]  }
0x12f: {  	v2 =	vld [tilespmem:$0x510];
	_ =	sdelay $0x3  }
0x130: {  	v1 =	vshll.u32 v1, $0x6  }
0x131: {  	v1 =	vadd.s32 v1, v2  }
0x132: {  	v1 =	vadd.s32 $0x1000, v1;
	_ =	sdelay $0x4  }
0x133: {  	[tilespmem:v1+s14+$0x0] =	vst.idx.add.f32.msk $0xffff, v0  }
0x134: {  	v1 =	vld [tilespmem:$0x720]  }
0x135: {  	v2 =	vld [tilespmem:$0x520];
	_ =	sdelay $0x3  }
0x136: {  	v1 =	vshll.u32 v1, $0x6  }
0x137: {  	v1 =	vadd.s32 v1, v2  }
0x138: {  	v1 =	vadd.s32 $0x1000, v1;
	_ =	sdelay $0x4  }
0x139: {  	[tilespmem:v1+s14+$0x0] =	vst.idx.add.f32.msk $0xffff, v0  }
0x13a: {  	v1 =	vld [tilespmem:$0x730]  }
0x13b: {  	v2 =	vld [tilespmem:$0x530];
	_ =	sdelay $0x3  }
0x13c: {  	v1 =	vshll.u32 v1, $0x6  }
0x13d: {  	v1 =	vadd.s32 v1, v2  }
0x13e: {  	v1 =	vadd.s32 $0x1000, v1;
	_ =	sdelay $0x4  }
0x13f: {  	[tilespmem:v1+s14+$0x0] =	vst.idx.add.f32.msk $0xffff, v0  }
0x140: {  	v1 =	vld [tilespmem:$0x740]  }
0x141: {  	v2 =	vld [tilespmem:$0x540];
	_ =	sdelay $0x3  }
0x142: {  	v1 =	vshll.u32 v1, $0x6  }
0x143: {  	v1 =	vadd.s32 v1, v2  }
0x144: {  	v1 =	vadd.s32 $0x1000, v1;
	_ =	sdelay $0x4  }
0x145: {  	[tilespmem:v1+s14+$0x0] =	vst.idx.add.f32.msk $0xffff, v0  }
0x146: {  	v1 =	vld [tilespmem:$0x750]  }
0x147: {  	v2 =	vld [tilespmem:$0x550];
	_ =	sdelay $0x3  }
0x148: {  	v1 =	vshll.u32 v1, $0x6  }
0x149: {  	v1 =	vadd.s32 v1, v2  }
0x14a: {  	v1 =	vadd.s32 $0x1000, v1;
	_ =	sdelay $0x4  }
0x14b: {  	[tilespmem:v1+s14+$0x0] =	vst.idx.add.f32.msk $0xffff, v0  }
0x14c: {  	v1 =	vld [tilespmem:$0x760]  }
0x14d: {  	v2 =	vld [tilespmem:$0x560];
	_ =	sdelay $0x3  }
0x14e: {  	v1 =	vshll.u32 v1, $0x6  }
0x14f: {  	v1 =	vadd.s32 v1, v2  }
0x150: {  	v1 =	vadd.s32 $0x1000, v1;
	_ =	sdelay $0x4  }
0x151: {  	[tilespmem:v1+s14+$0x0] =	vst.idx.add.f32.msk $0xffff, v0  }
0x152: {  	v1 =	vld [tilespmem:$0x770]  }
0x153: {  	v2 =	vld [tilespmem:$0x570];
	_ =	sdelay $0x3  }
0x154: {  	v1 =	vshll.u32 v1, $0x6  }
0x155: {  	v1 =	vadd.s32 v1, v2  }
0x156: {  	v1 =	vadd.s32 $0x1000, v1;
	_ =	sdelay $0x4  }
0x157: {  	[tilespmem:v1+s14+$0x0] =	vst.idx.add.f32.msk $0xffff, v0  }
0x158: {  	v1 =	vld [tilespmem:$0x780]  }
0x159: {  	v2 =	vld [tilespmem:$0x580];
	_ =	sdelay $0x3  }
0x15a: {  	v1 =	vshll.u32 v1, $0x6  }
0x15b: {  	v1 =	vadd.s32 v1, v2  }
0x15c: {  	v1 =	vadd.s32 $0x1000, v1;
	_ =	sdelay $0x4  }
0x15d: {  	[tilespmem:v1+s14+$0x0] =	vst.idx.add.f32.msk $0xffff, v0  }
0x15e: {  	v1 =	vld [tilespmem:$0x790]  }
0x15f: {  	v2 =	vld [tilespmem:$0x590];
	_ =	sdelay $0x3  }
0x160: {  	v1 =	vshll.u32 v1, $0x6  }
0x161: {  	v1 =	vadd.s32 v1, v2  }
0x162: {  	v1 =	vadd.s32 $0x1000, v1;
	_ =	sdelay $0x4  }
0x163: {  	[tilespmem:v1+s14+$0x0] =	vst.idx.add.f32.msk $0xffff, v0  }
0x164: {  	v1 =	vld [tilespmem:$0x7A0]  }
0x165: {  	v2 =	vld [tilespmem:$0x5A0];
	_ =	sdelay $0x3  }
0x166: {  	v1 =	vshll.u32 v1, $0x6  }
0x167: {  	v1 =	vadd.s32 v1, v2  }
0x168: {  	v1 =	vadd.s32 $0x1000, v1;
	_ =	sdelay $0x4  }
0x169: {  	[tilespmem:v1+s14+$0x0] =	vst.idx.add.f32.msk $0xffff, v0  }
0x16a: {  	v1 =	vld [tilespmem:$0x7B0]  }
0x16b: {  	v2 =	vld [tilespmem:$0x5B0];
	_ =	sdelay $0x3  }
0x16c: {  	v1 =	vshll.u32 v1, $0x6  }
0x16d: {  	v1 =	vadd.s32 v1, v2  }
0x16e: {  	v1 =	vadd.s32 $0x1000, v1;
	_ =	sdelay $0x4  }
0x16f: {  	[tilespmem:v1+s14+$0x0] =	vst.idx.add.f32.msk $0xffff, v0  }
0x170: {  	v1 =	vld [tilespmem:$0x7C0]  }
0x171: {  	v2 =	vld [tilespmem:$0x5C0];
	_ =	sdelay $0x3  }
0x172: {  	v1 =	vshll.u32 v1, $0x6  }
0x173: {  	v1 =	vadd.s32 v1, v2  }
0x174: {  	v1 =	vadd.s32 $0x1000, v1;
	_ =	sdelay $0x4  }
0x175: {  	[tilespmem:v1+s14+$0x0] =	vst.idx.add.f32.msk $0xffff, v0  }
0x176: {  	v1 =	vld [tilespmem:$0x7D0]  }
0x177: {  	v2 =	vld [tilespmem:$0x5D0];
	_ =	sdelay $0x3  }
0x178: {  	v1 =	vshll.u32 v1, $0x6  }
0x179: {  	v1 =	vadd.s32 v1, v2  }
0x17a: {  	v1 =	vadd.s32 $0x1000, v1;
	_ =	sdelay $0x4  }
0x17b: {  	[tilespmem:v1+s14+$0x0] =	vst.idx.add.f32.msk $0xffff, v0  }
0x17c: {  	v1 =	vld [tilespmem:$0x7E0]  }
0x17d: {  	v2 =	vld [tilespmem:$0x5E0];
	_ =	sdelay $0x3  }
0x17e: {  	v1 =	vshll.u32 v1, $0x6  }
0x17f: {  	v1 =	vadd.s32 v1, v2  }
0x180: {  	v1 =	vadd.s32 $0x1000, v1;
	_ =	sdelay $0x4  }
0x181: {  	[tilespmem:v1+s14+$0x0] =	vst.idx.add.f32.msk $0xffff, v0  }
0x182: {  	v1 =	vld [tilespmem:$0x7F0]  }
0x183: {  	v2 =	vld [tilespmem:$0x5F0];
	_ =	sdelay $0x3  }
0x184: {  	v1 =	vshll.u32 v1, $0x6  }
0x185: {  	v1 =	vadd.s32 v1, v2  }
0x186: {  	v1 =	vadd.s32 $0x1000, v1;
	_ =	sdelay $0x4  }
0x187: {  	[tilespmem:v1+s14+$0x0] =	vst.idx.add.f32.msk $0xffff, v0  }
0x188: {  	[hbm4b:s8+s11] =	stream.strided.scatter [tilespmem:s18], [sflag:$0x5], $0x1000, s12, s11, $0x38;
	[tilespmem:$0x3C00] =	vst v63  }
0x189: {  	_ =	swait.ge [sflag:s19], $0x400  }
0x18a: {  	[sflag:s19] =	ssyncset.done $0x0  }
0x18b: {  	[sflag:s19] =	ssyncadd.s32 $0xFFFFFC00  }
0x18c: {  	v1 =	vld [tilespmem:$0xA00]  }
0x18d: {  	v2 =	vld [tilespmem:$0x800];
	_ =	sdelay $0x3  }
0x18e: {  	v1 =	vshll.u32 v1, $0x6  }
0x18f: {  	v1 =	vadd.s32 v1, v2  }
0x190: {  	v1 =	vadd.s32 $0x2000, v1;
	_ =	sdelay $0x4  }
0x191: {  	[tilespmem:v1+s14+$0x0] =	vst.idx.add.f32.msk $0xffff, v0  }
0x192: {  	v1 =	vld [tilespmem:$0xA10]  }
0x193: {  	v2 =	vld [tilespmem:$0x810];
	_ =	sdelay $0x3  }
0x194: {  	v1 =	vshll.u32 v1, $0x6  }
0x195: {  	v1 =	vadd.s32 v1, v2  }
0x196: {  	v1 =	vadd.s32 $0x2000, v1;
	_ =	sdelay $0x4  }
0x197: {  	[tilespmem:v1+s14+$0x0] =	vst.idx.add.f32.msk $0xffff, v0  }
0x198: {  	v1 =	vld [tilespmem:$0xA20]  }
0x199: {  	v2 =	vld [tilespmem:$0x820];
	_ =	sdelay $0x3  }
0x19a: {  	v1 =	vshll.u32 v1, $0x6  }
0x19b: {  	v1 =	vadd.s32 v1, v2  }
0x19c: {  	v1 =	vadd.s32 $0x2000, v1;
	_ =	sdelay $0x4  }
0x19d: {  	[tilespmem:v1+s14+$0x0] =	vst.idx.add.f32.msk $0xffff, v0  }
0x19e: {  	v1 =	vld [tilespmem:$0xA30]  }
0x19f: {  	v2 =	vld [tilespmem:$0x830];
	_ =	sdelay $0x3  }
0x1a0: {  	v1 =	vshll.u32 v1, $0x6  }
0x1a1: {  	v1 =	vadd.s32 v1, v2  }
0x1a2: {  	v1 =	vadd.s32 $0x2000, v1;
	_ =	sdelay $0x4  }
0x1a3: {  	[tilespmem:v1+s14+$0x0] =	vst.idx.add.f32.msk $0xffff, v0  }
0x1a4: {  	v1 =	vld [tilespmem:$0xA40]  }
0x1a5: {  	v2 =	vld [tilespmem:$0x840];
	_ =	sdelay $0x3  }
0x1a6: {  	v1 =	vshll.u32 v1, $0x6  }
0x1a7: {  	v1 =	vadd.s32 v1, v2  }
0x1a8: {  	v1 =	vadd.s32 $0x2000, v1;
	_ =	sdelay $0x4  }
0x1a9: {  	[tilespmem:v1+s14+$0x0] =	vst.idx.add.f32.msk $0xffff, v0  }
0x1aa: {  	v1 =	vld [tilespmem:$0xA50]  }
0x1ab: {  	v2 =	vld [tilespmem:$0x850];
	_ =	sdelay $0x3  }
0x1ac: {  	v1 =	vshll.u32 v1, $0x6  }
0x1ad: {  	v1 =	vadd.s32 v1, v2  }
0x1ae: {  	v1 =	vadd.s32 $0x2000, v1;
	_ =	sdelay $0x4  }
0x1af: {  	[tilespmem:v1+s14+$0x0] =	vst.idx.add.f32.msk $0xffff, v0  }
0x1b0: {  	v1 =	vld [tilespmem:$0xA60]  }
0x1b1: {  	v2 =	vld [tilespmem:$0x860];
	_ =	sdelay $0x3  }
0x1b2: {  	v1 =	vshll.u32 v1, $0x6  }
0x1b3: {  	v1 =	vadd.s32 v1, v2  }
0x1b4: {  	v1 =	vadd.s32 $0x2000, v1;
	_ =	sdelay $0x4  }
0x1b5: {  	[tilespmem:v1+s14+$0x0] =	vst.idx.add.f32.msk $0xffff, v0  }
0x1b6: {  	v1 =	vld [tilespmem:$0xA70]  }
0x1b7: {  	v2 =	vld [tilespmem:$0x870];
	_ =	sdelay $0x3  }
0x1b8: {  	v1 =	vshll.u32 v1, $0x6  }
0x1b9: {  	v1 =	vadd.s32 v1, v2  }
0x1ba: {  	v1 =	vadd.s32 $0x2000, v1;
	_ =	sdelay $0x4  }
0x1bb: {  	[tilespmem:v1+s14+$0x0] =	vst.idx.add.f32.msk $0xffff, v0  }
0x1bc: {  	v1 =	vld [tilespmem:$0xA80]  }
0x1bd: {  	v2 =	vld [tilespmem:$0x880];
	_ =	sdelay $0x3  }
0x1be: {  	v1 =	vshll.u32 v1, $0x6  }
0x1bf: {  	v1 =	vadd.s32 v1, v2  }
0x1c0: {  	v1 =	vadd.s32 $0x2000, v1;
	_ =	sdelay $0x4  }
0x1c1: {  	[tilespmem:v1+s14+$0x0] =	vst.idx.add.f32.msk $0xffff, v0  }
0x1c2: {  	v1 =	vld [tilespmem:$0xA90]  }
0x1c3: {  	v2 =	vld [tilespmem:$0x890];
	_ =	sdelay $0x3  }
0x1c4: {  	v1 =	vshll.u32 v1, $0x6  }
0x1c5: {  	v1 =	vadd.s32 v1, v2  }
0x1c6: {  	v1 =	vadd.s32 $0x2000, v1;
	_ =	sdelay $0x4  }
0x1c7: {  	[tilespmem:v1+s14+$0x0] =	vst.idx.add.f32.msk $0xffff, v0  }
0x1c8: {  	v1 =	vld [tilespmem:$0xAA0]  }
0x1c9: {  	v2 =	vld [tilespmem:$0x8A0];
	_ =	sdelay $0x3  }
0x1ca: {  	v1 =	vshll.u32 v1, $0x6  }
0x1cb: {  	v1 =	vadd.s32 v1, v2  }
0x1cc: {  	v1 =	vadd.s32 $0x2000, v1;
	_ =	sdelay $0x4  }
0x1cd: {  	[tilespmem:v1+s14+$0x0] =	vst.idx.add.f32.msk $0xffff, v0  }
0x1ce: {  	v1 =	vld [tilespmem:$0xAB0]  }
0x1cf: {  	v2 =	vld [tilespmem:$0x8B0];
	_ =	sdelay $0x3  }
0x1d0: {  	v1 =	vshll.u32 v1, $0x6  }
0x1d1: {  	v1 =	vadd.s32 v1, v2  }
0x1d2: {  	v1 =	vadd.s32 $0x2000, v1;
	_ =	sdelay $0x4  }
0x1d3: {  	[tilespmem:v1+s14+$0x0] =	vst.idx.add.f32.msk $0xffff, v0  }
0x1d4: {  	v1 =	vld [tilespmem:$0xAC0]  }
0x1d5: {  	v2 =	vld [tilespmem:$0x8C0];
	_ =	sdelay $0x3  }
0x1d6: {  	v1 =	vshll.u32 v1, $0x6  }
0x1d7: {  	v1 =	vadd.s32 v1, v2  }
0x1d8: {  	v1 =	vadd.s32 $0x2000, v1;
	_ =	sdelay $0x4  }
0x1d9: {  	[tilespmem:v1+s14+$0x0] =	vst.idx.add.f32.msk $0xffff, v0  }
0x1da: {  	v1 =	vld [tilespmem:$0xAD0]  }
0x1db: {  	v2 =	vld [tilespmem:$0x8D0];
	_ =	sdelay $0x3  }
0x1dc: {  	v1 =	vshll.u32 v1, $0x6  }
0x1dd: {  	v1 =	vadd.s32 v1, v2  }
0x1de: {  	v1 =	vadd.s32 $0x2000, v1;
	_ =	sdelay $0x4  }
0x1df: {  	[tilespmem:v1+s14+$0x0] =	vst.idx.add.f32.msk $0xffff, v0  }
0x1e0: {  	v1 =	vld [tilespmem:$0xAE0]  }
0x1e1: {  	v2 =	vld [tilespmem:$0x8E0];
	_ =	sdelay $0x3  }
0x1e2: {  	v1 =	vshll.u32 v1, $0x6  }
0x1e3: {  	v1 =	vadd.s32 v1, v2  }
0x1e4: {  	v1 =	vadd.s32 $0x2000, v1;
	_ =	sdelay $0x4  }
0x1e5: {  	[tilespmem:v1+s14+$0x0] =	vst.idx.add.f32.msk $0xffff, v0  }
0x1e6: {  	v1 =	vld [tilespmem:$0xAF0]  }
0x1e7: {  	v2 =	vld [tilespmem:$0x8F0];
	_ =	sdelay $0x3  }
0x1e8: {  	v1 =	vshll.u32 v1, $0x6  }
0x1e9: {  	v1 =	vadd.s32 v1, v2  }
0x1ea: {  	v1 =	vadd.s32 $0x2000, v1;
	_ =	sdelay $0x4  }
0x1eb: {  	[tilespmem:v1+s14+$0x0] =	vst.idx.add.f32.msk $0xffff, v0  }
0x1ec: {  	v1 =	vld [tilespmem:$0xB00]  }
0x1ed: {  	v2 =	vld [tilespmem:$0x900];
	_ =	sdelay $0x3  }
0x1ee: {  	v1 =	vshll.u32 v1, $0x6  }
0x1ef: {  	v1 =	vadd.s32 v1, v2  }
0x1f0: {  	v1 =	vadd.s32 $0x2000, v1;
	_ =	sdelay $0x4  }
0x1f1: {  	[tilespmem:v1+s14+$0x0] =	vst.idx.add.f32.msk $0xffff, v0  }
0x1f2: {  	v1 =	vld [tilespmem:$0xB10]  }
0x1f3: {  	v2 =	vld [tilespmem:$0x910];
	_ =	sdelay $0x3  }
0x1f4: {  	v1 =	vshll.u32 v1, $0x6  }
0x1f5: {  	v1 =	vadd.s32 v1, v2  }
0x1f6: {  	v1 =	vadd.s32 $0x2000, v1;
	_ =	sdelay $0x4  }
0x1f7: {  	[tilespmem:v1+s14+$0x0] =	vst.idx.add.f32.msk $0xffff, v0  }
0x1f8: {  	v1 =	vld [tilespmem:$0xB20]  }
0x1f9: {  	v2 =	vld [tilespmem:$0x920];
	_ =	sdelay $0x3  }
0x1fa: {  	v1 =	vshll.u32 v1, $0x6  }
0x1fb: {  	v1 =	vadd.s32 v1, v2  }
0x1fc: {  	v1 =	vadd.s32 $0x2000, v1;
	_ =	sdelay $0x4  }
0x1fd: {  	[tilespmem:v1+s14+$0x0] =	vst.idx.add.f32.msk $0xffff, v0  }
0x1fe: {  	v1 =	vld [tilespmem:$0xB30]  }
0x1ff: {  	v2 =	vld [tilespmem:$0x930];
	_ =	sdelay $0x3  }
0x200: {  	v1 =	vshll.u32 v1, $0x6  }
0x201: {  	v1 =	vadd.s32 v1, v2  }
0x202: {  	v1 =	vadd.s32 $0x2000, v1;
	_ =	sdelay $0x4  }
0x203: {  	[tilespmem:v1+s14+$0x0] =	vst.idx.add.f32.msk $0xffff, v0  }
0x204: {  	v1 =	vld [tilespmem:$0xB40]  }
0x205: {  	v2 =	vld [tilespmem:$0x940];
	_ =	sdelay $0x3  }
0x206: {  	v1 =	vshll.u32 v1, $0x6  }
0x207: {  	v1 =	vadd.s32 v1, v2  }
0x208: {  	v1 =	vadd.s32 $0x2000, v1;
	_ =	sdelay $0x4  }
0x209: {  	[tilespmem:v1+s14+$0x0] =	vst.idx.add.f32.msk $0xffff, v0  }
0x20a: {  	v1 =	vld [tilespmem:$0xB50]  }
0x20b: {  	v2 =	vld [tilespmem:$0x950];
	_ =	sdelay $0x3  }
0x20c: {  	v1 =	vshll.u32 v1, $0x6  }
0x20d: {  	v1 =	vadd.s32 v1, v2  }
0x20e: {  	v1 =	vadd.s32 $0x2000, v1;
	_ =	sdelay $0x4  }
0x20f: {  	[tilespmem:v1+s14+$0x0] =	vst.idx.add.f32.msk $0xffff, v0  }
0x210: {  	v1 =	vld [tilespmem:$0xB60]  }
0x211: {  	v2 =	vld [tilespmem:$0x960];
	_ =	sdelay $0x3  }
0x212: {  	v1 =	vshll.u32 v1, $0x6  }
0x213: {  	v1 =	vadd.s32 v1, v2  }
0x214: {  	v1 =	vadd.s32 $0x2000, v1;
	_ =	sdelay $0x4  }
0x215: {  	[tilespmem:v1+s14+$0x0] =	vst.idx.add.f32.msk $0xffff, v0  }
0x216: {  	v1 =	vld [tilespmem:$0xB70]  }
0x217: {  	v2 =	vld [tilespmem:$0x970];
	_ =	sdelay $0x3  }
0x218: {  	v1 =	vshll.u32 v1, $0x6  }
0x219: {  	v1 =	vadd.s32 v1, v2  }
0x21a: {  	v1 =	vadd.s32 $0x2000, v1;
	_ =	sdelay $0x4  }
0x21b: {  	[tilespmem:v1+s14+$0x0] =	vst.idx.add.f32.msk $0xffff, v0  }
0x21c: {  	v1 =	vld [tilespmem:$0xB80]  }
0x21d: {  	v2 =	vld [tilespmem:$0x980];
	_ =	sdelay $0x3  }
0x21e: {  	v1 =	vshll.u32 v1, $0x6  }
0x21f: {  	v1 =	vadd.s32 v1, v2  }
0x220: {  	v1 =	vadd.s32 $0x2000, v1;
	_ =	sdelay $0x4  }
0x221: {  	[tilespmem:v1+s14+$0x0] =	vst.idx.add.f32.msk $0xffff, v0  }
0x222: {  	v1 =	vld [tilespmem:$0xB90]  }
0x223: {  	v2 =	vld [tilespmem:$0x990];
	_ =	sdelay $0x3  }
0x224: {  	v1 =	vshll.u32 v1, $0x6  }
0x225: {  	v1 =	vadd.s32 v1, v2  }
0x226: {  	v1 =	vadd.s32 $0x2000, v1;
	_ =	sdelay $0x4  }
0x227: {  	[tilespmem:v1+s14+$0x0] =	vst.idx.add.f32.msk $0xffff, v0  }
0x228: {  	v1 =	vld [tilespmem:$0xBA0]  }
0x229: {  	v2 =	vld [tilespmem:$0x9A0];
	_ =	sdelay $0x3  }
0x22a: {  	v1 =	vshll.u32 v1, $0x6  }
0x22b: {  	v1 =	vadd.s32 v1, v2  }
0x22c: {  	v1 =	vadd.s32 $0x2000, v1;
	_ =	sdelay $0x4  }
0x22d: {  	[tilespmem:v1+s14+$0x0] =	vst.idx.add.f32.msk $0xffff, v0  }
0x22e: {  	v1 =	vld [tilespmem:$0xBB0]  }
0x22f: {  	v2 =	vld [tilespmem:$0x9B0];
	_ =	sdelay $0x3  }
0x230: {  	v1 =	vshll.u32 v1, $0x6  }
0x231: {  	v1 =	vadd.s32 v1, v2  }
0x232: {  	v1 =	vadd.s32 $0x2000, v1;
	_ =	sdelay $0x4  }
0x233: {  	[tilespmem:v1+s14+$0x0] =	vst.idx.add.f32.msk $0xffff, v0  }
0x234: {  	v1 =	vld [tilespmem:$0xBC0]  }
0x235: {  	v2 =	vld [tilespmem:$0x9C0];
	_ =	sdelay $0x3  }
0x236: {  	v1 =	vshll.u32 v1, $0x6  }
0x237: {  	v1 =	vadd.s32 v1, v2  }
0x238: {  	v1 =	vadd.s32 $0x2000, v1;
	_ =	sdelay $0x4  }
0x239: {  	[tilespmem:v1+s14+$0x0] =	vst.idx.add.f32.msk $0xffff, v0  }
0x23a: {  	v1 =	vld [tilespmem:$0xBD0]  }
0x23b: {  	v2 =	vld [tilespmem:$0x9D0];
	_ =	sdelay $0x3  }
0x23c: {  	v1 =	vshll.u32 v1, $0x6  }
0x23d: {  	v1 =	vadd.s32 v1, v2  }
0x23e: {  	v1 =	vadd.s32 $0x2000, v1;
	_ =	sdelay $0x4  }
0x23f: {  	[tilespmem:v1+s14+$0x0] =	vst.idx.add.f32.msk $0xffff, v0  }
0x240: {  	v1 =	vld [tilespmem:$0xBE0]  }
0x241: {  	v2 =	vld [tilespmem:$0x9E0];
	_ =	sdelay $0x3  }
0x242: {  	v1 =	vshll.u32 v1, $0x6  }
0x243: {  	v1 =	vadd.s32 v1, v2  }
0x244: {  	v1 =	vadd.s32 $0x2000, v1;
	_ =	sdelay $0x4  }
0x245: {  	[tilespmem:v1+s14+$0x0] =	vst.idx.add.f32.msk $0xffff, v0  }
0x246: {  	v1 =	vld [tilespmem:$0xBF0]  }
0x247: {  	v2 =	vld [tilespmem:$0x9F0];
	_ =	sdelay $0x3  }
0x248: {  	v1 =	vshll.u32 v1, $0x6  }
0x249: {  	v1 =	vadd.s32 v1, v2  }
0x24a: {  	v1 =	vadd.s32 $0x2000, v1;
	_ =	sdelay $0x4  }
0x24b: {  	[tilespmem:v1+s14+$0x0] =	vst.idx.add.f32.msk $0xffff, v0  }
0x24c: {  	[hbm4b:s9+s11] =	stream.strided.scatter [tilespmem:s20], [sflag:$0x5], $0x1000, s12, s11, $0x38;
	[tilespmem:$0x3C00] =	vst v63  }
0x24d: {  	_ =	swait.ge [sflag:s21], $0x1000  }
0x24e: {  	[sflag:s21] =	ssyncset.done $0x0  }
0x24f: {  	[sflag:s21] =	ssyncadd.s32 $0xFFFFF000  }
0x250: {  	p0 =	sne.s32 s10, $0x1;
	_ =	swait.ge [sflag:s21], $0x1000  }
.Ltmp0:
0x251: {  	[sflag:s21] =	ssyncset.done $0x0;
	(pc) =	sbr.rel @p0 .LBB2_1-.Ltmp0, $4  }
0x252: {  	[sflag:s21] =	ssyncadd.s32 $0xFFFFF000  }
0x253: {  	_ =	swait.ge [sflag:s21], $0x1000  }
0x254: {  	[sflag:s21] =	ssyncset.done $0x0  }
0x255: {  	s10 =	sadd.s32 $0xFFFFFFFF, s10;
	[sflag:s21] =	ssyncadd.s32 $0xFFFFF000  }
0x256: {  	_ =	sfence.sel $0x180000  }
0x257: {  	[bflag:$0x0] =	sbarrier.arrive $0xFFFF  }
0x258: {  	p0 =	sne.s32 s1, $0x0;
	_ =	strace $0x90000047  }
0x259: {  	s0 =	sadd.s32 @!p0 $0x100000, s0;
	[bflag:$0x2] =	sbarrier.arrive $0xFFFF  }
0x25a: {  	[sflag:s0] =	ssyncadd.tile.s32 @!p0 $0x1;
	_ =	shalt  }
.Lfunc_end2:
_tile_overlayer_lowered:
.L_overlay_start_2:
0x25b: {  	(tag) =	ssettag $0x2  }
0x25c: {  	s0 =	rddreg [dreg:$0x0];
	s2 =	stileid.u32  }
0x25d: {  	s1 =	rddreg [dreg:$0x1];
	p0 =	sne.s32 s2, $0x0  }
0x25e: {  	s3 =	rddreg [dreg:$0x2];
	[bflag:$0x3] =	sbarrier.arrive $0xFFFF;
	s2 =	simm.s32 @!p0 $0x1C06  }
0x25f: {  	[timem:s3], [sflag:s2] =	dma.local @!p0 [hbm:s0], s1  }
0x260: {  	s0 =	simm.s32 @!p0 $0x6  }
0x261: {  	_ =	swait.ge @!p0 [sflag:s0], s1  }
0x262: {  	s1 =	ssub.s32 @!p0 $0x0, s1;
	[sflag:s0] =	ssyncset.done @!p0 $0x0  }
0x263: {  	[sflag:s0] =	ssyncadd.s32 @!p0 s1  }
0x264: {  	[bflag:$0x3] =	sbarrier.arrive $0xFFFF  }
0x265: {  	_ =	shalt  }

</sc_bundles>
